<compile_context>
chip_gen: v7x
topology: tpu7x:2x2x1
jax: 0.10.2.dev20260603
libtpu: 0.0.44.dev20260713+nightly
codegen_flags: <defaults>
</compile_context>

<pallas_src>
import functools

import jax
import jax.numpy as jnp
from jax import lax
from jax.experimental import pallas as pl
from jax.experimental.pallas import tpu as pltpu
from jax.experimental.pallas import tpu_sc as plsc

_TN = 2048


def _nnd_body(x_ref, yt_ref, d1_ref, d2_ref):
    i = pl.program_id(1)
    x = x_ref[0]
    y = yt_ref[0]
    f32, bf16 = jnp.float32, jnp.bfloat16
    tn = x.shape[0]
    m = y.shape[1]
    x2 = (x[:, 0:1] * x[:, 0:1] + x[:, 1:2] * x[:, 1:2]
          + x[:, 2:3] * x[:, 2:3])
    y2 = (y[0:1, :] * y[0:1, :] + y[1:2, :] * y[1:2, :]
          + y[2:3, :] * y[2:3, :])
    x2h = x2.astype(bf16)
    x2l = (x2 - x2h.astype(f32)).astype(bf16)
    y2h = y2.astype(bf16)
    y2l = (y2 - y2h.astype(f32)).astype(bf16)
    one_c = jnp.ones((tn, 1), bf16)
    one_r = jnp.ones((1, m), bf16)
    xa = jnp.concatenate(
        [(x * -2.0).astype(bf16), x2h, x2l, one_c, one_c], axis=1)
    ya = jnp.concatenate(
        [y.astype(bf16), one_r, one_r, y2h, y2l], axis=0)
    nchunks = 4
    mc = m // nchunks
    d1p = []
    m2p = []
    for ci in range(nchunks):
        d = jax.lax.dot_general(xa, ya[:, ci * mc:(ci + 1) * mc],
                                (((1,), (0,)), ((), ())),
                                preferred_element_type=jnp.float32)
        d1p.append(jnp.min(d, axis=1, keepdims=True))
        m2p.append(jnp.min(d, axis=0, keepdims=True))
    d1c = d1p[0]
    for ci in range(1, nchunks):
        d1c = jnp.minimum(d1c, d1p[ci])
    d1_ref[0] = d1c
    m2 = jnp.concatenate(m2p, axis=1)

    @pl.when(i == 0)
    def _init():
        d2_ref[0] = m2

    @pl.when(i > 0)
    def _acc():
        d2_ref[0] = jnp.minimum(d2_ref[0], m2)


def _nnd_tc(x, y):
    B, N, _ = x.shape
    M = y.shape[1]
    yt = jnp.transpose(y, (0, 2, 1))
    d1, d2 = pl.pallas_call(
        _nnd_body,
        grid=(B, N // _TN),
        in_specs=[
            pl.BlockSpec((1, _TN, 3), lambda b, i: (b, i, 0)),
            pl.BlockSpec((1, 3, M), lambda b, i: (b, 0, 0)),
        ],
        out_specs=[
            pl.BlockSpec((1, _TN, 1), lambda b, i: (b, i, 0)),
            pl.BlockSpec((1, 1, M), lambda b, i: (b, 0, 0)),
        ],
        out_shape=[
            jax.ShapeDtypeStruct((B, N, 1), jnp.float32),
            jax.ShapeDtypeStruct((B, 1, M), jnp.float32),
        ],
    )(x, yt)
    return d1[:, :, 0], d2[:, 0, :]



_NC, _NS, _L = 2, 16, 16
_NBLK = 4
_UNROLL = 4


def _bf16_round(v):
    u = lax.bitcast_convert_type(v, jnp.uint32)
    r = (u + ((u >> 16) & jnp.uint32(1)) + jnp.uint32(0x7FFF)) \
        & jnp.uint32(0xFFFF0000)
    return lax.bitcast_convert_type(r, jnp.float32)


def _gather16(v, idx):
    return lax.gather(
        v, idx[:, None],
        lax.GatherDimensionNumbers(offset_dims=(), collapsed_slice_dims=(0,),
                                   start_index_map=(0,)),
        slice_sizes=(1,),
        mode=lax.GatherScatterMode.PROMISE_IN_BOUNDS)


def _sc_compute_rows(xb_v, y_v, acc2_v, d1_v, n_chunk, M):
    f32 = jnp.float32

    def n_block16(i, _):
        nb16 = i * _L
        sl16 = pl.ds(nb16, _L)
        a0v = xb_v[0, sl16]
        a1v = xb_v[1, sl16]
        a2v = xb_v[2, sl16]
        sxv = xb_v[3, sl16]
        lane = lax.iota(jnp.int32, _L)
        dv = jnp.full((_L,), 0.0, f32)
        for r in range(_L // _NBLK):
            coef = [(a0v[_NBLK * r + j], a1v[_NBLK * r + j],
                     a2v[_NBLK * r + j], sxv[_NBLK * r + j])
                    for j in range(_NBLK)]

            inf16 = jnp.full((_L,), jnp.inf, f32)

            @plsc.parallel_loop(0, M // _L, _UNROLL,
                                carry=tuple(inf16 for _ in range(_NBLK)))
            def accs(mj, accs_c):
                accs_c = list(accs_c)
                sls = [pl.ds((mj + u) * _L, _L) for u in range(_UNROLL)]
                ybs = [(y_v[0, sl], y_v[1, sl], y_v[2, sl], y_v[3, sl])
                       for sl in sls]
                a2s = [acc2_v[sl] for sl in sls]
                prods = [[(ybs[u][0] * coef[j][0],
                           ybs[u][1] * coef[j][1],
                           ybs[u][2] * coef[j][2])
                          for j in range(_NBLK)]
                         for u in range(_UNROLL)]
                ts = [[(ybs[u][3] + prods[u][j][2])
                       + (prods[u][j][0] + prods[u][j][1])
                       for j in range(_NBLK)]
                      for u in range(_UNROLL)]
                for j in range(_NBLK):
                    red = accs_c[j]
                    for u in range(_UNROLL):
                        red = jnp.minimum(red, ts[u][j])
                    accs_c[j] = red
                for u in range(_UNROLL):
                    dmins = [ts[u][j] + coef[j][3] for j in range(_NBLK)]
                    while len(dmins) > 1:
                        dmins = [jnp.minimum(dmins[k], dmins[k + 1])
                                 for k in range(0, len(dmins) - 1, 2)] \
                            + ([dmins[-1]] if len(dmins) % 2 else [])
                    acc2_v[sls[u]] = jnp.minimum(a2s[u], dmins[0])
                return tuple(accs_c)

            for j in range(_NBLK):
                red = accs[j]
                for sh in (8, 4, 2, 1):
                    pidx = jnp.bitwise_xor(lane, sh)
                    red = jnp.minimum(red, _gather16(red, pidx))
                dv = jnp.where(lane == (_NBLK * r + j), red, dv)
        d1_v[sl16] = dv + sxv
        return 0

    lax.fori_loop(0, n_chunk // _L, n_block16, 0)


def _make_sc(B, N, M):
    bps = B // _NC
    wpb = _NS // bps
    n_chunk = N // wpb
    mseg = M // wpb
    f32 = jnp.float32
    mesh = plsc.VectorSubcoreMesh(core_axis_name="c", subcore_axis_name="s",
                                  num_cores=_NC, num_subcores=_NS)

    @functools.partial(
        pl.kernel, mesh=mesh,
        out_type=[jax.ShapeDtypeStruct((B, N), f32),
                  jax.ShapeDtypeStruct((B, M), f32)],
        scratch_types=[
            pltpu.VMEM((4, n_chunk), f32),
            pltpu.VMEM((4, M), f32),
            pltpu.VMEM((3, n_chunk), f32),
            pltpu.VMEM((3, M), f32),
            pltpu.VMEM((M,), f32),
            pltpu.VMEM((n_chunk,), f32),
            pltpu.VMEM((wpb, mseg), f32),
            pltpu.VMEM_SHARED((_NS, M), f32),
        ],
    )
    def sc_kernel(xt, yt, d1o, d2o, xb_v, y_v, xtmp_v, ytmp_v,
                  acc2_v, d1_v, mrg_v, sh_sp):
        c = lax.axis_index("c")
        s = lax.axis_index("s")
        b = c * bps + s // wpb
        q = s % wpb
        n0 = q * n_chunk

        pltpu.sync_copy(xt.at[b, :, pl.ds(n0, n_chunk)], xtmp_v)
        pltpu.sync_copy(yt.at[b], ytmp_v)

        def build_x(i, _):
            sl = pl.ds(i * _L, _L)
            x0 = xtmp_v[0, sl]
            x1 = xtmp_v[1, sl]
            x2c = xtmp_v[2, sl]
            xb_v[0, sl] = _bf16_round(x0) * -2.0
            xb_v[1, sl] = _bf16_round(x1) * -2.0
            xb_v[2, sl] = _bf16_round(x2c) * -2.0
            xb_v[3, sl] = x0 * x0 + x1 * x1 + x2c * x2c
            return 0

        lax.fori_loop(0, n_chunk // _L, build_x, 0)

        def build_y(i, _):
            sl = pl.ds(i * _L, _L)
            y0 = ytmp_v[0, sl]
            y1 = ytmp_v[1, sl]
            y2c = ytmp_v[2, sl]
            y_v[0, sl] = _bf16_round(y0)
            y_v[1, sl] = _bf16_round(y1)
            y_v[2, sl] = _bf16_round(y2c)
            y_v[3, sl] = y0 * y0 + y1 * y1 + y2c * y2c
            acc2_v[sl] = jnp.full((_L,), jnp.inf, f32)
            return 0

        lax.fori_loop(0, M // _L, build_y, 0)

        _sc_compute_rows(xb_v, y_v, acc2_v, d1_v, n_chunk, M)

        pltpu.sync_copy(d1_v, d1o.at[b, pl.ds(n0, n_chunk)])

        pltpu.sync_copy(acc2_v, sh_sp.at[s])
        plsc.subcore_barrier()
        g0 = (s // wpb) * wpb
        m0 = q * mseg
        for k in range(wpb):
            pltpu.sync_copy(sh_sp.at[g0 + k, pl.ds(m0, mseg)], mrg_v.at[k])

        def mrg(i, _):
            sl = pl.ds(i * _L, _L)
            r = mrg_v[0, sl]
            for k in range(1, wpb):
                r = jnp.minimum(r, mrg_v[k, sl])
            acc2_v[sl] = r
            return 0

        lax.fori_loop(0, mseg // _L, mrg, 0)
        pltpu.sync_copy(acc2_v.at[pl.ds(0, mseg)], d2o.at[b, pl.ds(m0, mseg)])

    return sc_kernel


def _make_sc1(N, M):
    n_chunk = N // (_NC * _NS)
    mseg = M // _NS
    f32 = jnp.float32
    mesh = plsc.VectorSubcoreMesh(core_axis_name="c", subcore_axis_name="s",
                                  num_cores=_NC, num_subcores=_NS)

    @functools.partial(
        pl.kernel, mesh=mesh,
        out_type=[jax.ShapeDtypeStruct((1, N), f32),
                  jax.ShapeDtypeStruct((_NC, M), f32)],
        scratch_types=[
            pltpu.VMEM((4, n_chunk), f32),
            pltpu.VMEM((4, M), f32),
            pltpu.VMEM((3, n_chunk), f32),
            pltpu.VMEM((3, M), f32),
            pltpu.VMEM((M,), f32),
            pltpu.VMEM((n_chunk,), f32),
            pltpu.VMEM((_NS, mseg), f32),
            pltpu.VMEM_SHARED((_NS, M), f32),
        ],
    )
    def sc_kernel(xt, yt, d1o, d2p, xb_v, y_v, xtmp_v, ytmp_v,
                  acc2_v, d1_v, mrg_v, sh_sp):
        c = lax.axis_index("c")
        s = lax.axis_index("s")
        q32 = s * _NC + c
        n0 = q32 * n_chunk

        pltpu.sync_copy(xt.at[0, :, pl.ds(n0, n_chunk)], xtmp_v)
        pltpu.sync_copy(yt.at[0], ytmp_v)

        def build_x(i, _):
            sl = pl.ds(i * _L, _L)
            x0 = xtmp_v[0, sl]
            x1 = xtmp_v[1, sl]
            x2c = xtmp_v[2, sl]
            xb_v[0, sl] = _bf16_round(x0) * -2.0
            xb_v[1, sl] = _bf16_round(x1) * -2.0
            xb_v[2, sl] = _bf16_round(x2c) * -2.0
            xb_v[3, sl] = x0 * x0 + x1 * x1 + x2c * x2c
            return 0

        lax.fori_loop(0, n_chunk // _L, build_x, 0)

        def build_y(i, _):
            sl = pl.ds(i * _L, _L)
            y0 = ytmp_v[0, sl]
            y1 = ytmp_v[1, sl]
            y2c = ytmp_v[2, sl]
            y_v[0, sl] = _bf16_round(y0)
            y_v[1, sl] = _bf16_round(y1)
            y_v[2, sl] = _bf16_round(y2c)
            y_v[3, sl] = y0 * y0 + y1 * y1 + y2c * y2c
            acc2_v[sl] = jnp.full((_L,), jnp.inf, f32)
            return 0

        lax.fori_loop(0, M // _L, build_y, 0)

        _sc_compute_rows(xb_v, y_v, acc2_v, d1_v, n_chunk, M)

        pltpu.sync_copy(d1_v, d1o.at[0, pl.ds(n0, n_chunk)])

        pltpu.sync_copy(acc2_v, sh_sp.at[s])
        plsc.subcore_barrier()
        m0 = s * mseg
        for k in range(_NS):
            pltpu.sync_copy(sh_sp.at[k, pl.ds(m0, mseg)], mrg_v.at[k])

        def mrg(i, _):
            sl = pl.ds(i * _L, _L)
            r = mrg_v[0, sl]
            for k in range(1, _NS):
                r = jnp.minimum(r, mrg_v[k, sl])
            acc2_v[sl] = r
            return 0

        lax.fori_loop(0, mseg // _L, mrg, 0)
        pltpu.sync_copy(acc2_v.at[pl.ds(0, mseg)],
                        d2p.at[c, pl.ds(m0, mseg)])

    return sc_kernel


def _make_sc1_merge(M):
    seg = M // (_NC * _NS)
    f32 = jnp.float32
    mesh = plsc.VectorSubcoreMesh(core_axis_name="c", subcore_axis_name="s",
                                  num_cores=_NC, num_subcores=_NS)

    @functools.partial(
        pl.kernel, mesh=mesh,
        out_type=jax.ShapeDtypeStruct((1, M), f32),
        scratch_types=[
            pltpu.VMEM((seg,), f32),
            pltpu.VMEM((seg,), f32),
        ],
    )
    def merge_kernel(d2p, out, a_v, b_v):
        c = lax.axis_index("c")
        s = lax.axis_index("s")
        m0 = (s * _NC + c) * seg
        pltpu.sync_copy(d2p.at[0, pl.ds(m0, seg)], a_v)
        pltpu.sync_copy(d2p.at[1, pl.ds(m0, seg)], b_v)

        def mrg(i, _):
            sl = pl.ds(i * _L, _L)
            a_v[sl] = jnp.minimum(a_v[sl], b_v[sl])
            return 0

        lax.fori_loop(0, seg // _L, mrg, 0)
        pltpu.sync_copy(a_v, out.at[0, pl.ds(m0, seg)])

    return merge_kernel


def _nnd_sc(x, y):
    B, N, _ = x.shape
    M = y.shape[1]
    xt = jnp.transpose(x, (0, 2, 1))
    yt = jnp.transpose(y, (0, 2, 1))
    if B == 1:
        d1, d2p = _make_sc1(N, M)(xt, yt)
        d2 = _make_sc1_merge(M)(d2p)
        return d1, d2
    d1, d2 = _make_sc(B, N, M)(xt, yt)
    return d1, d2


_B_SC = 1


def kernel(input1, input2):
    B = input1.shape[0]
    btc = B - _B_SC
    outs = []
    if btc > 0:
        outs.append(_nnd_tc(input1[:btc], input2[:btc]))
    if _B_SC > 0:
        outs.append(_nnd_sc(input1[btc:], input2[btc:]))
    if len(outs) == 1:
        return outs[0]
    return (jnp.concatenate([outs[0][0], outs[1][0]], axis=0),
            jnp.concatenate([outs[0][1], outs[1][1]], axis=0))

# --- scband reference (transcript-rebuilt; emitter-appended) ---
"""Pipeline reference for scband-nndmodule-12335146074631 (READ-ONLY COPY).

The authoritative reference and input builder live on the scoring server;
editing this copy changes nothing except your own understanding.
"""

import jax, jax.numpy as jnp
import numpy as np


def setup_inputs(seed: int = 0) -> dict:
    key = jax.random.key(seed)
    k1, k2 = jax.random.split(key)
    input1 = jax.random.normal(k1, (8, 4096, 3), dtype=jnp.float32)
    input2 = jax.random.normal(k2, (8, 4096, 3), dtype=jnp.float32)
    return {"input1": input1, "input2": input2}


def reference(input1, input2):
    # NNDFunction: bidirectional nearest-neighbor squared distances (chamfer components).
    # dist1[b, n] = min_m ||input1[b, n] - input2[b, m]||^2
    # dist2[b, m] = min_n ||input1[b, n] - input2[b, m]||^2
    x2 = jnp.sum(input1 * input1, axis=-1)  # [B, N]
    y2 = jnp.sum(input2 * input2, axis=-1)  # [B, M]
    xy = jnp.einsum('bnd,bmd->bnm', input1, input2)  # [B, N, M]
    d = x2[:, :, None] + y2[:, None, :] - 2.0 * xy  # [B, N, M] squared distances
    dist1 = jnp.min(d, axis=2)  # [B, N]
    dist2 = jnp.min(d, axis=1)  # [B, M]
    return dist1, dist2

if __name__ == "__main__":
    import jax
    _d = setup_inputs()
    print(jax.jit(kernel)(*tuple(_d.values())))

</pallas_src>

<mosaic_0001>
#map = affine_map<(d0, d1) -> (0, 0, 0)>
#map1 = affine_map<(d0, d1) -> (0, 0)>
module attributes {stable_mosaic.version = 14 : i64} {
  func.func @sc_kernel(%arg0: i32, %arg1: i32, %arg2: memref<1x3x4096xf32, #tpu.memory_space<hbm>>, %arg3: memref<1x3x4096xf32, #tpu.memory_space<hbm>>, %arg4: memref<1x4096xf32, #tpu.memory_space<hbm>>, %arg5: memref<2x4096xf32, #tpu.memory_space<hbm>>, %arg6: memref<4x128xf32, #tpu.memory_space<vmem>>, %arg7: memref<4x4096xf32, #tpu.memory_space<vmem>>, %arg8: memref<3x128xf32, #tpu.memory_space<vmem>>, %arg9: memref<3x4096xf32, #tpu.memory_space<vmem>>, %arg10: memref<4096xf32, #tpu.memory_space<vmem>>, %arg11: memref<128xf32, #tpu.memory_space<vmem>>, %arg12: memref<16x256xf32, #tpu.memory_space<vmem>>, %arg13: memref<16x4096xf32, #tpu.memory_space<vmem_shared>>) attributes {dimension_semantics = [#tpu.dimension_semantics<core_parallel>, #tpu.dimension_semantics<subcore_parallel>], iteration_bounds = array<i64: 2, 16>, scalar_prefetch = 0 : i64, scratch_operands = 8 : i64, tpu.core_type = #tpu.core_type<sc_vector_subcore>, window_params = [{transform_indices = #map}, {transform_indices = #map}, {transform_indices = #map1}, {transform_indices = #map1}]} {
    %mul3A = arith.constant 2 : i32
    %mul3A_0 = arith.muli %arg1, %mul3A : i32
    %add3A = arith.addi %mul3A_0, %arg0 : i32
    %mul3A_1 = arith.constant 128 : i32
    %mul3A_2 = arith.muli %add3A, %mul3A_1 : i32
    %run_scoped3A = arith.constant 0 : i32
    "tpu.region"() ({
      %run_scoped3A_66 = tpu.sem_alloc : memref<!tpu.dma_semaphore, #tpu.memory_space<semaphore_mem>>
      %dma_start3A = arith.constant 0 : i32
      %dma_start3A_67 = tpu.memref_slice %arg2[%run_scoped3A, %dma_start3A, %mul3A_2] : memref<1x3x4096xf32, #tpu.memory_space<hbm>> -> memref<1x3x128xf32, #tpu.memory_space<hbm>>
      %dma_start3A_68 = tpu.memref_squeeze %dma_start3A_67 : memref<1x3x128xf32, #tpu.memory_space<hbm>> -> memref<3x128xf32, #tpu.memory_space<hbm>>
      %dma_start3A_69 = arith.constant 0 : i32
      %dma_start3A_70 = tpu.memref_slice %arg2[%run_scoped3A, %dma_start3A_69, %mul3A_2] : memref<1x3x4096xf32, #tpu.memory_space<hbm>> -> memref<1x3x128xf32, #tpu.memory_space<hbm>>
      %dma_start3A_71 = tpu.memref_squeeze %dma_start3A_70 : memref<1x3x128xf32, #tpu.memory_space<hbm>> -> memref<3x128xf32, #tpu.memory_space<hbm>>
      tpu.enqueue_dma source(%dma_start3A_71 : memref<3x128xf32, #tpu.memory_space<hbm>>) target(%arg8 : memref<3x128xf32, #tpu.memory_space<vmem>>) target_semaphore(%run_scoped3A_66 : memref<!tpu.dma_semaphore, #tpu.memory_space<semaphore_mem>>)
      %dma_wait3A = arith.constant 0 : i32
      %dma_wait3A_72 = tpu.memref_slice %arg2[%run_scoped3A, %dma_wait3A, %mul3A_2] : memref<1x3x4096xf32, #tpu.memory_space<hbm>> -> memref<1x3x128xf32, #tpu.memory_space<hbm>>
      %dma_wait3A_73 = tpu.memref_squeeze %dma_wait3A_72 : memref<1x3x128xf32, #tpu.memory_space<hbm>> -> memref<3x128xf32, #tpu.memory_space<hbm>>
      %dma_wait3A_74 = arith.constant 0 : i32
      %dma_wait3A_75 = tpu.memref_slice %arg2[%run_scoped3A, %dma_wait3A_74, %mul3A_2] : memref<1x3x4096xf32, #tpu.memory_space<hbm>> -> memref<1x3x128xf32, #tpu.memory_space<hbm>>
      %dma_wait3A_76 = tpu.memref_squeeze %dma_wait3A_75 : memref<1x3x128xf32, #tpu.memory_space<hbm>> -> memref<3x128xf32, #tpu.memory_space<hbm>>
      tpu.wait_dma2 semaphore(%run_scoped3A_66 : memref<!tpu.dma_semaphore, #tpu.memory_space<semaphore_mem>>) src(%dma_wait3A_76 : memref<3x128xf32, #tpu.memory_space<hbm>>) dst(%arg8 : memref<3x128xf32, #tpu.memory_space<vmem>>)
      tpu.yield
    }) : () -> ()
    %run_scoped3A_3 = arith.constant 0 : i32
    "tpu.region"() ({
      %run_scoped3A_66 = tpu.sem_alloc : memref<!tpu.dma_semaphore, #tpu.memory_space<semaphore_mem>>
      %dma_start3A = arith.constant 0 : i32
      %dma_start3A_67 = arith.constant 0 : i32
      %dma_start3A_68 = tpu.memref_slice %arg3[%run_scoped3A_3, %dma_start3A, %dma_start3A_67] : memref<1x3x4096xf32, #tpu.memory_space<hbm>> -> memref<1x3x4096xf32, #tpu.memory_space<hbm>>
      %dma_start3A_69 = tpu.memref_squeeze %dma_start3A_68 : memref<1x3x4096xf32, #tpu.memory_space<hbm>> -> memref<3x4096xf32, #tpu.memory_space<hbm>>
      %dma_start3A_70 = arith.constant 0 : i32
      %dma_start3A_71 = arith.constant 0 : i32
      %dma_start3A_72 = tpu.memref_slice %arg3[%run_scoped3A_3, %dma_start3A_70, %dma_start3A_71] : memref<1x3x4096xf32, #tpu.memory_space<hbm>> -> memref<1x3x4096xf32, #tpu.memory_space<hbm>>
      %dma_start3A_73 = tpu.memref_squeeze %dma_start3A_72 : memref<1x3x4096xf32, #tpu.memory_space<hbm>> -> memref<3x4096xf32, #tpu.memory_space<hbm>>
      tpu.enqueue_dma source(%dma_start3A_73 : memref<3x4096xf32, #tpu.memory_space<hbm>>) target(%arg9 : memref<3x4096xf32, #tpu.memory_space<vmem>>) target_semaphore(%run_scoped3A_66 : memref<!tpu.dma_semaphore, #tpu.memory_space<semaphore_mem>>)
      %dma_wait3A = arith.constant 0 : i32
      %dma_wait3A_74 = arith.constant 0 : i32
      %dma_wait3A_75 = tpu.memref_slice %arg3[%run_scoped3A_3, %dma_wait3A, %dma_wait3A_74] : memref<1x3x4096xf32, #tpu.memory_space<hbm>> -> memref<1x3x4096xf32, #tpu.memory_space<hbm>>
      %dma_wait3A_76 = tpu.memref_squeeze %dma_wait3A_75 : memref<1x3x4096xf32, #tpu.memory_space<hbm>> -> memref<3x4096xf32, #tpu.memory_space<hbm>>
      %dma_wait3A_77 = arith.constant 0 : i32
      %dma_wait3A_78 = arith.constant 0 : i32
      %dma_wait3A_79 = tpu.memref_slice %arg3[%run_scoped3A_3, %dma_wait3A_77, %dma_wait3A_78] : memref<1x3x4096xf32, #tpu.memory_space<hbm>> -> memref<1x3x4096xf32, #tpu.memory_space<hbm>>
      %dma_wait3A_80 = tpu.memref_squeeze %dma_wait3A_79 : memref<1x3x4096xf32, #tpu.memory_space<hbm>> -> memref<3x4096xf32, #tpu.memory_space<hbm>>
      tpu.wait_dma2 semaphore(%run_scoped3A_66 : memref<!tpu.dma_semaphore, #tpu.memory_space<semaphore_mem>>) src(%dma_wait3A_80 : memref<3x4096xf32, #tpu.memory_space<hbm>>) dst(%arg9 : memref<3x4096xf32, #tpu.memory_space<vmem>>)
      tpu.yield
    }) : () -> ()
    %scan3A = arith.constant 0 : i32
    %scan3A_4 = arith.constant 0 : i32
    %scan3A_5 = arith.constant 8 : i32
    %scan3A_6 = arith.addi %scan3A_4, %scan3A_5 : i32
    %scan3A_7 = arith.constant 1 : i32
    %scan3A_8 = scf.for %scan3A_66 = %scan3A_4 to %scan3A_6 step %scan3A_7 iter_args(%scan3A_67 = %scan3A) -> (i32)  : i32 {
      %mul3A_68 = arith.constant 16 : i32
      %mul3A_69 = arith.muli %scan3A_66, %mul3A_68 : i32
      %get3A = arith.constant 0 : i32
      %get3A_70 = arith.index_cast %get3A : i32 to index
      %get3A_71 = arith.index_cast %mul3A_69 : i32 to index
      %get3A_72 = tpu.vector_load %arg8[%get3A_70, %get3A_71] {strides = array<i32>} : memref<3x128xf32, #tpu.memory_space<vmem>>, vector<1x16xf32>,
      %get3A_73 = vector.shape_cast %get3A_72 : vector<1x16xf32> to vector<16xf32>
      %get3A_74 = arith.constant 1 : i32
      %get3A_75 = arith.index_cast %get3A_74 : i32 to index
      %get3A_76 = arith.index_cast %mul3A_69 : i32 to index
      %get3A_77 = tpu.vector_load %arg8[%get3A_75, %get3A_76] {strides = array<i32>} : memref<3x128xf32, #tpu.memory_space<vmem>>, vector<1x16xf32>,
      %get3A_78 = vector.shape_cast %get3A_77 : vector<1x16xf32> to vector<16xf32>
      %get3A_79 = arith.constant 2 : i32
      %get3A_80 = arith.index_cast %get3A_79 : i32 to index
      %get3A_81 = arith.index_cast %mul3A_69 : i32 to index
      %get3A_82 = tpu.vector_load %arg8[%get3A_80, %get3A_81] {strides = array<i32>} : memref<3x128xf32, #tpu.memory_space<vmem>>, vector<1x16xf32>,
      %get3A_83 = vector.shape_cast %get3A_82 : vector<1x16xf32> to vector<16xf32>
      %bitcast_convert_type3A = tpu.bitcast %get3A_73 : vector<16xf32> -> vector<16xi32>
      %shift_right_logical3A = arith.constant 16 : i32
      %shift_right_logical3A_84 = vector.broadcast %shift_right_logical3A : i32 to vector<16xi32>
      %shift_right_logical3A_85 = arith.shrui %bitcast_convert_type3A, %shift_right_logical3A_84 : vector<16xi32>
      %and3A = arith.constant 1 : i32
      %and3A_86 = vector.broadcast %and3A : i32 to vector<16xi32>
      %and3A_87 = arith.andi %shift_right_logical3A_85, %and3A_86 : vector<16xi32>
      %add3A_88 = arith.addi %bitcast_convert_type3A, %and3A_87 : vector<16xi32>
      %add3A_89 = arith.constant 32767 : i32
      %add3A_90 = vector.broadcast %add3A_89 : i32 to vector<16xi32>
      %add3A_91 = arith.addi %add3A_88, %add3A_90 : vector<16xi32>
      %and3A_92 = arith.constant -65536 : i32
      %and3A_93 = vector.broadcast %and3A_92 : i32 to vector<16xi32>
      %and3A_94 = arith.andi %add3A_91, %and3A_93 : vector<16xi32>
      %bitcast_convert_type3A_95 = tpu.bitcast %and3A_94 : vector<16xi32> -> vector<16xf32>
      %mul3A_96 = arith.constant -2.000000e+00 : f32
      %mul3A_97 = vector.broadcast %mul3A_96 : f32 to vector<16xf32>
      %mul3A_98 = arith.mulf %bitcast_convert_type3A_95, %mul3A_97 : vector<16xf32>
      %swap3A = arith.constant 0 : i32
      %swap3A_99 = arith.index_cast %swap3A : i32 to index
      %swap3A_100 = arith.index_cast %mul3A_69 : i32 to index
      %swap3A_101 = tpu.vector_load %arg6[%swap3A_99, %swap3A_100] {strides = array<i32>} : memref<4x128xf32, #tpu.memory_space<vmem>>, vector<1x16xf32>,
      %swap3A_102 = vector.shape_cast %swap3A_101 : vector<1x16xf32> to vector<16xf32>
      %swap3A_103 = vector.shape_cast %mul3A_98 : vector<16xf32> to vector<1x16xf32>
      tpu.vector_store %arg6[%swap3A_99, %swap3A_100], %swap3A_103 {strides = array<i32>} : memref<4x128xf32, #tpu.memory_space<vmem>>, vector<1x16xf32>,
      %bitcast_convert_type3A_104 = tpu.bitcast %get3A_78 : vector<16xf32> -> vector<16xi32>
      %shift_right_logical3A_105 = arith.constant 16 : i32
      %shift_right_logical3A_106 = vector.broadcast %shift_right_logical3A_105 : i32 to vector<16xi32>
      %shift_right_logical3A_107 = arith.shrui %bitcast_convert_type3A_104, %shift_right_logical3A_106 : vector<16xi32>
      %and3A_108 = arith.constant 1 : i32
      %and3A_109 = vector.broadcast %and3A_108 : i32 to vector<16xi32>
      %and3A_110 = arith.andi %shift_right_logical3A_107, %and3A_109 : vector<16xi32>
      %add3A_111 = arith.addi %bitcast_convert_type3A_104, %and3A_110 : vector<16xi32>
      %add3A_112 = arith.constant 32767 : i32
      %add3A_113 = vector.broadcast %add3A_112 : i32 to vector<16xi32>
      %add3A_114 = arith.addi %add3A_111, %add3A_113 : vector<16xi32>
      %and3A_115 = arith.constant -65536 : i32
      %and3A_116 = vector.broadcast %and3A_115 : i32 to vector<16xi32>
      %and3A_117 = arith.andi %add3A_114, %and3A_116 : vector<16xi32>
      %bitcast_convert_type3A_118 = tpu.bitcast %and3A_117 : vector<16xi32> -> vector<16xf32>
      %mul3A_119 = arith.constant -2.000000e+00 : f32
      %mul3A_120 = vector.broadcast %mul3A_119 : f32 to vector<16xf32>
      %mul3A_121 = arith.mulf %bitcast_convert_type3A_118, %mul3A_120 : vector<16xf32>
      %swap3A_122 = arith.constant 1 : i32
      %swap3A_123 = arith.index_cast %swap3A_122 : i32 to index
      %swap3A_124 = arith.index_cast %mul3A_69 : i32 to index
      %swap3A_125 = tpu.vector_load %arg6[%swap3A_123, %swap3A_124] {strides = array<i32>} : memref<4x128xf32, #tpu.memory_space<vmem>>, vector<1x16xf32>,
      %swap3A_126 = vector.shape_cast %swap3A_125 : vector<1x16xf32> to vector<16xf32>
      %swap3A_127 = vector.shape_cast %mul3A_121 : vector<16xf32> to vector<1x16xf32>
      tpu.vector_store %arg6[%swap3A_123, %swap3A_124], %swap3A_127 {strides = array<i32>} : memref<4x128xf32, #tpu.memory_space<vmem>>, vector<1x16xf32>,
      %bitcast_convert_type3A_128 = tpu.bitcast %get3A_83 : vector<16xf32> -> vector<16xi32>
      %shift_right_logical3A_129 = arith.constant 16 : i32
      %shift_right_logical3A_130 = vector.broadcast %shift_right_logical3A_129 : i32 to vector<16xi32>
      %shift_right_logical3A_131 = arith.shrui %bitcast_convert_type3A_128, %shift_right_logical3A_130 : vector<16xi32>
      %and3A_132 = arith.constant 1 : i32
      %and3A_133 = vector.broadcast %and3A_132 : i32 to vector<16xi32>
      %and3A_134 = arith.andi %shift_right_logical3A_131, %and3A_133 : vector<16xi32>
      %add3A_135 = arith.addi %bitcast_convert_type3A_128, %and3A_134 : vector<16xi32>
      %add3A_136 = arith.constant 32767 : i32
      %add3A_137 = vector.broadcast %add3A_136 : i32 to vector<16xi32>
      %add3A_138 = arith.addi %add3A_135, %add3A_137 : vector<16xi32>
      %and3A_139 = arith.constant -65536 : i32
      %and3A_140 = vector.broadcast %and3A_139 : i32 to vector<16xi32>
      %and3A_141 = arith.andi %add3A_138, %and3A_140 : vector<16xi32>
      %bitcast_convert_type3A_142 = tpu.bitcast %and3A_141 : vector<16xi32> -> vector<16xf32>
      %mul3A_143 = arith.constant -2.000000e+00 : f32
      %mul3A_144 = vector.broadcast %mul3A_143 : f32 to vector<16xf32>
      %mul3A_145 = arith.mulf %bitcast_convert_type3A_142, %mul3A_144 : vector<16xf32>
      %swap3A_146 = arith.constant 2 : i32
      %swap3A_147 = arith.index_cast %swap3A_146 : i32 to index
      %swap3A_148 = arith.index_cast %mul3A_69 : i32 to index
      %swap3A_149 = tpu.vector_load %arg6[%swap3A_147, %swap3A_148] {strides = array<i32>} : memref<4x128xf32, #tpu.memory_space<vmem>>, vector<1x16xf32>,
      %swap3A_150 = vector.shape_cast %swap3A_149 : vector<1x16xf32> to vector<16xf32>
      %swap3A_151 = vector.shape_cast %mul3A_145 : vector<16xf32> to vector<1x16xf32>
      tpu.vector_store %arg6[%swap3A_147, %swap3A_148], %swap3A_151 {strides = array<i32>} : memref<4x128xf32, #tpu.memory_space<vmem>>, vector<1x16xf32>,
      %mul3A_152 = arith.mulf %get3A_73, %get3A_73 : vector<16xf32>
      %mul3A_153 = arith.mulf %get3A_78, %get3A_78 : vector<16xf32>
      %add3A_154 = arith.addf %mul3A_152, %mul3A_153 : vector<16xf32>
      %mul3A_155 = arith.mulf %get3A_83, %get3A_83 : vector<16xf32>
      %add3A_156 = arith.addf %add3A_154, %mul3A_155 : vector<16xf32>
      %swap3A_157 = arith.constant 3 : i32
      %swap3A_158 = arith.index_cast %swap3A_157 : i32 to index
      %swap3A_159 = arith.index_cast %mul3A_69 : i32 to index
      %swap3A_160 = tpu.vector_load %arg6[%swap3A_158, %swap3A_159] {strides = array<i32>} : memref<4x128xf32, #tpu.memory_space<vmem>>, vector<1x16xf32>,
      %swap3A_161 = vector.shape_cast %swap3A_160 : vector<1x16xf32> to vector<16xf32>
      %swap3A_162 = vector.shape_cast %add3A_156 : vector<16xf32> to vector<1x16xf32>
      tpu.vector_store %arg6[%swap3A_158, %swap3A_159], %swap3A_162 {strides = array<i32>} : memref<4x128xf32, #tpu.memory_space<vmem>>, vector<1x16xf32>,
      %scan3A_163 = arith.constant 0 : i32
      scf.yield %scan3A_163 : i32
    }
    %scan3A_9 = arith.constant 8 : i32
    %scan3A_10 = arith.constant 0 : i32
    %scan3A_11 = arith.constant 0 : i32
    %scan3A_12 = arith.constant 256 : i32
    %scan3A_13 = arith.addi %scan3A_11, %scan3A_12 : i32
    %scan3A_14 = arith.constant 1 : i32
    %scan3A_15 = scf.for %scan3A_66 = %scan3A_11 to %scan3A_13 step %scan3A_14 iter_args(%scan3A_67 = %scan3A_10) -> (i32)  : i32 {
      %mul3A_68 = arith.constant 16 : i32
      %mul3A_69 = arith.muli %scan3A_66, %mul3A_68 : i32
      %get3A = arith.constant 0 : i32
      %get3A_70 = arith.index_cast %get3A : i32 to index
      %get3A_71 = arith.index_cast %mul3A_69 : i32 to index
      %get3A_72 = tpu.vector_load %arg9[%get3A_70, %get3A_71] {strides = array<i32>} : memref<3x4096xf32, #tpu.memory_space<vmem>>, vector<1x16xf32>,
      %get3A_73 = vector.shape_cast %get3A_72 : vector<1x16xf32> to vector<16xf32>
      %get3A_74 = arith.constant 1 : i32
      %get3A_75 = arith.index_cast %get3A_74 : i32 to index
      %get3A_76 = arith.index_cast %mul3A_69 : i32 to index
      %get3A_77 = tpu.vector_load %arg9[%get3A_75, %get3A_76] {strides = array<i32>} : memref<3x4096xf32, #tpu.memory_space<vmem>>, vector<1x16xf32>,
      %get3A_78 = vector.shape_cast %get3A_77 : vector<1x16xf32> to vector<16xf32>
      %get3A_79 = arith.constant 2 : i32
      %get3A_80 = arith.index_cast %get3A_79 : i32 to index
      %get3A_81 = arith.index_cast %mul3A_69 : i32 to index
      %get3A_82 = tpu.vector_load %arg9[%get3A_80, %get3A_81] {strides = array<i32>} : memref<3x4096xf32, #tpu.memory_space<vmem>>, vector<1x16xf32>,
      %get3A_83 = vector.shape_cast %get3A_82 : vector<1x16xf32> to vector<16xf32>
      %bitcast_convert_type3A = tpu.bitcast %get3A_73 : vector<16xf32> -> vector<16xi32>
      %shift_right_logical3A = arith.constant 16 : i32
      %shift_right_logical3A_84 = vector.broadcast %shift_right_logical3A : i32 to vector<16xi32>
      %shift_right_logical3A_85 = arith.shrui %bitcast_convert_type3A, %shift_right_logical3A_84 : vector<16xi32>
      %and3A = arith.constant 1 : i32
      %and3A_86 = vector.broadcast %and3A : i32 to vector<16xi32>
      %and3A_87 = arith.andi %shift_right_logical3A_85, %and3A_86 : vector<16xi32>
      %add3A_88 = arith.addi %bitcast_convert_type3A, %and3A_87 : vector<16xi32>
      %add3A_89 = arith.constant 32767 : i32
      %add3A_90 = vector.broadcast %add3A_89 : i32 to vector<16xi32>
      %add3A_91 = arith.addi %add3A_88, %add3A_90 : vector<16xi32>
      %and3A_92 = arith.constant -65536 : i32
      %and3A_93 = vector.broadcast %and3A_92 : i32 to vector<16xi32>
      %and3A_94 = arith.andi %add3A_91, %and3A_93 : vector<16xi32>
      %bitcast_convert_type3A_95 = tpu.bitcast %and3A_94 : vector<16xi32> -> vector<16xf32>
      %swap3A = arith.constant 0 : i32
      %swap3A_96 = arith.index_cast %swap3A : i32 to index
      %swap3A_97 = arith.index_cast %mul3A_69 : i32 to index
      %swap3A_98 = tpu.vector_load %arg7[%swap3A_96, %swap3A_97] {strides = array<i32>} : memref<4x4096xf32, #tpu.memory_space<vmem>>, vector<1x16xf32>,
      %swap3A_99 = vector.shape_cast %swap3A_98 : vector<1x16xf32> to vector<16xf32>
      %swap3A_100 = vector.shape_cast %bitcast_convert_type3A_95 : vector<16xf32> to vector<1x16xf32>
      tpu.vector_store %arg7[%swap3A_96, %swap3A_97], %swap3A_100 {strides = array<i32>} : memref<4x4096xf32, #tpu.memory_space<vmem>>, vector<1x16xf32>,
      %bitcast_convert_type3A_101 = tpu.bitcast %get3A_78 : vector<16xf32> -> vector<16xi32>
      %shift_right_logical3A_102 = arith.constant 16 : i32
      %shift_right_logical3A_103 = vector.broadcast %shift_right_logical3A_102 : i32 to vector<16xi32>
      %shift_right_logical3A_104 = arith.shrui %bitcast_convert_type3A_101, %shift_right_logical3A_103 : vector<16xi32>
      %and3A_105 = arith.constant 1 : i32
      %and3A_106 = vector.broadcast %and3A_105 : i32 to vector<16xi32>
      %and3A_107 = arith.andi %shift_right_logical3A_104, %and3A_106 : vector<16xi32>
      %add3A_108 = arith.addi %bitcast_convert_type3A_101, %and3A_107 : vector<16xi32>
      %add3A_109 = arith.constant 32767 : i32
      %add3A_110 = vector.broadcast %add3A_109 : i32 to vector<16xi32>
      %add3A_111 = arith.addi %add3A_108, %add3A_110 : vector<16xi32>
      %and3A_112 = arith.constant -65536 : i32
      %and3A_113 = vector.broadcast %and3A_112 : i32 to vector<16xi32>
      %and3A_114 = arith.andi %add3A_111, %and3A_113 : vector<16xi32>
      %bitcast_convert_type3A_115 = tpu.bitcast %and3A_114 : vector<16xi32> -> vector<16xf32>
      %swap3A_116 = arith.constant 1 : i32
      %swap3A_117 = arith.index_cast %swap3A_116 : i32 to index
      %swap3A_118 = arith.index_cast %mul3A_69 : i32 to index
      %swap3A_119 = tpu.vector_load %arg7[%swap3A_117, %swap3A_118] {strides = array<i32>} : memref<4x4096xf32, #tpu.memory_space<vmem>>, vector<1x16xf32>,
      %swap3A_120 = vector.shape_cast %swap3A_119 : vector<1x16xf32> to vector<16xf32>
      %swap3A_121 = vector.shape_cast %bitcast_convert_type3A_115 : vector<16xf32> to vector<1x16xf32>
      tpu.vector_store %arg7[%swap3A_117, %swap3A_118], %swap3A_121 {strides = array<i32>} : memref<4x4096xf32, #tpu.memory_space<vmem>>, vector<1x16xf32>,
      %bitcast_convert_type3A_122 = tpu.bitcast %get3A_83 : vector<16xf32> -> vector<16xi32>
      %shift_right_logical3A_123 = arith.constant 16 : i32
      %shift_right_logical3A_124 = vector.broadcast %shift_right_logical3A_123 : i32 to vector<16xi32>
      %shift_right_logical3A_125 = arith.shrui %bitcast_convert_type3A_122, %shift_right_logical3A_124 : vector<16xi32>
      %and3A_126 = arith.constant 1 : i32
      %and3A_127 = vector.broadcast %and3A_126 : i32 to vector<16xi32>
      %and3A_128 = arith.andi %shift_right_logical3A_125, %and3A_127 : vector<16xi32>
      %add3A_129 = arith.addi %bitcast_convert_type3A_122, %and3A_128 : vector<16xi32>
      %add3A_130 = arith.constant 32767 : i32
      %add3A_131 = vector.broadcast %add3A_130 : i32 to vector<16xi32>
      %add3A_132 = arith.addi %add3A_129, %add3A_131 : vector<16xi32>
      %and3A_133 = arith.constant -65536 : i32
      %and3A_134 = vector.broadcast %and3A_133 : i32 to vector<16xi32>
      %and3A_135 = arith.andi %add3A_132, %and3A_134 : vector<16xi32>
      %bitcast_convert_type3A_136 = tpu.bitcast %and3A_135 : vector<16xi32> -> vector<16xf32>
      %swap3A_137 = arith.constant 2 : i32
      %swap3A_138 = arith.index_cast %swap3A_137 : i32 to index
      %swap3A_139 = arith.index_cast %mul3A_69 : i32 to index
      %swap3A_140 = tpu.vector_load %arg7[%swap3A_138, %swap3A_139] {strides = array<i32>} : memref<4x4096xf32, #tpu.memory_space<vmem>>, vector<1x16xf32>,
      %swap3A_141 = vector.shape_cast %swap3A_140 : vector<1x16xf32> to vector<16xf32>
      %swap3A_142 = vector.shape_cast %bitcast_convert_type3A_136 : vector<16xf32> to vector<1x16xf32>
      tpu.vector_store %arg7[%swap3A_138, %swap3A_139], %swap3A_142 {strides = array<i32>} : memref<4x4096xf32, #tpu.memory_space<vmem>>, vector<1x16xf32>,
      %mul3A_143 = arith.mulf %get3A_73, %get3A_73 : vector<16xf32>
      %mul3A_144 = arith.mulf %get3A_78, %get3A_78 : vector<16xf32>
      %add3A_145 = arith.addf %mul3A_143, %mul3A_144 : vector<16xf32>
      %mul3A_146 = arith.mulf %get3A_83, %get3A_83 : vector<16xf32>
      %add3A_147 = arith.addf %add3A_145, %mul3A_146 : vector<16xf32>
      %swap3A_148 = arith.constant 3 : i32
      %swap3A_149 = arith.index_cast %swap3A_148 : i32 to index
      %swap3A_150 = arith.index_cast %mul3A_69 : i32 to index
      %swap3A_151 = tpu.vector_load %arg7[%swap3A_149, %swap3A_150] {strides = array<i32>} : memref<4x4096xf32, #tpu.memory_space<vmem>>, vector<1x16xf32>,
      %swap3A_152 = vector.shape_cast %swap3A_151 : vector<1x16xf32> to vector<16xf32>
      %swap3A_153 = vector.shape_cast %add3A_147 : vector<16xf32> to vector<1x16xf32>
      tpu.vector_store %arg7[%swap3A_149, %swap3A_150], %swap3A_153 {strides = array<i32>} : memref<4x4096xf32, #tpu.memory_space<vmem>>, vector<1x16xf32>,
      %broadcast_in_dim3A = arith.constant 0x7F800000 : f32
      %broadcast_in_dim3A_154 = vector.broadcast %broadcast_in_dim3A : f32 to vector<16xf32>
      %swap3A_155 = arith.index_cast %mul3A_69 : i32 to index
      %swap3A_156 = tpu.vector_load %arg10[%swap3A_155] {strides = array<i32>} : memref<4096xf32, #tpu.memory_space<vmem>>, vector<16xf32>,
      %swap3A_157 = vector.shape_cast %swap3A_156 : vector<16xf32> to vector<16xf32>
      %swap3A_158 = vector.shape_cast %broadcast_in_dim3A_154 : vector<16xf32> to vector<16xf32>
      tpu.vector_store %arg10[%swap3A_155], %swap3A_158 {strides = array<i32>} : memref<4096xf32, #tpu.memory_space<vmem>>, vector<16xf32>,
      %scan3A_159 = arith.constant 0 : i32
      scf.yield %scan3A_159 : i32
    }
    %scan3A_16 = arith.constant 256 : i32
    %scan3A_17 = arith.constant 0 : i32
    %scan3A_18 = arith.constant 0 : i32
    %scan3A_19 = arith.constant 8 : i32
    %scan3A_20 = arith.addi %scan3A_18, %scan3A_19 : i32
    %scan3A_21 = arith.constant 1 : i32
    %scan3A_22 = scf.for %scan3A_66 = %scan3A_18 to %scan3A_20 step %scan3A_21 iter_args(%scan3A_67 = %scan3A_17) -> (i32)  : i32 {
      %mul3A_68 = arith.constant 16 : i32
      %mul3A_69 = arith.muli %scan3A_66, %mul3A_68 : i32
      %get3A = arith.constant 0 : i32
      %get3A_70 = arith.index_cast %get3A : i32 to index
      %get3A_71 = arith.index_cast %mul3A_69 : i32 to index
      %get3A_72 = tpu.vector_load %arg6[%get3A_70, %get3A_71] {strides = array<i32>} : memref<4x128xf32, #tpu.memory_space<vmem>>, vector<1x16xf32>,
      %get3A_73 = vector.shape_cast %get3A_72 : vector<1x16xf32> to vector<16xf32>
      %get3A_74 = arith.constant 1 : i32
      %get3A_75 = arith.index_cast %get3A_74 : i32 to index
      %get3A_76 = arith.index_cast %mul3A_69 : i32 to index
      %get3A_77 = tpu.vector_load %arg6[%get3A_75, %get3A_76] {strides = array<i32>} : memref<4x128xf32, #tpu.memory_space<vmem>>, vector<1x16xf32>,
      %get3A_78 = vector.shape_cast %get3A_77 : vector<1x16xf32> to vector<16xf32>
      %get3A_79 = arith.constant 2 : i32
      %get3A_80 = arith.index_cast %get3A_79 : i32 to index
      %get3A_81 = arith.index_cast %mul3A_69 : i32 to index
      %get3A_82 = tpu.vector_load %arg6[%get3A_80, %get3A_81] {strides = array<i32>} : memref<4x128xf32, #tpu.memory_space<vmem>>, vector<1x16xf32>,
      %get3A_83 = vector.shape_cast %get3A_82 : vector<1x16xf32> to vector<16xf32>
      %get3A_84 = arith.constant 3 : i32
      %get3A_85 = arith.index_cast %get3A_84 : i32 to index
      %get3A_86 = arith.index_cast %mul3A_69 : i32 to index
      %get3A_87 = tpu.vector_load %arg6[%get3A_85, %get3A_86] {strides = array<i32>} : memref<4x128xf32, #tpu.memory_space<vmem>>, vector<1x16xf32>,
      %get3A_88 = vector.shape_cast %get3A_87 : vector<1x16xf32> to vector<16xf32>
      %iota3A = tpu.iota {dimensions = array<i32: 0>} : vector<16xi32>
      %broadcast_in_dim3A = arith.constant 0.000000e+00 : f32
      %broadcast_in_dim3A_89 = vector.broadcast %broadcast_in_dim3A : f32 to vector<16xf32>
      %slice3A = vector.extract_strided_slice %get3A_73 {offsets = [0], sizes = [1], strides = [1]} : vector<16xf32> to vector<1xf32>
      %squeeze3A = vector.extract %slice3A[0] : f32 from vector<1xf32>
      %slice3A_90 = vector.extract_strided_slice %get3A_78 {offsets = [0], sizes = [1], strides = [1]} : vector<16xf32> to vector<1xf32>
      %squeeze3A_91 = vector.extract %slice3A_90[0] : f32 from vector<1xf32>
      %slice3A_92 = vector.extract_strided_slice %get3A_83 {offsets = [0], sizes = [1], strides = [1]} : vector<16xf32> to vector<1xf32>
      %squeeze3A_93 = vector.extract %slice3A_92[0] : f32 from vector<1xf32>
      %slice3A_94 = vector.extract_strided_slice %get3A_88 {offsets = [0], sizes = [1], strides = [1]} : vector<16xf32> to vector<1xf32>
      %squeeze3A_95 = vector.extract %slice3A_94[0] : f32 from vector<1xf32>
      %slice3A_96 = vector.extract_strided_slice %get3A_73 {offsets = [1], sizes = [1], strides = [1]} : vector<16xf32> to vector<1xf32>
      %squeeze3A_97 = vector.extract %slice3A_96[0] : f32 from vector<1xf32>
      %slice3A_98 = vector.extract_strided_slice %get3A_78 {offsets = [1], sizes = [1], strides = [1]} : vector<16xf32> to vector<1xf32>
      %squeeze3A_99 = vector.extract %slice3A_98[0] : f32 from vector<1xf32>
      %slice3A_100 = vector.extract_strided_slice %get3A_83 {offsets = [1], sizes = [1], strides = [1]} : vector<16xf32> to vector<1xf32>
      %squeeze3A_101 = vector.extract %slice3A_100[0] : f32 from vector<1xf32>
      %slice3A_102 = vector.extract_strided_slice %get3A_88 {offsets = [1], sizes = [1], strides = [1]} : vector<16xf32> to vector<1xf32>
      %squeeze3A_103 = vector.extract %slice3A_102[0] : f32 from vector<1xf32>
      %slice3A_104 = vector.extract_strided_slice %get3A_73 {offsets = [2], sizes = [1], strides = [1]} : vector<16xf32> to vector<1xf32>
      %squeeze3A_105 = vector.extract %slice3A_104[0] : f32 from vector<1xf32>
      %slice3A_106 = vector.extract_strided_slice %get3A_78 {offsets = [2], sizes = [1], strides = [1]} : vector<16xf32> to vector<1xf32>
      %squeeze3A_107 = vector.extract %slice3A_106[0] : f32 from vector<1xf32>
      %slice3A_108 = vector.extract_strided_slice %get3A_83 {offsets = [2], sizes = [1], strides = [1]} : vector<16xf32> to vector<1xf32>
      %squeeze3A_109 = vector.extract %slice3A_108[0] : f32 from vector<1xf32>
      %slice3A_110 = vector.extract_strided_slice %get3A_88 {offsets = [2], sizes = [1], strides = [1]} : vector<16xf32> to vector<1xf32>
      %squeeze3A_111 = vector.extract %slice3A_110[0] : f32 from vector<1xf32>
      %slice3A_112 = vector.extract_strided_slice %get3A_73 {offsets = [3], sizes = [1], strides = [1]} : vector<16xf32> to vector<1xf32>
      %squeeze3A_113 = vector.extract %slice3A_112[0] : f32 from vector<1xf32>
      %slice3A_114 = vector.extract_strided_slice %get3A_78 {offsets = [3], sizes = [1], strides = [1]} : vector<16xf32> to vector<1xf32>
      %squeeze3A_115 = vector.extract %slice3A_114[0] : f32 from vector<1xf32>
      %slice3A_116 = vector.extract_strided_slice %get3A_83 {offsets = [3], sizes = [1], strides = [1]} : vector<16xf32> to vector<1xf32>
      %squeeze3A_117 = vector.extract %slice3A_116[0] : f32 from vector<1xf32>
      %slice3A_118 = vector.extract_strided_slice %get3A_88 {offsets = [3], sizes = [1], strides = [1]} : vector<16xf32> to vector<1xf32>
      %squeeze3A_119 = vector.extract %slice3A_118[0] : f32 from vector<1xf32>
      %broadcast_in_dim3A_120 = arith.constant 0x7F800000 : f32
      %broadcast_in_dim3A_121 = vector.broadcast %broadcast_in_dim3A_120 : f32 to vector<16xf32>
      %parallel_loop3A = arith.constant 0 : i32
      %parallel_loop3A_122 = arith.constant 256 : i32
      %parallel_loop3A_123 = arith.constant 4 : i32
      %parallel_loop3A_124:4 = scf.for %parallel_loop3A_751 = %parallel_loop3A to %parallel_loop3A_122 step %parallel_loop3A_123 iter_args(%parallel_loop3A_752 = %broadcast_in_dim3A_121, %parallel_loop3A_753 = %broadcast_in_dim3A_121, %parallel_loop3A_754 = %broadcast_in_dim3A_121, %parallel_loop3A_755 = %broadcast_in_dim3A_121) -> (vector<16xf32>, vector<16xf32>, vector<16xf32>, vector<16xf32>)  : i32 {
        %parallel_loop3A_756 = arith.constant 0 : i32
        %parallel_loop3A_757 = arith.addi %parallel_loop3A_751, %parallel_loop3A_756 : i32
        %parallel_loop3A_758 = arith.constant 16 : i32
        %parallel_loop3A_759 = arith.muli %parallel_loop3A_757, %parallel_loop3A_758 : i32
        %parallel_loop3A_760 = arith.constant 1 : i32
        %parallel_loop3A_761 = arith.addi %parallel_loop3A_751, %parallel_loop3A_760 : i32
        %parallel_loop3A_762 = arith.constant 16 : i32
        %parallel_loop3A_763 = arith.muli %parallel_loop3A_761, %parallel_loop3A_762 : i32
        %parallel_loop3A_764 = arith.constant 2 : i32
        %parallel_loop3A_765 = arith.addi %parallel_loop3A_751, %parallel_loop3A_764 : i32
        %parallel_loop3A_766 = arith.constant 16 : i32
        %parallel_loop3A_767 = arith.muli %parallel_loop3A_765, %parallel_loop3A_766 : i32
        %parallel_loop3A_768 = arith.constant 3 : i32
        %parallel_loop3A_769 = arith.addi %parallel_loop3A_751, %parallel_loop3A_768 : i32
        %parallel_loop3A_770 = arith.constant 16 : i32
        %parallel_loop3A_771 = arith.muli %parallel_loop3A_769, %parallel_loop3A_770 : i32
        %parallel_loop3A_772 = arith.constant 0 : i32
        %parallel_loop3A_773 = arith.index_cast %parallel_loop3A_772 : i32 to index
        %parallel_loop3A_774 = arith.index_cast %parallel_loop3A_759 : i32 to index
        %parallel_loop3A_775 = tpu.vector_load %arg7[%parallel_loop3A_773, %parallel_loop3A_774] {strides = array<i32>} : memref<4x4096xf32, #tpu.memory_space<vmem>>, vector<1x16xf32>,
        %parallel_loop3A_776 = vector.shape_cast %parallel_loop3A_775 : vector<1x16xf32> to vector<16xf32>
        %parallel_loop3A_777 = arith.constant 1 : i32
        %parallel_loop3A_778 = arith.index_cast %parallel_loop3A_777 : i32 to index
        %parallel_loop3A_779 = arith.index_cast %parallel_loop3A_759 : i32 to index
        %parallel_loop3A_780 = tpu.vector_load %arg7[%parallel_loop3A_778, %parallel_loop3A_779] {strides = array<i32>} : memref<4x4096xf32, #tpu.memory_space<vmem>>, vector<1x16xf32>,
        %parallel_loop3A_781 = vector.shape_cast %parallel_loop3A_780 : vector<1x16xf32> to vector<16xf32>
        %parallel_loop3A_782 = arith.constant 2 : i32
        %parallel_loop3A_783 = arith.index_cast %parallel_loop3A_782 : i32 to index
        %parallel_loop3A_784 = arith.index_cast %parallel_loop3A_759 : i32 to index
        %parallel_loop3A_785 = tpu.vector_load %arg7[%parallel_loop3A_783, %parallel_loop3A_784] {strides = array<i32>} : memref<4x4096xf32, #tpu.memory_space<vmem>>, vector<1x16xf32>,
        %parallel_loop3A_786 = vector.shape_cast %parallel_loop3A_785 : vector<1x16xf32> to vector<16xf32>
        %parallel_loop3A_787 = arith.constant 3 : i32
        %parallel_loop3A_788 = arith.index_cast %parallel_loop3A_787 : i32 to index
        %parallel_loop3A_789 = arith.index_cast %parallel_loop3A_759 : i32 to index
        %parallel_loop3A_790 = tpu.vector_load %arg7[%parallel_loop3A_788, %parallel_loop3A_789] {strides = array<i32>} : memref<4x4096xf32, #tpu.memory_space<vmem>>, vector<1x16xf32>,
        %parallel_loop3A_791 = vector.shape_cast %parallel_loop3A_790 : vector<1x16xf32> to vector<16xf32>
        %parallel_loop3A_792 = arith.constant 0 : i32
        %parallel_loop3A_793 = arith.index_cast %parallel_loop3A_792 : i32 to index
        %parallel_loop3A_794 = arith.index_cast %parallel_loop3A_763 : i32 to index
        %parallel_loop3A_795 = tpu.vector_load %arg7[%parallel_loop3A_793, %parallel_loop3A_794] {strides = array<i32>} : memref<4x4096xf32, #tpu.memory_space<vmem>>, vector<1x16xf32>,
        %parallel_loop3A_796 = vector.shape_cast %parallel_loop3A_795 : vector<1x16xf32> to vector<16xf32>
        %parallel_loop3A_797 = arith.constant 1 : i32
        %parallel_loop3A_798 = arith.index_cast %parallel_loop3A_797 : i32 to index
        %parallel_loop3A_799 = arith.index_cast %parallel_loop3A_763 : i32 to index
        %parallel_loop3A_800 = tpu.vector_load %arg7[%parallel_loop3A_798, %parallel_loop3A_799] {strides = array<i32>} : memref<4x4096xf32, #tpu.memory_space<vmem>>, vector<1x16xf32>,
        %parallel_loop3A_801 = vector.shape_cast %parallel_loop3A_800 : vector<1x16xf32> to vector<16xf32>
        %parallel_loop3A_802 = arith.constant 2 : i32
        %parallel_loop3A_803 = arith.index_cast %parallel_loop3A_802 : i32 to index
        %parallel_loop3A_804 = arith.index_cast %parallel_loop3A_763 : i32 to index
        %parallel_loop3A_805 = tpu.vector_load %arg7[%parallel_loop3A_803, %parallel_loop3A_804] {strides = array<i32>} : memref<4x4096xf32, #tpu.memory_space<vmem>>, vector<1x16xf32>,
        %parallel_loop3A_806 = vector.shape_cast %parallel_loop3A_805 : vector<1x16xf32> to vector<16xf32>
        %parallel_loop3A_807 = arith.constant 3 : i32
        %parallel_loop3A_808 = arith.index_cast %parallel_loop3A_807 : i32 to index
        %parallel_loop3A_809 = arith.index_cast %parallel_loop3A_763 : i32 to index
        %parallel_loop3A_810 = tpu.vector_load %arg7[%parallel_loop3A_808, %parallel_loop3A_809] {strides = array<i32>} : memref<4x4096xf32, #tpu.memory_space<vmem>>, vector<1x16xf32>,
        %parallel_loop3A_811 = vector.shape_cast %parallel_loop3A_810 : vector<1x16xf32> to vector<16xf32>
        %parallel_loop3A_812 = arith.constant 0 : i32
        %parallel_loop3A_813 = arith.index_cast %parallel_loop3A_812 : i32 to index
        %parallel_loop3A_814 = arith.index_cast %parallel_loop3A_767 : i32 to index
        %parallel_loop3A_815 = tpu.vector_load %arg7[%parallel_loop3A_813, %parallel_loop3A_814] {strides = array<i32>} : memref<4x4096xf32, #tpu.memory_space<vmem>>, vector<1x16xf32>,
        %parallel_loop3A_816 = vector.shape_cast %parallel_loop3A_815 : vector<1x16xf32> to vector<16xf32>
        %parallel_loop3A_817 = arith.constant 1 : i32
        %parallel_loop3A_818 = arith.index_cast %parallel_loop3A_817 : i32 to index
        %parallel_loop3A_819 = arith.index_cast %parallel_loop3A_767 : i32 to index
        %parallel_loop3A_820 = tpu.vector_load %arg7[%parallel_loop3A_818, %parallel_loop3A_819] {strides = array<i32>} : memref<4x4096xf32, #tpu.memory_space<vmem>>, vector<1x16xf32>,
        %parallel_loop3A_821 = vector.shape_cast %parallel_loop3A_820 : vector<1x16xf32> to vector<16xf32>
        %parallel_loop3A_822 = arith.constant 2 : i32
        %parallel_loop3A_823 = arith.index_cast %parallel_loop3A_822 : i32 to index
        %parallel_loop3A_824 = arith.index_cast %parallel_loop3A_767 : i32 to index
        %parallel_loop3A_825 = tpu.vector_load %arg7[%parallel_loop3A_823, %parallel_loop3A_824] {strides = array<i32>} : memref<4x4096xf32, #tpu.memory_space<vmem>>, vector<1x16xf32>,
        %parallel_loop3A_826 = vector.shape_cast %parallel_loop3A_825 : vector<1x16xf32> to vector<16xf32>
        %parallel_loop3A_827 = arith.constant 3 : i32
        %parallel_loop3A_828 = arith.index_cast %parallel_loop3A_827 : i32 to index
        %parallel_loop3A_829 = arith.index_cast %parallel_loop3A_767 : i32 to index
        %parallel_loop3A_830 = tpu.vector_load %arg7[%parallel_loop3A_828, %parallel_loop3A_829] {strides = array<i32>} : memref<4x4096xf32, #tpu.memory_space<vmem>>, vector<1x16xf32>,
        %parallel_loop3A_831 = vector.shape_cast %parallel_loop3A_830 : vector<1x16xf32> to vector<16xf32>
        %parallel_loop3A_832 = arith.constant 0 : i32
        %parallel_loop3A_833 = arith.index_cast %parallel_loop3A_832 : i32 to index
        %parallel_loop3A_834 = arith.index_cast %parallel_loop3A_771 : i32 to index
        %parallel_loop3A_835 = tpu.vector_load %arg7[%parallel_loop3A_833, %parallel_loop3A_834] {strides = array<i32>} : memref<4x4096xf32, #tpu.memory_space<vmem>>, vector<1x16xf32>,
        %parallel_loop3A_836 = vector.shape_cast %parallel_loop3A_835 : vector<1x16xf32> to vector<16xf32>
        %parallel_loop3A_837 = arith.constant 1 : i32
        %parallel_loop3A_838 = arith.index_cast %parallel_loop3A_837 : i32 to index
        %parallel_loop3A_839 = arith.index_cast %parallel_loop3A_771 : i32 to index
        %parallel_loop3A_840 = tpu.vector_load %arg7[%parallel_loop3A_838, %parallel_loop3A_839] {strides = array<i32>} : memref<4x4096xf32, #tpu.memory_space<vmem>>, vector<1x16xf32>,
        %parallel_loop3A_841 = vector.shape_cast %parallel_loop3A_840 : vector<1x16xf32> to vector<16xf32>
        %parallel_loop3A_842 = arith.constant 2 : i32
        %parallel_loop3A_843 = arith.index_cast %parallel_loop3A_842 : i32 to index
        %parallel_loop3A_844 = arith.index_cast %parallel_loop3A_771 : i32 to index
        %parallel_loop3A_845 = tpu.vector_load %arg7[%parallel_loop3A_843, %parallel_loop3A_844] {strides = array<i32>} : memref<4x4096xf32, #tpu.memory_space<vmem>>, vector<1x16xf32>,
        %parallel_loop3A_846 = vector.shape_cast %parallel_loop3A_845 : vector<1x16xf32> to vector<16xf32>
        %parallel_loop3A_847 = arith.constant 3 : i32
        %parallel_loop3A_848 = arith.index_cast %parallel_loop3A_847 : i32 to index
        %parallel_loop3A_849 = arith.index_cast %parallel_loop3A_771 : i32 to index
        %parallel_loop3A_850 = tpu.vector_load %arg7[%parallel_loop3A_848, %parallel_loop3A_849] {strides = array<i32>} : memref<4x4096xf32, #tpu.memory_space<vmem>>, vector<1x16xf32>,
        %parallel_loop3A_851 = vector.shape_cast %parallel_loop3A_850 : vector<1x16xf32> to vector<16xf32>
        %parallel_loop3A_852 = arith.index_cast %parallel_loop3A_759 : i32 to index
        %parallel_loop3A_853 = tpu.vector_load %arg10[%parallel_loop3A_852] {strides = array<i32>} : memref<4096xf32, #tpu.memory_space<vmem>>, vector<16xf32>,
        %parallel_loop3A_854 = vector.shape_cast %parallel_loop3A_853 : vector<16xf32> to vector<16xf32>
        %parallel_loop3A_855 = arith.index_cast %parallel_loop3A_763 : i32 to index
        %parallel_loop3A_856 = tpu.vector_load %arg10[%parallel_loop3A_855] {strides = array<i32>} : memref<4096xf32, #tpu.memory_space<vmem>>, vector<16xf32>,
        %parallel_loop3A_857 = vector.shape_cast %parallel_loop3A_856 : vector<16xf32> to vector<16xf32>
        %parallel_loop3A_858 = arith.index_cast %parallel_loop3A_767 : i32 to index
        %parallel_loop3A_859 = tpu.vector_load %arg10[%parallel_loop3A_858] {strides = array<i32>} : memref<4096xf32, #tpu.memory_space<vmem>>, vector<16xf32>,
        %parallel_loop3A_860 = vector.shape_cast %parallel_loop3A_859 : vector<16xf32> to vector<16xf32>
        %parallel_loop3A_861 = arith.index_cast %parallel_loop3A_771 : i32 to index
        %parallel_loop3A_862 = tpu.vector_load %arg10[%parallel_loop3A_861] {strides = array<i32>} : memref<4096xf32, #tpu.memory_space<vmem>>, vector<16xf32>,
        %parallel_loop3A_863 = vector.shape_cast %parallel_loop3A_862 : vector<16xf32> to vector<16xf32>
        %parallel_loop3A_864 = vector.broadcast %squeeze3A : f32 to vector<16xf32>
        %parallel_loop3A_865 = arith.mulf %parallel_loop3A_776, %parallel_loop3A_864 : vector<16xf32>
        %parallel_loop3A_866 = vector.broadcast %squeeze3A_91 : f32 to vector<16xf32>
        %parallel_loop3A_867 = arith.mulf %parallel_loop3A_781, %parallel_loop3A_866 : vector<16xf32>
        %parallel_loop3A_868 = vector.broadcast %squeeze3A_93 : f32 to vector<16xf32>
        %parallel_loop3A_869 = arith.mulf %parallel_loop3A_786, %parallel_loop3A_868 : vector<16xf32>
        %parallel_loop3A_870 = vector.broadcast %squeeze3A_97 : f32 to vector<16xf32>
        %parallel_loop3A_871 = arith.mulf %parallel_loop3A_776, %parallel_loop3A_870 : vector<16xf32>
        %parallel_loop3A_872 = vector.broadcast %squeeze3A_99 : f32 to vector<16xf32>
        %parallel_loop3A_873 = arith.mulf %parallel_loop3A_781, %parallel_loop3A_872 : vector<16xf32>
        %parallel_loop3A_874 = vector.broadcast %squeeze3A_101 : f32 to vector<16xf32>
        %parallel_loop3A_875 = arith.mulf %parallel_loop3A_786, %parallel_loop3A_874 : vector<16xf32>
        %parallel_loop3A_876 = vector.broadcast %squeeze3A_105 : f32 to vector<16xf32>
        %parallel_loop3A_877 = arith.mulf %parallel_loop3A_776, %parallel_loop3A_876 : vector<16xf32>
        %parallel_loop3A_878 = vector.broadcast %squeeze3A_107 : f32 to vector<16xf32>
        %parallel_loop3A_879 = arith.mulf %parallel_loop3A_781, %parallel_loop3A_878 : vector<16xf32>
        %parallel_loop3A_880 = vector.broadcast %squeeze3A_109 : f32 to vector<16xf32>
        %parallel_loop3A_881 = arith.mulf %parallel_loop3A_786, %parallel_loop3A_880 : vector<16xf32>
        %parallel_loop3A_882 = vector.broadcast %squeeze3A_113 : f32 to vector<16xf32>
        %parallel_loop3A_883 = arith.mulf %parallel_loop3A_776, %parallel_loop3A_882 : vector<16xf32>
        %parallel_loop3A_884 = vector.broadcast %squeeze3A_115 : f32 to vector<16xf32>
        %parallel_loop3A_885 = arith.mulf %parallel_loop3A_781, %parallel_loop3A_884 : vector<16xf32>
        %parallel_loop3A_886 = vector.broadcast %squeeze3A_117 : f32 to vector<16xf32>
        %parallel_loop3A_887 = arith.mulf %parallel_loop3A_786, %parallel_loop3A_886 : vector<16xf32>
        %parallel_loop3A_888 = vector.broadcast %squeeze3A : f32 to vector<16xf32>
        %parallel_loop3A_889 = arith.mulf %parallel_loop3A_796, %parallel_loop3A_888 : vector<16xf32>
        %parallel_loop3A_890 = vector.broadcast %squeeze3A_91 : f32 to vector<16xf32>
        %parallel_loop3A_891 = arith.mulf %parallel_loop3A_801, %parallel_loop3A_890 : vector<16xf32>
        %parallel_loop3A_892 = vector.broadcast %squeeze3A_93 : f32 to vector<16xf32>
        %parallel_loop3A_893 = arith.mulf %parallel_loop3A_806, %parallel_loop3A_892 : vector<16xf32>
        %parallel_loop3A_894 = vector.broadcast %squeeze3A_97 : f32 to vector<16xf32>
        %parallel_loop3A_895 = arith.mulf %parallel_loop3A_796, %parallel_loop3A_894 : vector<16xf32>
        %parallel_loop3A_896 = vector.broadcast %squeeze3A_99 : f32 to vector<16xf32>
        %parallel_loop3A_897 = arith.mulf %parallel_loop3A_801, %parallel_loop3A_896 : vector<16xf32>
        %parallel_loop3A_898 = vector.broadcast %squeeze3A_101 : f32 to vector<16xf32>
        %parallel_loop3A_899 = arith.mulf %parallel_loop3A_806, %parallel_loop3A_898 : vector<16xf32>
        %parallel_loop3A_900 = vector.broadcast %squeeze3A_105 : f32 to vector<16xf32>
        %parallel_loop3A_901 = arith.mulf %parallel_loop3A_796, %parallel_loop3A_900 : vector<16xf32>
        %parallel_loop3A_902 = vector.broadcast %squeeze3A_107 : f32 to vector<16xf32>
        %parallel_loop3A_903 = arith.mulf %parallel_loop3A_801, %parallel_loop3A_902 : vector<16xf32>
        %parallel_loop3A_904 = vector.broadcast %squeeze3A_109 : f32 to vector<16xf32>
        %parallel_loop3A_905 = arith.mulf %parallel_loop3A_806, %parallel_loop3A_904 : vector<16xf32>
        %parallel_loop3A_906 = vector.broadcast %squeeze3A_113 : f32 to vector<16xf32>
        %parallel_loop3A_907 = arith.mulf %parallel_loop3A_796, %parallel_loop3A_906 : vector<16xf32>
        %parallel_loop3A_908 = vector.broadcast %squeeze3A_115 : f32 to vector<16xf32>
        %parallel_loop3A_909 = arith.mulf %parallel_loop3A_801, %parallel_loop3A_908 : vector<16xf32>
        %parallel_loop3A_910 = vector.broadcast %squeeze3A_117 : f32 to vector<16xf32>
        %parallel_loop3A_911 = arith.mulf %parallel_loop3A_806, %parallel_loop3A_910 : vector<16xf32>
        %parallel_loop3A_912 = vector.broadcast %squeeze3A : f32 to vector<16xf32>
        %parallel_loop3A_913 = arith.mulf %parallel_loop3A_816, %parallel_loop3A_912 : vector<16xf32>
        %parallel_loop3A_914 = vector.broadcast %squeeze3A_91 : f32 to vector<16xf32>
        %parallel_loop3A_915 = arith.mulf %parallel_loop3A_821, %parallel_loop3A_914 : vector<16xf32>
        %parallel_loop3A_916 = vector.broadcast %squeeze3A_93 : f32 to vector<16xf32>
        %parallel_loop3A_917 = arith.mulf %parallel_loop3A_826, %parallel_loop3A_916 : vector<16xf32>
        %parallel_loop3A_918 = vector.broadcast %squeeze3A_97 : f32 to vector<16xf32>
        %parallel_loop3A_919 = arith.mulf %parallel_loop3A_816, %parallel_loop3A_918 : vector<16xf32>
        %parallel_loop3A_920 = vector.broadcast %squeeze3A_99 : f32 to vector<16xf32>
        %parallel_loop3A_921 = arith.mulf %parallel_loop3A_821, %parallel_loop3A_920 : vector<16xf32>
        %parallel_loop3A_922 = vector.broadcast %squeeze3A_101 : f32 to vector<16xf32>
        %parallel_loop3A_923 = arith.mulf %parallel_loop3A_826, %parallel_loop3A_922 : vector<16xf32>
        %parallel_loop3A_924 = vector.broadcast %squeeze3A_105 : f32 to vector<16xf32>
        %parallel_loop3A_925 = arith.mulf %parallel_loop3A_816, %parallel_loop3A_924 : vector<16xf32>
        %parallel_loop3A_926 = vector.broadcast %squeeze3A_107 : f32 to vector<16xf32>
        %parallel_loop3A_927 = arith.mulf %parallel_loop3A_821, %parallel_loop3A_926 : vector<16xf32>
        %parallel_loop3A_928 = vector.broadcast %squeeze3A_109 : f32 to vector<16xf32>
        %parallel_loop3A_929 = arith.mulf %parallel_loop3A_826, %parallel_loop3A_928 : vector<16xf32>
        %parallel_loop3A_930 = vector.broadcast %squeeze3A_113 : f32 to vector<16xf32>
        %parallel_loop3A_931 = arith.mulf %parallel_loop3A_816, %parallel_loop3A_930 : vector<16xf32>
        %parallel_loop3A_932 = vector.broadcast %squeeze3A_115 : f32 to vector<16xf32>
        %parallel_loop3A_933 = arith.mulf %parallel_loop3A_821, %parallel_loop3A_932 : vector<16xf32>
        %parallel_loop3A_934 = vector.broadcast %squeeze3A_117 : f32 to vector<16xf32>
        %parallel_loop3A_935 = arith.mulf %parallel_loop3A_826, %parallel_loop3A_934 : vector<16xf32>
        %parallel_loop3A_936 = vector.broadcast %squeeze3A : f32 to vector<16xf32>
        %parallel_loop3A_937 = arith.mulf %parallel_loop3A_836, %parallel_loop3A_936 : vector<16xf32>
        %parallel_loop3A_938 = vector.broadcast %squeeze3A_91 : f32 to vector<16xf32>
        %parallel_loop3A_939 = arith.mulf %parallel_loop3A_841, %parallel_loop3A_938 : vector<16xf32>
        %parallel_loop3A_940 = vector.broadcast %squeeze3A_93 : f32 to vector<16xf32>
        %parallel_loop3A_941 = arith.mulf %parallel_loop3A_846, %parallel_loop3A_940 : vector<16xf32>
        %parallel_loop3A_942 = vector.broadcast %squeeze3A_97 : f32 to vector<16xf32>
        %parallel_loop3A_943 = arith.mulf %parallel_loop3A_836, %parallel_loop3A_942 : vector<16xf32>
        %parallel_loop3A_944 = vector.broadcast %squeeze3A_99 : f32 to vector<16xf32>
        %parallel_loop3A_945 = arith.mulf %parallel_loop3A_841, %parallel_loop3A_944 : vector<16xf32>
        %parallel_loop3A_946 = vector.broadcast %squeeze3A_101 : f32 to vector<16xf32>
        %parallel_loop3A_947 = arith.mulf %parallel_loop3A_846, %parallel_loop3A_946 : vector<16xf32>
        %parallel_loop3A_948 = vector.broadcast %squeeze3A_105 : f32 to vector<16xf32>
        %parallel_loop3A_949 = arith.mulf %parallel_loop3A_836, %parallel_loop3A_948 : vector<16xf32>
        %parallel_loop3A_950 = vector.broadcast %squeeze3A_107 : f32 to vector<16xf32>
        %parallel_loop3A_951 = arith.mulf %parallel_loop3A_841, %parallel_loop3A_950 : vector<16xf32>
        %parallel_loop3A_952 = vector.broadcast %squeeze3A_109 : f32 to vector<16xf32>
        %parallel_loop3A_953 = arith.mulf %parallel_loop3A_846, %parallel_loop3A_952 : vector<16xf32>
        %parallel_loop3A_954 = vector.broadcast %squeeze3A_113 : f32 to vector<16xf32>
        %parallel_loop3A_955 = arith.mulf %parallel_loop3A_836, %parallel_loop3A_954 : vector<16xf32>
        %parallel_loop3A_956 = vector.broadcast %squeeze3A_115 : f32 to vector<16xf32>
        %parallel_loop3A_957 = arith.mulf %parallel_loop3A_841, %parallel_loop3A_956 : vector<16xf32>
        %parallel_loop3A_958 = vector.broadcast %squeeze3A_117 : f32 to vector<16xf32>
        %parallel_loop3A_959 = arith.mulf %parallel_loop3A_846, %parallel_loop3A_958 : vector<16xf32>
        %parallel_loop3A_960 = arith.addf %parallel_loop3A_791, %parallel_loop3A_869 : vector<16xf32>
        %parallel_loop3A_961 = arith.addf %parallel_loop3A_865, %parallel_loop3A_867 : vector<16xf32>
        %parallel_loop3A_962 = arith.addf %parallel_loop3A_960, %parallel_loop3A_961 : vector<16xf32>
        %parallel_loop3A_963 = arith.addf %parallel_loop3A_791, %parallel_loop3A_875 : vector<16xf32>
        %parallel_loop3A_964 = arith.addf %parallel_loop3A_871, %parallel_loop3A_873 : vector<16xf32>
        %parallel_loop3A_965 = arith.addf %parallel_loop3A_963, %parallel_loop3A_964 : vector<16xf32>
        %parallel_loop3A_966 = arith.addf %parallel_loop3A_791, %parallel_loop3A_881 : vector<16xf32>
        %parallel_loop3A_967 = arith.addf %parallel_loop3A_877, %parallel_loop3A_879 : vector<16xf32>
        %parallel_loop3A_968 = arith.addf %parallel_loop3A_966, %parallel_loop3A_967 : vector<16xf32>
        %parallel_loop3A_969 = arith.addf %parallel_loop3A_791, %parallel_loop3A_887 : vector<16xf32>
        %parallel_loop3A_970 = arith.addf %parallel_loop3A_883, %parallel_loop3A_885 : vector<16xf32>
        %parallel_loop3A_971 = arith.addf %parallel_loop3A_969, %parallel_loop3A_970 : vector<16xf32>
        %parallel_loop3A_972 = arith.addf %parallel_loop3A_811, %parallel_loop3A_893 : vector<16xf32>
        %parallel_loop3A_973 = arith.addf %parallel_loop3A_889, %parallel_loop3A_891 : vector<16xf32>
        %parallel_loop3A_974 = arith.addf %parallel_loop3A_972, %parallel_loop3A_973 : vector<16xf32>
        %parallel_loop3A_975 = arith.addf %parallel_loop3A_811, %parallel_loop3A_899 : vector<16xf32>
        %parallel_loop3A_976 = arith.addf %parallel_loop3A_895, %parallel_loop3A_897 : vector<16xf32>
        %parallel_loop3A_977 = arith.addf %parallel_loop3A_975, %parallel_loop3A_976 : vector<16xf32>
        %parallel_loop3A_978 = arith.addf %parallel_loop3A_811, %parallel_loop3A_905 : vector<16xf32>
        %parallel_loop3A_979 = arith.addf %parallel_loop3A_901, %parallel_loop3A_903 : vector<16xf32>
        %parallel_loop3A_980 = arith.addf %parallel_loop3A_978, %parallel_loop3A_979 : vector<16xf32>
        %parallel_loop3A_981 = arith.addf %parallel_loop3A_811, %parallel_loop3A_911 : vector<16xf32>
        %parallel_loop3A_982 = arith.addf %parallel_loop3A_907, %parallel_loop3A_909 : vector<16xf32>
        %parallel_loop3A_983 = arith.addf %parallel_loop3A_981, %parallel_loop3A_982 : vector<16xf32>
        %parallel_loop3A_984 = arith.addf %parallel_loop3A_831, %parallel_loop3A_917 : vector<16xf32>
        %parallel_loop3A_985 = arith.addf %parallel_loop3A_913, %parallel_loop3A_915 : vector<16xf32>
        %parallel_loop3A_986 = arith.addf %parallel_loop3A_984, %parallel_loop3A_985 : vector<16xf32>
        %parallel_loop3A_987 = arith.addf %parallel_loop3A_831, %parallel_loop3A_923 : vector<16xf32>
        %parallel_loop3A_988 = arith.addf %parallel_loop3A_919, %parallel_loop3A_921 : vector<16xf32>
        %parallel_loop3A_989 = arith.addf %parallel_loop3A_987, %parallel_loop3A_988 : vector<16xf32>
        %parallel_loop3A_990 = arith.addf %parallel_loop3A_831, %parallel_loop3A_929 : vector<16xf32>
        %parallel_loop3A_991 = arith.addf %parallel_loop3A_925, %parallel_loop3A_927 : vector<16xf32>
        %parallel_loop3A_992 = arith.addf %parallel_loop3A_990, %parallel_loop3A_991 : vector<16xf32>
        %parallel_loop3A_993 = arith.addf %parallel_loop3A_831, %parallel_loop3A_935 : vector<16xf32>
        %parallel_loop3A_994 = arith.addf %parallel_loop3A_931, %parallel_loop3A_933 : vector<16xf32>
        %parallel_loop3A_995 = arith.addf %parallel_loop3A_993, %parallel_loop3A_994 : vector<16xf32>
        %parallel_loop3A_996 = arith.addf %parallel_loop3A_851, %parallel_loop3A_941 : vector<16xf32>
        %parallel_loop3A_997 = arith.addf %parallel_loop3A_937, %parallel_loop3A_939 : vector<16xf32>
        %parallel_loop3A_998 = arith.addf %parallel_loop3A_996, %parallel_loop3A_997 : vector<16xf32>
        %parallel_loop3A_999 = arith.addf %parallel_loop3A_851, %parallel_loop3A_947 : vector<16xf32>
        %parallel_loop3A_1000 = arith.addf %parallel_loop3A_943, %parallel_loop3A_945 : vector<16xf32>
        %parallel_loop3A_1001 = arith.addf %parallel_loop3A_999, %parallel_loop3A_1000 : vector<16xf32>
        %parallel_loop3A_1002 = arith.addf %parallel_loop3A_851, %parallel_loop3A_953 : vector<16xf32>
        %parallel_loop3A_1003 = arith.addf %parallel_loop3A_949, %parallel_loop3A_951 : vector<16xf32>
        %parallel_loop3A_1004 = arith.addf %parallel_loop3A_1002, %parallel_loop3A_1003 : vector<16xf32>
        %parallel_loop3A_1005 = arith.addf %parallel_loop3A_851, %parallel_loop3A_959 : vector<16xf32>
        %parallel_loop3A_1006 = arith.addf %parallel_loop3A_955, %parallel_loop3A_957 : vector<16xf32>
        %parallel_loop3A_1007 = arith.addf %parallel_loop3A_1005, %parallel_loop3A_1006 : vector<16xf32>
        %parallel_loop3A_1008 = arith.minimumf %parallel_loop3A_752, %parallel_loop3A_962 : vector<16xf32>
        %parallel_loop3A_1009 = arith.minimumf %parallel_loop3A_1008, %parallel_loop3A_974 : vector<16xf32>
        %parallel_loop3A_1010 = arith.minimumf %parallel_loop3A_1009, %parallel_loop3A_986 : vector<16xf32>
        %parallel_loop3A_1011 = arith.minimumf %parallel_loop3A_1010, %parallel_loop3A_998 : vector<16xf32>
        %parallel_loop3A_1012 = arith.minimumf %parallel_loop3A_753, %parallel_loop3A_965 : vector<16xf32>
        %parallel_loop3A_1013 = arith.minimumf %parallel_loop3A_1012, %parallel_loop3A_977 : vector<16xf32>
        %parallel_loop3A_1014 = arith.minimumf %parallel_loop3A_1013, %parallel_loop3A_989 : vector<16xf32>
        %parallel_loop3A_1015 = arith.minimumf %parallel_loop3A_1014, %parallel_loop3A_1001 : vector<16xf32>
        %parallel_loop3A_1016 = arith.minimumf %parallel_loop3A_754, %parallel_loop3A_968 : vector<16xf32>
        %parallel_loop3A_1017 = arith.minimumf %parallel_loop3A_1016, %parallel_loop3A_980 : vector<16xf32>
        %parallel_loop3A_1018 = arith.minimumf %parallel_loop3A_1017, %parallel_loop3A_992 : vector<16xf32>
        %parallel_loop3A_1019 = arith.minimumf %parallel_loop3A_1018, %parallel_loop3A_1004 : vector<16xf32>
        %parallel_loop3A_1020 = arith.minimumf %parallel_loop3A_755, %parallel_loop3A_971 : vector<16xf32>
        %parallel_loop3A_1021 = arith.minimumf %parallel_loop3A_1020, %parallel_loop3A_983 : vector<16xf32>
        %parallel_loop3A_1022 = arith.minimumf %parallel_loop3A_1021, %parallel_loop3A_995 : vector<16xf32>
        %parallel_loop3A_1023 = arith.minimumf %parallel_loop3A_1022, %parallel_loop3A_1007 : vector<16xf32>
        %parallel_loop3A_1024 = vector.broadcast %squeeze3A_95 : f32 to vector<16xf32>
        %parallel_loop3A_1025 = arith.addf %parallel_loop3A_962, %parallel_loop3A_1024 : vector<16xf32>
        %parallel_loop3A_1026 = vector.broadcast %squeeze3A_103 : f32 to vector<16xf32>
        %parallel_loop3A_1027 = arith.addf %parallel_loop3A_965, %parallel_loop3A_1026 : vector<16xf32>
        %parallel_loop3A_1028 = vector.broadcast %squeeze3A_111 : f32 to vector<16xf32>
        %parallel_loop3A_1029 = arith.addf %parallel_loop3A_968, %parallel_loop3A_1028 : vector<16xf32>
        %parallel_loop3A_1030 = vector.broadcast %squeeze3A_119 : f32 to vector<16xf32>
        %parallel_loop3A_1031 = arith.addf %parallel_loop3A_971, %parallel_loop3A_1030 : vector<16xf32>
        %parallel_loop3A_1032 = arith.minimumf %parallel_loop3A_1025, %parallel_loop3A_1027 : vector<16xf32>
        %parallel_loop3A_1033 = arith.minimumf %parallel_loop3A_1029, %parallel_loop3A_1031 : vector<16xf32>
        %parallel_loop3A_1034 = arith.minimumf %parallel_loop3A_1032, %parallel_loop3A_1033 : vector<16xf32>
        %parallel_loop3A_1035 = arith.minimumf %parallel_loop3A_854, %parallel_loop3A_1034 : vector<16xf32>
        %parallel_loop3A_1036 = arith.index_cast %parallel_loop3A_759 : i32 to index
        %parallel_loop3A_1037 = tpu.vector_load %arg10[%parallel_loop3A_1036] {strides = array<i32>} : memref<4096xf32, #tpu.memory_space<vmem>>, vector<16xf32>,
        %parallel_loop3A_1038 = vector.shape_cast %parallel_loop3A_1037 : vector<16xf32> to vector<16xf32>
        %parallel_loop3A_1039 = vector.shape_cast %parallel_loop3A_1035 : vector<16xf32> to vector<16xf32>
        tpu.vector_store %arg10[%parallel_loop3A_1036], %parallel_loop3A_1039 {strides = array<i32>} : memref<4096xf32, #tpu.memory_space<vmem>>, vector<16xf32>,
        %parallel_loop3A_1040 = vector.broadcast %squeeze3A_95 : f32 to vector<16xf32>
        %parallel_loop3A_1041 = arith.addf %parallel_loop3A_974, %parallel_loop3A_1040 : vector<16xf32>
        %parallel_loop3A_1042 = vector.broadcast %squeeze3A_103 : f32 to vector<16xf32>
        %parallel_loop3A_1043 = arith.addf %parallel_loop3A_977, %parallel_loop3A_1042 : vector<16xf32>
        %parallel_loop3A_1044 = vector.broadcast %squeeze3A_111 : f32 to vector<16xf32>
        %parallel_loop3A_1045 = arith.addf %parallel_loop3A_980, %parallel_loop3A_1044 : vector<16xf32>
        %parallel_loop3A_1046 = vector.broadcast %squeeze3A_119 : f32 to vector<16xf32>
        %parallel_loop3A_1047 = arith.addf %parallel_loop3A_983, %parallel_loop3A_1046 : vector<16xf32>
        %parallel_loop3A_1048 = arith.minimumf %parallel_loop3A_1041, %parallel_loop3A_1043 : vector<16xf32>
        %parallel_loop3A_1049 = arith.minimumf %parallel_loop3A_1045, %parallel_loop3A_1047 : vector<16xf32>
        %parallel_loop3A_1050 = arith.minimumf %parallel_loop3A_1048, %parallel_loop3A_1049 : vector<16xf32>
        %parallel_loop3A_1051 = arith.minimumf %parallel_loop3A_857, %parallel_loop3A_1050 : vector<16xf32>
        %parallel_loop3A_1052 = arith.index_cast %parallel_loop3A_763 : i32 to index
        %parallel_loop3A_1053 = tpu.vector_load %arg10[%parallel_loop3A_1052] {strides = array<i32>} : memref<4096xf32, #tpu.memory_space<vmem>>, vector<16xf32>,
        %parallel_loop3A_1054 = vector.shape_cast %parallel_loop3A_1053 : vector<16xf32> to vector<16xf32>
        %parallel_loop3A_1055 = vector.shape_cast %parallel_loop3A_1051 : vector<16xf32> to vector<16xf32>
        tpu.vector_store %arg10[%parallel_loop3A_1052], %parallel_loop3A_1055 {strides = array<i32>} : memref<4096xf32, #tpu.memory_space<vmem>>, vector<16xf32>,
        %parallel_loop3A_1056 = vector.broadcast %squeeze3A_95 : f32 to vector<16xf32>
        %parallel_loop3A_1057 = arith.addf %parallel_loop3A_986, %parallel_loop3A_1056 : vector<16xf32>
        %parallel_loop3A_1058 = vector.broadcast %squeeze3A_103 : f32 to vector<16xf32>
        %parallel_loop3A_1059 = arith.addf %parallel_loop3A_989, %parallel_loop3A_1058 : vector<16xf32>
        %parallel_loop3A_1060 = vector.broadcast %squeeze3A_111 : f32 to vector<16xf32>
        %parallel_loop3A_1061 = arith.addf %parallel_loop3A_992, %parallel_loop3A_1060 : vector<16xf32>
        %parallel_loop3A_1062 = vector.broadcast %squeeze3A_119 : f32 to vector<16xf32>
        %parallel_loop3A_1063 = arith.addf %parallel_loop3A_995, %parallel_loop3A_1062 : vector<16xf32>
        %parallel_loop3A_1064 = arith.minimumf %parallel_loop3A_1057, %parallel_loop3A_1059 : vector<16xf32>
        %parallel_loop3A_1065 = arith.minimumf %parallel_loop3A_1061, %parallel_loop3A_1063 : vector<16xf32>
        %parallel_loop3A_1066 = arith.minimumf %parallel_loop3A_1064, %parallel_loop3A_1065 : vector<16xf32>
        %parallel_loop3A_1067 = arith.minimumf %parallel_loop3A_860, %parallel_loop3A_1066 : vector<16xf32>
        %parallel_loop3A_1068 = arith.index_cast %parallel_loop3A_767 : i32 to index
        %parallel_loop3A_1069 = tpu.vector_load %arg10[%parallel_loop3A_1068] {strides = array<i32>} : memref<4096xf32, #tpu.memory_space<vmem>>, vector<16xf32>,
        %parallel_loop3A_1070 = vector.shape_cast %parallel_loop3A_1069 : vector<16xf32> to vector<16xf32>
        %parallel_loop3A_1071 = vector.shape_cast %parallel_loop3A_1067 : vector<16xf32> to vector<16xf32>
        tpu.vector_store %arg10[%parallel_loop3A_1068], %parallel_loop3A_1071 {strides = array<i32>} : memref<4096xf32, #tpu.memory_space<vmem>>, vector<16xf32>,
        %parallel_loop3A_1072 = vector.broadcast %squeeze3A_95 : f32 to vector<16xf32>
        %parallel_loop3A_1073 = arith.addf %parallel_loop3A_998, %parallel_loop3A_1072 : vector<16xf32>
        %parallel_loop3A_1074 = vector.broadcast %squeeze3A_103 : f32 to vector<16xf32>
        %parallel_loop3A_1075 = arith.addf %parallel_loop3A_1001, %parallel_loop3A_1074 : vector<16xf32>
        %parallel_loop3A_1076 = vector.broadcast %squeeze3A_111 : f32 to vector<16xf32>
        %parallel_loop3A_1077 = arith.addf %parallel_loop3A_1004, %parallel_loop3A_1076 : vector<16xf32>
        %parallel_loop3A_1078 = vector.broadcast %squeeze3A_119 : f32 to vector<16xf32>
        %parallel_loop3A_1079 = arith.addf %parallel_loop3A_1007, %parallel_loop3A_1078 : vector<16xf32>
        %parallel_loop3A_1080 = arith.minimumf %parallel_loop3A_1073, %parallel_loop3A_1075 : vector<16xf32>
        %parallel_loop3A_1081 = arith.minimumf %parallel_loop3A_1077, %parallel_loop3A_1079 : vector<16xf32>
        %parallel_loop3A_1082 = arith.minimumf %parallel_loop3A_1080, %parallel_loop3A_1081 : vector<16xf32>
        %parallel_loop3A_1083 = arith.minimumf %parallel_loop3A_863, %parallel_loop3A_1082 : vector<16xf32>
        %parallel_loop3A_1084 = arith.index_cast %parallel_loop3A_771 : i32 to index
        %parallel_loop3A_1085 = tpu.vector_load %arg10[%parallel_loop3A_1084] {strides = array<i32>} : memref<4096xf32, #tpu.memory_space<vmem>>, vector<16xf32>,
        %parallel_loop3A_1086 = vector.shape_cast %parallel_loop3A_1085 : vector<16xf32> to vector<16xf32>
        %parallel_loop3A_1087 = vector.shape_cast %parallel_loop3A_1083 : vector<16xf32> to vector<16xf32>
        tpu.vector_store %arg10[%parallel_loop3A_1084], %parallel_loop3A_1087 {strides = array<i32>} : memref<4096xf32, #tpu.memory_space<vmem>>, vector<16xf32>,
        scf.yield %parallel_loop3A_1011, %parallel_loop3A_1015, %parallel_loop3A_1019, %parallel_loop3A_1023 : vector<16xf32>, vector<16xf32>, vector<16xf32>, vector<16xf32>
      } {sc.loop_unroll_factor = 1 : i64, sc.parallel_access}
      %xor3A = arith.constant 8 : i32
      %xor3A_125 = vector.broadcast %xor3A : i32 to vector<16xi32>
      %xor3A_126 = arith.xori %iota3A, %xor3A_125 : vector<16xi32>
      %broadcast_in_dim3A_127 = vector.shape_cast %xor3A_126 : vector<16xi32> to vector<16x1xi32>
      %gather3A = vector.shape_cast %broadcast_in_dim3A_127 : vector<16x1xi32> to vector<16xi32>
      %gather3A_128 = tpu.dynamic_gather %parallel_loop3A_124#0[%gather3A] in [0] : vector<16xf32>, vector<16xi32> -> vector<16xf32>
      %min3A = arith.minimumf %parallel_loop3A_124#0, %gather3A_128 : vector<16xf32>
      %xor3A_129 = arith.constant 4 : i32
      %xor3A_130 = vector.broadcast %xor3A_129 : i32 to vector<16xi32>
      %xor3A_131 = arith.xori %iota3A, %xor3A_130 : vector<16xi32>
      %broadcast_in_dim3A_132 = vector.shape_cast %xor3A_131 : vector<16xi32> to vector<16x1xi32>
      %gather3A_133 = vector.shape_cast %broadcast_in_dim3A_132 : vector<16x1xi32> to vector<16xi32>
      %gather3A_134 = tpu.dynamic_gather %min3A[%gather3A_133] in [0] : vector<16xf32>, vector<16xi32> -> vector<16xf32>
      %min3A_135 = arith.minimumf %min3A, %gather3A_134 : vector<16xf32>
      %xor3A_136 = arith.constant 2 : i32
      %xor3A_137 = vector.broadcast %xor3A_136 : i32 to vector<16xi32>
      %xor3A_138 = arith.xori %iota3A, %xor3A_137 : vector<16xi32>
      %broadcast_in_dim3A_139 = vector.shape_cast %xor3A_138 : vector<16xi32> to vector<16x1xi32>
      %gather3A_140 = vector.shape_cast %broadcast_in_dim3A_139 : vector<16x1xi32> to vector<16xi32>
      %gather3A_141 = tpu.dynamic_gather %min3A_135[%gather3A_140] in [0] : vector<16xf32>, vector<16xi32> -> vector<16xf32>
      %min3A_142 = arith.minimumf %min3A_135, %gather3A_141 : vector<16xf32>
      %xor3A_143 = arith.constant 1 : i32
      %xor3A_144 = vector.broadcast %xor3A_143 : i32 to vector<16xi32>
      %xor3A_145 = arith.xori %iota3A, %xor3A_144 : vector<16xi32>
      %broadcast_in_dim3A_146 = vector.shape_cast %xor3A_145 : vector<16xi32> to vector<16x1xi32>
      %gather3A_147 = vector.shape_cast %broadcast_in_dim3A_146 : vector<16x1xi32> to vector<16xi32>
      %gather3A_148 = tpu.dynamic_gather %min3A_142[%gather3A_147] in [0] : vector<16xf32>, vector<16xi32> -> vector<16xf32>
      %min3A_149 = arith.minimumf %min3A_142, %gather3A_148 : vector<16xf32>
      %eq3A = arith.constant 0 : i32
      %eq3A_150 = vector.broadcast %eq3A : i32 to vector<16xi32>
      %eq3A_151 = arith.cmpi eq, %iota3A, %eq3A_150 : vector<16xi32>
      %select_n3A = arith.select %eq3A_151, %min3A_149, %broadcast_in_dim3A_89 : vector<16xi1>, vector<16xf32>
      %xor3A_152 = arith.constant 8 : i32
      %xor3A_153 = vector.broadcast %xor3A_152 : i32 to vector<16xi32>
      %xor3A_154 = arith.xori %iota3A, %xor3A_153 : vector<16xi32>
      %broadcast_in_dim3A_155 = vector.shape_cast %xor3A_154 : vector<16xi32> to vector<16x1xi32>
      %gather3A_156 = vector.shape_cast %broadcast_in_dim3A_155 : vector<16x1xi32> to vector<16xi32>
      %gather3A_157 = tpu.dynamic_gather %parallel_loop3A_124#1[%gather3A_156] in [0] : vector<16xf32>, vector<16xi32> -> vector<16xf32>
      %min3A_158 = arith.minimumf %parallel_loop3A_124#1, %gather3A_157 : vector<16xf32>
      %xor3A_159 = arith.constant 4 : i32
      %xor3A_160 = vector.broadcast %xor3A_159 : i32 to vector<16xi32>
      %xor3A_161 = arith.xori %iota3A, %xor3A_160 : vector<16xi32>
      %broadcast_in_dim3A_162 = vector.shape_cast %xor3A_161 : vector<16xi32> to vector<16x1xi32>
      %gather3A_163 = vector.shape_cast %broadcast_in_dim3A_162 : vector<16x1xi32> to vector<16xi32>
      %gather3A_164 = tpu.dynamic_gather %min3A_158[%gather3A_163] in [0] : vector<16xf32>, vector<16xi32> -> vector<16xf32>
      %min3A_165 = arith.minimumf %min3A_158, %gather3A_164 : vector<16xf32>
      %xor3A_166 = arith.constant 2 : i32
      %xor3A_167 = vector.broadcast %xor3A_166 : i32 to vector<16xi32>
      %xor3A_168 = arith.xori %iota3A, %xor3A_167 : vector<16xi32>
      %broadcast_in_dim3A_169 = vector.shape_cast %xor3A_168 : vector<16xi32> to vector<16x1xi32>
      %gather3A_170 = vector.shape_cast %broadcast_in_dim3A_169 : vector<16x1xi32> to vector<16xi32>
      %gather3A_171 = tpu.dynamic_gather %min3A_165[%gather3A_170] in [0] : vector<16xf32>, vector<16xi32> -> vector<16xf32>
      %min3A_172 = arith.minimumf %min3A_165, %gather3A_171 : vector<16xf32>
      %xor3A_173 = arith.constant 1 : i32
      %xor3A_174 = vector.broadcast %xor3A_173 : i32 to vector<16xi32>
      %xor3A_175 = arith.xori %iota3A, %xor3A_174 : vector<16xi32>
      %broadcast_in_dim3A_176 = vector.shape_cast %xor3A_175 : vector<16xi32> to vector<16x1xi32>
      %gather3A_177 = vector.shape_cast %broadcast_in_dim3A_176 : vector<16x1xi32> to vector<16xi32>
      %gather3A_178 = tpu.dynamic_gather %min3A_172[%gather3A_177] in [0] : vector<16xf32>, vector<16xi32> -> vector<16xf32>
      %min3A_179 = arith.minimumf %min3A_172, %gather3A_178 : vector<16xf32>
      %eq3A_180 = arith.constant 1 : i32
      %eq3A_181 = vector.broadcast %eq3A_180 : i32 to vector<16xi32>
      %eq3A_182 = arith.cmpi eq, %iota3A, %eq3A_181 : vector<16xi32>
      %select_n3A_183 = arith.select %eq3A_182, %min3A_179, %select_n3A : vector<16xi1>, vector<16xf32>
      %xor3A_184 = arith.constant 8 : i32
      %xor3A_185 = vector.broadcast %xor3A_184 : i32 to vector<16xi32>
      %xor3A_186 = arith.xori %iota3A, %xor3A_185 : vector<16xi32>
      %broadcast_in_dim3A_187 = vector.shape_cast %xor3A_186 : vector<16xi32> to vector<16x1xi32>
      %gather3A_188 = vector.shape_cast %broadcast_in_dim3A_187 : vector<16x1xi32> to vector<16xi32>
      %gather3A_189 = tpu.dynamic_gather %parallel_loop3A_124#2[%gather3A_188] in [0] : vector<16xf32>, vector<16xi32> -> vector<16xf32>
      %min3A_190 = arith.minimumf %parallel_loop3A_124#2, %gather3A_189 : vector<16xf32>
      %xor3A_191 = arith.constant 4 : i32
      %xor3A_192 = vector.broadcast %xor3A_191 : i32 to vector<16xi32>
      %xor3A_193 = arith.xori %iota3A, %xor3A_192 : vector<16xi32>
      %broadcast_in_dim3A_194 = vector.shape_cast %xor3A_193 : vector<16xi32> to vector<16x1xi32>
      %gather3A_195 = vector.shape_cast %broadcast_in_dim3A_194 : vector<16x1xi32> to vector<16xi32>
      %gather3A_196 = tpu.dynamic_gather %min3A_190[%gather3A_195] in [0] : vector<16xf32>, vector<16xi32> -> vector<16xf32>
      %min3A_197 = arith.minimumf %min3A_190, %gather3A_196 : vector<16xf32>
      %xor3A_198 = arith.constant 2 : i32
      %xor3A_199 = vector.broadcast %xor3A_198 : i32 to vector<16xi32>
      %xor3A_200 = arith.xori %iota3A, %xor3A_199 : vector<16xi32>
      %broadcast_in_dim3A_201 = vector.shape_cast %xor3A_200 : vector<16xi32> to vector<16x1xi32>
      %gather3A_202 = vector.shape_cast %broadcast_in_dim3A_201 : vector<16x1xi32> to vector<16xi32>
      %gather3A_203 = tpu.dynamic_gather %min3A_197[%gather3A_202] in [0] : vector<16xf32>, vector<16xi32> -> vector<16xf32>
      %min3A_204 = arith.minimumf %min3A_197, %gather3A_203 : vector<16xf32>
      %xor3A_205 = arith.constant 1 : i32
      %xor3A_206 = vector.broadcast %xor3A_205 : i32 to vector<16xi32>
      %xor3A_207 = arith.xori %iota3A, %xor3A_206 : vector<16xi32>
      %broadcast_in_dim3A_208 = vector.shape_cast %xor3A_207 : vector<16xi32> to vector<16x1xi32>
      %gather3A_209 = vector.shape_cast %broadcast_in_dim3A_208 : vector<16x1xi32> to vector<16xi32>
      %gather3A_210 = tpu.dynamic_gather %min3A_204[%gather3A_209] in [0] : vector<16xf32>, vector<16xi32> -> vector<16xf32>
      %min3A_211 = arith.minimumf %min3A_204, %gather3A_210 : vector<16xf32>
      %eq3A_212 = arith.constant 2 : i32
      %eq3A_213 = vector.broadcast %eq3A_212 : i32 to vector<16xi32>
      %eq3A_214 = arith.cmpi eq, %iota3A, %eq3A_213 : vector<16xi32>
      %select_n3A_215 = arith.select %eq3A_214, %min3A_211, %select_n3A_183 : vector<16xi1>, vector<16xf32>
      %xor3A_216 = arith.constant 8 : i32
      %xor3A_217 = vector.broadcast %xor3A_216 : i32 to vector<16xi32>
      %xor3A_218 = arith.xori %iota3A, %xor3A_217 : vector<16xi32>
      %broadcast_in_dim3A_219 = vector.shape_cast %xor3A_218 : vector<16xi32> to vector<16x1xi32>
      %gather3A_220 = vector.shape_cast %broadcast_in_dim3A_219 : vector<16x1xi32> to vector<16xi32>
      %gather3A_221 = tpu.dynamic_gather %parallel_loop3A_124#3[%gather3A_220] in [0] : vector<16xf32>, vector<16xi32> -> vector<16xf32>
      %min3A_222 = arith.minimumf %parallel_loop3A_124#3, %gather3A_221 : vector<16xf32>
      %xor3A_223 = arith.constant 4 : i32
      %xor3A_224 = vector.broadcast %xor3A_223 : i32 to vector<16xi32>
      %xor3A_225 = arith.xori %iota3A, %xor3A_224 : vector<16xi32>
      %broadcast_in_dim3A_226 = vector.shape_cast %xor3A_225 : vector<16xi32> to vector<16x1xi32>
      %gather3A_227 = vector.shape_cast %broadcast_in_dim3A_226 : vector<16x1xi32> to vector<16xi32>
      %gather3A_228 = tpu.dynamic_gather %min3A_222[%gather3A_227] in [0] : vector<16xf32>, vector<16xi32> -> vector<16xf32>
      %min3A_229 = arith.minimumf %min3A_222, %gather3A_228 : vector<16xf32>
      %xor3A_230 = arith.constant 2 : i32
      %xor3A_231 = vector.broadcast %xor3A_230 : i32 to vector<16xi32>
      %xor3A_232 = arith.xori %iota3A, %xor3A_231 : vector<16xi32>
      %broadcast_in_dim3A_233 = vector.shape_cast %xor3A_232 : vector<16xi32> to vector<16x1xi32>
      %gather3A_234 = vector.shape_cast %broadcast_in_dim3A_233 : vector<16x1xi32> to vector<16xi32>
      %gather3A_235 = tpu.dynamic_gather %min3A_229[%gather3A_234] in [0] : vector<16xf32>, vector<16xi32> -> vector<16xf32>
      %min3A_236 = arith.minimumf %min3A_229, %gather3A_235 : vector<16xf32>
      %xor3A_237 = arith.constant 1 : i32
      %xor3A_238 = vector.broadcast %xor3A_237 : i32 to vector<16xi32>
      %xor3A_239 = arith.xori %iota3A, %xor3A_238 : vector<16xi32>
      %broadcast_in_dim3A_240 = vector.shape_cast %xor3A_239 : vector<16xi32> to vector<16x1xi32>
      %gather3A_241 = vector.shape_cast %broadcast_in_dim3A_240 : vector<16x1xi32> to vector<16xi32>
      %gather3A_242 = tpu.dynamic_gather %min3A_236[%gather3A_241] in [0] : vector<16xf32>, vector<16xi32> -> vector<16xf32>
      %min3A_243 = arith.minimumf %min3A_236, %gather3A_242 : vector<16xf32>
      %eq3A_244 = arith.constant 3 : i32
      %eq3A_245 = vector.broadcast %eq3A_244 : i32 to vector<16xi32>
      %eq3A_246 = arith.cmpi eq, %iota3A, %eq3A_245 : vector<16xi32>
      %select_n3A_247 = arith.select %eq3A_246, %min3A_243, %select_n3A_215 : vector<16xi1>, vector<16xf32>
      %slice3A_248 = vector.extract_strided_slice %get3A_73 {offsets = [4], sizes = [1], strides = [1]} : vector<16xf32> to vector<1xf32>
      %squeeze3A_249 = vector.extract %slice3A_248[0] : f32 from vector<1xf32>
      %slice3A_250 = vector.extract_strided_slice %get3A_78 {offsets = [4], sizes = [1], strides = [1]} : vector<16xf32> to vector<1xf32>
      %squeeze3A_251 = vector.extract %slice3A_250[0] : f32 from vector<1xf32>
      %slice3A_252 = vector.extract_strided_slice %get3A_83 {offsets = [4], sizes = [1], strides = [1]} : vector<16xf32> to vector<1xf32>
      %squeeze3A_253 = vector.extract %slice3A_252[0] : f32 from vector<1xf32>
      %slice3A_254 = vector.extract_strided_slice %get3A_88 {offsets = [4], sizes = [1], strides = [1]} : vector<16xf32> to vector<1xf32>
      %squeeze3A_255 = vector.extract %slice3A_254[0] : f32 from vector<1xf32>
      %slice3A_256 = vector.extract_strided_slice %get3A_73 {offsets = [5], sizes = [1], strides = [1]} : vector<16xf32> to vector<1xf32>
      %squeeze3A_257 = vector.extract %slice3A_256[0] : f32 from vector<1xf32>
      %slice3A_258 = vector.extract_strided_slice %get3A_78 {offsets = [5], sizes = [1], strides = [1]} : vector<16xf32> to vector<1xf32>
      %squeeze3A_259 = vector.extract %slice3A_258[0] : f32 from vector<1xf32>
      %slice3A_260 = vector.extract_strided_slice %get3A_83 {offsets = [5], sizes = [1], strides = [1]} : vector<16xf32> to vector<1xf32>
      %squeeze3A_261 = vector.extract %slice3A_260[0] : f32 from vector<1xf32>
      %slice3A_262 = vector.extract_strided_slice %get3A_88 {offsets = [5], sizes = [1], strides = [1]} : vector<16xf32> to vector<1xf32>
      %squeeze3A_263 = vector.extract %slice3A_262[0] : f32 from vector<1xf32>
      %slice3A_264 = vector.extract_strided_slice %get3A_73 {offsets = [6], sizes = [1], strides = [1]} : vector<16xf32> to vector<1xf32>
      %squeeze3A_265 = vector.extract %slice3A_264[0] : f32 from vector<1xf32>
      %slice3A_266 = vector.extract_strided_slice %get3A_78 {offsets = [6], sizes = [1], strides = [1]} : vector<16xf32> to vector<1xf32>
      %squeeze3A_267 = vector.extract %slice3A_266[0] : f32 from vector<1xf32>
      %slice3A_268 = vector.extract_strided_slice %get3A_83 {offsets = [6], sizes = [1], strides = [1]} : vector<16xf32> to vector<1xf32>
      %squeeze3A_269 = vector.extract %slice3A_268[0] : f32 from vector<1xf32>
      %slice3A_270 = vector.extract_strided_slice %get3A_88 {offsets = [6], sizes = [1], strides = [1]} : vector<16xf32> to vector<1xf32>
      %squeeze3A_271 = vector.extract %slice3A_270[0] : f32 from vector<1xf32>
      %slice3A_272 = vector.extract_strided_slice %get3A_73 {offsets = [7], sizes = [1], strides = [1]} : vector<16xf32> to vector<1xf32>
      %squeeze3A_273 = vector.extract %slice3A_272[0] : f32 from vector<1xf32>
      %slice3A_274 = vector.extract_strided_slice %get3A_78 {offsets = [7], sizes = [1], strides = [1]} : vector<16xf32> to vector<1xf32>
      %squeeze3A_275 = vector.extract %slice3A_274[0] : f32 from vector<1xf32>
      %slice3A_276 = vector.extract_strided_slice %get3A_83 {offsets = [7], sizes = [1], strides = [1]} : vector<16xf32> to vector<1xf32>
      %squeeze3A_277 = vector.extract %slice3A_276[0] : f32 from vector<1xf32>
      %slice3A_278 = vector.extract_strided_slice %get3A_88 {offsets = [7], sizes = [1], strides = [1]} : vector<16xf32> to vector<1xf32>
      %squeeze3A_279 = vector.extract %slice3A_278[0] : f32 from vector<1xf32>
      %broadcast_in_dim3A_280 = arith.constant 0x7F800000 : f32
      %broadcast_in_dim3A_281 = vector.broadcast %broadcast_in_dim3A_280 : f32 to vector<16xf32>
      %parallel_loop3A_282 = arith.constant 0 : i32
      %parallel_loop3A_283 = arith.constant 256 : i32
      %parallel_loop3A_284 = arith.constant 4 : i32
      %parallel_loop3A_285:4 = scf.for %parallel_loop3A_751 = %parallel_loop3A_282 to %parallel_loop3A_283 step %parallel_loop3A_284 iter_args(%parallel_loop3A_752 = %broadcast_in_dim3A_281, %parallel_loop3A_753 = %broadcast_in_dim3A_281, %parallel_loop3A_754 = %broadcast_in_dim3A_281, %parallel_loop3A_755 = %broadcast_in_dim3A_281) -> (vector<16xf32>, vector<16xf32>, vector<16xf32>, vector<16xf32>)  : i32 {
        %parallel_loop3A_756 = arith.constant 0 : i32
        %parallel_loop3A_757 = arith.addi %parallel_loop3A_751, %parallel_loop3A_756 : i32
        %parallel_loop3A_758 = arith.constant 16 : i32
        %parallel_loop3A_759 = arith.muli %parallel_loop3A_757, %parallel_loop3A_758 : i32
        %parallel_loop3A_760 = arith.constant 1 : i32
        %parallel_loop3A_761 = arith.addi %parallel_loop3A_751, %parallel_loop3A_760 : i32
        %parallel_loop3A_762 = arith.constant 16 : i32
        %parallel_loop3A_763 = arith.muli %parallel_loop3A_761, %parallel_loop3A_762 : i32
        %parallel_loop3A_764 = arith.constant 2 : i32
        %parallel_loop3A_765 = arith.addi %parallel_loop3A_751, %parallel_loop3A_764 : i32
        %parallel_loop3A_766 = arith.constant 16 : i32
        %parallel_loop3A_767 = arith.muli %parallel_loop3A_765, %parallel_loop3A_766 : i32
        %parallel_loop3A_768 = arith.constant 3 : i32
        %parallel_loop3A_769 = arith.addi %parallel_loop3A_751, %parallel_loop3A_768 : i32
        %parallel_loop3A_770 = arith.constant 16 : i32
        %parallel_loop3A_771 = arith.muli %parallel_loop3A_769, %parallel_loop3A_770 : i32
        %parallel_loop3A_772 = arith.constant 0 : i32
        %parallel_loop3A_773 = arith.index_cast %parallel_loop3A_772 : i32 to index
        %parallel_loop3A_774 = arith.index_cast %parallel_loop3A_759 : i32 to index
        %parallel_loop3A_775 = tpu.vector_load %arg7[%parallel_loop3A_773, %parallel_loop3A_774] {strides = array<i32>} : memref<4x4096xf32, #tpu.memory_space<vmem>>, vector<1x16xf32>,
        %parallel_loop3A_776 = vector.shape_cast %parallel_loop3A_775 : vector<1x16xf32> to vector<16xf32>
        %parallel_loop3A_777 = arith.constant 1 : i32
        %parallel_loop3A_778 = arith.index_cast %parallel_loop3A_777 : i32 to index
        %parallel_loop3A_779 = arith.index_cast %parallel_loop3A_759 : i32 to index
        %parallel_loop3A_780 = tpu.vector_load %arg7[%parallel_loop3A_778, %parallel_loop3A_779] {strides = array<i32>} : memref<4x4096xf32, #tpu.memory_space<vmem>>, vector<1x16xf32>,
        %parallel_loop3A_781 = vector.shape_cast %parallel_loop3A_780 : vector<1x16xf32> to vector<16xf32>
        %parallel_loop3A_782 = arith.constant 2 : i32
        %parallel_loop3A_783 = arith.index_cast %parallel_loop3A_782 : i32 to index
        %parallel_loop3A_784 = arith.index_cast %parallel_loop3A_759 : i32 to index
        %parallel_loop3A_785 = tpu.vector_load %arg7[%parallel_loop3A_783, %parallel_loop3A_784] {strides = array<i32>} : memref<4x4096xf32, #tpu.memory_space<vmem>>, vector<1x16xf32>,
        %parallel_loop3A_786 = vector.shape_cast %parallel_loop3A_785 : vector<1x16xf32> to vector<16xf32>
        %parallel_loop3A_787 = arith.constant 3 : i32
        %parallel_loop3A_788 = arith.index_cast %parallel_loop3A_787 : i32 to index
        %parallel_loop3A_789 = arith.index_cast %parallel_loop3A_759 : i32 to index
        %parallel_loop3A_790 = tpu.vector_load %arg7[%parallel_loop3A_788, %parallel_loop3A_789] {strides = array<i32>} : memref<4x4096xf32, #tpu.memory_space<vmem>>, vector<1x16xf32>,
        %parallel_loop3A_791 = vector.shape_cast %parallel_loop3A_790 : vector<1x16xf32> to vector<16xf32>
        %parallel_loop3A_792 = arith.constant 0 : i32
        %parallel_loop3A_793 = arith.index_cast %parallel_loop3A_792 : i32 to index
        %parallel_loop3A_794 = arith.index_cast %parallel_loop3A_763 : i32 to index
        %parallel_loop3A_795 = tpu.vector_load %arg7[%parallel_loop3A_793, %parallel_loop3A_794] {strides = array<i32>} : memref<4x4096xf32, #tpu.memory_space<vmem>>, vector<1x16xf32>,
        %parallel_loop3A_796 = vector.shape_cast %parallel_loop3A_795 : vector<1x16xf32> to vector<16xf32>
        %parallel_loop3A_797 = arith.constant 1 : i32
        %parallel_loop3A_798 = arith.index_cast %parallel_loop3A_797 : i32 to index
        %parallel_loop3A_799 = arith.index_cast %parallel_loop3A_763 : i32 to index
        %parallel_loop3A_800 = tpu.vector_load %arg7[%parallel_loop3A_798, %parallel_loop3A_799] {strides = array<i32>} : memref<4x4096xf32, #tpu.memory_space<vmem>>, vector<1x16xf32>,
        %parallel_loop3A_801 = vector.shape_cast %parallel_loop3A_800 : vector<1x16xf32> to vector<16xf32>
        %parallel_loop3A_802 = arith.constant 2 : i32
        %parallel_loop3A_803 = arith.index_cast %parallel_loop3A_802 : i32 to index
        %parallel_loop3A_804 = arith.index_cast %parallel_loop3A_763 : i32 to index
        %parallel_loop3A_805 = tpu.vector_load %arg7[%parallel_loop3A_803, %parallel_loop3A_804] {strides = array<i32>} : memref<4x4096xf32, #tpu.memory_space<vmem>>, vector<1x16xf32>,
        %parallel_loop3A_806 = vector.shape_cast %parallel_loop3A_805 : vector<1x16xf32> to vector<16xf32>
        %parallel_loop3A_807 = arith.constant 3 : i32
        %parallel_loop3A_808 = arith.index_cast %parallel_loop3A_807 : i32 to index
        %parallel_loop3A_809 = arith.index_cast %parallel_loop3A_763 : i32 to index
        %parallel_loop3A_810 = tpu.vector_load %arg7[%parallel_loop3A_808, %parallel_loop3A_809] {strides = array<i32>} : memref<4x4096xf32, #tpu.memory_space<vmem>>, vector<1x16xf32>,
        %parallel_loop3A_811 = vector.shape_cast %parallel_loop3A_810 : vector<1x16xf32> to vector<16xf32>
        %parallel_loop3A_812 = arith.constant 0 : i32
        %parallel_loop3A_813 = arith.index_cast %parallel_loop3A_812 : i32 to index
        %parallel_loop3A_814 = arith.index_cast %parallel_loop3A_767 : i32 to index
        %parallel_loop3A_815 = tpu.vector_load %arg7[%parallel_loop3A_813, %parallel_loop3A_814] {strides = array<i32>} : memref<4x4096xf32, #tpu.memory_space<vmem>>, vector<1x16xf32>,
        %parallel_loop3A_816 = vector.shape_cast %parallel_loop3A_815 : vector<1x16xf32> to vector<16xf32>
        %parallel_loop3A_817 = arith.constant 1 : i32
        %parallel_loop3A_818 = arith.index_cast %parallel_loop3A_817 : i32 to index
        %parallel_loop3A_819 = arith.index_cast %parallel_loop3A_767 : i32 to index
        %parallel_loop3A_820 = tpu.vector_load %arg7[%parallel_loop3A_818, %parallel_loop3A_819] {strides = array<i32>} : memref<4x4096xf32, #tpu.memory_space<vmem>>, vector<1x16xf32>,
        %parallel_loop3A_821 = vector.shape_cast %parallel_loop3A_820 : vector<1x16xf32> to vector<16xf32>
        %parallel_loop3A_822 = arith.constant 2 : i32
        %parallel_loop3A_823 = arith.index_cast %parallel_loop3A_822 : i32 to index
        %parallel_loop3A_824 = arith.index_cast %parallel_loop3A_767 : i32 to index
        %parallel_loop3A_825 = tpu.vector_load %arg7[%parallel_loop3A_823, %parallel_loop3A_824] {strides = array<i32>} : memref<4x4096xf32, #tpu.memory_space<vmem>>, vector<1x16xf32>,
        %parallel_loop3A_826 = vector.shape_cast %parallel_loop3A_825 : vector<1x16xf32> to vector<16xf32>
        %parallel_loop3A_827 = arith.constant 3 : i32
        %parallel_loop3A_828 = arith.index_cast %parallel_loop3A_827 : i32 to index
        %parallel_loop3A_829 = arith.index_cast %parallel_loop3A_767 : i32 to index
        %parallel_loop3A_830 = tpu.vector_load %arg7[%parallel_loop3A_828, %parallel_loop3A_829] {strides = array<i32>} : memref<4x4096xf32, #tpu.memory_space<vmem>>, vector<1x16xf32>,
        %parallel_loop3A_831 = vector.shape_cast %parallel_loop3A_830 : vector<1x16xf32> to vector<16xf32>
        %parallel_loop3A_832 = arith.constant 0 : i32
        %parallel_loop3A_833 = arith.index_cast %parallel_loop3A_832 : i32 to index
        %parallel_loop3A_834 = arith.index_cast %parallel_loop3A_771 : i32 to index
        %parallel_loop3A_835 = tpu.vector_load %arg7[%parallel_loop3A_833, %parallel_loop3A_834] {strides = array<i32>} : memref<4x4096xf32, #tpu.memory_space<vmem>>, vector<1x16xf32>,
        %parallel_loop3A_836 = vector.shape_cast %parallel_loop3A_835 : vector<1x16xf32> to vector<16xf32>
        %parallel_loop3A_837 = arith.constant 1 : i32
        %parallel_loop3A_838 = arith.index_cast %parallel_loop3A_837 : i32 to index
        %parallel_loop3A_839 = arith.index_cast %parallel_loop3A_771 : i32 to index
        %parallel_loop3A_840 = tpu.vector_load %arg7[%parallel_loop3A_838, %parallel_loop3A_839] {strides = array<i32>} : memref<4x4096xf32, #tpu.memory_space<vmem>>, vector<1x16xf32>,
        %parallel_loop3A_841 = vector.shape_cast %parallel_loop3A_840 : vector<1x16xf32> to vector<16xf32>
        %parallel_loop3A_842 = arith.constant 2 : i32
        %parallel_loop3A_843 = arith.index_cast %parallel_loop3A_842 : i32 to index
        %parallel_loop3A_844 = arith.index_cast %parallel_loop3A_771 : i32 to index
        %parallel_loop3A_845 = tpu.vector_load %arg7[%parallel_loop3A_843, %parallel_loop3A_844] {strides = array<i32>} : memref<4x4096xf32, #tpu.memory_space<vmem>>, vector<1x16xf32>,
        %parallel_loop3A_846 = vector.shape_cast %parallel_loop3A_845 : vector<1x16xf32> to vector<16xf32>
        %parallel_loop3A_847 = arith.constant 3 : i32
        %parallel_loop3A_848 = arith.index_cast %parallel_loop3A_847 : i32 to index
        %parallel_loop3A_849 = arith.index_cast %parallel_loop3A_771 : i32 to index
        %parallel_loop3A_850 = tpu.vector_load %arg7[%parallel_loop3A_848, %parallel_loop3A_849] {strides = array<i32>} : memref<4x4096xf32, #tpu.memory_space<vmem>>, vector<1x16xf32>,
        %parallel_loop3A_851 = vector.shape_cast %parallel_loop3A_850 : vector<1x16xf32> to vector<16xf32>
        %parallel_loop3A_852 = arith.index_cast %parallel_loop3A_759 : i32 to index
        %parallel_loop3A_853 = tpu.vector_load %arg10[%parallel_loop3A_852] {strides = array<i32>} : memref<4096xf32, #tpu.memory_space<vmem>>, vector<16xf32>,
        %parallel_loop3A_854 = vector.shape_cast %parallel_loop3A_853 : vector<16xf32> to vector<16xf32>
        %parallel_loop3A_855 = arith.index_cast %parallel_loop3A_763 : i32 to index
        %parallel_loop3A_856 = tpu.vector_load %arg10[%parallel_loop3A_855] {strides = array<i32>} : memref<4096xf32, #tpu.memory_space<vmem>>, vector<16xf32>,
        %parallel_loop3A_857 = vector.shape_cast %parallel_loop3A_856 : vector<16xf32> to vector<16xf32>
        %parallel_loop3A_858 = arith.index_cast %parallel_loop3A_767 : i32 to index
        %parallel_loop3A_859 = tpu.vector_load %arg10[%parallel_loop3A_858] {strides = array<i32>} : memref<4096xf32, #tpu.memory_space<vmem>>, vector<16xf32>,
        %parallel_loop3A_860 = vector.shape_cast %parallel_loop3A_859 : vector<16xf32> to vector<16xf32>
        %parallel_loop3A_861 = arith.index_cast %parallel_loop3A_771 : i32 to index
        %parallel_loop3A_862 = tpu.vector_load %arg10[%parallel_loop3A_861] {strides = array<i32>} : memref<4096xf32, #tpu.memory_space<vmem>>, vector<16xf32>,
        %parallel_loop3A_863 = vector.shape_cast %parallel_loop3A_862 : vector<16xf32> to vector<16xf32>
        %parallel_loop3A_864 = vector.broadcast %squeeze3A_249 : f32 to vector<16xf32>
        %parallel_loop3A_865 = arith.mulf %parallel_loop3A_776, %parallel_loop3A_864 : vector<16xf32>
        %parallel_loop3A_866 = vector.broadcast %squeeze3A_251 : f32 to vector<16xf32>
        %parallel_loop3A_867 = arith.mulf %parallel_loop3A_781, %parallel_loop3A_866 : vector<16xf32>
        %parallel_loop3A_868 = vector.broadcast %squeeze3A_253 : f32 to vector<16xf32>
        %parallel_loop3A_869 = arith.mulf %parallel_loop3A_786, %parallel_loop3A_868 : vector<16xf32>
        %parallel_loop3A_870 = vector.broadcast %squeeze3A_257 : f32 to vector<16xf32>
        %parallel_loop3A_871 = arith.mulf %parallel_loop3A_776, %parallel_loop3A_870 : vector<16xf32>
        %parallel_loop3A_872 = vector.broadcast %squeeze3A_259 : f32 to vector<16xf32>
        %parallel_loop3A_873 = arith.mulf %parallel_loop3A_781, %parallel_loop3A_872 : vector<16xf32>
        %parallel_loop3A_874 = vector.broadcast %squeeze3A_261 : f32 to vector<16xf32>
        %parallel_loop3A_875 = arith.mulf %parallel_loop3A_786, %parallel_loop3A_874 : vector<16xf32>
        %parallel_loop3A_876 = vector.broadcast %squeeze3A_265 : f32 to vector<16xf32>
        %parallel_loop3A_877 = arith.mulf %parallel_loop3A_776, %parallel_loop3A_876 : vector<16xf32>
        %parallel_loop3A_878 = vector.broadcast %squeeze3A_267 : f32 to vector<16xf32>
        %parallel_loop3A_879 = arith.mulf %parallel_loop3A_781, %parallel_loop3A_878 : vector<16xf32>
        %parallel_loop3A_880 = vector.broadcast %squeeze3A_269 : f32 to vector<16xf32>
        %parallel_loop3A_881 = arith.mulf %parallel_loop3A_786, %parallel_loop3A_880 : vector<16xf32>
        %parallel_loop3A_882 = vector.broadcast %squeeze3A_273 : f32 to vector<16xf32>
        %parallel_loop3A_883 = arith.mulf %parallel_loop3A_776, %parallel_loop3A_882 : vector<16xf32>
        %parallel_loop3A_884 = vector.broadcast %squeeze3A_275 : f32 to vector<16xf32>
        %parallel_loop3A_885 = arith.mulf %parallel_loop3A_781, %parallel_loop3A_884 : vector<16xf32>
        %parallel_loop3A_886 = vector.broadcast %squeeze3A_277 : f32 to vector<16xf32>
        %parallel_loop3A_887 = arith.mulf %parallel_loop3A_786, %parallel_loop3A_886 : vector<16xf32>
        %parallel_loop3A_888 = vector.broadcast %squeeze3A_249 : f32 to vector<16xf32>
        %parallel_loop3A_889 = arith.mulf %parallel_loop3A_796, %parallel_loop3A_888 : vector<16xf32>
        %parallel_loop3A_890 = vector.broadcast %squeeze3A_251 : f32 to vector<16xf32>
        %parallel_loop3A_891 = arith.mulf %parallel_loop3A_801, %parallel_loop3A_890 : vector<16xf32>
        %parallel_loop3A_892 = vector.broadcast %squeeze3A_253 : f32 to vector<16xf32>
        %parallel_loop3A_893 = arith.mulf %parallel_loop3A_806, %parallel_loop3A_892 : vector<16xf32>
        %parallel_loop3A_894 = vector.broadcast %squeeze3A_257 : f32 to vector<16xf32>
        %parallel_loop3A_895 = arith.mulf %parallel_loop3A_796, %parallel_loop3A_894 : vector<16xf32>
        %parallel_loop3A_896 = vector.broadcast %squeeze3A_259 : f32 to vector<16xf32>
        %parallel_loop3A_897 = arith.mulf %parallel_loop3A_801, %parallel_loop3A_896 : vector<16xf32>
        %parallel_loop3A_898 = vector.broadcast %squeeze3A_261 : f32 to vector<16xf32>
        %parallel_loop3A_899 = arith.mulf %parallel_loop3A_806, %parallel_loop3A_898 : vector<16xf32>
        %parallel_loop3A_900 = vector.broadcast %squeeze3A_265 : f32 to vector<16xf32>
        %parallel_loop3A_901 = arith.mulf %parallel_loop3A_796, %parallel_loop3A_900 : vector<16xf32>
        %parallel_loop3A_902 = vector.broadcast %squeeze3A_267 : f32 to vector<16xf32>
        %parallel_loop3A_903 = arith.mulf %parallel_loop3A_801, %parallel_loop3A_902 : vector<16xf32>
        %parallel_loop3A_904 = vector.broadcast %squeeze3A_269 : f32 to vector<16xf32>
        %parallel_loop3A_905 = arith.mulf %parallel_loop3A_806, %parallel_loop3A_904 : vector<16xf32>
        %parallel_loop3A_906 = vector.broadcast %squeeze3A_273 : f32 to vector<16xf32>
        %parallel_loop3A_907 = arith.mulf %parallel_loop3A_796, %parallel_loop3A_906 : vector<16xf32>
        %parallel_loop3A_908 = vector.broadcast %squeeze3A_275 : f32 to vector<16xf32>
        %parallel_loop3A_909 = arith.mulf %parallel_loop3A_801, %parallel_loop3A_908 : vector<16xf32>
        %parallel_loop3A_910 = vector.broadcast %squeeze3A_277 : f32 to vector<16xf32>
        %parallel_loop3A_911 = arith.mulf %parallel_loop3A_806, %parallel_loop3A_910 : vector<16xf32>
        %parallel_loop3A_912 = vector.broadcast %squeeze3A_249 : f32 to vector<16xf32>
        %parallel_loop3A_913 = arith.mulf %parallel_loop3A_816, %parallel_loop3A_912 : vector<16xf32>
        %parallel_loop3A_914 = vector.broadcast %squeeze3A_251 : f32 to vector<16xf32>
        %parallel_loop3A_915 = arith.mulf %parallel_loop3A_821, %parallel_loop3A_914 : vector<16xf32>
        %parallel_loop3A_916 = vector.broadcast %squeeze3A_253 : f32 to vector<16xf32>
        %parallel_loop3A_917 = arith.mulf %parallel_loop3A_826, %parallel_loop3A_916 : vector<16xf32>
        %parallel_loop3A_918 = vector.broadcast %squeeze3A_257 : f32 to vector<16xf32>
        %parallel_loop3A_919 = arith.mulf %parallel_loop3A_816, %parallel_loop3A_918 : vector<16xf32>
        %parallel_loop3A_920 = vector.broadcast %squeeze3A_259 : f32 to vector<16xf32>
        %parallel_loop3A_921 = arith.mulf %parallel_loop3A_821, %parallel_loop3A_920 : vector<16xf32>
        %parallel_loop3A_922 = vector.broadcast %squeeze3A_261 : f32 to vector<16xf32>
        %parallel_loop3A_923 = arith.mulf %parallel_loop3A_826, %parallel_loop3A_922 : vector<16xf32>
        %parallel_loop3A_924 = vector.broadcast %squeeze3A_265 : f32 to vector<16xf32>
        %parallel_loop3A_925 = arith.mulf %parallel_loop3A_816, %parallel_loop3A_924 : vector<16xf32>
        %parallel_loop3A_926 = vector.broadcast %squeeze3A_267 : f32 to vector<16xf32>
        %parallel_loop3A_927 = arith.mulf %parallel_loop3A_821, %parallel_loop3A_926 : vector<16xf32>
        %parallel_loop3A_928 = vector.broadcast %squeeze3A_269 : f32 to vector<16xf32>
        %parallel_loop3A_929 = arith.mulf %parallel_loop3A_826, %parallel_loop3A_928 : vector<16xf32>
        %parallel_loop3A_930 = vector.broadcast %squeeze3A_273 : f32 to vector<16xf32>
        %parallel_loop3A_931 = arith.mulf %parallel_loop3A_816, %parallel_loop3A_930 : vector<16xf32>
        %parallel_loop3A_932 = vector.broadcast %squeeze3A_275 : f32 to vector<16xf32>
        %parallel_loop3A_933 = arith.mulf %parallel_loop3A_821, %parallel_loop3A_932 : vector<16xf32>
        %parallel_loop3A_934 = vector.broadcast %squeeze3A_277 : f32 to vector<16xf32>
        %parallel_loop3A_935 = arith.mulf %parallel_loop3A_826, %parallel_loop3A_934 : vector<16xf32>
        %parallel_loop3A_936 = vector.broadcast %squeeze3A_249 : f32 to vector<16xf32>
        %parallel_loop3A_937 = arith.mulf %parallel_loop3A_836, %parallel_loop3A_936 : vector<16xf32>
        %parallel_loop3A_938 = vector.broadcast %squeeze3A_251 : f32 to vector<16xf32>
        %parallel_loop3A_939 = arith.mulf %parallel_loop3A_841, %parallel_loop3A_938 : vector<16xf32>
        %parallel_loop3A_940 = vector.broadcast %squeeze3A_253 : f32 to vector<16xf32>
        %parallel_loop3A_941 = arith.mulf %parallel_loop3A_846, %parallel_loop3A_940 : vector<16xf32>
        %parallel_loop3A_942 = vector.broadcast %squeeze3A_257 : f32 to vector<16xf32>
        %parallel_loop3A_943 = arith.mulf %parallel_loop3A_836, %parallel_loop3A_942 : vector<16xf32>
        %parallel_loop3A_944 = vector.broadcast %squeeze3A_259 : f32 to vector<16xf32>
        %parallel_loop3A_945 = arith.mulf %parallel_loop3A_841, %parallel_loop3A_944 : vector<16xf32>
        %parallel_loop3A_946 = vector.broadcast %squeeze3A_261 : f32 to vector<16xf32>
        %parallel_loop3A_947 = arith.mulf %parallel_loop3A_846, %parallel_loop3A_946 : vector<16xf32>
        %parallel_loop3A_948 = vector.broadcast %squeeze3A_265 : f32 to vector<16xf32>
        %parallel_loop3A_949 = arith.mulf %parallel_loop3A_836, %parallel_loop3A_948 : vector<16xf32>
        %parallel_loop3A_950 = vector.broadcast %squeeze3A_267 : f32 to vector<16xf32>
        %parallel_loop3A_951 = arith.mulf %parallel_loop3A_841, %parallel_loop3A_950 : vector<16xf32>
        %parallel_loop3A_952 = vector.broadcast %squeeze3A_269 : f32 to vector<16xf32>
        %parallel_loop3A_953 = arith.mulf %parallel_loop3A_846, %parallel_loop3A_952 : vector<16xf32>
        %parallel_loop3A_954 = vector.broadcast %squeeze3A_273 : f32 to vector<16xf32>
        %parallel_loop3A_955 = arith.mulf %parallel_loop3A_836, %parallel_loop3A_954 : vector<16xf32>
        %parallel_loop3A_956 = vector.broadcast %squeeze3A_275 : f32 to vector<16xf32>
        %parallel_loop3A_957 = arith.mulf %parallel_loop3A_841, %parallel_loop3A_956 : vector<16xf32>
        %parallel_loop3A_958 = vector.broadcast %squeeze3A_277 : f32 to vector<16xf32>
        %parallel_loop3A_959 = arith.mulf %parallel_loop3A_846, %parallel_loop3A_958 : vector<16xf32>
        %parallel_loop3A_960 = arith.addf %parallel_loop3A_791, %parallel_loop3A_869 : vector<16xf32>
        %parallel_loop3A_961 = arith.addf %parallel_loop3A_865, %parallel_loop3A_867 : vector<16xf32>
        %parallel_loop3A_962 = arith.addf %parallel_loop3A_960, %parallel_loop3A_961 : vector<16xf32>
        %parallel_loop3A_963 = arith.addf %parallel_loop3A_791, %parallel_loop3A_875 : vector<16xf32>
        %parallel_loop3A_964 = arith.addf %parallel_loop3A_871, %parallel_loop3A_873 : vector<16xf32>
        %parallel_loop3A_965 = arith.addf %parallel_loop3A_963, %parallel_loop3A_964 : vector<16xf32>
        %parallel_loop3A_966 = arith.addf %parallel_loop3A_791, %parallel_loop3A_881 : vector<16xf32>
        %parallel_loop3A_967 = arith.addf %parallel_loop3A_877, %parallel_loop3A_879 : vector<16xf32>
        %parallel_loop3A_968 = arith.addf %parallel_loop3A_966, %parallel_loop3A_967 : vector<16xf32>
        %parallel_loop3A_969 = arith.addf %parallel_loop3A_791, %parallel_loop3A_887 : vector<16xf32>
        %parallel_loop3A_970 = arith.addf %parallel_loop3A_883, %parallel_loop3A_885 : vector<16xf32>
        %parallel_loop3A_971 = arith.addf %parallel_loop3A_969, %parallel_loop3A_970 : vector<16xf32>
        %parallel_loop3A_972 = arith.addf %parallel_loop3A_811, %parallel_loop3A_893 : vector<16xf32>
        %parallel_loop3A_973 = arith.addf %parallel_loop3A_889, %parallel_loop3A_891 : vector<16xf32>
        %parallel_loop3A_974 = arith.addf %parallel_loop3A_972, %parallel_loop3A_973 : vector<16xf32>
        %parallel_loop3A_975 = arith.addf %parallel_loop3A_811, %parallel_loop3A_899 : vector<16xf32>
        %parallel_loop3A_976 = arith.addf %parallel_loop3A_895, %parallel_loop3A_897 : vector<16xf32>
        %parallel_loop3A_977 = arith.addf %parallel_loop3A_975, %parallel_loop3A_976 : vector<16xf32>
        %parallel_loop3A_978 = arith.addf %parallel_loop3A_811, %parallel_loop3A_905 : vector<16xf32>
        %parallel_loop3A_979 = arith.addf %parallel_loop3A_901, %parallel_loop3A_903 : vector<16xf32>
        %parallel_loop3A_980 = arith.addf %parallel_loop3A_978, %parallel_loop3A_979 : vector<16xf32>
        %parallel_loop3A_981 = arith.addf %parallel_loop3A_811, %parallel_loop3A_911 : vector<16xf32>
        %parallel_loop3A_982 = arith.addf %parallel_loop3A_907, %parallel_loop3A_909 : vector<16xf32>
        %parallel_loop3A_983 = arith.addf %parallel_loop3A_981, %parallel_loop3A_982 : vector<16xf32>
        %parallel_loop3A_984 = arith.addf %parallel_loop3A_831, %parallel_loop3A_917 : vector<16xf32>
        %parallel_loop3A_985 = arith.addf %parallel_loop3A_913, %parallel_loop3A_915 : vector<16xf32>
        %parallel_loop3A_986 = arith.addf %parallel_loop3A_984, %parallel_loop3A_985 : vector<16xf32>
        %parallel_loop3A_987 = arith.addf %parallel_loop3A_831, %parallel_loop3A_923 : vector<16xf32>
        %parallel_loop3A_988 = arith.addf %parallel_loop3A_919, %parallel_loop3A_921 : vector<16xf32>
        %parallel_loop3A_989 = arith.addf %parallel_loop3A_987, %parallel_loop3A_988 : vector<16xf32>
        %parallel_loop3A_990 = arith.addf %parallel_loop3A_831, %parallel_loop3A_929 : vector<16xf32>
        %parallel_loop3A_991 = arith.addf %parallel_loop3A_925, %parallel_loop3A_927 : vector<16xf32>
        %parallel_loop3A_992 = arith.addf %parallel_loop3A_990, %parallel_loop3A_991 : vector<16xf32>
        %parallel_loop3A_993 = arith.addf %parallel_loop3A_831, %parallel_loop3A_935 : vector<16xf32>
        %parallel_loop3A_994 = arith.addf %parallel_loop3A_931, %parallel_loop3A_933 : vector<16xf32>
        %parallel_loop3A_995 = arith.addf %parallel_loop3A_993, %parallel_loop3A_994 : vector<16xf32>
        %parallel_loop3A_996 = arith.addf %parallel_loop3A_851, %parallel_loop3A_941 : vector<16xf32>
        %parallel_loop3A_997 = arith.addf %parallel_loop3A_937, %parallel_loop3A_939 : vector<16xf32>
        %parallel_loop3A_998 = arith.addf %parallel_loop3A_996, %parallel_loop3A_997 : vector<16xf32>
        %parallel_loop3A_999 = arith.addf %parallel_loop3A_851, %parallel_loop3A_947 : vector<16xf32>
        %parallel_loop3A_1000 = arith.addf %parallel_loop3A_943, %parallel_loop3A_945 : vector<16xf32>
        %parallel_loop3A_1001 = arith.addf %parallel_loop3A_999, %parallel_loop3A_1000 : vector<16xf32>
        %parallel_loop3A_1002 = arith.addf %parallel_loop3A_851, %parallel_loop3A_953 : vector<16xf32>
        %parallel_loop3A_1003 = arith.addf %parallel_loop3A_949, %parallel_loop3A_951 : vector<16xf32>
        %parallel_loop3A_1004 = arith.addf %parallel_loop3A_1002, %parallel_loop3A_1003 : vector<16xf32>
        %parallel_loop3A_1005 = arith.addf %parallel_loop3A_851, %parallel_loop3A_959 : vector<16xf32>
        %parallel_loop3A_1006 = arith.addf %parallel_loop3A_955, %parallel_loop3A_957 : vector<16xf32>
        %parallel_loop3A_1007 = arith.addf %parallel_loop3A_1005, %parallel_loop3A_1006 : vector<16xf32>
        %parallel_loop3A_1008 = arith.minimumf %parallel_loop3A_752, %parallel_loop3A_962 : vector<16xf32>
        %parallel_loop3A_1009 = arith.minimumf %parallel_loop3A_1008, %parallel_loop3A_974 : vector<16xf32>
        %parallel_loop3A_1010 = arith.minimumf %parallel_loop3A_1009, %parallel_loop3A_986 : vector<16xf32>
        %parallel_loop3A_1011 = arith.minimumf %parallel_loop3A_1010, %parallel_loop3A_998 : vector<16xf32>
        %parallel_loop3A_1012 = arith.minimumf %parallel_loop3A_753, %parallel_loop3A_965 : vector<16xf32>
        %parallel_loop3A_1013 = arith.minimumf %parallel_loop3A_1012, %parallel_loop3A_977 : vector<16xf32>
        %parallel_loop3A_1014 = arith.minimumf %parallel_loop3A_1013, %parallel_loop3A_989 : vector<16xf32>
        %parallel_loop3A_1015 = arith.minimumf %parallel_loop3A_1014, %parallel_loop3A_1001 : vector<16xf32>
        %parallel_loop3A_1016 = arith.minimumf %parallel_loop3A_754, %parallel_loop3A_968 : vector<16xf32>
        %parallel_loop3A_1017 = arith.minimumf %parallel_loop3A_1016, %parallel_loop3A_980 : vector<16xf32>
        %parallel_loop3A_1018 = arith.minimumf %parallel_loop3A_1017, %parallel_loop3A_992 : vector<16xf32>
        %parallel_loop3A_1019 = arith.minimumf %parallel_loop3A_1018, %parallel_loop3A_1004 : vector<16xf32>
        %parallel_loop3A_1020 = arith.minimumf %parallel_loop3A_755, %parallel_loop3A_971 : vector<16xf32>
        %parallel_loop3A_1021 = arith.minimumf %parallel_loop3A_1020, %parallel_loop3A_983 : vector<16xf32>
        %parallel_loop3A_1022 = arith.minimumf %parallel_loop3A_1021, %parallel_loop3A_995 : vector<16xf32>
        %parallel_loop3A_1023 = arith.minimumf %parallel_loop3A_1022, %parallel_loop3A_1007 : vector<16xf32>
        %parallel_loop3A_1024 = vector.broadcast %squeeze3A_255 : f32 to vector<16xf32>
        %parallel_loop3A_1025 = arith.addf %parallel_loop3A_962, %parallel_loop3A_1024 : vector<16xf32>
        %parallel_loop3A_1026 = vector.broadcast %squeeze3A_263 : f32 to vector<16xf32>
        %parallel_loop3A_1027 = arith.addf %parallel_loop3A_965, %parallel_loop3A_1026 : vector<16xf32>
        %parallel_loop3A_1028 = vector.broadcast %squeeze3A_271 : f32 to vector<16xf32>
        %parallel_loop3A_1029 = arith.addf %parallel_loop3A_968, %parallel_loop3A_1028 : vector<16xf32>
        %parallel_loop3A_1030 = vector.broadcast %squeeze3A_279 : f32 to vector<16xf32>
        %parallel_loop3A_1031 = arith.addf %parallel_loop3A_971, %parallel_loop3A_1030 : vector<16xf32>
        %parallel_loop3A_1032 = arith.minimumf %parallel_loop3A_1025, %parallel_loop3A_1027 : vector<16xf32>
        %parallel_loop3A_1033 = arith.minimumf %parallel_loop3A_1029, %parallel_loop3A_1031 : vector<16xf32>
        %parallel_loop3A_1034 = arith.minimumf %parallel_loop3A_1032, %parallel_loop3A_1033 : vector<16xf32>
        %parallel_loop3A_1035 = arith.minimumf %parallel_loop3A_854, %parallel_loop3A_1034 : vector<16xf32>
        %parallel_loop3A_1036 = arith.index_cast %parallel_loop3A_759 : i32 to index
        %parallel_loop3A_1037 = tpu.vector_load %arg10[%parallel_loop3A_1036] {strides = array<i32>} : memref<4096xf32, #tpu.memory_space<vmem>>, vector<16xf32>,
        %parallel_loop3A_1038 = vector.shape_cast %parallel_loop3A_1037 : vector<16xf32> to vector<16xf32>
        %parallel_loop3A_1039 = vector.shape_cast %parallel_loop3A_1035 : vector<16xf32> to vector<16xf32>
        tpu.vector_store %arg10[%parallel_loop3A_1036], %parallel_loop3A_1039 {strides = array<i32>} : memref<4096xf32, #tpu.memory_space<vmem>>, vector<16xf32>,
        %parallel_loop3A_1040 = vector.broadcast %squeeze3A_255 : f32 to vector<16xf32>
        %parallel_loop3A_1041 = arith.addf %parallel_loop3A_974, %parallel_loop3A_1040 : vector<16xf32>
        %parallel_loop3A_1042 = vector.broadcast %squeeze3A_263 : f32 to vector<16xf32>
        %parallel_loop3A_1043 = arith.addf %parallel_loop3A_977, %parallel_loop3A_1042 : vector<16xf32>
        %parallel_loop3A_1044 = vector.broadcast %squeeze3A_271 : f32 to vector<16xf32>
        %parallel_loop3A_1045 = arith.addf %parallel_loop3A_980, %parallel_loop3A_1044 : vector<16xf32>
        %parallel_loop3A_1046 = vector.broadcast %squeeze3A_279 : f32 to vector<16xf32>
        %parallel_loop3A_1047 = arith.addf %parallel_loop3A_983, %parallel_loop3A_1046 : vector<16xf32>
        %parallel_loop3A_1048 = arith.minimumf %parallel_loop3A_1041, %parallel_loop3A_1043 : vector<16xf32>
        %parallel_loop3A_1049 = arith.minimumf %parallel_loop3A_1045, %parallel_loop3A_1047 : vector<16xf32>
        %parallel_loop3A_1050 = arith.minimumf %parallel_loop3A_1048, %parallel_loop3A_1049 : vector<16xf32>
        %parallel_loop3A_1051 = arith.minimumf %parallel_loop3A_857, %parallel_loop3A_1050 : vector<16xf32>
        %parallel_loop3A_1052 = arith.index_cast %parallel_loop3A_763 : i32 to index
        %parallel_loop3A_1053 = tpu.vector_load %arg10[%parallel_loop3A_1052] {strides = array<i32>} : memref<4096xf32, #tpu.memory_space<vmem>>, vector<16xf32>,
        %parallel_loop3A_1054 = vector.shape_cast %parallel_loop3A_1053 : vector<16xf32> to vector<16xf32>
        %parallel_loop3A_1055 = vector.shape_cast %parallel_loop3A_1051 : vector<16xf32> to vector<16xf32>
        tpu.vector_store %arg10[%parallel_loop3A_1052], %parallel_loop3A_1055 {strides = array<i32>} : memref<4096xf32, #tpu.memory_space<vmem>>, vector<16xf32>,
        %parallel_loop3A_1056 = vector.broadcast %squeeze3A_255 : f32 to vector<16xf32>
        %parallel_loop3A_1057 = arith.addf %parallel_loop3A_986, %parallel_loop3A_1056 : vector<16xf32>
        %parallel_loop3A_1058 = vector.broadcast %squeeze3A_263 : f32 to vector<16xf32>
        %parallel_loop3A_1059 = arith.addf %parallel_loop3A_989, %parallel_loop3A_1058 : vector<16xf32>
        %parallel_loop3A_1060 = vector.broadcast %squeeze3A_271 : f32 to vector<16xf32>
        %parallel_loop3A_1061 = arith.addf %parallel_loop3A_992, %parallel_loop3A_1060 : vector<16xf32>
        %parallel_loop3A_1062 = vector.broadcast %squeeze3A_279 : f32 to vector<16xf32>
        %parallel_loop3A_1063 = arith.addf %parallel_loop3A_995, %parallel_loop3A_1062 : vector<16xf32>
        %parallel_loop3A_1064 = arith.minimumf %parallel_loop3A_1057, %parallel_loop3A_1059 : vector<16xf32>
        %parallel_loop3A_1065 = arith.minimumf %parallel_loop3A_1061, %parallel_loop3A_1063 : vector<16xf32>
        %parallel_loop3A_1066 = arith.minimumf %parallel_loop3A_1064, %parallel_loop3A_1065 : vector<16xf32>
        %parallel_loop3A_1067 = arith.minimumf %parallel_loop3A_860, %parallel_loop3A_1066 : vector<16xf32>
        %parallel_loop3A_1068 = arith.index_cast %parallel_loop3A_767 : i32 to index
        %parallel_loop3A_1069 = tpu.vector_load %arg10[%parallel_loop3A_1068] {strides = array<i32>} : memref<4096xf32, #tpu.memory_space<vmem>>, vector<16xf32>,
        %parallel_loop3A_1070 = vector.shape_cast %parallel_loop3A_1069 : vector<16xf32> to vector<16xf32>
        %parallel_loop3A_1071 = vector.shape_cast %parallel_loop3A_1067 : vector<16xf32> to vector<16xf32>
        tpu.vector_store %arg10[%parallel_loop3A_1068], %parallel_loop3A_1071 {strides = array<i32>} : memref<4096xf32, #tpu.memory_space<vmem>>, vector<16xf32>,
        %parallel_loop3A_1072 = vector.broadcast %squeeze3A_255 : f32 to vector<16xf32>
        %parallel_loop3A_1073 = arith.addf %parallel_loop3A_998, %parallel_loop3A_1072 : vector<16xf32>
        %parallel_loop3A_1074 = vector.broadcast %squeeze3A_263 : f32 to vector<16xf32>
        %parallel_loop3A_1075 = arith.addf %parallel_loop3A_1001, %parallel_loop3A_1074 : vector<16xf32>
        %parallel_loop3A_1076 = vector.broadcast %squeeze3A_271 : f32 to vector<16xf32>
        %parallel_loop3A_1077 = arith.addf %parallel_loop3A_1004, %parallel_loop3A_1076 : vector<16xf32>
        %parallel_loop3A_1078 = vector.broadcast %squeeze3A_279 : f32 to vector<16xf32>
        %parallel_loop3A_1079 = arith.addf %parallel_loop3A_1007, %parallel_loop3A_1078 : vector<16xf32>
        %parallel_loop3A_1080 = arith.minimumf %parallel_loop3A_1073, %parallel_loop3A_1075 : vector<16xf32>
        %parallel_loop3A_1081 = arith.minimumf %parallel_loop3A_1077, %parallel_loop3A_1079 : vector<16xf32>
        %parallel_loop3A_1082 = arith.minimumf %parallel_loop3A_1080, %parallel_loop3A_1081 : vector<16xf32>
        %parallel_loop3A_1083 = arith.minimumf %parallel_loop3A_863, %parallel_loop3A_1082 : vector<16xf32>
        %parallel_loop3A_1084 = arith.index_cast %parallel_loop3A_771 : i32 to index
        %parallel_loop3A_1085 = tpu.vector_load %arg10[%parallel_loop3A_1084] {strides = array<i32>} : memref<4096xf32, #tpu.memory_space<vmem>>, vector<16xf32>,
        %parallel_loop3A_1086 = vector.shape_cast %parallel_loop3A_1085 : vector<16xf32> to vector<16xf32>
        %parallel_loop3A_1087 = vector.shape_cast %parallel_loop3A_1083 : vector<16xf32> to vector<16xf32>
        tpu.vector_store %arg10[%parallel_loop3A_1084], %parallel_loop3A_1087 {strides = array<i32>} : memref<4096xf32, #tpu.memory_space<vmem>>, vector<16xf32>,
        scf.yield %parallel_loop3A_1011, %parallel_loop3A_1015, %parallel_loop3A_1019, %parallel_loop3A_1023 : vector<16xf32>, vector<16xf32>, vector<16xf32>, vector<16xf32>
      } {sc.loop_unroll_factor = 1 : i64, sc.parallel_access}
      %xor3A_286 = arith.constant 8 : i32
      %xor3A_287 = vector.broadcast %xor3A_286 : i32 to vector<16xi32>
      %xor3A_288 = arith.xori %iota3A, %xor3A_287 : vector<16xi32>
      %broadcast_in_dim3A_289 = vector.shape_cast %xor3A_288 : vector<16xi32> to vector<16x1xi32>
      %gather3A_290 = vector.shape_cast %broadcast_in_dim3A_289 : vector<16x1xi32> to vector<16xi32>
      %gather3A_291 = tpu.dynamic_gather %parallel_loop3A_285#0[%gather3A_290] in [0] : vector<16xf32>, vector<16xi32> -> vector<16xf32>
      %min3A_292 = arith.minimumf %parallel_loop3A_285#0, %gather3A_291 : vector<16xf32>
      %xor3A_293 = arith.constant 4 : i32
      %xor3A_294 = vector.broadcast %xor3A_293 : i32 to vector<16xi32>
      %xor3A_295 = arith.xori %iota3A, %xor3A_294 : vector<16xi32>
      %broadcast_in_dim3A_296 = vector.shape_cast %xor3A_295 : vector<16xi32> to vector<16x1xi32>
      %gather3A_297 = vector.shape_cast %broadcast_in_dim3A_296 : vector<16x1xi32> to vector<16xi32>
      %gather3A_298 = tpu.dynamic_gather %min3A_292[%gather3A_297] in [0] : vector<16xf32>, vector<16xi32> -> vector<16xf32>
      %min3A_299 = arith.minimumf %min3A_292, %gather3A_298 : vector<16xf32>
      %xor3A_300 = arith.constant 2 : i32
      %xor3A_301 = vector.broadcast %xor3A_300 : i32 to vector<16xi32>
      %xor3A_302 = arith.xori %iota3A, %xor3A_301 : vector<16xi32>
      %broadcast_in_dim3A_303 = vector.shape_cast %xor3A_302 : vector<16xi32> to vector<16x1xi32>
      %gather3A_304 = vector.shape_cast %broadcast_in_dim3A_303 : vector<16x1xi32> to vector<16xi32>
      %gather3A_305 = tpu.dynamic_gather %min3A_299[%gather3A_304] in [0] : vector<16xf32>, vector<16xi32> -> vector<16xf32>
      %min3A_306 = arith.minimumf %min3A_299, %gather3A_305 : vector<16xf32>
      %xor3A_307 = arith.constant 1 : i32
      %xor3A_308 = vector.broadcast %xor3A_307 : i32 to vector<16xi32>
      %xor3A_309 = arith.xori %iota3A, %xor3A_308 : vector<16xi32>
      %broadcast_in_dim3A_310 = vector.shape_cast %xor3A_309 : vector<16xi32> to vector<16x1xi32>
      %gather3A_311 = vector.shape_cast %broadcast_in_dim3A_310 : vector<16x1xi32> to vector<16xi32>
      %gather3A_312 = tpu.dynamic_gather %min3A_306[%gather3A_311] in [0] : vector<16xf32>, vector<16xi32> -> vector<16xf32>
      %min3A_313 = arith.minimumf %min3A_306, %gather3A_312 : vector<16xf32>
      %eq3A_314 = arith.constant 4 : i32
      %eq3A_315 = vector.broadcast %eq3A_314 : i32 to vector<16xi32>
      %eq3A_316 = arith.cmpi eq, %iota3A, %eq3A_315 : vector<16xi32>
      %select_n3A_317 = arith.select %eq3A_316, %min3A_313, %select_n3A_247 : vector<16xi1>, vector<16xf32>
      %xor3A_318 = arith.constant 8 : i32
      %xor3A_319 = vector.broadcast %xor3A_318 : i32 to vector<16xi32>
      %xor3A_320 = arith.xori %iota3A, %xor3A_319 : vector<16xi32>
      %broadcast_in_dim3A_321 = vector.shape_cast %xor3A_320 : vector<16xi32> to vector<16x1xi32>
      %gather3A_322 = vector.shape_cast %broadcast_in_dim3A_321 : vector<16x1xi32> to vector<16xi32>
      %gather3A_323 = tpu.dynamic_gather %parallel_loop3A_285#1[%gather3A_322] in [0] : vector<16xf32>, vector<16xi32> -> vector<16xf32>
      %min3A_324 = arith.minimumf %parallel_loop3A_285#1, %gather3A_323 : vector<16xf32>
      %xor3A_325 = arith.constant 4 : i32
      %xor3A_326 = vector.broadcast %xor3A_325 : i32 to vector<16xi32>
      %xor3A_327 = arith.xori %iota3A, %xor3A_326 : vector<16xi32>
      %broadcast_in_dim3A_328 = vector.shape_cast %xor3A_327 : vector<16xi32> to vector<16x1xi32>
      %gather3A_329 = vector.shape_cast %broadcast_in_dim3A_328 : vector<16x1xi32> to vector<16xi32>
      %gather3A_330 = tpu.dynamic_gather %min3A_324[%gather3A_329] in [0] : vector<16xf32>, vector<16xi32> -> vector<16xf32>
      %min3A_331 = arith.minimumf %min3A_324, %gather3A_330 : vector<16xf32>
      %xor3A_332 = arith.constant 2 : i32
      %xor3A_333 = vector.broadcast %xor3A_332 : i32 to vector<16xi32>
      %xor3A_334 = arith.xori %iota3A, %xor3A_333 : vector<16xi32>
      %broadcast_in_dim3A_335 = vector.shape_cast %xor3A_334 : vector<16xi32> to vector<16x1xi32>
      %gather3A_336 = vector.shape_cast %broadcast_in_dim3A_335 : vector<16x1xi32> to vector<16xi32>
      %gather3A_337 = tpu.dynamic_gather %min3A_331[%gather3A_336] in [0] : vector<16xf32>, vector<16xi32> -> vector<16xf32>
      %min3A_338 = arith.minimumf %min3A_331, %gather3A_337 : vector<16xf32>
      %xor3A_339 = arith.constant 1 : i32
      %xor3A_340 = vector.broadcast %xor3A_339 : i32 to vector<16xi32>
      %xor3A_341 = arith.xori %iota3A, %xor3A_340 : vector<16xi32>
      %broadcast_in_dim3A_342 = vector.shape_cast %xor3A_341 : vector<16xi32> to vector<16x1xi32>
      %gather3A_343 = vector.shape_cast %broadcast_in_dim3A_342 : vector<16x1xi32> to vector<16xi32>
      %gather3A_344 = tpu.dynamic_gather %min3A_338[%gather3A_343] in [0] : vector<16xf32>, vector<16xi32> -> vector<16xf32>
      %min3A_345 = arith.minimumf %min3A_338, %gather3A_344 : vector<16xf32>
      %eq3A_346 = arith.constant 5 : i32
      %eq3A_347 = vector.broadcast %eq3A_346 : i32 to vector<16xi32>
      %eq3A_348 = arith.cmpi eq, %iota3A, %eq3A_347 : vector<16xi32>
      %select_n3A_349 = arith.select %eq3A_348, %min3A_345, %select_n3A_317 : vector<16xi1>, vector<16xf32>
      %xor3A_350 = arith.constant 8 : i32
      %xor3A_351 = vector.broadcast %xor3A_350 : i32 to vector<16xi32>
      %xor3A_352 = arith.xori %iota3A, %xor3A_351 : vector<16xi32>
      %broadcast_in_dim3A_353 = vector.shape_cast %xor3A_352 : vector<16xi32> to vector<16x1xi32>
      %gather3A_354 = vector.shape_cast %broadcast_in_dim3A_353 : vector<16x1xi32> to vector<16xi32>
      %gather3A_355 = tpu.dynamic_gather %parallel_loop3A_285#2[%gather3A_354] in [0] : vector<16xf32>, vector<16xi32> -> vector<16xf32>
      %min3A_356 = arith.minimumf %parallel_loop3A_285#2, %gather3A_355 : vector<16xf32>
      %xor3A_357 = arith.constant 4 : i32
      %xor3A_358 = vector.broadcast %xor3A_357 : i32 to vector<16xi32>
      %xor3A_359 = arith.xori %iota3A, %xor3A_358 : vector<16xi32>
      %broadcast_in_dim3A_360 = vector.shape_cast %xor3A_359 : vector<16xi32> to vector<16x1xi32>
      %gather3A_361 = vector.shape_cast %broadcast_in_dim3A_360 : vector<16x1xi32> to vector<16xi32>
      %gather3A_362 = tpu.dynamic_gather %min3A_356[%gather3A_361] in [0] : vector<16xf32>, vector<16xi32> -> vector<16xf32>
      %min3A_363 = arith.minimumf %min3A_356, %gather3A_362 : vector<16xf32>
      %xor3A_364 = arith.constant 2 : i32
      %xor3A_365 = vector.broadcast %xor3A_364 : i32 to vector<16xi32>
      %xor3A_366 = arith.xori %iota3A, %xor3A_365 : vector<16xi32>
      %broadcast_in_dim3A_367 = vector.shape_cast %xor3A_366 : vector<16xi32> to vector<16x1xi32>
      %gather3A_368 = vector.shape_cast %broadcast_in_dim3A_367 : vector<16x1xi32> to vector<16xi32>
      %gather3A_369 = tpu.dynamic_gather %min3A_363[%gather3A_368] in [0] : vector<16xf32>, vector<16xi32> -> vector<16xf32>
      %min3A_370 = arith.minimumf %min3A_363, %gather3A_369 : vector<16xf32>
      %xor3A_371 = arith.constant 1 : i32
      %xor3A_372 = vector.broadcast %xor3A_371 : i32 to vector<16xi32>
      %xor3A_373 = arith.xori %iota3A, %xor3A_372 : vector<16xi32>
      %broadcast_in_dim3A_374 = vector.shape_cast %xor3A_373 : vector<16xi32> to vector<16x1xi32>
      %gather3A_375 = vector.shape_cast %broadcast_in_dim3A_374 : vector<16x1xi32> to vector<16xi32>
      %gather3A_376 = tpu.dynamic_gather %min3A_370[%gather3A_375] in [0] : vector<16xf32>, vector<16xi32> -> vector<16xf32>
      %min3A_377 = arith.minimumf %min3A_370, %gather3A_376 : vector<16xf32>
      %eq3A_378 = arith.constant 6 : i32
      %eq3A_379 = vector.broadcast %eq3A_378 : i32 to vector<16xi32>
      %eq3A_380 = arith.cmpi eq, %iota3A, %eq3A_379 : vector<16xi32>
      %select_n3A_381 = arith.select %eq3A_380, %min3A_377, %select_n3A_349 : vector<16xi1>, vector<16xf32>
      %xor3A_382 = arith.constant 8 : i32
      %xor3A_383 = vector.broadcast %xor3A_382 : i32 to vector<16xi32>
      %xor3A_384 = arith.xori %iota3A, %xor3A_383 : vector<16xi32>
      %broadcast_in_dim3A_385 = vector.shape_cast %xor3A_384 : vector<16xi32> to vector<16x1xi32>
      %gather3A_386 = vector.shape_cast %broadcast_in_dim3A_385 : vector<16x1xi32> to vector<16xi32>
      %gather3A_387 = tpu.dynamic_gather %parallel_loop3A_285#3[%gather3A_386] in [0] : vector<16xf32>, vector<16xi32> -> vector<16xf32>
      %min3A_388 = arith.minimumf %parallel_loop3A_285#3, %gather3A_387 : vector<16xf32>
      %xor3A_389 = arith.constant 4 : i32
      %xor3A_390 = vector.broadcast %xor3A_389 : i32 to vector<16xi32>
      %xor3A_391 = arith.xori %iota3A, %xor3A_390 : vector<16xi32>
      %broadcast_in_dim3A_392 = vector.shape_cast %xor3A_391 : vector<16xi32> to vector<16x1xi32>
      %gather3A_393 = vector.shape_cast %broadcast_in_dim3A_392 : vector<16x1xi32> to vector<16xi32>
      %gather3A_394 = tpu.dynamic_gather %min3A_388[%gather3A_393] in [0] : vector<16xf32>, vector<16xi32> -> vector<16xf32>
      %min3A_395 = arith.minimumf %min3A_388, %gather3A_394 : vector<16xf32>
      %xor3A_396 = arith.constant 2 : i32
      %xor3A_397 = vector.broadcast %xor3A_396 : i32 to vector<16xi32>
      %xor3A_398 = arith.xori %iota3A, %xor3A_397 : vector<16xi32>
      %broadcast_in_dim3A_399 = vector.shape_cast %xor3A_398 : vector<16xi32> to vector<16x1xi32>
      %gather3A_400 = vector.shape_cast %broadcast_in_dim3A_399 : vector<16x1xi32> to vector<16xi32>
      %gather3A_401 = tpu.dynamic_gather %min3A_395[%gather3A_400] in [0] : vector<16xf32>, vector<16xi32> -> vector<16xf32>
      %min3A_402 = arith.minimumf %min3A_395, %gather3A_401 : vector<16xf32>
      %xor3A_403 = arith.constant 1 : i32
      %xor3A_404 = vector.broadcast %xor3A_403 : i32 to vector<16xi32>
      %xor3A_405 = arith.xori %iota3A, %xor3A_404 : vector<16xi32>
      %broadcast_in_dim3A_406 = vector.shape_cast %xor3A_405 : vector<16xi32> to vector<16x1xi32>
      %gather3A_407 = vector.shape_cast %broadcast_in_dim3A_406 : vector<16x1xi32> to vector<16xi32>
      %gather3A_408 = tpu.dynamic_gather %min3A_402[%gather3A_407] in [0] : vector<16xf32>, vector<16xi32> -> vector<16xf32>
      %min3A_409 = arith.minimumf %min3A_402, %gather3A_408 : vector<16xf32>
      %eq3A_410 = arith.constant 7 : i32
      %eq3A_411 = vector.broadcast %eq3A_410 : i32 to vector<16xi32>
      %eq3A_412 = arith.cmpi eq, %iota3A, %eq3A_411 : vector<16xi32>
      %select_n3A_413 = arith.select %eq3A_412, %min3A_409, %select_n3A_381 : vector<16xi1>, vector<16xf32>
      %slice3A_414 = vector.extract_strided_slice %get3A_73 {offsets = [8], sizes = [1], strides = [1]} : vector<16xf32> to vector<1xf32>
      %squeeze3A_415 = vector.extract %slice3A_414[0] : f32 from vector<1xf32>
      %slice3A_416 = vector.extract_strided_slice %get3A_78 {offsets = [8], sizes = [1], strides = [1]} : vector<16xf32> to vector<1xf32>
      %squeeze3A_417 = vector.extract %slice3A_416[0] : f32 from vector<1xf32>
      %slice3A_418 = vector.extract_strided_slice %get3A_83 {offsets = [8], sizes = [1], strides = [1]} : vector<16xf32> to vector<1xf32>
      %squeeze3A_419 = vector.extract %slice3A_418[0] : f32 from vector<1xf32>
      %slice3A_420 = vector.extract_strided_slice %get3A_88 {offsets = [8], sizes = [1], strides = [1]} : vector<16xf32> to vector<1xf32>
      %squeeze3A_421 = vector.extract %slice3A_420[0] : f32 from vector<1xf32>
      %slice3A_422 = vector.extract_strided_slice %get3A_73 {offsets = [9], sizes = [1], strides = [1]} : vector<16xf32> to vector<1xf32>
      %squeeze3A_423 = vector.extract %slice3A_422[0] : f32 from vector<1xf32>
      %slice3A_424 = vector.extract_strided_slice %get3A_78 {offsets = [9], sizes = [1], strides = [1]} : vector<16xf32> to vector<1xf32>
      %squeeze3A_425 = vector.extract %slice3A_424[0] : f32 from vector<1xf32>
      %slice3A_426 = vector.extract_strided_slice %get3A_83 {offsets = [9], sizes = [1], strides = [1]} : vector<16xf32> to vector<1xf32>
      %squeeze3A_427 = vector.extract %slice3A_426[0] : f32 from vector<1xf32>
      %slice3A_428 = vector.extract_strided_slice %get3A_88 {offsets = [9], sizes = [1], strides = [1]} : vector<16xf32> to vector<1xf32>
      %squeeze3A_429 = vector.extract %slice3A_428[0] : f32 from vector<1xf32>
      %slice3A_430 = vector.extract_strided_slice %get3A_73 {offsets = [10], sizes = [1], strides = [1]} : vector<16xf32> to vector<1xf32>
      %squeeze3A_431 = vector.extract %slice3A_430[0] : f32 from vector<1xf32>
      %slice3A_432 = vector.extract_strided_slice %get3A_78 {offsets = [10], sizes = [1], strides = [1]} : vector<16xf32> to vector<1xf32>
      %squeeze3A_433 = vector.extract %slice3A_432[0] : f32 from vector<1xf32>
      %slice3A_434 = vector.extract_strided_slice %get3A_83 {offsets = [10], sizes = [1], strides = [1]} : vector<16xf32> to vector<1xf32>
      %squeeze3A_435 = vector.extract %slice3A_434[0] : f32 from vector<1xf32>
      %slice3A_436 = vector.extract_strided_slice %get3A_88 {offsets = [10], sizes = [1], strides = [1]} : vector<16xf32> to vector<1xf32>
      %squeeze3A_437 = vector.extract %slice3A_436[0] : f32 from vector<1xf32>
      %slice3A_438 = vector.extract_strided_slice %get3A_73 {offsets = [11], sizes = [1], strides = [1]} : vector<16xf32> to vector<1xf32>
      %squeeze3A_439 = vector.extract %slice3A_438[0] : f32 from vector<1xf32>
      %slice3A_440 = vector.extract_strided_slice %get3A_78 {offsets = [11], sizes = [1], strides = [1]} : vector<16xf32> to vector<1xf32>
      %squeeze3A_441 = vector.extract %slice3A_440[0] : f32 from vector<1xf32>
      %slice3A_442 = vector.extract_strided_slice %get3A_83 {offsets = [11], sizes = [1], strides = [1]} : vector<16xf32> to vector<1xf32>
      %squeeze3A_443 = vector.extract %slice3A_442[0] : f32 from vector<1xf32>
      %slice3A_444 = vector.extract_strided_slice %get3A_88 {offsets = [11], sizes = [1], strides = [1]} : vector<16xf32> to vector<1xf32>
      %squeeze3A_445 = vector.extract %slice3A_444[0] : f32 from vector<1xf32>
      %broadcast_in_dim3A_446 = arith.constant 0x7F800000 : f32
      %broadcast_in_dim3A_447 = vector.broadcast %broadcast_in_dim3A_446 : f32 to vector<16xf32>
      %parallel_loop3A_448 = arith.constant 0 : i32
      %parallel_loop3A_449 = arith.constant 256 : i32
      %parallel_loop3A_450 = arith.constant 4 : i32
      %parallel_loop3A_451:4 = scf.for %parallel_loop3A_751 = %parallel_loop3A_448 to %parallel_loop3A_449 step %parallel_loop3A_450 iter_args(%parallel_loop3A_752 = %broadcast_in_dim3A_447, %parallel_loop3A_753 = %broadcast_in_dim3A_447, %parallel_loop3A_754 = %broadcast_in_dim3A_447, %parallel_loop3A_755 = %broadcast_in_dim3A_447) -> (vector<16xf32>, vector<16xf32>, vector<16xf32>, vector<16xf32>)  : i32 {
        %parallel_loop3A_756 = arith.constant 0 : i32
        %parallel_loop3A_757 = arith.addi %parallel_loop3A_751, %parallel_loop3A_756 : i32
        %parallel_loop3A_758 = arith.constant 16 : i32
        %parallel_loop3A_759 = arith.muli %parallel_loop3A_757, %parallel_loop3A_758 : i32
        %parallel_loop3A_760 = arith.constant 1 : i32
        %parallel_loop3A_761 = arith.addi %parallel_loop3A_751, %parallel_loop3A_760 : i32
        %parallel_loop3A_762 = arith.constant 16 : i32
        %parallel_loop3A_763 = arith.muli %parallel_loop3A_761, %parallel_loop3A_762 : i32
        %parallel_loop3A_764 = arith.constant 2 : i32
        %parallel_loop3A_765 = arith.addi %parallel_loop3A_751, %parallel_loop3A_764 : i32
        %parallel_loop3A_766 = arith.constant 16 : i32
        %parallel_loop3A_767 = arith.muli %parallel_loop3A_765, %parallel_loop3A_766 : i32
        %parallel_loop3A_768 = arith.constant 3 : i32
        %parallel_loop3A_769 = arith.addi %parallel_loop3A_751, %parallel_loop3A_768 : i32
        %parallel_loop3A_770 = arith.constant 16 : i32
        %parallel_loop3A_771 = arith.muli %parallel_loop3A_769, %parallel_loop3A_770 : i32
        %parallel_loop3A_772 = arith.constant 0 : i32
        %parallel_loop3A_773 = arith.index_cast %parallel_loop3A_772 : i32 to index
        %parallel_loop3A_774 = arith.index_cast %parallel_loop3A_759 : i32 to index
        %parallel_loop3A_775 = tpu.vector_load %arg7[%parallel_loop3A_773, %parallel_loop3A_774] {strides = array<i32>} : memref<4x4096xf32, #tpu.memory_space<vmem>>, vector<1x16xf32>,
        %parallel_loop3A_776 = vector.shape_cast %parallel_loop3A_775 : vector<1x16xf32> to vector<16xf32>
        %parallel_loop3A_777 = arith.constant 1 : i32
        %parallel_loop3A_778 = arith.index_cast %parallel_loop3A_777 : i32 to index
        %parallel_loop3A_779 = arith.index_cast %parallel_loop3A_759 : i32 to index
        %parallel_loop3A_780 = tpu.vector_load %arg7[%parallel_loop3A_778, %parallel_loop3A_779] {strides = array<i32>} : memref<4x4096xf32, #tpu.memory_space<vmem>>, vector<1x16xf32>,
        %parallel_loop3A_781 = vector.shape_cast %parallel_loop3A_780 : vector<1x16xf32> to vector<16xf32>
        %parallel_loop3A_782 = arith.constant 2 : i32
        %parallel_loop3A_783 = arith.index_cast %parallel_loop3A_782 : i32 to index
        %parallel_loop3A_784 = arith.index_cast %parallel_loop3A_759 : i32 to index
        %parallel_loop3A_785 = tpu.vector_load %arg7[%parallel_loop3A_783, %parallel_loop3A_784] {strides = array<i32>} : memref<4x4096xf32, #tpu.memory_space<vmem>>, vector<1x16xf32>,
        %parallel_loop3A_786 = vector.shape_cast %parallel_loop3A_785 : vector<1x16xf32> to vector<16xf32>
        %parallel_loop3A_787 = arith.constant 3 : i32
        %parallel_loop3A_788 = arith.index_cast %parallel_loop3A_787 : i32 to index
        %parallel_loop3A_789 = arith.index_cast %parallel_loop3A_759 : i32 to index
        %parallel_loop3A_790 = tpu.vector_load %arg7[%parallel_loop3A_788, %parallel_loop3A_789] {strides = array<i32>} : memref<4x4096xf32, #tpu.memory_space<vmem>>, vector<1x16xf32>,
        %parallel_loop3A_791 = vector.shape_cast %parallel_loop3A_790 : vector<1x16xf32> to vector<16xf32>
        %parallel_loop3A_792 = arith.constant 0 : i32
        %parallel_loop3A_793 = arith.index_cast %parallel_loop3A_792 : i32 to index
        %parallel_loop3A_794 = arith.index_cast %parallel_loop3A_763 : i32 to index
        %parallel_loop3A_795 = tpu.vector_load %arg7[%parallel_loop3A_793, %parallel_loop3A_794] {strides = array<i32>} : memref<4x4096xf32, #tpu.memory_space<vmem>>, vector<1x16xf32>,
        %parallel_loop3A_796 = vector.shape_cast %parallel_loop3A_795 : vector<1x16xf32> to vector<16xf32>
        %parallel_loop3A_797 = arith.constant 1 : i32
        %parallel_loop3A_798 = arith.index_cast %parallel_loop3A_797 : i32 to index
        %parallel_loop3A_799 = arith.index_cast %parallel_loop3A_763 : i32 to index
        %parallel_loop3A_800 = tpu.vector_load %arg7[%parallel_loop3A_798, %parallel_loop3A_799] {strides = array<i32>} : memref<4x4096xf32, #tpu.memory_space<vmem>>, vector<1x16xf32>,
        %parallel_loop3A_801 = vector.shape_cast %parallel_loop3A_800 : vector<1x16xf32> to vector<16xf32>
        %parallel_loop3A_802 = arith.constant 2 : i32
        %parallel_loop3A_803 = arith.index_cast %parallel_loop3A_802 : i32 to index
        %parallel_loop3A_804 = arith.index_cast %parallel_loop3A_763 : i32 to index
        %parallel_loop3A_805 = tpu.vector_load %arg7[%parallel_loop3A_803, %parallel_loop3A_804] {strides = array<i32>} : memref<4x4096xf32, #tpu.memory_space<vmem>>, vector<1x16xf32>,
        %parallel_loop3A_806 = vector.shape_cast %parallel_loop3A_805 : vector<1x16xf32> to vector<16xf32>
        %parallel_loop3A_807 = arith.constant 3 : i32
        %parallel_loop3A_808 = arith.index_cast %parallel_loop3A_807 : i32 to index
        %parallel_loop3A_809 = arith.index_cast %parallel_loop3A_763 : i32 to index
        %parallel_loop3A_810 = tpu.vector_load %arg7[%parallel_loop3A_808, %parallel_loop3A_809] {strides = array<i32>} : memref<4x4096xf32, #tpu.memory_space<vmem>>, vector<1x16xf32>,
        %parallel_loop3A_811 = vector.shape_cast %parallel_loop3A_810 : vector<1x16xf32> to vector<16xf32>
        %parallel_loop3A_812 = arith.constant 0 : i32
        %parallel_loop3A_813 = arith.index_cast %parallel_loop3A_812 : i32 to index
        %parallel_loop3A_814 = arith.index_cast %parallel_loop3A_767 : i32 to index
        %parallel_loop3A_815 = tpu.vector_load %arg7[%parallel_loop3A_813, %parallel_loop3A_814] {strides = array<i32>} : memref<4x4096xf32, #tpu.memory_space<vmem>>, vector<1x16xf32>,
        %parallel_loop3A_816 = vector.shape_cast %parallel_loop3A_815 : vector<1x16xf32> to vector<16xf32>
        %parallel_loop3A_817 = arith.constant 1 : i32
        %parallel_loop3A_818 = arith.index_cast %parallel_loop3A_817 : i32 to index
        %parallel_loop3A_819 = arith.index_cast %parallel_loop3A_767 : i32 to index
        %parallel_loop3A_820 = tpu.vector_load %arg7[%parallel_loop3A_818, %parallel_loop3A_819] {strides = array<i32>} : memref<4x4096xf32, #tpu.memory_space<vmem>>, vector<1x16xf32>,
        %parallel_loop3A_821 = vector.shape_cast %parallel_loop3A_820 : vector<1x16xf32> to vector<16xf32>
        %parallel_loop3A_822 = arith.constant 2 : i32
        %parallel_loop3A_823 = arith.index_cast %parallel_loop3A_822 : i32 to index
        %parallel_loop3A_824 = arith.index_cast %parallel_loop3A_767 : i32 to index
        %parallel_loop3A_825 = tpu.vector_load %arg7[%parallel_loop3A_823, %parallel_loop3A_824] {strides = array<i32>} : memref<4x4096xf32, #tpu.memory_space<vmem>>, vector<1x16xf32>,
        %parallel_loop3A_826 = vector.shape_cast %parallel_loop3A_825 : vector<1x16xf32> to vector<16xf32>
        %parallel_loop3A_827 = arith.constant 3 : i32
        %parallel_loop3A_828 = arith.index_cast %parallel_loop3A_827 : i32 to index
        %parallel_loop3A_829 = arith.index_cast %parallel_loop3A_767 : i32 to index
        %parallel_loop3A_830 = tpu.vector_load %arg7[%parallel_loop3A_828, %parallel_loop3A_829] {strides = array<i32>} : memref<4x4096xf32, #tpu.memory_space<vmem>>, vector<1x16xf32>,
        %parallel_loop3A_831 = vector.shape_cast %parallel_loop3A_830 : vector<1x16xf32> to vector<16xf32>
        %parallel_loop3A_832 = arith.constant 0 : i32
        %parallel_loop3A_833 = arith.index_cast %parallel_loop3A_832 : i32 to index
        %parallel_loop3A_834 = arith.index_cast %parallel_loop3A_771 : i32 to index
        %parallel_loop3A_835 = tpu.vector_load %arg7[%parallel_loop3A_833, %parallel_loop3A_834] {strides = array<i32>} : memref<4x4096xf32, #tpu.memory_space<vmem>>, vector<1x16xf32>,
        %parallel_loop3A_836 = vector.shape_cast %parallel_loop3A_835 : vector<1x16xf32> to vector<16xf32>
        %parallel_loop3A_837 = arith.constant 1 : i32
        %parallel_loop3A_838 = arith.index_cast %parallel_loop3A_837 : i32 to index
        %parallel_loop3A_839 = arith.index_cast %parallel_loop3A_771 : i32 to index
        %parallel_loop3A_840 = tpu.vector_load %arg7[%parallel_loop3A_838, %parallel_loop3A_839] {strides = array<i32>} : memref<4x4096xf32, #tpu.memory_space<vmem>>, vector<1x16xf32>,
        %parallel_loop3A_841 = vector.shape_cast %parallel_loop3A_840 : vector<1x16xf32> to vector<16xf32>
        %parallel_loop3A_842 = arith.constant 2 : i32
        %parallel_loop3A_843 = arith.index_cast %parallel_loop3A_842 : i32 to index
        %parallel_loop3A_844 = arith.index_cast %parallel_loop3A_771 : i32 to index
        %parallel_loop3A_845 = tpu.vector_load %arg7[%parallel_loop3A_843, %parallel_loop3A_844] {strides = array<i32>} : memref<4x4096xf32, #tpu.memory_space<vmem>>, vector<1x16xf32>,
        %parallel_loop3A_846 = vector.shape_cast %parallel_loop3A_845 : vector<1x16xf32> to vector<16xf32>
        %parallel_loop3A_847 = arith.constant 3 : i32
        %parallel_loop3A_848 = arith.index_cast %parallel_loop3A_847 : i32 to index
        %parallel_loop3A_849 = arith.index_cast %parallel_loop3A_771 : i32 to index
        %parallel_loop3A_850 = tpu.vector_load %arg7[%parallel_loop3A_848, %parallel_loop3A_849] {strides = array<i32>} : memref<4x4096xf32, #tpu.memory_space<vmem>>, vector<1x16xf32>,
        %parallel_loop3A_851 = vector.shape_cast %parallel_loop3A_850 : vector<1x16xf32> to vector<16xf32>
        %parallel_loop3A_852 = arith.index_cast %parallel_loop3A_759 : i32 to index
        %parallel_loop3A_853 = tpu.vector_load %arg10[%parallel_loop3A_852] {strides = array<i32>} : memref<4096xf32, #tpu.memory_space<vmem>>, vector<16xf32>,
        %parallel_loop3A_854 = vector.shape_cast %parallel_loop3A_853 : vector<16xf32> to vector<16xf32>
        %parallel_loop3A_855 = arith.index_cast %parallel_loop3A_763 : i32 to index
        %parallel_loop3A_856 = tpu.vector_load %arg10[%parallel_loop3A_855] {strides = array<i32>} : memref<4096xf32, #tpu.memory_space<vmem>>, vector<16xf32>,
        %parallel_loop3A_857 = vector.shape_cast %parallel_loop3A_856 : vector<16xf32> to vector<16xf32>
        %parallel_loop3A_858 = arith.index_cast %parallel_loop3A_767 : i32 to index
        %parallel_loop3A_859 = tpu.vector_load %arg10[%parallel_loop3A_858] {strides = array<i32>} : memref<4096xf32, #tpu.memory_space<vmem>>, vector<16xf32>,
        %parallel_loop3A_860 = vector.shape_cast %parallel_loop3A_859 : vector<16xf32> to vector<16xf32>
        %parallel_loop3A_861 = arith.index_cast %parallel_loop3A_771 : i32 to index
        %parallel_loop3A_862 = tpu.vector_load %arg10[%parallel_loop3A_861] {strides = array<i32>} : memref<4096xf32, #tpu.memory_space<vmem>>, vector<16xf32>,
        %parallel_loop3A_863 = vector.shape_cast %parallel_loop3A_862 : vector<16xf32> to vector<16xf32>
        %parallel_loop3A_864 = vector.broadcast %squeeze3A_415 : f32 to vector<16xf32>
        %parallel_loop3A_865 = arith.mulf %parallel_loop3A_776, %parallel_loop3A_864 : vector<16xf32>
        %parallel_loop3A_866 = vector.broadcast %squeeze3A_417 : f32 to vector<16xf32>
        %parallel_loop3A_867 = arith.mulf %parallel_loop3A_781, %parallel_loop3A_866 : vector<16xf32>
        %parallel_loop3A_868 = vector.broadcast %squeeze3A_419 : f32 to vector<16xf32>
        %parallel_loop3A_869 = arith.mulf %parallel_loop3A_786, %parallel_loop3A_868 : vector<16xf32>
        %parallel_loop3A_870 = vector.broadcast %squeeze3A_423 : f32 to vector<16xf32>
        %parallel_loop3A_871 = arith.mulf %parallel_loop3A_776, %parallel_loop3A_870 : vector<16xf32>
        %parallel_loop3A_872 = vector.broadcast %squeeze3A_425 : f32 to vector<16xf32>
        %parallel_loop3A_873 = arith.mulf %parallel_loop3A_781, %parallel_loop3A_872 : vector<16xf32>
        %parallel_loop3A_874 = vector.broadcast %squeeze3A_427 : f32 to vector<16xf32>
        %parallel_loop3A_875 = arith.mulf %parallel_loop3A_786, %parallel_loop3A_874 : vector<16xf32>
        %parallel_loop3A_876 = vector.broadcast %squeeze3A_431 : f32 to vector<16xf32>
        %parallel_loop3A_877 = arith.mulf %parallel_loop3A_776, %parallel_loop3A_876 : vector<16xf32>
        %parallel_loop3A_878 = vector.broadcast %squeeze3A_433 : f32 to vector<16xf32>
        %parallel_loop3A_879 = arith.mulf %parallel_loop3A_781, %parallel_loop3A_878 : vector<16xf32>
        %parallel_loop3A_880 = vector.broadcast %squeeze3A_435 : f32 to vector<16xf32>
        %parallel_loop3A_881 = arith.mulf %parallel_loop3A_786, %parallel_loop3A_880 : vector<16xf32>
        %parallel_loop3A_882 = vector.broadcast %squeeze3A_439 : f32 to vector<16xf32>
        %parallel_loop3A_883 = arith.mulf %parallel_loop3A_776, %parallel_loop3A_882 : vector<16xf32>
        %parallel_loop3A_884 = vector.broadcast %squeeze3A_441 : f32 to vector<16xf32>
        %parallel_loop3A_885 = arith.mulf %parallel_loop3A_781, %parallel_loop3A_884 : vector<16xf32>
        %parallel_loop3A_886 = vector.broadcast %squeeze3A_443 : f32 to vector<16xf32>
        %parallel_loop3A_887 = arith.mulf %parallel_loop3A_786, %parallel_loop3A_886 : vector<16xf32>
        %parallel_loop3A_888 = vector.broadcast %squeeze3A_415 : f32 to vector<16xf32>
        %parallel_loop3A_889 = arith.mulf %parallel_loop3A_796, %parallel_loop3A_888 : vector<16xf32>
        %parallel_loop3A_890 = vector.broadcast %squeeze3A_417 : f32 to vector<16xf32>
        %parallel_loop3A_891 = arith.mulf %parallel_loop3A_801, %parallel_loop3A_890 : vector<16xf32>
        %parallel_loop3A_892 = vector.broadcast %squeeze3A_419 : f32 to vector<16xf32>
        %parallel_loop3A_893 = arith.mulf %parallel_loop3A_806, %parallel_loop3A_892 : vector<16xf32>
        %parallel_loop3A_894 = vector.broadcast %squeeze3A_423 : f32 to vector<16xf32>
        %parallel_loop3A_895 = arith.mulf %parallel_loop3A_796, %parallel_loop3A_894 : vector<16xf32>
        %parallel_loop3A_896 = vector.broadcast %squeeze3A_425 : f32 to vector<16xf32>
        %parallel_loop3A_897 = arith.mulf %parallel_loop3A_801, %parallel_loop3A_896 : vector<16xf32>
        %parallel_loop3A_898 = vector.broadcast %squeeze3A_427 : f32 to vector<16xf32>
        %parallel_loop3A_899 = arith.mulf %parallel_loop3A_806, %parallel_loop3A_898 : vector<16xf32>
        %parallel_loop3A_900 = vector.broadcast %squeeze3A_431 : f32 to vector<16xf32>
        %parallel_loop3A_901 = arith.mulf %parallel_loop3A_796, %parallel_loop3A_900 : vector<16xf32>
        %parallel_loop3A_902 = vector.broadcast %squeeze3A_433 : f32 to vector<16xf32>
        %parallel_loop3A_903 = arith.mulf %parallel_loop3A_801, %parallel_loop3A_902 : vector<16xf32>
        %parallel_loop3A_904 = vector.broadcast %squeeze3A_435 : f32 to vector<16xf32>
        %parallel_loop3A_905 = arith.mulf %parallel_loop3A_806, %parallel_loop3A_904 : vector<16xf32>
        %parallel_loop3A_906 = vector.broadcast %squeeze3A_439 : f32 to vector<16xf32>
        %parallel_loop3A_907 = arith.mulf %parallel_loop3A_796, %parallel_loop3A_906 : vector<16xf32>
        %parallel_loop3A_908 = vector.broadcast %squeeze3A_441 : f32 to vector<16xf32>
        %parallel_loop3A_909 = arith.mulf %parallel_loop3A_801, %parallel_loop3A_908 : vector<16xf32>
        %parallel_loop3A_910 = vector.broadcast %squeeze3A_443 : f32 to vector<16xf32>
        %parallel_loop3A_911 = arith.mulf %parallel_loop3A_806, %parallel_loop3A_910 : vector<16xf32>
        %parallel_loop3A_912 = vector.broadcast %squeeze3A_415 : f32 to vector<16xf32>
        %parallel_loop3A_913 = arith.mulf %parallel_loop3A_816, %parallel_loop3A_912 : vector<16xf32>
        %parallel_loop3A_914 = vector.broadcast %squeeze3A_417 : f32 to vector<16xf32>
        %parallel_loop3A_915 = arith.mulf %parallel_loop3A_821, %parallel_loop3A_914 : vector<16xf32>
        %parallel_loop3A_916 = vector.broadcast %squeeze3A_419 : f32 to vector<16xf32>
        %parallel_loop3A_917 = arith.mulf %parallel_loop3A_826, %parallel_loop3A_916 : vector<16xf32>
        %parallel_loop3A_918 = vector.broadcast %squeeze3A_423 : f32 to vector<16xf32>
        %parallel_loop3A_919 = arith.mulf %parallel_loop3A_816, %parallel_loop3A_918 : vector<16xf32>
        %parallel_loop3A_920 = vector.broadcast %squeeze3A_425 : f32 to vector<16xf32>
        %parallel_loop3A_921 = arith.mulf %parallel_loop3A_821, %parallel_loop3A_920 : vector<16xf32>
        %parallel_loop3A_922 = vector.broadcast %squeeze3A_427 : f32 to vector<16xf32>
        %parallel_loop3A_923 = arith.mulf %parallel_loop3A_826, %parallel_loop3A_922 : vector<16xf32>
        %parallel_loop3A_924 = vector.broadcast %squeeze3A_431 : f32 to vector<16xf32>
        %parallel_loop3A_925 = arith.mulf %parallel_loop3A_816, %parallel_loop3A_924 : vector<16xf32>
        %parallel_loop3A_926 = vector.broadcast %squeeze3A_433 : f32 to vector<16xf32>
        %parallel_loop3A_927 = arith.mulf %parallel_loop3A_821, %parallel_loop3A_926 : vector<16xf32>
        %parallel_loop3A_928 = vector.broadcast %squeeze3A_435 : f32 to vector<16xf32>
        %parallel_loop3A_929 = arith.mulf %parallel_loop3A_826, %parallel_loop3A_928 : vector<16xf32>
        %parallel_loop3A_930 = vector.broadcast %squeeze3A_439 : f32 to vector<16xf32>
        %parallel_loop3A_931 = arith.mulf %parallel_loop3A_816, %parallel_loop3A_930 : vector<16xf32>
        %parallel_loop3A_932 = vector.broadcast %squeeze3A_441 : f32 to vector<16xf32>
        %parallel_loop3A_933 = arith.mulf %parallel_loop3A_821, %parallel_loop3A_932 : vector<16xf32>
        %parallel_loop3A_934 = vector.broadcast %squeeze3A_443 : f32 to vector<16xf32>
        %parallel_loop3A_935 = arith.mulf %parallel_loop3A_826, %parallel_loop3A_934 : vector<16xf32>
        %parallel_loop3A_936 = vector.broadcast %squeeze3A_415 : f32 to vector<16xf32>
        %parallel_loop3A_937 = arith.mulf %parallel_loop3A_836, %parallel_loop3A_936 : vector<16xf32>
        %parallel_loop3A_938 = vector.broadcast %squeeze3A_417 : f32 to vector<16xf32>
        %parallel_loop3A_939 = arith.mulf %parallel_loop3A_841, %parallel_loop3A_938 : vector<16xf32>
        %parallel_loop3A_940 = vector.broadcast %squeeze3A_419 : f32 to vector<16xf32>
        %parallel_loop3A_941 = arith.mulf %parallel_loop3A_846, %parallel_loop3A_940 : vector<16xf32>
        %parallel_loop3A_942 = vector.broadcast %squeeze3A_423 : f32 to vector<16xf32>
        %parallel_loop3A_943 = arith.mulf %parallel_loop3A_836, %parallel_loop3A_942 : vector<16xf32>
        %parallel_loop3A_944 = vector.broadcast %squeeze3A_425 : f32 to vector<16xf32>
        %parallel_loop3A_945 = arith.mulf %parallel_loop3A_841, %parallel_loop3A_944 : vector<16xf32>
        %parallel_loop3A_946 = vector.broadcast %squeeze3A_427 : f32 to vector<16xf32>
        %parallel_loop3A_947 = arith.mulf %parallel_loop3A_846, %parallel_loop3A_946 : vector<16xf32>
        %parallel_loop3A_948 = vector.broadcast %squeeze3A_431 : f32 to vector<16xf32>
        %parallel_loop3A_949 = arith.mulf %parallel_loop3A_836, %parallel_loop3A_948 : vector<16xf32>
        %parallel_loop3A_950 = vector.broadcast %squeeze3A_433 : f32 to vector<16xf32>
        %parallel_loop3A_951 = arith.mulf %parallel_loop3A_841, %parallel_loop3A_950 : vector<16xf32>
        %parallel_loop3A_952 = vector.broadcast %squeeze3A_435 : f32 to vector<16xf32>
        %parallel_loop3A_953 = arith.mulf %parallel_loop3A_846, %parallel_loop3A_952 : vector<16xf32>
        %parallel_loop3A_954 = vector.broadcast %squeeze3A_439 : f32 to vector<16xf32>
        %parallel_loop3A_955 = arith.mulf %parallel_loop3A_836, %parallel_loop3A_954 : vector<16xf32>
        %parallel_loop3A_956 = vector.broadcast %squeeze3A_441 : f32 to vector<16xf32>
        %parallel_loop3A_957 = arith.mulf %parallel_loop3A_841, %parallel_loop3A_956 : vector<16xf32>
        %parallel_loop3A_958 = vector.broadcast %squeeze3A_443 : f32 to vector<16xf32>
        %parallel_loop3A_959 = arith.mulf %parallel_loop3A_846, %parallel_loop3A_958 : vector<16xf32>
        %parallel_loop3A_960 = arith.addf %parallel_loop3A_791, %parallel_loop3A_869 : vector<16xf32>
        %parallel_loop3A_961 = arith.addf %parallel_loop3A_865, %parallel_loop3A_867 : vector<16xf32>
        %parallel_loop3A_962 = arith.addf %parallel_loop3A_960, %parallel_loop3A_961 : vector<16xf32>
        %parallel_loop3A_963 = arith.addf %parallel_loop3A_791, %parallel_loop3A_875 : vector<16xf32>
        %parallel_loop3A_964 = arith.addf %parallel_loop3A_871, %parallel_loop3A_873 : vector<16xf32>
        %parallel_loop3A_965 = arith.addf %parallel_loop3A_963, %parallel_loop3A_964 : vector<16xf32>
        %parallel_loop3A_966 = arith.addf %parallel_loop3A_791, %parallel_loop3A_881 : vector<16xf32>
        %parallel_loop3A_967 = arith.addf %parallel_loop3A_877, %parallel_loop3A_879 : vector<16xf32>
        %parallel_loop3A_968 = arith.addf %parallel_loop3A_966, %parallel_loop3A_967 : vector<16xf32>
        %parallel_loop3A_969 = arith.addf %parallel_loop3A_791, %parallel_loop3A_887 : vector<16xf32>
        %parallel_loop3A_970 = arith.addf %parallel_loop3A_883, %parallel_loop3A_885 : vector<16xf32>
        %parallel_loop3A_971 = arith.addf %parallel_loop3A_969, %parallel_loop3A_970 : vector<16xf32>
        %parallel_loop3A_972 = arith.addf %parallel_loop3A_811, %parallel_loop3A_893 : vector<16xf32>
        %parallel_loop3A_973 = arith.addf %parallel_loop3A_889, %parallel_loop3A_891 : vector<16xf32>
        %parallel_loop3A_974 = arith.addf %parallel_loop3A_972, %parallel_loop3A_973 : vector<16xf32>
        %parallel_loop3A_975 = arith.addf %parallel_loop3A_811, %parallel_loop3A_899 : vector<16xf32>
        %parallel_loop3A_976 = arith.addf %parallel_loop3A_895, %parallel_loop3A_897 : vector<16xf32>
        %parallel_loop3A_977 = arith.addf %parallel_loop3A_975, %parallel_loop3A_976 : vector<16xf32>
        %parallel_loop3A_978 = arith.addf %parallel_loop3A_811, %parallel_loop3A_905 : vector<16xf32>
        %parallel_loop3A_979 = arith.addf %parallel_loop3A_901, %parallel_loop3A_903 : vector<16xf32>
        %parallel_loop3A_980 = arith.addf %parallel_loop3A_978, %parallel_loop3A_979 : vector<16xf32>
        %parallel_loop3A_981 = arith.addf %parallel_loop3A_811, %parallel_loop3A_911 : vector<16xf32>
        %parallel_loop3A_982 = arith.addf %parallel_loop3A_907, %parallel_loop3A_909 : vector<16xf32>
        %parallel_loop3A_983 = arith.addf %parallel_loop3A_981, %parallel_loop3A_982 : vector<16xf32>
        %parallel_loop3A_984 = arith.addf %parallel_loop3A_831, %parallel_loop3A_917 : vector<16xf32>
        %parallel_loop3A_985 = arith.addf %parallel_loop3A_913, %parallel_loop3A_915 : vector<16xf32>
        %parallel_loop3A_986 = arith.addf %parallel_loop3A_984, %parallel_loop3A_985 : vector<16xf32>
        %parallel_loop3A_987 = arith.addf %parallel_loop3A_831, %parallel_loop3A_923 : vector<16xf32>
        %parallel_loop3A_988 = arith.addf %parallel_loop3A_919, %parallel_loop3A_921 : vector<16xf32>
        %parallel_loop3A_989 = arith.addf %parallel_loop3A_987, %parallel_loop3A_988 : vector<16xf32>
        %parallel_loop3A_990 = arith.addf %parallel_loop3A_831, %parallel_loop3A_929 : vector<16xf32>
        %parallel_loop3A_991 = arith.addf %parallel_loop3A_925, %parallel_loop3A_927 : vector<16xf32>
        %parallel_loop3A_992 = arith.addf %parallel_loop3A_990, %parallel_loop3A_991 : vector<16xf32>
        %parallel_loop3A_993 = arith.addf %parallel_loop3A_831, %parallel_loop3A_935 : vector<16xf32>
        %parallel_loop3A_994 = arith.addf %parallel_loop3A_931, %parallel_loop3A_933 : vector<16xf32>
        %parallel_loop3A_995 = arith.addf %parallel_loop3A_993, %parallel_loop3A_994 : vector<16xf32>
        %parallel_loop3A_996 = arith.addf %parallel_loop3A_851, %parallel_loop3A_941 : vector<16xf32>
        %parallel_loop3A_997 = arith.addf %parallel_loop3A_937, %parallel_loop3A_939 : vector<16xf32>
        %parallel_loop3A_998 = arith.addf %parallel_loop3A_996, %parallel_loop3A_997 : vector<16xf32>
        %parallel_loop3A_999 = arith.addf %parallel_loop3A_851, %parallel_loop3A_947 : vector<16xf32>
        %parallel_loop3A_1000 = arith.addf %parallel_loop3A_943, %parallel_loop3A_945 : vector<16xf32>
        %parallel_loop3A_1001 = arith.addf %parallel_loop3A_999, %parallel_loop3A_1000 : vector<16xf32>
        %parallel_loop3A_1002 = arith.addf %parallel_loop3A_851, %parallel_loop3A_953 : vector<16xf32>
        %parallel_loop3A_1003 = arith.addf %parallel_loop3A_949, %parallel_loop3A_951 : vector<16xf32>
        %parallel_loop3A_1004 = arith.addf %parallel_loop3A_1002, %parallel_loop3A_1003 : vector<16xf32>
        %parallel_loop3A_1005 = arith.addf %parallel_loop3A_851, %parallel_loop3A_959 : vector<16xf32>
        %parallel_loop3A_1006 = arith.addf %parallel_loop3A_955, %parallel_loop3A_957 : vector<16xf32>
        %parallel_loop3A_1007 = arith.addf %parallel_loop3A_1005, %parallel_loop3A_1006 : vector<16xf32>
        %parallel_loop3A_1008 = arith.minimumf %parallel_loop3A_752, %parallel_loop3A_962 : vector<16xf32>
        %parallel_loop3A_1009 = arith.minimumf %parallel_loop3A_1008, %parallel_loop3A_974 : vector<16xf32>
        %parallel_loop3A_1010 = arith.minimumf %parallel_loop3A_1009, %parallel_loop3A_986 : vector<16xf32>
        %parallel_loop3A_1011 = arith.minimumf %parallel_loop3A_1010, %parallel_loop3A_998 : vector<16xf32>
        %parallel_loop3A_1012 = arith.minimumf %parallel_loop3A_753, %parallel_loop3A_965 : vector<16xf32>
        %parallel_loop3A_1013 = arith.minimumf %parallel_loop3A_1012, %parallel_loop3A_977 : vector<16xf32>
        %parallel_loop3A_1014 = arith.minimumf %parallel_loop3A_1013, %parallel_loop3A_989 : vector<16xf32>
        %parallel_loop3A_1015 = arith.minimumf %parallel_loop3A_1014, %parallel_loop3A_1001 : vector<16xf32>
        %parallel_loop3A_1016 = arith.minimumf %parallel_loop3A_754, %parallel_loop3A_968 : vector<16xf32>
        %parallel_loop3A_1017 = arith.minimumf %parallel_loop3A_1016, %parallel_loop3A_980 : vector<16xf32>
        %parallel_loop3A_1018 = arith.minimumf %parallel_loop3A_1017, %parallel_loop3A_992 : vector<16xf32>
        %parallel_loop3A_1019 = arith.minimumf %parallel_loop3A_1018, %parallel_loop3A_1004 : vector<16xf32>
        %parallel_loop3A_1020 = arith.minimumf %parallel_loop3A_755, %parallel_loop3A_971 : vector<16xf32>
        %parallel_loop3A_1021 = arith.minimumf %parallel_loop3A_1020, %parallel_loop3A_983 : vector<16xf32>
        %parallel_loop3A_1022 = arith.minimumf %parallel_loop3A_1021, %parallel_loop3A_995 : vector<16xf32>
        %parallel_loop3A_1023 = arith.minimumf %parallel_loop3A_1022, %parallel_loop3A_1007 : vector<16xf32>
        %parallel_loop3A_1024 = vector.broadcast %squeeze3A_421 : f32 to vector<16xf32>
        %parallel_loop3A_1025 = arith.addf %parallel_loop3A_962, %parallel_loop3A_1024 : vector<16xf32>
        %parallel_loop3A_1026 = vector.broadcast %squeeze3A_429 : f32 to vector<16xf32>
        %parallel_loop3A_1027 = arith.addf %parallel_loop3A_965, %parallel_loop3A_1026 : vector<16xf32>
        %parallel_loop3A_1028 = vector.broadcast %squeeze3A_437 : f32 to vector<16xf32>
        %parallel_loop3A_1029 = arith.addf %parallel_loop3A_968, %parallel_loop3A_1028 : vector<16xf32>
        %parallel_loop3A_1030 = vector.broadcast %squeeze3A_445 : f32 to vector<16xf32>
        %parallel_loop3A_1031 = arith.addf %parallel_loop3A_971, %parallel_loop3A_1030 : vector<16xf32>
        %parallel_loop3A_1032 = arith.minimumf %parallel_loop3A_1025, %parallel_loop3A_1027 : vector<16xf32>
        %parallel_loop3A_1033 = arith.minimumf %parallel_loop3A_1029, %parallel_loop3A_1031 : vector<16xf32>
        %parallel_loop3A_1034 = arith.minimumf %parallel_loop3A_1032, %parallel_loop3A_1033 : vector<16xf32>
        %parallel_loop3A_1035 = arith.minimumf %parallel_loop3A_854, %parallel_loop3A_1034 : vector<16xf32>
        %parallel_loop3A_1036 = arith.index_cast %parallel_loop3A_759 : i32 to index
        %parallel_loop3A_1037 = tpu.vector_load %arg10[%parallel_loop3A_1036] {strides = array<i32>} : memref<4096xf32, #tpu.memory_space<vmem>>, vector<16xf32>,
        %parallel_loop3A_1038 = vector.shape_cast %parallel_loop3A_1037 : vector<16xf32> to vector<16xf32>
        %parallel_loop3A_1039 = vector.shape_cast %parallel_loop3A_1035 : vector<16xf32> to vector<16xf32>
        tpu.vector_store %arg10[%parallel_loop3A_1036], %parallel_loop3A_1039 {strides = array<i32>} : memref<4096xf32, #tpu.memory_space<vmem>>, vector<16xf32>,
        %parallel_loop3A_1040 = vector.broadcast %squeeze3A_421 : f32 to vector<16xf32>
        %parallel_loop3A_1041 = arith.addf %parallel_loop3A_974, %parallel_loop3A_1040 : vector<16xf32>
        %parallel_loop3A_1042 = vector.broadcast %squeeze3A_429 : f32 to vector<16xf32>
        %parallel_loop3A_1043 = arith.addf %parallel_loop3A_977, %parallel_loop3A_1042 : vector<16xf32>
        %parallel_loop3A_1044 = vector.broadcast %squeeze3A_437 : f32 to vector<16xf32>
        %parallel_loop3A_1045 = arith.addf %parallel_loop3A_980, %parallel_loop3A_1044 : vector<16xf32>
        %parallel_loop3A_1046 = vector.broadcast %squeeze3A_445 : f32 to vector<16xf32>
        %parallel_loop3A_1047 = arith.addf %parallel_loop3A_983, %parallel_loop3A_1046 : vector<16xf32>
        %parallel_loop3A_1048 = arith.minimumf %parallel_loop3A_1041, %parallel_loop3A_1043 : vector<16xf32>
        %parallel_loop3A_1049 = arith.minimumf %parallel_loop3A_1045, %parallel_loop3A_1047 : vector<16xf32>
        %parallel_loop3A_1050 = arith.minimumf %parallel_loop3A_1048, %parallel_loop3A_1049 : vector<16xf32>
        %parallel_loop3A_1051 = arith.minimumf %parallel_loop3A_857, %parallel_loop3A_1050 : vector<16xf32>
        %parallel_loop3A_1052 = arith.index_cast %parallel_loop3A_763 : i32 to index
        %parallel_loop3A_1053 = tpu.vector_load %arg10[%parallel_loop3A_1052] {strides = array<i32>} : memref<4096xf32, #tpu.memory_space<vmem>>, vector<16xf32>,
        %parallel_loop3A_1054 = vector.shape_cast %parallel_loop3A_1053 : vector<16xf32> to vector<16xf32>
        %parallel_loop3A_1055 = vector.shape_cast %parallel_loop3A_1051 : vector<16xf32> to vector<16xf32>
        tpu.vector_store %arg10[%parallel_loop3A_1052], %parallel_loop3A_1055 {strides = array<i32>} : memref<4096xf32, #tpu.memory_space<vmem>>, vector<16xf32>,
        %parallel_loop3A_1056 = vector.broadcast %squeeze3A_421 : f32 to vector<16xf32>
        %parallel_loop3A_1057 = arith.addf %parallel_loop3A_986, %parallel_loop3A_1056 : vector<16xf32>
        %parallel_loop3A_1058 = vector.broadcast %squeeze3A_429 : f32 to vector<16xf32>
        %parallel_loop3A_1059 = arith.addf %parallel_loop3A_989, %parallel_loop3A_1058 : vector<16xf32>
        %parallel_loop3A_1060 = vector.broadcast %squeeze3A_437 : f32 to vector<16xf32>
        %parallel_loop3A_1061 = arith.addf %parallel_loop3A_992, %parallel_loop3A_1060 : vector<16xf32>
        %parallel_loop3A_1062 = vector.broadcast %squeeze3A_445 : f32 to vector<16xf32>
        %parallel_loop3A_1063 = arith.addf %parallel_loop3A_995, %parallel_loop3A_1062 : vector<16xf32>
        %parallel_loop3A_1064 = arith.minimumf %parallel_loop3A_1057, %parallel_loop3A_1059 : vector<16xf32>
        %parallel_loop3A_1065 = arith.minimumf %parallel_loop3A_1061, %parallel_loop3A_1063 : vector<16xf32>
        %parallel_loop3A_1066 = arith.minimumf %parallel_loop3A_1064, %parallel_loop3A_1065 : vector<16xf32>
        %parallel_loop3A_1067 = arith.minimumf %parallel_loop3A_860, %parallel_loop3A_1066 : vector<16xf32>
        %parallel_loop3A_1068 = arith.index_cast %parallel_loop3A_767 : i32 to index
        %parallel_loop3A_1069 = tpu.vector_load %arg10[%parallel_loop3A_1068] {strides = array<i32>} : memref<4096xf32, #tpu.memory_space<vmem>>, vector<16xf32>,
        %parallel_loop3A_1070 = vector.shape_cast %parallel_loop3A_1069 : vector<16xf32> to vector<16xf32>
        %parallel_loop3A_1071 = vector.shape_cast %parallel_loop3A_1067 : vector<16xf32> to vector<16xf32>
        tpu.vector_store %arg10[%parallel_loop3A_1068], %parallel_loop3A_1071 {strides = array<i32>} : memref<4096xf32, #tpu.memory_space<vmem>>, vector<16xf32>,
        %parallel_loop3A_1072 = vector.broadcast %squeeze3A_421 : f32 to vector<16xf32>
        %parallel_loop3A_1073 = arith.addf %parallel_loop3A_998, %parallel_loop3A_1072 : vector<16xf32>
        %parallel_loop3A_1074 = vector.broadcast %squeeze3A_429 : f32 to vector<16xf32>
        %parallel_loop3A_1075 = arith.addf %parallel_loop3A_1001, %parallel_loop3A_1074 : vector<16xf32>
        %parallel_loop3A_1076 = vector.broadcast %squeeze3A_437 : f32 to vector<16xf32>
        %parallel_loop3A_1077 = arith.addf %parallel_loop3A_1004, %parallel_loop3A_1076 : vector<16xf32>
        %parallel_loop3A_1078 = vector.broadcast %squeeze3A_445 : f32 to vector<16xf32>
        %parallel_loop3A_1079 = arith.addf %parallel_loop3A_1007, %parallel_loop3A_1078 : vector<16xf32>
        %parallel_loop3A_1080 = arith.minimumf %parallel_loop3A_1073, %parallel_loop3A_1075 : vector<16xf32>
        %parallel_loop3A_1081 = arith.minimumf %parallel_loop3A_1077, %parallel_loop3A_1079 : vector<16xf32>
        %parallel_loop3A_1082 = arith.minimumf %parallel_loop3A_1080, %parallel_loop3A_1081 : vector<16xf32>
        %parallel_loop3A_1083 = arith.minimumf %parallel_loop3A_863, %parallel_loop3A_1082 : vector<16xf32>
        %parallel_loop3A_1084 = arith.index_cast %parallel_loop3A_771 : i32 to index
        %parallel_loop3A_1085 = tpu.vector_load %arg10[%parallel_loop3A_1084] {strides = array<i32>} : memref<4096xf32, #tpu.memory_space<vmem>>, vector<16xf32>,
        %parallel_loop3A_1086 = vector.shape_cast %parallel_loop3A_1085 : vector<16xf32> to vector<16xf32>
        %parallel_loop3A_1087 = vector.shape_cast %parallel_loop3A_1083 : vector<16xf32> to vector<16xf32>
        tpu.vector_store %arg10[%parallel_loop3A_1084], %parallel_loop3A_1087 {strides = array<i32>} : memref<4096xf32, #tpu.memory_space<vmem>>, vector<16xf32>,
        scf.yield %parallel_loop3A_1011, %parallel_loop3A_1015, %parallel_loop3A_1019, %parallel_loop3A_1023 : vector<16xf32>, vector<16xf32>, vector<16xf32>, vector<16xf32>
      } {sc.loop_unroll_factor = 1 : i64, sc.parallel_access}
      %xor3A_452 = arith.constant 8 : i32
      %xor3A_453 = vector.broadcast %xor3A_452 : i32 to vector<16xi32>
      %xor3A_454 = arith.xori %iota3A, %xor3A_453 : vector<16xi32>
      %broadcast_in_dim3A_455 = vector.shape_cast %xor3A_454 : vector<16xi32> to vector<16x1xi32>
      %gather3A_456 = vector.shape_cast %broadcast_in_dim3A_455 : vector<16x1xi32> to vector<16xi32>
      %gather3A_457 = tpu.dynamic_gather %parallel_loop3A_451#0[%gather3A_456] in [0] : vector<16xf32>, vector<16xi32> -> vector<16xf32>
      %min3A_458 = arith.minimumf %parallel_loop3A_451#0, %gather3A_457 : vector<16xf32>
      %xor3A_459 = arith.constant 4 : i32
      %xor3A_460 = vector.broadcast %xor3A_459 : i32 to vector<16xi32>
      %xor3A_461 = arith.xori %iota3A, %xor3A_460 : vector<16xi32>
      %broadcast_in_dim3A_462 = vector.shape_cast %xor3A_461 : vector<16xi32> to vector<16x1xi32>
      %gather3A_463 = vector.shape_cast %broadcast_in_dim3A_462 : vector<16x1xi32> to vector<16xi32>
      %gather3A_464 = tpu.dynamic_gather %min3A_458[%gather3A_463] in [0] : vector<16xf32>, vector<16xi32> -> vector<16xf32>
      %min3A_465 = arith.minimumf %min3A_458, %gather3A_464 : vector<16xf32>
      %xor3A_466 = arith.constant 2 : i32
      %xor3A_467 = vector.broadcast %xor3A_466 : i32 to vector<16xi32>
      %xor3A_468 = arith.xori %iota3A, %xor3A_467 : vector<16xi32>
      %broadcast_in_dim3A_469 = vector.shape_cast %xor3A_468 : vector<16xi32> to vector<16x1xi32>
      %gather3A_470 = vector.shape_cast %broadcast_in_dim3A_469 : vector<16x1xi32> to vector<16xi32>
      %gather3A_471 = tpu.dynamic_gather %min3A_465[%gather3A_470] in [0] : vector<16xf32>, vector<16xi32> -> vector<16xf32>
      %min3A_472 = arith.minimumf %min3A_465, %gather3A_471 : vector<16xf32>
      %xor3A_473 = arith.constant 1 : i32
      %xor3A_474 = vector.broadcast %xor3A_473 : i32 to vector<16xi32>
      %xor3A_475 = arith.xori %iota3A, %xor3A_474 : vector<16xi32>
      %broadcast_in_dim3A_476 = vector.shape_cast %xor3A_475 : vector<16xi32> to vector<16x1xi32>
      %gather3A_477 = vector.shape_cast %broadcast_in_dim3A_476 : vector<16x1xi32> to vector<16xi32>
      %gather3A_478 = tpu.dynamic_gather %min3A_472[%gather3A_477] in [0] : vector<16xf32>, vector<16xi32> -> vector<16xf32>
      %min3A_479 = arith.minimumf %min3A_472, %gather3A_478 : vector<16xf32>
      %eq3A_480 = arith.constant 8 : i32
      %eq3A_481 = vector.broadcast %eq3A_480 : i32 to vector<16xi32>
      %eq3A_482 = arith.cmpi eq, %iota3A, %eq3A_481 : vector<16xi32>
      %select_n3A_483 = arith.select %eq3A_482, %min3A_479, %select_n3A_413 : vector<16xi1>, vector<16xf32>
      %xor3A_484 = arith.constant 8 : i32
      %xor3A_485 = vector.broadcast %xor3A_484 : i32 to vector<16xi32>
      %xor3A_486 = arith.xori %iota3A, %xor3A_485 : vector<16xi32>
      %broadcast_in_dim3A_487 = vector.shape_cast %xor3A_486 : vector<16xi32> to vector<16x1xi32>
      %gather3A_488 = vector.shape_cast %broadcast_in_dim3A_487 : vector<16x1xi32> to vector<16xi32>
      %gather3A_489 = tpu.dynamic_gather %parallel_loop3A_451#1[%gather3A_488] in [0] : vector<16xf32>, vector<16xi32> -> vector<16xf32>
      %min3A_490 = arith.minimumf %parallel_loop3A_451#1, %gather3A_489 : vector<16xf32>
      %xor3A_491 = arith.constant 4 : i32
      %xor3A_492 = vector.broadcast %xor3A_491 : i32 to vector<16xi32>
      %xor3A_493 = arith.xori %iota3A, %xor3A_492 : vector<16xi32>
      %broadcast_in_dim3A_494 = vector.shape_cast %xor3A_493 : vector<16xi32> to vector<16x1xi32>
      %gather3A_495 = vector.shape_cast %broadcast_in_dim3A_494 : vector<16x1xi32> to vector<16xi32>
      %gather3A_496 = tpu.dynamic_gather %min3A_490[%gather3A_495] in [0] : vector<16xf32>, vector<16xi32> -> vector<16xf32>
      %min3A_497 = arith.minimumf %min3A_490, %gather3A_496 : vector<16xf32>
      %xor3A_498 = arith.constant 2 : i32
      %xor3A_499 = vector.broadcast %xor3A_498 : i32 to vector<16xi32>
      %xor3A_500 = arith.xori %iota3A, %xor3A_499 : vector<16xi32>
      %broadcast_in_dim3A_501 = vector.shape_cast %xor3A_500 : vector<16xi32> to vector<16x1xi32>
      %gather3A_502 = vector.shape_cast %broadcast_in_dim3A_501 : vector<16x1xi32> to vector<16xi32>
      %gather3A_503 = tpu.dynamic_gather %min3A_497[%gather3A_502] in [0] : vector<16xf32>, vector<16xi32> -> vector<16xf32>
      %min3A_504 = arith.minimumf %min3A_497, %gather3A_503 : vector<16xf32>
      %xor3A_505 = arith.constant 1 : i32
      %xor3A_506 = vector.broadcast %xor3A_505 : i32 to vector<16xi32>
      %xor3A_507 = arith.xori %iota3A, %xor3A_506 : vector<16xi32>
      %broadcast_in_dim3A_508 = vector.shape_cast %xor3A_507 : vector<16xi32> to vector<16x1xi32>
      %gather3A_509 = vector.shape_cast %broadcast_in_dim3A_508 : vector<16x1xi32> to vector<16xi32>
      %gather3A_510 = tpu.dynamic_gather %min3A_504[%gather3A_509] in [0] : vector<16xf32>, vector<16xi32> -> vector<16xf32>
      %min3A_511 = arith.minimumf %min3A_504, %gather3A_510 : vector<16xf32>
      %eq3A_512 = arith.constant 9 : i32
      %eq3A_513 = vector.broadcast %eq3A_512 : i32 to vector<16xi32>
      %eq3A_514 = arith.cmpi eq, %iota3A, %eq3A_513 : vector<16xi32>
      %select_n3A_515 = arith.select %eq3A_514, %min3A_511, %select_n3A_483 : vector<16xi1>, vector<16xf32>
      %xor3A_516 = arith.constant 8 : i32
      %xor3A_517 = vector.broadcast %xor3A_516 : i32 to vector<16xi32>
      %xor3A_518 = arith.xori %iota3A, %xor3A_517 : vector<16xi32>
      %broadcast_in_dim3A_519 = vector.shape_cast %xor3A_518 : vector<16xi32> to vector<16x1xi32>
      %gather3A_520 = vector.shape_cast %broadcast_in_dim3A_519 : vector<16x1xi32> to vector<16xi32>
      %gather3A_521 = tpu.dynamic_gather %parallel_loop3A_451#2[%gather3A_520] in [0] : vector<16xf32>, vector<16xi32> -> vector<16xf32>
      %min3A_522 = arith.minimumf %parallel_loop3A_451#2, %gather3A_521 : vector<16xf32>
      %xor3A_523 = arith.constant 4 : i32
      %xor3A_524 = vector.broadcast %xor3A_523 : i32 to vector<16xi32>
      %xor3A_525 = arith.xori %iota3A, %xor3A_524 : vector<16xi32>
      %broadcast_in_dim3A_526 = vector.shape_cast %xor3A_525 : vector<16xi32> to vector<16x1xi32>
      %gather3A_527 = vector.shape_cast %broadcast_in_dim3A_526 : vector<16x1xi32> to vector<16xi32>
      %gather3A_528 = tpu.dynamic_gather %min3A_522[%gather3A_527] in [0] : vector<16xf32>, vector<16xi32> -> vector<16xf32>
      %min3A_529 = arith.minimumf %min3A_522, %gather3A_528 : vector<16xf32>
      %xor3A_530 = arith.constant 2 : i32
      %xor3A_531 = vector.broadcast %xor3A_530 : i32 to vector<16xi32>
      %xor3A_532 = arith.xori %iota3A, %xor3A_531 : vector<16xi32>
      %broadcast_in_dim3A_533 = vector.shape_cast %xor3A_532 : vector<16xi32> to vector<16x1xi32>
      %gather3A_534 = vector.shape_cast %broadcast_in_dim3A_533 : vector<16x1xi32> to vector<16xi32>
      %gather3A_535 = tpu.dynamic_gather %min3A_529[%gather3A_534] in [0] : vector<16xf32>, vector<16xi32> -> vector<16xf32>
      %min3A_536 = arith.minimumf %min3A_529, %gather3A_535 : vector<16xf32>
      %xor3A_537 = arith.constant 1 : i32
      %xor3A_538 = vector.broadcast %xor3A_537 : i32 to vector<16xi32>
      %xor3A_539 = arith.xori %iota3A, %xor3A_538 : vector<16xi32>
      %broadcast_in_dim3A_540 = vector.shape_cast %xor3A_539 : vector<16xi32> to vector<16x1xi32>
      %gather3A_541 = vector.shape_cast %broadcast_in_dim3A_540 : vector<16x1xi32> to vector<16xi32>
      %gather3A_542 = tpu.dynamic_gather %min3A_536[%gather3A_541] in [0] : vector<16xf32>, vector<16xi32> -> vector<16xf32>
      %min3A_543 = arith.minimumf %min3A_536, %gather3A_542 : vector<16xf32>
      %eq3A_544 = arith.constant 10 : i32
      %eq3A_545 = vector.broadcast %eq3A_544 : i32 to vector<16xi32>
      %eq3A_546 = arith.cmpi eq, %iota3A, %eq3A_545 : vector<16xi32>
      %select_n3A_547 = arith.select %eq3A_546, %min3A_543, %select_n3A_515 : vector<16xi1>, vector<16xf32>
      %xor3A_548 = arith.constant 8 : i32
      %xor3A_549 = vector.broadcast %xor3A_548 : i32 to vector<16xi32>
      %xor3A_550 = arith.xori %iota3A, %xor3A_549 : vector<16xi32>
      %broadcast_in_dim3A_551 = vector.shape_cast %xor3A_550 : vector<16xi32> to vector<16x1xi32>
      %gather3A_552 = vector.shape_cast %broadcast_in_dim3A_551 : vector<16x1xi32> to vector<16xi32>
      %gather3A_553 = tpu.dynamic_gather %parallel_loop3A_451#3[%gather3A_552] in [0] : vector<16xf32>, vector<16xi32> -> vector<16xf32>
      %min3A_554 = arith.minimumf %parallel_loop3A_451#3, %gather3A_553 : vector<16xf32>
      %xor3A_555 = arith.constant 4 : i32
      %xor3A_556 = vector.broadcast %xor3A_555 : i32 to vector<16xi32>
      %xor3A_557 = arith.xori %iota3A, %xor3A_556 : vector<16xi32>
      %broadcast_in_dim3A_558 = vector.shape_cast %xor3A_557 : vector<16xi32> to vector<16x1xi32>
      %gather3A_559 = vector.shape_cast %broadcast_in_dim3A_558 : vector<16x1xi32> to vector<16xi32>
      %gather3A_560 = tpu.dynamic_gather %min3A_554[%gather3A_559] in [0] : vector<16xf32>, vector<16xi32> -> vector<16xf32>
      %min3A_561 = arith.minimumf %min3A_554, %gather3A_560 : vector<16xf32>
      %xor3A_562 = arith.constant 2 : i32
      %xor3A_563 = vector.broadcast %xor3A_562 : i32 to vector<16xi32>
      %xor3A_564 = arith.xori %iota3A, %xor3A_563 : vector<16xi32>
      %broadcast_in_dim3A_565 = vector.shape_cast %xor3A_564 : vector<16xi32> to vector<16x1xi32>
      %gather3A_566 = vector.shape_cast %broadcast_in_dim3A_565 : vector<16x1xi32> to vector<16xi32>
      %gather3A_567 = tpu.dynamic_gather %min3A_561[%gather3A_566] in [0] : vector<16xf32>, vector<16xi32> -> vector<16xf32>
      %min3A_568 = arith.minimumf %min3A_561, %gather3A_567 : vector<16xf32>
      %xor3A_569 = arith.constant 1 : i32
      %xor3A_570 = vector.broadcast %xor3A_569 : i32 to vector<16xi32>
      %xor3A_571 = arith.xori %iota3A, %xor3A_570 : vector<16xi32>
      %broadcast_in_dim3A_572 = vector.shape_cast %xor3A_571 : vector<16xi32> to vector<16x1xi32>
      %gather3A_573 = vector.shape_cast %broadcast_in_dim3A_572 : vector<16x1xi32> to vector<16xi32>
      %gather3A_574 = tpu.dynamic_gather %min3A_568[%gather3A_573] in [0] : vector<16xf32>, vector<16xi32> -> vector<16xf32>
      %min3A_575 = arith.minimumf %min3A_568, %gather3A_574 : vector<16xf32>
      %eq3A_576 = arith.constant 11 : i32
      %eq3A_577 = vector.broadcast %eq3A_576 : i32 to vector<16xi32>
      %eq3A_578 = arith.cmpi eq, %iota3A, %eq3A_577 : vector<16xi32>
      %select_n3A_579 = arith.select %eq3A_578, %min3A_575, %select_n3A_547 : vector<16xi1>, vector<16xf32>
      %slice3A_580 = vector.extract_strided_slice %get3A_73 {offsets = [12], sizes = [1], strides = [1]} : vector<16xf32> to vector<1xf32>
      %squeeze3A_581 = vector.extract %slice3A_580[0] : f32 from vector<1xf32>
      %slice3A_582 = vector.extract_strided_slice %get3A_78 {offsets = [12], sizes = [1], strides = [1]} : vector<16xf32> to vector<1xf32>
      %squeeze3A_583 = vector.extract %slice3A_582[0] : f32 from vector<1xf32>
      %slice3A_584 = vector.extract_strided_slice %get3A_83 {offsets = [12], sizes = [1], strides = [1]} : vector<16xf32> to vector<1xf32>
      %squeeze3A_585 = vector.extract %slice3A_584[0] : f32 from vector<1xf32>
      %slice3A_586 = vector.extract_strided_slice %get3A_88 {offsets = [12], sizes = [1], strides = [1]} : vector<16xf32> to vector<1xf32>
      %squeeze3A_587 = vector.extract %slice3A_586[0] : f32 from vector<1xf32>
      %slice3A_588 = vector.extract_strided_slice %get3A_73 {offsets = [13], sizes = [1], strides = [1]} : vector<16xf32> to vector<1xf32>
      %squeeze3A_589 = vector.extract %slice3A_588[0] : f32 from vector<1xf32>
      %slice3A_590 = vector.extract_strided_slice %get3A_78 {offsets = [13], sizes = [1], strides = [1]} : vector<16xf32> to vector<1xf32>
      %squeeze3A_591 = vector.extract %slice3A_590[0] : f32 from vector<1xf32>
      %slice3A_592 = vector.extract_strided_slice %get3A_83 {offsets = [13], sizes = [1], strides = [1]} : vector<16xf32> to vector<1xf32>
      %squeeze3A_593 = vector.extract %slice3A_592[0] : f32 from vector<1xf32>
      %slice3A_594 = vector.extract_strided_slice %get3A_88 {offsets = [13], sizes = [1], strides = [1]} : vector<16xf32> to vector<1xf32>
      %squeeze3A_595 = vector.extract %slice3A_594[0] : f32 from vector<1xf32>
      %slice3A_596 = vector.extract_strided_slice %get3A_73 {offsets = [14], sizes = [1], strides = [1]} : vector<16xf32> to vector<1xf32>
      %squeeze3A_597 = vector.extract %slice3A_596[0] : f32 from vector<1xf32>
      %slice3A_598 = vector.extract_strided_slice %get3A_78 {offsets = [14], sizes = [1], strides = [1]} : vector<16xf32> to vector<1xf32>
      %squeeze3A_599 = vector.extract %slice3A_598[0] : f32 from vector<1xf32>
      %slice3A_600 = vector.extract_strided_slice %get3A_83 {offsets = [14], sizes = [1], strides = [1]} : vector<16xf32> to vector<1xf32>
      %squeeze3A_601 = vector.extract %slice3A_600[0] : f32 from vector<1xf32>
      %slice3A_602 = vector.extract_strided_slice %get3A_88 {offsets = [14], sizes = [1], strides = [1]} : vector<16xf32> to vector<1xf32>
      %squeeze3A_603 = vector.extract %slice3A_602[0] : f32 from vector<1xf32>
      %slice3A_604 = vector.extract_strided_slice %get3A_73 {offsets = [15], sizes = [1], strides = [1]} : vector<16xf32> to vector<1xf32>
      %squeeze3A_605 = vector.extract %slice3A_604[0] : f32 from vector<1xf32>
      %slice3A_606 = vector.extract_strided_slice %get3A_78 {offsets = [15], sizes = [1], strides = [1]} : vector<16xf32> to vector<1xf32>
      %squeeze3A_607 = vector.extract %slice3A_606[0] : f32 from vector<1xf32>
      %slice3A_608 = vector.extract_strided_slice %get3A_83 {offsets = [15], sizes = [1], strides = [1]} : vector<16xf32> to vector<1xf32>
      %squeeze3A_609 = vector.extract %slice3A_608[0] : f32 from vector<1xf32>
      %slice3A_610 = vector.extract_strided_slice %get3A_88 {offsets = [15], sizes = [1], strides = [1]} : vector<16xf32> to vector<1xf32>
      %squeeze3A_611 = vector.extract %slice3A_610[0] : f32 from vector<1xf32>
      %broadcast_in_dim3A_612 = arith.constant 0x7F800000 : f32
      %broadcast_in_dim3A_613 = vector.broadcast %broadcast_in_dim3A_612 : f32 to vector<16xf32>
      %parallel_loop3A_614 = arith.constant 0 : i32
      %parallel_loop3A_615 = arith.constant 256 : i32
      %parallel_loop3A_616 = arith.constant 4 : i32
      %parallel_loop3A_617:4 = scf.for %parallel_loop3A_751 = %parallel_loop3A_614 to %parallel_loop3A_615 step %parallel_loop3A_616 iter_args(%parallel_loop3A_752 = %broadcast_in_dim3A_613, %parallel_loop3A_753 = %broadcast_in_dim3A_613, %parallel_loop3A_754 = %broadcast_in_dim3A_613, %parallel_loop3A_755 = %broadcast_in_dim3A_613) -> (vector<16xf32>, vector<16xf32>, vector<16xf32>, vector<16xf32>)  : i32 {
        %parallel_loop3A_756 = arith.constant 0 : i32
        %parallel_loop3A_757 = arith.addi %parallel_loop3A_751, %parallel_loop3A_756 : i32
        %parallel_loop3A_758 = arith.constant 16 : i32
        %parallel_loop3A_759 = arith.muli %parallel_loop3A_757, %parallel_loop3A_758 : i32
        %parallel_loop3A_760 = arith.constant 1 : i32
        %parallel_loop3A_761 = arith.addi %parallel_loop3A_751, %parallel_loop3A_760 : i32
        %parallel_loop3A_762 = arith.constant 16 : i32
        %parallel_loop3A_763 = arith.muli %parallel_loop3A_761, %parallel_loop3A_762 : i32
        %parallel_loop3A_764 = arith.constant 2 : i32
        %parallel_loop3A_765 = arith.addi %parallel_loop3A_751, %parallel_loop3A_764 : i32
        %parallel_loop3A_766 = arith.constant 16 : i32
        %parallel_loop3A_767 = arith.muli %parallel_loop3A_765, %parallel_loop3A_766 : i32
        %parallel_loop3A_768 = arith.constant 3 : i32
        %parallel_loop3A_769 = arith.addi %parallel_loop3A_751, %parallel_loop3A_768 : i32
        %parallel_loop3A_770 = arith.constant 16 : i32
        %parallel_loop3A_771 = arith.muli %parallel_loop3A_769, %parallel_loop3A_770 : i32
        %parallel_loop3A_772 = arith.constant 0 : i32
        %parallel_loop3A_773 = arith.index_cast %parallel_loop3A_772 : i32 to index
        %parallel_loop3A_774 = arith.index_cast %parallel_loop3A_759 : i32 to index
        %parallel_loop3A_775 = tpu.vector_load %arg7[%parallel_loop3A_773, %parallel_loop3A_774] {strides = array<i32>} : memref<4x4096xf32, #tpu.memory_space<vmem>>, vector<1x16xf32>,
        %parallel_loop3A_776 = vector.shape_cast %parallel_loop3A_775 : vector<1x16xf32> to vector<16xf32>
        %parallel_loop3A_777 = arith.constant 1 : i32
        %parallel_loop3A_778 = arith.index_cast %parallel_loop3A_777 : i32 to index
        %parallel_loop3A_779 = arith.index_cast %parallel_loop3A_759 : i32 to index
        %parallel_loop3A_780 = tpu.vector_load %arg7[%parallel_loop3A_778, %parallel_loop3A_779] {strides = array<i32>} : memref<4x4096xf32, #tpu.memory_space<vmem>>, vector<1x16xf32>,
        %parallel_loop3A_781 = vector.shape_cast %parallel_loop3A_780 : vector<1x16xf32> to vector<16xf32>
        %parallel_loop3A_782 = arith.constant 2 : i32
        %parallel_loop3A_783 = arith.index_cast %parallel_loop3A_782 : i32 to index
        %parallel_loop3A_784 = arith.index_cast %parallel_loop3A_759 : i32 to index
        %parallel_loop3A_785 = tpu.vector_load %arg7[%parallel_loop3A_783, %parallel_loop3A_784] {strides = array<i32>} : memref<4x4096xf32, #tpu.memory_space<vmem>>, vector<1x16xf32>,
        %parallel_loop3A_786 = vector.shape_cast %parallel_loop3A_785 : vector<1x16xf32> to vector<16xf32>
        %parallel_loop3A_787 = arith.constant 3 : i32
        %parallel_loop3A_788 = arith.index_cast %parallel_loop3A_787 : i32 to index
        %parallel_loop3A_789 = arith.index_cast %parallel_loop3A_759 : i32 to index
        %parallel_loop3A_790 = tpu.vector_load %arg7[%parallel_loop3A_788, %parallel_loop3A_789] {strides = array<i32>} : memref<4x4096xf32, #tpu.memory_space<vmem>>, vector<1x16xf32>,
        %parallel_loop3A_791 = vector.shape_cast %parallel_loop3A_790 : vector<1x16xf32> to vector<16xf32>
        %parallel_loop3A_792 = arith.constant 0 : i32
        %parallel_loop3A_793 = arith.index_cast %parallel_loop3A_792 : i32 to index
        %parallel_loop3A_794 = arith.index_cast %parallel_loop3A_763 : i32 to index
        %parallel_loop3A_795 = tpu.vector_load %arg7[%parallel_loop3A_793, %parallel_loop3A_794] {strides = array<i32>} : memref<4x4096xf32, #tpu.memory_space<vmem>>, vector<1x16xf32>,
        %parallel_loop3A_796 = vector.shape_cast %parallel_loop3A_795 : vector<1x16xf32> to vector<16xf32>
        %parallel_loop3A_797 = arith.constant 1 : i32
        %parallel_loop3A_798 = arith.index_cast %parallel_loop3A_797 : i32 to index
        %parallel_loop3A_799 = arith.index_cast %parallel_loop3A_763 : i32 to index
        %parallel_loop3A_800 = tpu.vector_load %arg7[%parallel_loop3A_798, %parallel_loop3A_799] {strides = array<i32>} : memref<4x4096xf32, #tpu.memory_space<vmem>>, vector<1x16xf32>,
        %parallel_loop3A_801 = vector.shape_cast %parallel_loop3A_800 : vector<1x16xf32> to vector<16xf32>
        %parallel_loop3A_802 = arith.constant 2 : i32
        %parallel_loop3A_803 = arith.index_cast %parallel_loop3A_802 : i32 to index
        %parallel_loop3A_804 = arith.index_cast %parallel_loop3A_763 : i32 to index
        %parallel_loop3A_805 = tpu.vector_load %arg7[%parallel_loop3A_803, %parallel_loop3A_804] {strides = array<i32>} : memref<4x4096xf32, #tpu.memory_space<vmem>>, vector<1x16xf32>,
        %parallel_loop3A_806 = vector.shape_cast %parallel_loop3A_805 : vector<1x16xf32> to vector<16xf32>
        %parallel_loop3A_807 = arith.constant 3 : i32
        %parallel_loop3A_808 = arith.index_cast %parallel_loop3A_807 : i32 to index
        %parallel_loop3A_809 = arith.index_cast %parallel_loop3A_763 : i32 to index
        %parallel_loop3A_810 = tpu.vector_load %arg7[%parallel_loop3A_808, %parallel_loop3A_809] {strides = array<i32>} : memref<4x4096xf32, #tpu.memory_space<vmem>>, vector<1x16xf32>,
        %parallel_loop3A_811 = vector.shape_cast %parallel_loop3A_810 : vector<1x16xf32> to vector<16xf32>
        %parallel_loop3A_812 = arith.constant 0 : i32
        %parallel_loop3A_813 = arith.index_cast %parallel_loop3A_812 : i32 to index
        %parallel_loop3A_814 = arith.index_cast %parallel_loop3A_767 : i32 to index
        %parallel_loop3A_815 = tpu.vector_load %arg7[%parallel_loop3A_813, %parallel_loop3A_814] {strides = array<i32>} : memref<4x4096xf32, #tpu.memory_space<vmem>>, vector<1x16xf32>,
        %parallel_loop3A_816 = vector.shape_cast %parallel_loop3A_815 : vector<1x16xf32> to vector<16xf32>
        %parallel_loop3A_817 = arith.constant 1 : i32
        %parallel_loop3A_818 = arith.index_cast %parallel_loop3A_817 : i32 to index
        %parallel_loop3A_819 = arith.index_cast %parallel_loop3A_767 : i32 to index
        %parallel_loop3A_820 = tpu.vector_load %arg7[%parallel_loop3A_818, %parallel_loop3A_819] {strides = array<i32>} : memref<4x4096xf32, #tpu.memory_space<vmem>>, vector<1x16xf32>,
        %parallel_loop3A_821 = vector.shape_cast %parallel_loop3A_820 : vector<1x16xf32> to vector<16xf32>
        %parallel_loop3A_822 = arith.constant 2 : i32
        %parallel_loop3A_823 = arith.index_cast %parallel_loop3A_822 : i32 to index
        %parallel_loop3A_824 = arith.index_cast %parallel_loop3A_767 : i32 to index
        %parallel_loop3A_825 = tpu.vector_load %arg7[%parallel_loop3A_823, %parallel_loop3A_824] {strides = array<i32>} : memref<4x4096xf32, #tpu.memory_space<vmem>>, vector<1x16xf32>,
        %parallel_loop3A_826 = vector.shape_cast %parallel_loop3A_825 : vector<1x16xf32> to vector<16xf32>
        %parallel_loop3A_827 = arith.constant 3 : i32
        %parallel_loop3A_828 = arith.index_cast %parallel_loop3A_827 : i32 to index
        %parallel_loop3A_829 = arith.index_cast %parallel_loop3A_767 : i32 to index
        %parallel_loop3A_830 = tpu.vector_load %arg7[%parallel_loop3A_828, %parallel_loop3A_829] {strides = array<i32>} : memref<4x4096xf32, #tpu.memory_space<vmem>>, vector<1x16xf32>,
        %parallel_loop3A_831 = vector.shape_cast %parallel_loop3A_830 : vector<1x16xf32> to vector<16xf32>
        %parallel_loop3A_832 = arith.constant 0 : i32
        %parallel_loop3A_833 = arith.index_cast %parallel_loop3A_832 : i32 to index
        %parallel_loop3A_834 = arith.index_cast %parallel_loop3A_771 : i32 to index
        %parallel_loop3A_835 = tpu.vector_load %arg7[%parallel_loop3A_833, %parallel_loop3A_834] {strides = array<i32>} : memref<4x4096xf32, #tpu.memory_space<vmem>>, vector<1x16xf32>,
        %parallel_loop3A_836 = vector.shape_cast %parallel_loop3A_835 : vector<1x16xf32> to vector<16xf32>
        %parallel_loop3A_837 = arith.constant 1 : i32
        %parallel_loop3A_838 = arith.index_cast %parallel_loop3A_837 : i32 to index
        %parallel_loop3A_839 = arith.index_cast %parallel_loop3A_771 : i32 to index
        %parallel_loop3A_840 = tpu.vector_load %arg7[%parallel_loop3A_838, %parallel_loop3A_839] {strides = array<i32>} : memref<4x4096xf32, #tpu.memory_space<vmem>>, vector<1x16xf32>,
        %parallel_loop3A_841 = vector.shape_cast %parallel_loop3A_840 : vector<1x16xf32> to vector<16xf32>
        %parallel_loop3A_842 = arith.constant 2 : i32
        %parallel_loop3A_843 = arith.index_cast %parallel_loop3A_842 : i32 to index
        %parallel_loop3A_844 = arith.index_cast %parallel_loop3A_771 : i32 to index
        %parallel_loop3A_845 = tpu.vector_load %arg7[%parallel_loop3A_843, %parallel_loop3A_844] {strides = array<i32>} : memref<4x4096xf32, #tpu.memory_space<vmem>>, vector<1x16xf32>,
        %parallel_loop3A_846 = vector.shape_cast %parallel_loop3A_845 : vector<1x16xf32> to vector<16xf32>
        %parallel_loop3A_847 = arith.constant 3 : i32
        %parallel_loop3A_848 = arith.index_cast %parallel_loop3A_847 : i32 to index
        %parallel_loop3A_849 = arith.index_cast %parallel_loop3A_771 : i32 to index
        %parallel_loop3A_850 = tpu.vector_load %arg7[%parallel_loop3A_848, %parallel_loop3A_849] {strides = array<i32>} : memref<4x4096xf32, #tpu.memory_space<vmem>>, vector<1x16xf32>,
        %parallel_loop3A_851 = vector.shape_cast %parallel_loop3A_850 : vector<1x16xf32> to vector<16xf32>
        %parallel_loop3A_852 = arith.index_cast %parallel_loop3A_759 : i32 to index
        %parallel_loop3A_853 = tpu.vector_load %arg10[%parallel_loop3A_852] {strides = array<i32>} : memref<4096xf32, #tpu.memory_space<vmem>>, vector<16xf32>,
        %parallel_loop3A_854 = vector.shape_cast %parallel_loop3A_853 : vector<16xf32> to vector<16xf32>
        %parallel_loop3A_855 = arith.index_cast %parallel_loop3A_763 : i32 to index
        %parallel_loop3A_856 = tpu.vector_load %arg10[%parallel_loop3A_855] {strides = array<i32>} : memref<4096xf32, #tpu.memory_space<vmem>>, vector<16xf32>,
        %parallel_loop3A_857 = vector.shape_cast %parallel_loop3A_856 : vector<16xf32> to vector<16xf32>
        %parallel_loop3A_858 = arith.index_cast %parallel_loop3A_767 : i32 to index
        %parallel_loop3A_859 = tpu.vector_load %arg10[%parallel_loop3A_858] {strides = array<i32>} : memref<4096xf32, #tpu.memory_space<vmem>>, vector<16xf32>,
        %parallel_loop3A_860 = vector.shape_cast %parallel_loop3A_859 : vector<16xf32> to vector<16xf32>
        %parallel_loop3A_861 = arith.index_cast %parallel_loop3A_771 : i32 to index
        %parallel_loop3A_862 = tpu.vector_load %arg10[%parallel_loop3A_861] {strides = array<i32>} : memref<4096xf32, #tpu.memory_space<vmem>>, vector<16xf32>,
        %parallel_loop3A_863 = vector.shape_cast %parallel_loop3A_862 : vector<16xf32> to vector<16xf32>
        %parallel_loop3A_864 = vector.broadcast %squeeze3A_581 : f32 to vector<16xf32>
        %parallel_loop3A_865 = arith.mulf %parallel_loop3A_776, %parallel_loop3A_864 : vector<16xf32>
        %parallel_loop3A_866 = vector.broadcast %squeeze3A_583 : f32 to vector<16xf32>
        %parallel_loop3A_867 = arith.mulf %parallel_loop3A_781, %parallel_loop3A_866 : vector<16xf32>
        %parallel_loop3A_868 = vector.broadcast %squeeze3A_585 : f32 to vector<16xf32>
        %parallel_loop3A_869 = arith.mulf %parallel_loop3A_786, %parallel_loop3A_868 : vector<16xf32>
        %parallel_loop3A_870 = vector.broadcast %squeeze3A_589 : f32 to vector<16xf32>
        %parallel_loop3A_871 = arith.mulf %parallel_loop3A_776, %parallel_loop3A_870 : vector<16xf32>
        %parallel_loop3A_872 = vector.broadcast %squeeze3A_591 : f32 to vector<16xf32>
        %parallel_loop3A_873 = arith.mulf %parallel_loop3A_781, %parallel_loop3A_872 : vector<16xf32>
        %parallel_loop3A_874 = vector.broadcast %squeeze3A_593 : f32 to vector<16xf32>
        %parallel_loop3A_875 = arith.mulf %parallel_loop3A_786, %parallel_loop3A_874 : vector<16xf32>
        %parallel_loop3A_876 = vector.broadcast %squeeze3A_597 : f32 to vector<16xf32>
        %parallel_loop3A_877 = arith.mulf %parallel_loop3A_776, %parallel_loop3A_876 : vector<16xf32>
        %parallel_loop3A_878 = vector.broadcast %squeeze3A_599 : f32 to vector<16xf32>
        %parallel_loop3A_879 = arith.mulf %parallel_loop3A_781, %parallel_loop3A_878 : vector<16xf32>
        %parallel_loop3A_880 = vector.broadcast %squeeze3A_601 : f32 to vector<16xf32>
        %parallel_loop3A_881 = arith.mulf %parallel_loop3A_786, %parallel_loop3A_880 : vector<16xf32>
        %parallel_loop3A_882 = vector.broadcast %squeeze3A_605 : f32 to vector<16xf32>
        %parallel_loop3A_883 = arith.mulf %parallel_loop3A_776, %parallel_loop3A_882 : vector<16xf32>
        %parallel_loop3A_884 = vector.broadcast %squeeze3A_607 : f32 to vector<16xf32>
        %parallel_loop3A_885 = arith.mulf %parallel_loop3A_781, %parallel_loop3A_884 : vector<16xf32>
        %parallel_loop3A_886 = vector.broadcast %squeeze3A_609 : f32 to vector<16xf32>
        %parallel_loop3A_887 = arith.mulf %parallel_loop3A_786, %parallel_loop3A_886 : vector<16xf32>
        %parallel_loop3A_888 = vector.broadcast %squeeze3A_581 : f32 to vector<16xf32>
        %parallel_loop3A_889 = arith.mulf %parallel_loop3A_796, %parallel_loop3A_888 : vector<16xf32>
        %parallel_loop3A_890 = vector.broadcast %squeeze3A_583 : f32 to vector<16xf32>
        %parallel_loop3A_891 = arith.mulf %parallel_loop3A_801, %parallel_loop3A_890 : vector<16xf32>
        %parallel_loop3A_892 = vector.broadcast %squeeze3A_585 : f32 to vector<16xf32>
        %parallel_loop3A_893 = arith.mulf %parallel_loop3A_806, %parallel_loop3A_892 : vector<16xf32>
        %parallel_loop3A_894 = vector.broadcast %squeeze3A_589 : f32 to vector<16xf32>
        %parallel_loop3A_895 = arith.mulf %parallel_loop3A_796, %parallel_loop3A_894 : vector<16xf32>
        %parallel_loop3A_896 = vector.broadcast %squeeze3A_591 : f32 to vector<16xf32>
        %parallel_loop3A_897 = arith.mulf %parallel_loop3A_801, %parallel_loop3A_896 : vector<16xf32>
        %parallel_loop3A_898 = vector.broadcast %squeeze3A_593 : f32 to vector<16xf32>
        %parallel_loop3A_899 = arith.mulf %parallel_loop3A_806, %parallel_loop3A_898 : vector<16xf32>
        %parallel_loop3A_900 = vector.broadcast %squeeze3A_597 : f32 to vector<16xf32>
        %parallel_loop3A_901 = arith.mulf %parallel_loop3A_796, %parallel_loop3A_900 : vector<16xf32>
        %parallel_loop3A_902 = vector.broadcast %squeeze3A_599 : f32 to vector<16xf32>
        %parallel_loop3A_903 = arith.mulf %parallel_loop3A_801, %parallel_loop3A_902 : vector<16xf32>
        %parallel_loop3A_904 = vector.broadcast %squeeze3A_601 : f32 to vector<16xf32>
        %parallel_loop3A_905 = arith.mulf %parallel_loop3A_806, %parallel_loop3A_904 : vector<16xf32>
        %parallel_loop3A_906 = vector.broadcast %squeeze3A_605 : f32 to vector<16xf32>
        %parallel_loop3A_907 = arith.mulf %parallel_loop3A_796, %parallel_loop3A_906 : vector<16xf32>
        %parallel_loop3A_908 = vector.broadcast %squeeze3A_607 : f32 to vector<16xf32>
        %parallel_loop3A_909 = arith.mulf %parallel_loop3A_801, %parallel_loop3A_908 : vector<16xf32>
        %parallel_loop3A_910 = vector.broadcast %squeeze3A_609 : f32 to vector<16xf32>
        %parallel_loop3A_911 = arith.mulf %parallel_loop3A_806, %parallel_loop3A_910 : vector<16xf32>
        %parallel_loop3A_912 = vector.broadcast %squeeze3A_581 : f32 to vector<16xf32>
        %parallel_loop3A_913 = arith.mulf %parallel_loop3A_816, %parallel_loop3A_912 : vector<16xf32>
        %parallel_loop3A_914 = vector.broadcast %squeeze3A_583 : f32 to vector<16xf32>
        %parallel_loop3A_915 = arith.mulf %parallel_loop3A_821, %parallel_loop3A_914 : vector<16xf32>
        %parallel_loop3A_916 = vector.broadcast %squeeze3A_585 : f32 to vector<16xf32>
        %parallel_loop3A_917 = arith.mulf %parallel_loop3A_826, %parallel_loop3A_916 : vector<16xf32>
        %parallel_loop3A_918 = vector.broadcast %squeeze3A_589 : f32 to vector<16xf32>
        %parallel_loop3A_919 = arith.mulf %parallel_loop3A_816, %parallel_loop3A_918 : vector<16xf32>
        %parallel_loop3A_920 = vector.broadcast %squeeze3A_591 : f32 to vector<16xf32>
        %parallel_loop3A_921 = arith.mulf %parallel_loop3A_821, %parallel_loop3A_920 : vector<16xf32>
        %parallel_loop3A_922 = vector.broadcast %squeeze3A_593 : f32 to vector<16xf32>
        %parallel_loop3A_923 = arith.mulf %parallel_loop3A_826, %parallel_loop3A_922 : vector<16xf32>
        %parallel_loop3A_924 = vector.broadcast %squeeze3A_597 : f32 to vector<16xf32>
        %parallel_loop3A_925 = arith.mulf %parallel_loop3A_816, %parallel_loop3A_924 : vector<16xf32>
        %parallel_loop3A_926 = vector.broadcast %squeeze3A_599 : f32 to vector<16xf32>
        %parallel_loop3A_927 = arith.mulf %parallel_loop3A_821, %parallel_loop3A_926 : vector<16xf32>
        %parallel_loop3A_928 = vector.broadcast %squeeze3A_601 : f32 to vector<16xf32>
        %parallel_loop3A_929 = arith.mulf %parallel_loop3A_826, %parallel_loop3A_928 : vector<16xf32>
        %parallel_loop3A_930 = vector.broadcast %squeeze3A_605 : f32 to vector<16xf32>
        %parallel_loop3A_931 = arith.mulf %parallel_loop3A_816, %parallel_loop3A_930 : vector<16xf32>
        %parallel_loop3A_932 = vector.broadcast %squeeze3A_607 : f32 to vector<16xf32>
        %parallel_loop3A_933 = arith.mulf %parallel_loop3A_821, %parallel_loop3A_932 : vector<16xf32>
        %parallel_loop3A_934 = vector.broadcast %squeeze3A_609 : f32 to vector<16xf32>
        %parallel_loop3A_935 = arith.mulf %parallel_loop3A_826, %parallel_loop3A_934 : vector<16xf32>
        %parallel_loop3A_936 = vector.broadcast %squeeze3A_581 : f32 to vector<16xf32>
        %parallel_loop3A_937 = arith.mulf %parallel_loop3A_836, %parallel_loop3A_936 : vector<16xf32>
        %parallel_loop3A_938 = vector.broadcast %squeeze3A_583 : f32 to vector<16xf32>
        %parallel_loop3A_939 = arith.mulf %parallel_loop3A_841, %parallel_loop3A_938 : vector<16xf32>
        %parallel_loop3A_940 = vector.broadcast %squeeze3A_585 : f32 to vector<16xf32>
        %parallel_loop3A_941 = arith.mulf %parallel_loop3A_846, %parallel_loop3A_940 : vector<16xf32>
        %parallel_loop3A_942 = vector.broadcast %squeeze3A_589 : f32 to vector<16xf32>
        %parallel_loop3A_943 = arith.mulf %parallel_loop3A_836, %parallel_loop3A_942 : vector<16xf32>
        %parallel_loop3A_944 = vector.broadcast %squeeze3A_591 : f32 to vector<16xf32>
        %parallel_loop3A_945 = arith.mulf %parallel_loop3A_841, %parallel_loop3A_944 : vector<16xf32>
        %parallel_loop3A_946 = vector.broadcast %squeeze3A_593 : f32 to vector<16xf32>
        %parallel_loop3A_947 = arith.mulf %parallel_loop3A_846, %parallel_loop3A_946 : vector<16xf32>
        %parallel_loop3A_948 = vector.broadcast %squeeze3A_597 : f32 to vector<16xf32>
        %parallel_loop3A_949 = arith.mulf %parallel_loop3A_836, %parallel_loop3A_948 : vector<16xf32>
        %parallel_loop3A_950 = vector.broadcast %squeeze3A_599 : f32 to vector<16xf32>
        %parallel_loop3A_951 = arith.mulf %parallel_loop3A_841, %parallel_loop3A_950 : vector<16xf32>
        %parallel_loop3A_952 = vector.broadcast %squeeze3A_601 : f32 to vector<16xf32>
        %parallel_loop3A_953 = arith.mulf %parallel_loop3A_846, %parallel_loop3A_952 : vector<16xf32>
        %parallel_loop3A_954 = vector.broadcast %squeeze3A_605 : f32 to vector<16xf32>
        %parallel_loop3A_955 = arith.mulf %parallel_loop3A_836, %parallel_loop3A_954 : vector<16xf32>
        %parallel_loop3A_956 = vector.broadcast %squeeze3A_607 : f32 to vector<16xf32>
        %parallel_loop3A_957 = arith.mulf %parallel_loop3A_841, %parallel_loop3A_956 : vector<16xf32>
        %parallel_loop3A_958 = vector.broadcast %squeeze3A_609 : f32 to vector<16xf32>
        %parallel_loop3A_959 = arith.mulf %parallel_loop3A_846, %parallel_loop3A_958 : vector<16xf32>
        %parallel_loop3A_960 = arith.addf %parallel_loop3A_791, %parallel_loop3A_869 : vector<16xf32>
        %parallel_loop3A_961 = arith.addf %parallel_loop3A_865, %parallel_loop3A_867 : vector<16xf32>
        %parallel_loop3A_962 = arith.addf %parallel_loop3A_960, %parallel_loop3A_961 : vector<16xf32>
        %parallel_loop3A_963 = arith.addf %parallel_loop3A_791, %parallel_loop3A_875 : vector<16xf32>
        %parallel_loop3A_964 = arith.addf %parallel_loop3A_871, %parallel_loop3A_873 : vector<16xf32>
        %parallel_loop3A_965 = arith.addf %parallel_loop3A_963, %parallel_loop3A_964 : vector<16xf32>
        %parallel_loop3A_966 = arith.addf %parallel_loop3A_791, %parallel_loop3A_881 : vector<16xf32>
        %parallel_loop3A_967 = arith.addf %parallel_loop3A_877, %parallel_loop3A_879 : vector<16xf32>
        %parallel_loop3A_968 = arith.addf %parallel_loop3A_966, %parallel_loop3A_967 : vector<16xf32>
        %parallel_loop3A_969 = arith.addf %parallel_loop3A_791, %parallel_loop3A_887 : vector<16xf32>
        %parallel_loop3A_970 = arith.addf %parallel_loop3A_883, %parallel_loop3A_885 : vector<16xf32>
        %parallel_loop3A_971 = arith.addf %parallel_loop3A_969, %parallel_loop3A_970 : vector<16xf32>
        %parallel_loop3A_972 = arith.addf %parallel_loop3A_811, %parallel_loop3A_893 : vector<16xf32>
        %parallel_loop3A_973 = arith.addf %parallel_loop3A_889, %parallel_loop3A_891 : vector<16xf32>
        %parallel_loop3A_974 = arith.addf %parallel_loop3A_972, %parallel_loop3A_973 : vector<16xf32>
        %parallel_loop3A_975 = arith.addf %parallel_loop3A_811, %parallel_loop3A_899 : vector<16xf32>
        %parallel_loop3A_976 = arith.addf %parallel_loop3A_895, %parallel_loop3A_897 : vector<16xf32>
        %parallel_loop3A_977 = arith.addf %parallel_loop3A_975, %parallel_loop3A_976 : vector<16xf32>
        %parallel_loop3A_978 = arith.addf %parallel_loop3A_811, %parallel_loop3A_905 : vector<16xf32>
        %parallel_loop3A_979 = arith.addf %parallel_loop3A_901, %parallel_loop3A_903 : vector<16xf32>
        %parallel_loop3A_980 = arith.addf %parallel_loop3A_978, %parallel_loop3A_979 : vector<16xf32>
        %parallel_loop3A_981 = arith.addf %parallel_loop3A_811, %parallel_loop3A_911 : vector<16xf32>
        %parallel_loop3A_982 = arith.addf %parallel_loop3A_907, %parallel_loop3A_909 : vector<16xf32>
        %parallel_loop3A_983 = arith.addf %parallel_loop3A_981, %parallel_loop3A_982 : vector<16xf32>
        %parallel_loop3A_984 = arith.addf %parallel_loop3A_831, %parallel_loop3A_917 : vector<16xf32>
        %parallel_loop3A_985 = arith.addf %parallel_loop3A_913, %parallel_loop3A_915 : vector<16xf32>
        %parallel_loop3A_986 = arith.addf %parallel_loop3A_984, %parallel_loop3A_985 : vector<16xf32>
        %parallel_loop3A_987 = arith.addf %parallel_loop3A_831, %parallel_loop3A_923 : vector<16xf32>
        %parallel_loop3A_988 = arith.addf %parallel_loop3A_919, %parallel_loop3A_921 : vector<16xf32>
        %parallel_loop3A_989 = arith.addf %parallel_loop3A_987, %parallel_loop3A_988 : vector<16xf32>
        %parallel_loop3A_990 = arith.addf %parallel_loop3A_831, %parallel_loop3A_929 : vector<16xf32>
        %parallel_loop3A_991 = arith.addf %parallel_loop3A_925, %parallel_loop3A_927 : vector<16xf32>
        %parallel_loop3A_992 = arith.addf %parallel_loop3A_990, %parallel_loop3A_991 : vector<16xf32>
        %parallel_loop3A_993 = arith.addf %parallel_loop3A_831, %parallel_loop3A_935 : vector<16xf32>
        %parallel_loop3A_994 = arith.addf %parallel_loop3A_931, %parallel_loop3A_933 : vector<16xf32>
        %parallel_loop3A_995 = arith.addf %parallel_loop3A_993, %parallel_loop3A_994 : vector<16xf32>
        %parallel_loop3A_996 = arith.addf %parallel_loop3A_851, %parallel_loop3A_941 : vector<16xf32>
        %parallel_loop3A_997 = arith.addf %parallel_loop3A_937, %parallel_loop3A_939 : vector<16xf32>
        %parallel_loop3A_998 = arith.addf %parallel_loop3A_996, %parallel_loop3A_997 : vector<16xf32>
        %parallel_loop3A_999 = arith.addf %parallel_loop3A_851, %parallel_loop3A_947 : vector<16xf32>
        %parallel_loop3A_1000 = arith.addf %parallel_loop3A_943, %parallel_loop3A_945 : vector<16xf32>
        %parallel_loop3A_1001 = arith.addf %parallel_loop3A_999, %parallel_loop3A_1000 : vector<16xf32>
        %parallel_loop3A_1002 = arith.addf %parallel_loop3A_851, %parallel_loop3A_953 : vector<16xf32>
        %parallel_loop3A_1003 = arith.addf %parallel_loop3A_949, %parallel_loop3A_951 : vector<16xf32>
        %parallel_loop3A_1004 = arith.addf %parallel_loop3A_1002, %parallel_loop3A_1003 : vector<16xf32>
        %parallel_loop3A_1005 = arith.addf %parallel_loop3A_851, %parallel_loop3A_959 : vector<16xf32>
        %parallel_loop3A_1006 = arith.addf %parallel_loop3A_955, %parallel_loop3A_957 : vector<16xf32>
        %parallel_loop3A_1007 = arith.addf %parallel_loop3A_1005, %parallel_loop3A_1006 : vector<16xf32>
        %parallel_loop3A_1008 = arith.minimumf %parallel_loop3A_752, %parallel_loop3A_962 : vector<16xf32>
        %parallel_loop3A_1009 = arith.minimumf %parallel_loop3A_1008, %parallel_loop3A_974 : vector<16xf32>
        %parallel_loop3A_1010 = arith.minimumf %parallel_loop3A_1009, %parallel_loop3A_986 : vector<16xf32>
        %parallel_loop3A_1011 = arith.minimumf %parallel_loop3A_1010, %parallel_loop3A_998 : vector<16xf32>
        %parallel_loop3A_1012 = arith.minimumf %parallel_loop3A_753, %parallel_loop3A_965 : vector<16xf32>
        %parallel_loop3A_1013 = arith.minimumf %parallel_loop3A_1012, %parallel_loop3A_977 : vector<16xf32>
        %parallel_loop3A_1014 = arith.minimumf %parallel_loop3A_1013, %parallel_loop3A_989 : vector<16xf32>
        %parallel_loop3A_1015 = arith.minimumf %parallel_loop3A_1014, %parallel_loop3A_1001 : vector<16xf32>
        %parallel_loop3A_1016 = arith.minimumf %parallel_loop3A_754, %parallel_loop3A_968 : vector<16xf32>
        %parallel_loop3A_1017 = arith.minimumf %parallel_loop3A_1016, %parallel_loop3A_980 : vector<16xf32>
        %parallel_loop3A_1018 = arith.minimumf %parallel_loop3A_1017, %parallel_loop3A_992 : vector<16xf32>
        %parallel_loop3A_1019 = arith.minimumf %parallel_loop3A_1018, %parallel_loop3A_1004 : vector<16xf32>
        %parallel_loop3A_1020 = arith.minimumf %parallel_loop3A_755, %parallel_loop3A_971 : vector<16xf32>
        %parallel_loop3A_1021 = arith.minimumf %parallel_loop3A_1020, %parallel_loop3A_983 : vector<16xf32>
        %parallel_loop3A_1022 = arith.minimumf %parallel_loop3A_1021, %parallel_loop3A_995 : vector<16xf32>
        %parallel_loop3A_1023 = arith.minimumf %parallel_loop3A_1022, %parallel_loop3A_1007 : vector<16xf32>
        %parallel_loop3A_1024 = vector.broadcast %squeeze3A_587 : f32 to vector<16xf32>
        %parallel_loop3A_1025 = arith.addf %parallel_loop3A_962, %parallel_loop3A_1024 : vector<16xf32>
        %parallel_loop3A_1026 = vector.broadcast %squeeze3A_595 : f32 to vector<16xf32>
        %parallel_loop3A_1027 = arith.addf %parallel_loop3A_965, %parallel_loop3A_1026 : vector<16xf32>
        %parallel_loop3A_1028 = vector.broadcast %squeeze3A_603 : f32 to vector<16xf32>
        %parallel_loop3A_1029 = arith.addf %parallel_loop3A_968, %parallel_loop3A_1028 : vector<16xf32>
        %parallel_loop3A_1030 = vector.broadcast %squeeze3A_611 : f32 to vector<16xf32>
        %parallel_loop3A_1031 = arith.addf %parallel_loop3A_971, %parallel_loop3A_1030 : vector<16xf32>
        %parallel_loop3A_1032 = arith.minimumf %parallel_loop3A_1025, %parallel_loop3A_1027 : vector<16xf32>
        %parallel_loop3A_1033 = arith.minimumf %parallel_loop3A_1029, %parallel_loop3A_1031 : vector<16xf32>
        %parallel_loop3A_1034 = arith.minimumf %parallel_loop3A_1032, %parallel_loop3A_1033 : vector<16xf32>
        %parallel_loop3A_1035 = arith.minimumf %parallel_loop3A_854, %parallel_loop3A_1034 : vector<16xf32>
        %parallel_loop3A_1036 = arith.index_cast %parallel_loop3A_759 : i32 to index
        %parallel_loop3A_1037 = tpu.vector_load %arg10[%parallel_loop3A_1036] {strides = array<i32>} : memref<4096xf32, #tpu.memory_space<vmem>>, vector<16xf32>,
        %parallel_loop3A_1038 = vector.shape_cast %parallel_loop3A_1037 : vector<16xf32> to vector<16xf32>
        %parallel_loop3A_1039 = vector.shape_cast %parallel_loop3A_1035 : vector<16xf32> to vector<16xf32>
        tpu.vector_store %arg10[%parallel_loop3A_1036], %parallel_loop3A_1039 {strides = array<i32>} : memref<4096xf32, #tpu.memory_space<vmem>>, vector<16xf32>,
        %parallel_loop3A_1040 = vector.broadcast %squeeze3A_587 : f32 to vector<16xf32>
        %parallel_loop3A_1041 = arith.addf %parallel_loop3A_974, %parallel_loop3A_1040 : vector<16xf32>
        %parallel_loop3A_1042 = vector.broadcast %squeeze3A_595 : f32 to vector<16xf32>
        %parallel_loop3A_1043 = arith.addf %parallel_loop3A_977, %parallel_loop3A_1042 : vector<16xf32>
        %parallel_loop3A_1044 = vector.broadcast %squeeze3A_603 : f32 to vector<16xf32>
        %parallel_loop3A_1045 = arith.addf %parallel_loop3A_980, %parallel_loop3A_1044 : vector<16xf32>
        %parallel_loop3A_1046 = vector.broadcast %squeeze3A_611 : f32 to vector<16xf32>
        %parallel_loop3A_1047 = arith.addf %parallel_loop3A_983, %parallel_loop3A_1046 : vector<16xf32>
        %parallel_loop3A_1048 = arith.minimumf %parallel_loop3A_1041, %parallel_loop3A_1043 : vector<16xf32>
        %parallel_loop3A_1049 = arith.minimumf %parallel_loop3A_1045, %parallel_loop3A_1047 : vector<16xf32>
        %parallel_loop3A_1050 = arith.minimumf %parallel_loop3A_1048, %parallel_loop3A_1049 : vector<16xf32>
        %parallel_loop3A_1051 = arith.minimumf %parallel_loop3A_857, %parallel_loop3A_1050 : vector<16xf32>
        %parallel_loop3A_1052 = arith.index_cast %parallel_loop3A_763 : i32 to index
        %parallel_loop3A_1053 = tpu.vector_load %arg10[%parallel_loop3A_1052] {strides = array<i32>} : memref<4096xf32, #tpu.memory_space<vmem>>, vector<16xf32>,
        %parallel_loop3A_1054 = vector.shape_cast %parallel_loop3A_1053 : vector<16xf32> to vector<16xf32>
        %parallel_loop3A_1055 = vector.shape_cast %parallel_loop3A_1051 : vector<16xf32> to vector<16xf32>
        tpu.vector_store %arg10[%parallel_loop3A_1052], %parallel_loop3A_1055 {strides = array<i32>} : memref<4096xf32, #tpu.memory_space<vmem>>, vector<16xf32>,
        %parallel_loop3A_1056 = vector.broadcast %squeeze3A_587 : f32 to vector<16xf32>
        %parallel_loop3A_1057 = arith.addf %parallel_loop3A_986, %parallel_loop3A_1056 : vector<16xf32>
        %parallel_loop3A_1058 = vector.broadcast %squeeze3A_595 : f32 to vector<16xf32>
        %parallel_loop3A_1059 = arith.addf %parallel_loop3A_989, %parallel_loop3A_1058 : vector<16xf32>
        %parallel_loop3A_1060 = vector.broadcast %squeeze3A_603 : f32 to vector<16xf32>
        %parallel_loop3A_1061 = arith.addf %parallel_loop3A_992, %parallel_loop3A_1060 : vector<16xf32>
        %parallel_loop3A_1062 = vector.broadcast %squeeze3A_611 : f32 to vector<16xf32>
        %parallel_loop3A_1063 = arith.addf %parallel_loop3A_995, %parallel_loop3A_1062 : vector<16xf32>
        %parallel_loop3A_1064 = arith.minimumf %parallel_loop3A_1057, %parallel_loop3A_1059 : vector<16xf32>
        %parallel_loop3A_1065 = arith.minimumf %parallel_loop3A_1061, %parallel_loop3A_1063 : vector<16xf32>
        %parallel_loop3A_1066 = arith.minimumf %parallel_loop3A_1064, %parallel_loop3A_1065 : vector<16xf32>
        %parallel_loop3A_1067 = arith.minimumf %parallel_loop3A_860, %parallel_loop3A_1066 : vector<16xf32>
        %parallel_loop3A_1068 = arith.index_cast %parallel_loop3A_767 : i32 to index
        %parallel_loop3A_1069 = tpu.vector_load %arg10[%parallel_loop3A_1068] {strides = array<i32>} : memref<4096xf32, #tpu.memory_space<vmem>>, vector<16xf32>,
        %parallel_loop3A_1070 = vector.shape_cast %parallel_loop3A_1069 : vector<16xf32> to vector<16xf32>
        %parallel_loop3A_1071 = vector.shape_cast %parallel_loop3A_1067 : vector<16xf32> to vector<16xf32>
        tpu.vector_store %arg10[%parallel_loop3A_1068], %parallel_loop3A_1071 {strides = array<i32>} : memref<4096xf32, #tpu.memory_space<vmem>>, vector<16xf32>,
        %parallel_loop3A_1072 = vector.broadcast %squeeze3A_587 : f32 to vector<16xf32>
        %parallel_loop3A_1073 = arith.addf %parallel_loop3A_998, %parallel_loop3A_1072 : vector<16xf32>
        %parallel_loop3A_1074 = vector.broadcast %squeeze3A_595 : f32 to vector<16xf32>
        %parallel_loop3A_1075 = arith.addf %parallel_loop3A_1001, %parallel_loop3A_1074 : vector<16xf32>
        %parallel_loop3A_1076 = vector.broadcast %squeeze3A_603 : f32 to vector<16xf32>
        %parallel_loop3A_1077 = arith.addf %parallel_loop3A_1004, %parallel_loop3A_1076 : vector<16xf32>
        %parallel_loop3A_1078 = vector.broadcast %squeeze3A_611 : f32 to vector<16xf32>
        %parallel_loop3A_1079 = arith.addf %parallel_loop3A_1007, %parallel_loop3A_1078 : vector<16xf32>
        %parallel_loop3A_1080 = arith.minimumf %parallel_loop3A_1073, %parallel_loop3A_1075 : vector<16xf32>
        %parallel_loop3A_1081 = arith.minimumf %parallel_loop3A_1077, %parallel_loop3A_1079 : vector<16xf32>
        %parallel_loop3A_1082 = arith.minimumf %parallel_loop3A_1080, %parallel_loop3A_1081 : vector<16xf32>
        %parallel_loop3A_1083 = arith.minimumf %parallel_loop3A_863, %parallel_loop3A_1082 : vector<16xf32>
        %parallel_loop3A_1084 = arith.index_cast %parallel_loop3A_771 : i32 to index
        %parallel_loop3A_1085 = tpu.vector_load %arg10[%parallel_loop3A_1084] {strides = array<i32>} : memref<4096xf32, #tpu.memory_space<vmem>>, vector<16xf32>,
        %parallel_loop3A_1086 = vector.shape_cast %parallel_loop3A_1085 : vector<16xf32> to vector<16xf32>
        %parallel_loop3A_1087 = vector.shape_cast %parallel_loop3A_1083 : vector<16xf32> to vector<16xf32>
        tpu.vector_store %arg10[%parallel_loop3A_1084], %parallel_loop3A_1087 {strides = array<i32>} : memref<4096xf32, #tpu.memory_space<vmem>>, vector<16xf32>,
        scf.yield %parallel_loop3A_1011, %parallel_loop3A_1015, %parallel_loop3A_1019, %parallel_loop3A_1023 : vector<16xf32>, vector<16xf32>, vector<16xf32>, vector<16xf32>
      } {sc.loop_unroll_factor = 1 : i64, sc.parallel_access}
      %xor3A_618 = arith.constant 8 : i32
      %xor3A_619 = vector.broadcast %xor3A_618 : i32 to vector<16xi32>
      %xor3A_620 = arith.xori %iota3A, %xor3A_619 : vector<16xi32>
      %broadcast_in_dim3A_621 = vector.shape_cast %xor3A_620 : vector<16xi32> to vector<16x1xi32>
      %gather3A_622 = vector.shape_cast %broadcast_in_dim3A_621 : vector<16x1xi32> to vector<16xi32>
      %gather3A_623 = tpu.dynamic_gather %parallel_loop3A_617#0[%gather3A_622] in [0] : vector<16xf32>, vector<16xi32> -> vector<16xf32>
      %min3A_624 = arith.minimumf %parallel_loop3A_617#0, %gather3A_623 : vector<16xf32>
      %xor3A_625 = arith.constant 4 : i32
      %xor3A_626 = vector.broadcast %xor3A_625 : i32 to vector<16xi32>
      %xor3A_627 = arith.xori %iota3A, %xor3A_626 : vector<16xi32>
      %broadcast_in_dim3A_628 = vector.shape_cast %xor3A_627 : vector<16xi32> to vector<16x1xi32>
      %gather3A_629 = vector.shape_cast %broadcast_in_dim3A_628 : vector<16x1xi32> to vector<16xi32>
      %gather3A_630 = tpu.dynamic_gather %min3A_624[%gather3A_629] in [0] : vector<16xf32>, vector<16xi32> -> vector<16xf32>
      %min3A_631 = arith.minimumf %min3A_624, %gather3A_630 : vector<16xf32>
      %xor3A_632 = arith.constant 2 : i32
      %xor3A_633 = vector.broadcast %xor3A_632 : i32 to vector<16xi32>
      %xor3A_634 = arith.xori %iota3A, %xor3A_633 : vector<16xi32>
      %broadcast_in_dim3A_635 = vector.shape_cast %xor3A_634 : vector<16xi32> to vector<16x1xi32>
      %gather3A_636 = vector.shape_cast %broadcast_in_dim3A_635 : vector<16x1xi32> to vector<16xi32>
      %gather3A_637 = tpu.dynamic_gather %min3A_631[%gather3A_636] in [0] : vector<16xf32>, vector<16xi32> -> vector<16xf32>
      %min3A_638 = arith.minimumf %min3A_631, %gather3A_637 : vector<16xf32>
      %xor3A_639 = arith.constant 1 : i32
      %xor3A_640 = vector.broadcast %xor3A_639 : i32 to vector<16xi32>
      %xor3A_641 = arith.xori %iota3A, %xor3A_640 : vector<16xi32>
      %broadcast_in_dim3A_642 = vector.shape_cast %xor3A_641 : vector<16xi32> to vector<16x1xi32>
      %gather3A_643 = vector.shape_cast %broadcast_in_dim3A_642 : vector<16x1xi32> to vector<16xi32>
      %gather3A_644 = tpu.dynamic_gather %min3A_638[%gather3A_643] in [0] : vector<16xf32>, vector<16xi32> -> vector<16xf32>
      %min3A_645 = arith.minimumf %min3A_638, %gather3A_644 : vector<16xf32>
      %eq3A_646 = arith.constant 12 : i32
      %eq3A_647 = vector.broadcast %eq3A_646 : i32 to vector<16xi32>
      %eq3A_648 = arith.cmpi eq, %iota3A, %eq3A_647 : vector<16xi32>
      %select_n3A_649 = arith.select %eq3A_648, %min3A_645, %select_n3A_579 : vector<16xi1>, vector<16xf32>
      %xor3A_650 = arith.constant 8 : i32
      %xor3A_651 = vector.broadcast %xor3A_650 : i32 to vector<16xi32>
      %xor3A_652 = arith.xori %iota3A, %xor3A_651 : vector<16xi32>
      %broadcast_in_dim3A_653 = vector.shape_cast %xor3A_652 : vector<16xi32> to vector<16x1xi32>
      %gather3A_654 = vector.shape_cast %broadcast_in_dim3A_653 : vector<16x1xi32> to vector<16xi32>
      %gather3A_655 = tpu.dynamic_gather %parallel_loop3A_617#1[%gather3A_654] in [0] : vector<16xf32>, vector<16xi32> -> vector<16xf32>
      %min3A_656 = arith.minimumf %parallel_loop3A_617#1, %gather3A_655 : vector<16xf32>
      %xor3A_657 = arith.constant 4 : i32
      %xor3A_658 = vector.broadcast %xor3A_657 : i32 to vector<16xi32>
      %xor3A_659 = arith.xori %iota3A, %xor3A_658 : vector<16xi32>
      %broadcast_in_dim3A_660 = vector.shape_cast %xor3A_659 : vector<16xi32> to vector<16x1xi32>
      %gather3A_661 = vector.shape_cast %broadcast_in_dim3A_660 : vector<16x1xi32> to vector<16xi32>
      %gather3A_662 = tpu.dynamic_gather %min3A_656[%gather3A_661] in [0] : vector<16xf32>, vector<16xi32> -> vector<16xf32>
      %min3A_663 = arith.minimumf %min3A_656, %gather3A_662 : vector<16xf32>
      %xor3A_664 = arith.constant 2 : i32
      %xor3A_665 = vector.broadcast %xor3A_664 : i32 to vector<16xi32>
      %xor3A_666 = arith.xori %iota3A, %xor3A_665 : vector<16xi32>
      %broadcast_in_dim3A_667 = vector.shape_cast %xor3A_666 : vector<16xi32> to vector<16x1xi32>
      %gather3A_668 = vector.shape_cast %broadcast_in_dim3A_667 : vector<16x1xi32> to vector<16xi32>
      %gather3A_669 = tpu.dynamic_gather %min3A_663[%gather3A_668] in [0] : vector<16xf32>, vector<16xi32> -> vector<16xf32>
      %min3A_670 = arith.minimumf %min3A_663, %gather3A_669 : vector<16xf32>
      %xor3A_671 = arith.constant 1 : i32
      %xor3A_672 = vector.broadcast %xor3A_671 : i32 to vector<16xi32>
      %xor3A_673 = arith.xori %iota3A, %xor3A_672 : vector<16xi32>
      %broadcast_in_dim3A_674 = vector.shape_cast %xor3A_673 : vector<16xi32> to vector<16x1xi32>
      %gather3A_675 = vector.shape_cast %broadcast_in_dim3A_674 : vector<16x1xi32> to vector<16xi32>
      %gather3A_676 = tpu.dynamic_gather %min3A_670[%gather3A_675] in [0] : vector<16xf32>, vector<16xi32> -> vector<16xf32>
      %min3A_677 = arith.minimumf %min3A_670, %gather3A_676 : vector<16xf32>
      %eq3A_678 = arith.constant 13 : i32
      %eq3A_679 = vector.broadcast %eq3A_678 : i32 to vector<16xi32>
      %eq3A_680 = arith.cmpi eq, %iota3A, %eq3A_679 : vector<16xi32>
      %select_n3A_681 = arith.select %eq3A_680, %min3A_677, %select_n3A_649 : vector<16xi1>, vector<16xf32>
      %xor3A_682 = arith.constant 8 : i32
      %xor3A_683 = vector.broadcast %xor3A_682 : i32 to vector<16xi32>
      %xor3A_684 = arith.xori %iota3A, %xor3A_683 : vector<16xi32>
      %broadcast_in_dim3A_685 = vector.shape_cast %xor3A_684 : vector<16xi32> to vector<16x1xi32>
      %gather3A_686 = vector.shape_cast %broadcast_in_dim3A_685 : vector<16x1xi32> to vector<16xi32>
      %gather3A_687 = tpu.dynamic_gather %parallel_loop3A_617#2[%gather3A_686] in [0] : vector<16xf32>, vector<16xi32> -> vector<16xf32>
      %min3A_688 = arith.minimumf %parallel_loop3A_617#2, %gather3A_687 : vector<16xf32>
      %xor3A_689 = arith.constant 4 : i32
      %xor3A_690 = vector.broadcast %xor3A_689 : i32 to vector<16xi32>
      %xor3A_691 = arith.xori %iota3A, %xor3A_690 : vector<16xi32>
      %broadcast_in_dim3A_692 = vector.shape_cast %xor3A_691 : vector<16xi32> to vector<16x1xi32>
      %gather3A_693 = vector.shape_cast %broadcast_in_dim3A_692 : vector<16x1xi32> to vector<16xi32>
      %gather3A_694 = tpu.dynamic_gather %min3A_688[%gather3A_693] in [0] : vector<16xf32>, vector<16xi32> -> vector<16xf32>
      %min3A_695 = arith.minimumf %min3A_688, %gather3A_694 : vector<16xf32>
      %xor3A_696 = arith.constant 2 : i32
      %xor3A_697 = vector.broadcast %xor3A_696 : i32 to vector<16xi32>
      %xor3A_698 = arith.xori %iota3A, %xor3A_697 : vector<16xi32>
      %broadcast_in_dim3A_699 = vector.shape_cast %xor3A_698 : vector<16xi32> to vector<16x1xi32>
      %gather3A_700 = vector.shape_cast %broadcast_in_dim3A_699 : vector<16x1xi32> to vector<16xi32>
      %gather3A_701 = tpu.dynamic_gather %min3A_695[%gather3A_700] in [0] : vector<16xf32>, vector<16xi32> -> vector<16xf32>
      %min3A_702 = arith.minimumf %min3A_695, %gather3A_701 : vector<16xf32>
      %xor3A_703 = arith.constant 1 : i32
      %xor3A_704 = vector.broadcast %xor3A_703 : i32 to vector<16xi32>
      %xor3A_705 = arith.xori %iota3A, %xor3A_704 : vector<16xi32>
      %broadcast_in_dim3A_706 = vector.shape_cast %xor3A_705 : vector<16xi32> to vector<16x1xi32>
      %gather3A_707 = vector.shape_cast %broadcast_in_dim3A_706 : vector<16x1xi32> to vector<16xi32>
      %gather3A_708 = tpu.dynamic_gather %min3A_702[%gather3A_707] in [0] : vector<16xf32>, vector<16xi32> -> vector<16xf32>
      %min3A_709 = arith.minimumf %min3A_702, %gather3A_708 : vector<16xf32>
      %eq3A_710 = arith.constant 14 : i32
      %eq3A_711 = vector.broadcast %eq3A_710 : i32 to vector<16xi32>
      %eq3A_712 = arith.cmpi eq, %iota3A, %eq3A_711 : vector<16xi32>
      %select_n3A_713 = arith.select %eq3A_712, %min3A_709, %select_n3A_681 : vector<16xi1>, vector<16xf32>
      %xor3A_714 = arith.constant 8 : i32
      %xor3A_715 = vector.broadcast %xor3A_714 : i32 to vector<16xi32>
      %xor3A_716 = arith.xori %iota3A, %xor3A_715 : vector<16xi32>
      %broadcast_in_dim3A_717 = vector.shape_cast %xor3A_716 : vector<16xi32> to vector<16x1xi32>
      %gather3A_718 = vector.shape_cast %broadcast_in_dim3A_717 : vector<16x1xi32> to vector<16xi32>
      %gather3A_719 = tpu.dynamic_gather %parallel_loop3A_617#3[%gather3A_718] in [0] : vector<16xf32>, vector<16xi32> -> vector<16xf32>
      %min3A_720 = arith.minimumf %parallel_loop3A_617#3, %gather3A_719 : vector<16xf32>
      %xor3A_721 = arith.constant 4 : i32
      %xor3A_722 = vector.broadcast %xor3A_721 : i32 to vector<16xi32>
      %xor3A_723 = arith.xori %iota3A, %xor3A_722 : vector<16xi32>
      %broadcast_in_dim3A_724 = vector.shape_cast %xor3A_723 : vector<16xi32> to vector<16x1xi32>
      %gather3A_725 = vector.shape_cast %broadcast_in_dim3A_724 : vector<16x1xi32> to vector<16xi32>
      %gather3A_726 = tpu.dynamic_gather %min3A_720[%gather3A_725] in [0] : vector<16xf32>, vector<16xi32> -> vector<16xf32>
      %min3A_727 = arith.minimumf %min3A_720, %gather3A_726 : vector<16xf32>
      %xor3A_728 = arith.constant 2 : i32
      %xor3A_729 = vector.broadcast %xor3A_728 : i32 to vector<16xi32>
      %xor3A_730 = arith.xori %iota3A, %xor3A_729 : vector<16xi32>
      %broadcast_in_dim3A_731 = vector.shape_cast %xor3A_730 : vector<16xi32> to vector<16x1xi32>
      %gather3A_732 = vector.shape_cast %broadcast_in_dim3A_731 : vector<16x1xi32> to vector<16xi32>
      %gather3A_733 = tpu.dynamic_gather %min3A_727[%gather3A_732] in [0] : vector<16xf32>, vector<16xi32> -> vector<16xf32>
      %min3A_734 = arith.minimumf %min3A_727, %gather3A_733 : vector<16xf32>
      %xor3A_735 = arith.constant 1 : i32
      %xor3A_736 = vector.broadcast %xor3A_735 : i32 to vector<16xi32>
      %xor3A_737 = arith.xori %iota3A, %xor3A_736 : vector<16xi32>
      %broadcast_in_dim3A_738 = vector.shape_cast %xor3A_737 : vector<16xi32> to vector<16x1xi32>
      %gather3A_739 = vector.shape_cast %broadcast_in_dim3A_738 : vector<16x1xi32> to vector<16xi32>
      %gather3A_740 = tpu.dynamic_gather %min3A_734[%gather3A_739] in [0] : vector<16xf32>, vector<16xi32> -> vector<16xf32>
      %min3A_741 = arith.minimumf %min3A_734, %gather3A_740 : vector<16xf32>
      %eq3A_742 = arith.constant 15 : i32
      %eq3A_743 = vector.broadcast %eq3A_742 : i32 to vector<16xi32>
      %eq3A_744 = arith.cmpi eq, %iota3A, %eq3A_743 : vector<16xi32>
      %select_n3A_745 = arith.select %eq3A_744, %min3A_741, %select_n3A_713 : vector<16xi1>, vector<16xf32>
      %add3A_746 = arith.addf %select_n3A_745, %get3A_88 : vector<16xf32>
      %swap3A = arith.index_cast %mul3A_69 : i32 to index
      %swap3A_747 = tpu.vector_load %arg11[%swap3A] {strides = array<i32>} : memref<128xf32, #tpu.memory_space<vmem>>, vector<16xf32>,
      %swap3A_748 = vector.shape_cast %swap3A_747 : vector<16xf32> to vector<16xf32>
      %swap3A_749 = vector.shape_cast %add3A_746 : vector<16xf32> to vector<16xf32>
      tpu.vector_store %arg11[%swap3A], %swap3A_749 {strides = array<i32>} : memref<128xf32, #tpu.memory_space<vmem>>, vector<16xf32>,
      %scan3A_750 = arith.constant 0 : i32
      scf.yield %scan3A_750 : i32
    }
    %scan3A_23 = arith.constant 8 : i32
    %run_scoped3A_24 = arith.constant 0 : i32
    "tpu.region"() ({
      %run_scoped3A_66 = tpu.sem_alloc : memref<!tpu.dma_semaphore, #tpu.memory_space<semaphore_mem>>
      %dma_start3A = tpu.memref_slice %arg4[%run_scoped3A_24, %mul3A_2] : memref<1x4096xf32, #tpu.memory_space<hbm>> -> memref<1x128xf32, #tpu.memory_space<hbm>>
      %dma_start3A_67 = tpu.memref_squeeze %dma_start3A : memref<1x128xf32, #tpu.memory_space<hbm>> -> memref<128xf32, #tpu.memory_space<hbm>>
      %dma_start3A_68 = tpu.memref_slice %arg4[%run_scoped3A_24, %mul3A_2] : memref<1x4096xf32, #tpu.memory_space<hbm>> -> memref<1x128xf32, #tpu.memory_space<hbm>>
      %dma_start3A_69 = tpu.memref_squeeze %dma_start3A_68 : memref<1x128xf32, #tpu.memory_space<hbm>> -> memref<128xf32, #tpu.memory_space<hbm>>
      tpu.enqueue_dma source(%arg11 : memref<128xf32, #tpu.memory_space<vmem>>) target(%dma_start3A_69 : memref<128xf32, #tpu.memory_space<hbm>>) target_semaphore(%run_scoped3A_66 : memref<!tpu.dma_semaphore, #tpu.memory_space<semaphore_mem>>)
      %dma_wait3A = tpu.memref_slice %arg4[%run_scoped3A_24, %mul3A_2] : memref<1x4096xf32, #tpu.memory_space<hbm>> -> memref<1x128xf32, #tpu.memory_space<hbm>>
      %dma_wait3A_70 = tpu.memref_squeeze %dma_wait3A : memref<1x128xf32, #tpu.memory_space<hbm>> -> memref<128xf32, #tpu.memory_space<hbm>>
      %dma_wait3A_71 = tpu.memref_slice %arg4[%run_scoped3A_24, %mul3A_2] : memref<1x4096xf32, #tpu.memory_space<hbm>> -> memref<1x128xf32, #tpu.memory_space<hbm>>
      %dma_wait3A_72 = tpu.memref_squeeze %dma_wait3A_71 : memref<1x128xf32, #tpu.memory_space<hbm>> -> memref<128xf32, #tpu.memory_space<hbm>>
      tpu.wait_dma2 semaphore(%run_scoped3A_66 : memref<!tpu.dma_semaphore, #tpu.memory_space<semaphore_mem>>) src(%arg11 : memref<128xf32, #tpu.memory_space<vmem>>) dst(%dma_wait3A_72 : memref<128xf32, #tpu.memory_space<hbm>>)
      tpu.yield
    }) : () -> ()
    "tpu.region"() ({
      %run_scoped3A_66 = tpu.sem_alloc : memref<!tpu.dma_semaphore, #tpu.memory_space<semaphore_mem>>
      %dma_start3A = arith.constant 0 : i32
      %dma_start3A_67 = tpu.memref_slice %arg13[%arg1, %dma_start3A] : memref<16x4096xf32, #tpu.memory_space<vmem_shared>> -> memref<1x4096xf32, #tpu.memory_space<vmem_shared>>
      %dma_start3A_68 = tpu.memref_squeeze %dma_start3A_67 : memref<1x4096xf32, #tpu.memory_space<vmem_shared>> -> memref<4096xf32, #tpu.memory_space<vmem_shared>>
      %dma_start3A_69 = arith.constant 0 : i32
      %dma_start3A_70 = tpu.memref_slice %arg13[%arg1, %dma_start3A_69] : memref<16x4096xf32, #tpu.memory_space<vmem_shared>> -> memref<1x4096xf32, #tpu.memory_space<vmem_shared>>
      %dma_start3A_71 = tpu.memref_squeeze %dma_start3A_70 : memref<1x4096xf32, #tpu.memory_space<vmem_shared>> -> memref<4096xf32, #tpu.memory_space<vmem_shared>>
      tpu.enqueue_dma source(%arg10 : memref<4096xf32, #tpu.memory_space<vmem>>) target(%dma_start3A_71 : memref<4096xf32, #tpu.memory_space<vmem_shared>>) target_semaphore(%run_scoped3A_66 : memref<!tpu.dma_semaphore, #tpu.memory_space<semaphore_mem>>)
      %dma_wait3A = arith.constant 0 : i32
      %dma_wait3A_72 = tpu.memref_slice %arg13[%arg1, %dma_wait3A] : memref<16x4096xf32, #tpu.memory_space<vmem_shared>> -> memref<1x4096xf32, #tpu.memory_space<vmem_shared>>
      %dma_wait3A_73 = tpu.memref_squeeze %dma_wait3A_72 : memref<1x4096xf32, #tpu.memory_space<vmem_shared>> -> memref<4096xf32, #tpu.memory_space<vmem_shared>>
      %dma_wait3A_74 = arith.constant 0 : i32
      %dma_wait3A_75 = tpu.memref_slice %arg13[%arg1, %dma_wait3A_74] : memref<16x4096xf32, #tpu.memory_space<vmem_shared>> -> memref<1x4096xf32, #tpu.memory_space<vmem_shared>>
      %dma_wait3A_76 = tpu.memref_squeeze %dma_wait3A_75 : memref<1x4096xf32, #tpu.memory_space<vmem_shared>> -> memref<4096xf32, #tpu.memory_space<vmem_shared>>
      tpu.wait_dma2 semaphore(%run_scoped3A_66 : memref<!tpu.dma_semaphore, #tpu.memory_space<semaphore_mem>>) src(%arg10 : memref<4096xf32, #tpu.memory_space<vmem>>) dst(%dma_wait3A_76 : memref<4096xf32, #tpu.memory_space<vmem_shared>>)
      tpu.yield
    }) : () -> ()
    %barrier3A = arith.constant 0 : index
    tpu.barrier barrier_id(%barrier3A)
    %mul3A_25 = arith.constant 256 : i32
    %mul3A_26 = arith.muli %arg1, %mul3A_25 : i32
    %run_scoped3A_27 = arith.constant 0 : i32
    %run_scoped3A_28 = arith.constant 0 : i32
    "tpu.region"() ({
      %run_scoped3A_66 = tpu.sem_alloc : memref<!tpu.dma_semaphore, #tpu.memory_space<semaphore_mem>>
      %dma_start3A = arith.constant 0 : i32
      %dma_start3A_67 = tpu.memref_slice %arg12[%run_scoped3A_28, %dma_start3A] : memref<16x256xf32, #tpu.memory_space<vmem>> -> memref<1x256xf32, #tpu.memory_space<vmem>>
      %dma_start3A_68 = tpu.memref_squeeze %dma_start3A_67 : memref<1x256xf32, #tpu.memory_space<vmem>> -> memref<256xf32, #tpu.memory_space<vmem>>
      %dma_start3A_69 = tpu.memref_slice %arg13[%run_scoped3A_27, %mul3A_26] : memref<16x4096xf32, #tpu.memory_space<vmem_shared>> -> memref<1x256xf32, #tpu.memory_space<vmem_shared>>
      %dma_start3A_70 = tpu.memref_squeeze %dma_start3A_69 : memref<1x256xf32, #tpu.memory_space<vmem_shared>> -> memref<256xf32, #tpu.memory_space<vmem_shared>>
      %dma_start3A_71 = arith.constant 0 : i32
      %dma_start3A_72 = tpu.memref_slice %arg12[%run_scoped3A_28, %dma_start3A_71] : memref<16x256xf32, #tpu.memory_space<vmem>> -> memref<1x256xf32, #tpu.memory_space<vmem>>
      %dma_start3A_73 = tpu.memref_squeeze %dma_start3A_72 : memref<1x256xf32, #tpu.memory_space<vmem>> -> memref<256xf32, #tpu.memory_space<vmem>>
      %dma_start3A_74 = tpu.memref_slice %arg13[%run_scoped3A_27, %mul3A_26] : memref<16x4096xf32, #tpu.memory_space<vmem_shared>> -> memref<1x256xf32, #tpu.memory_space<vmem_shared>>
      %dma_start3A_75 = tpu.memref_squeeze %dma_start3A_74 : memref<1x256xf32, #tpu.memory_space<vmem_shared>> -> memref<256xf32, #tpu.memory_space<vmem_shared>>
      tpu.enqueue_dma source(%dma_start3A_75 : memref<256xf32, #tpu.memory_space<vmem_shared>>) target(%dma_start3A_73 : memref<256xf32, #tpu.memory_space<vmem>>) target_semaphore(%run_scoped3A_66 : memref<!tpu.dma_semaphore, #tpu.memory_space<semaphore_mem>>)
      %dma_wait3A = arith.constant 0 : i32
      %dma_wait3A_76 = tpu.memref_slice %arg12[%run_scoped3A_28, %dma_wait3A] : memref<16x256xf32, #tpu.memory_space<vmem>> -> memref<1x256xf32, #tpu.memory_space<vmem>>
      %dma_wait3A_77 = tpu.memref_squeeze %dma_wait3A_76 : memref<1x256xf32, #tpu.memory_space<vmem>> -> memref<256xf32, #tpu.memory_space<vmem>>
      %dma_wait3A_78 = tpu.memref_slice %arg13[%run_scoped3A_27, %mul3A_26] : memref<16x4096xf32, #tpu.memory_space<vmem_shared>> -> memref<1x256xf32, #tpu.memory_space<vmem_shared>>
      %dma_wait3A_79 = tpu.memref_squeeze %dma_wait3A_78 : memref<1x256xf32, #tpu.memory_space<vmem_shared>> -> memref<256xf32, #tpu.memory_space<vmem_shared>>
      %dma_wait3A_80 = arith.constant 0 : i32
      %dma_wait3A_81 = tpu.memref_slice %arg12[%run_scoped3A_28, %dma_wait3A_80] : memref<16x256xf32, #tpu.memory_space<vmem>> -> memref<1x256xf32, #tpu.memory_space<vmem>>
      %dma_wait3A_82 = tpu.memref_squeeze %dma_wait3A_81 : memref<1x256xf32, #tpu.memory_space<vmem>> -> memref<256xf32, #tpu.memory_space<vmem>>
      %dma_wait3A_83 = tpu.memref_slice %arg13[%run_scoped3A_27, %mul3A_26] : memref<16x4096xf32, #tpu.memory_space<vmem_shared>> -> memref<1x256xf32, #tpu.memory_space<vmem_shared>>
      %dma_wait3A_84 = tpu.memref_squeeze %dma_wait3A_83 : memref<1x256xf32, #tpu.memory_space<vmem_shared>> -> memref<256xf32, #tpu.memory_space<vmem_shared>>
      tpu.wait_dma2 semaphore(%run_scoped3A_66 : memref<!tpu.dma_semaphore, #tpu.memory_space<semaphore_mem>>) src(%dma_wait3A_84 : memref<256xf32, #tpu.memory_space<vmem_shared>>) dst(%dma_wait3A_82 : memref<256xf32, #tpu.memory_space<vmem>>)
      tpu.yield
    }) : () -> ()
    %run_scoped3A_29 = arith.constant 1 : i32
    %run_scoped3A_30 = arith.constant 1 : i32
    "tpu.region"() ({
      %run_scoped3A_66 = tpu.sem_alloc : memref<!tpu.dma_semaphore, #tpu.memory_space<semaphore_mem>>
      %dma_start3A = arith.constant 0 : i32
      %dma_start3A_67 = tpu.memref_slice %arg12[%run_scoped3A_30, %dma_start3A] : memref<16x256xf32, #tpu.memory_space<vmem>> -> memref<1x256xf32, #tpu.memory_space<vmem>>
      %dma_start3A_68 = tpu.memref_squeeze %dma_start3A_67 : memref<1x256xf32, #tpu.memory_space<vmem>> -> memref<256xf32, #tpu.memory_space<vmem>>
      %dma_start3A_69 = tpu.memref_slice %arg13[%run_scoped3A_29, %mul3A_26] : memref<16x4096xf32, #tpu.memory_space<vmem_shared>> -> memref<1x256xf32, #tpu.memory_space<vmem_shared>>
      %dma_start3A_70 = tpu.memref_squeeze %dma_start3A_69 : memref<1x256xf32, #tpu.memory_space<vmem_shared>> -> memref<256xf32, #tpu.memory_space<vmem_shared>>
      %dma_start3A_71 = arith.constant 0 : i32
      %dma_start3A_72 = tpu.memref_slice %arg12[%run_scoped3A_30, %dma_start3A_71] : memref<16x256xf32, #tpu.memory_space<vmem>> -> memref<1x256xf32, #tpu.memory_space<vmem>>
      %dma_start3A_73 = tpu.memref_squeeze %dma_start3A_72 : memref<1x256xf32, #tpu.memory_space<vmem>> -> memref<256xf32, #tpu.memory_space<vmem>>
      %dma_start3A_74 = tpu.memref_slice %arg13[%run_scoped3A_29, %mul3A_26] : memref<16x4096xf32, #tpu.memory_space<vmem_shared>> -> memref<1x256xf32, #tpu.memory_space<vmem_shared>>
      %dma_start3A_75 = tpu.memref_squeeze %dma_start3A_74 : memref<1x256xf32, #tpu.memory_space<vmem_shared>> -> memref<256xf32, #tpu.memory_space<vmem_shared>>
      tpu.enqueue_dma source(%dma_start3A_75 : memref<256xf32, #tpu.memory_space<vmem_shared>>) target(%dma_start3A_73 : memref<256xf32, #tpu.memory_space<vmem>>) target_semaphore(%run_scoped3A_66 : memref<!tpu.dma_semaphore, #tpu.memory_space<semaphore_mem>>)
      %dma_wait3A = arith.constant 0 : i32
      %dma_wait3A_76 = tpu.memref_slice %arg12[%run_scoped3A_30, %dma_wait3A] : memref<16x256xf32, #tpu.memory_space<vmem>> -> memref<1x256xf32, #tpu.memory_space<vmem>>
      %dma_wait3A_77 = tpu.memref_squeeze %dma_wait3A_76 : memref<1x256xf32, #tpu.memory_space<vmem>> -> memref<256xf32, #tpu.memory_space<vmem>>
      %dma_wait3A_78 = tpu.memref_slice %arg13[%run_scoped3A_29, %mul3A_26] : memref<16x4096xf32, #tpu.memory_space<vmem_shared>> -> memref<1x256xf32, #tpu.memory_space<vmem_shared>>
      %dma_wait3A_79 = tpu.memref_squeeze %dma_wait3A_78 : memref<1x256xf32, #tpu.memory_space<vmem_shared>> -> memref<256xf32, #tpu.memory_space<vmem_shared>>
      %dma_wait3A_80 = arith.constant 0 : i32
      %dma_wait3A_81 = tpu.memref_slice %arg12[%run_scoped3A_30, %dma_wait3A_80] : memref<16x256xf32, #tpu.memory_space<vmem>> -> memref<1x256xf32, #tpu.memory_space<vmem>>
      %dma_wait3A_82 = tpu.memref_squeeze %dma_wait3A_81 : memref<1x256xf32, #tpu.memory_space<vmem>> -> memref<256xf32, #tpu.memory_space<vmem>>
      %dma_wait3A_83 = tpu.memref_slice %arg13[%run_scoped3A_29, %mul3A_26] : memref<16x4096xf32, #tpu.memory_space<vmem_shared>> -> memref<1x256xf32, #tpu.memory_space<vmem_shared>>
      %dma_wait3A_84 = tpu.memref_squeeze %dma_wait3A_83 : memref<1x256xf32, #tpu.memory_space<vmem_shared>> -> memref<256xf32, #tpu.memory_space<vmem_shared>>
      tpu.wait_dma2 semaphore(%run_scoped3A_66 : memref<!tpu.dma_semaphore, #tpu.memory_space<semaphore_mem>>) src(%dma_wait3A_84 : memref<256xf32, #tpu.memory_space<vmem_shared>>) dst(%dma_wait3A_82 : memref<256xf32, #tpu.memory_space<vmem>>)
      tpu.yield
    }) : () -> ()
    %run_scoped3A_31 = arith.constant 2 : i32
    %run_scoped3A_32 = arith.constant 2 : i32
    "tpu.region"() ({
      %run_scoped3A_66 = tpu.sem_alloc : memref<!tpu.dma_semaphore, #tpu.memory_space<semaphore_mem>>
      %dma_start3A = arith.constant 0 : i32
      %dma_start3A_67 = tpu.memref_slice %arg12[%run_scoped3A_32, %dma_start3A] : memref<16x256xf32, #tpu.memory_space<vmem>> -> memref<1x256xf32, #tpu.memory_space<vmem>>
      %dma_start3A_68 = tpu.memref_squeeze %dma_start3A_67 : memref<1x256xf32, #tpu.memory_space<vmem>> -> memref<256xf32, #tpu.memory_space<vmem>>
      %dma_start3A_69 = tpu.memref_slice %arg13[%run_scoped3A_31, %mul3A_26] : memref<16x4096xf32, #tpu.memory_space<vmem_shared>> -> memref<1x256xf32, #tpu.memory_space<vmem_shared>>
      %dma_start3A_70 = tpu.memref_squeeze %dma_start3A_69 : memref<1x256xf32, #tpu.memory_space<vmem_shared>> -> memref<256xf32, #tpu.memory_space<vmem_shared>>
      %dma_start3A_71 = arith.constant 0 : i32
      %dma_start3A_72 = tpu.memref_slice %arg12[%run_scoped3A_32, %dma_start3A_71] : memref<16x256xf32, #tpu.memory_space<vmem>> -> memref<1x256xf32, #tpu.memory_space<vmem>>
      %dma_start3A_73 = tpu.memref_squeeze %dma_start3A_72 : memref<1x256xf32, #tpu.memory_space<vmem>> -> memref<256xf32, #tpu.memory_space<vmem>>
      %dma_start3A_74 = tpu.memref_slice %arg13[%run_scoped3A_31, %mul3A_26] : memref<16x4096xf32, #tpu.memory_space<vmem_shared>> -> memref<1x256xf32, #tpu.memory_space<vmem_shared>>
      %dma_start3A_75 = tpu.memref_squeeze %dma_start3A_74 : memref<1x256xf32, #tpu.memory_space<vmem_shared>> -> memref<256xf32, #tpu.memory_space<vmem_shared>>
      tpu.enqueue_dma source(%dma_start3A_75 : memref<256xf32, #tpu.memory_space<vmem_shared>>) target(%dma_start3A_73 : memref<256xf32, #tpu.memory_space<vmem>>) target_semaphore(%run_scoped3A_66 : memref<!tpu.dma_semaphore, #tpu.memory_space<semaphore_mem>>)
      %dma_wait3A = arith.constant 0 : i32
      %dma_wait3A_76 = tpu.memref_slice %arg12[%run_scoped3A_32, %dma_wait3A] : memref<16x256xf32, #tpu.memory_space<vmem>> -> memref<1x256xf32, #tpu.memory_space<vmem>>
      %dma_wait3A_77 = tpu.memref_squeeze %dma_wait3A_76 : memref<1x256xf32, #tpu.memory_space<vmem>> -> memref<256xf32, #tpu.memory_space<vmem>>
      %dma_wait3A_78 = tpu.memref_slice %arg13[%run_scoped3A_31, %mul3A_26] : memref<16x4096xf32, #tpu.memory_space<vmem_shared>> -> memref<1x256xf32, #tpu.memory_space<vmem_shared>>
      %dma_wait3A_79 = tpu.memref_squeeze %dma_wait3A_78 : memref<1x256xf32, #tpu.memory_space<vmem_shared>> -> memref<256xf32, #tpu.memory_space<vmem_shared>>
      %dma_wait3A_80 = arith.constant 0 : i32
      %dma_wait3A_81 = tpu.memref_slice %arg12[%run_scoped3A_32, %dma_wait3A_80] : memref<16x256xf32, #tpu.memory_space<vmem>> -> memref<1x256xf32, #tpu.memory_space<vmem>>
      %dma_wait3A_82 = tpu.memref_squeeze %dma_wait3A_81 : memref<1x256xf32, #tpu.memory_space<vmem>> -> memref<256xf32, #tpu.memory_space<vmem>>
      %dma_wait3A_83 = tpu.memref_slice %arg13[%run_scoped3A_31, %mul3A_26] : memref<16x4096xf32, #tpu.memory_space<vmem_shared>> -> memref<1x256xf32, #tpu.memory_space<vmem_shared>>
      %dma_wait3A_84 = tpu.memref_squeeze %dma_wait3A_83 : memref<1x256xf32, #tpu.memory_space<vmem_shared>> -> memref<256xf32, #tpu.memory_space<vmem_shared>>
      tpu.wait_dma2 semaphore(%run_scoped3A_66 : memref<!tpu.dma_semaphore, #tpu.memory_space<semaphore_mem>>) src(%dma_wait3A_84 : memref<256xf32, #tpu.memory_space<vmem_shared>>) dst(%dma_wait3A_82 : memref<256xf32, #tpu.memory_space<vmem>>)
      tpu.yield
    }) : () -> ()
    %run_scoped3A_33 = arith.constant 3 : i32
    %run_scoped3A_34 = arith.constant 3 : i32
    "tpu.region"() ({
      %run_scoped3A_66 = tpu.sem_alloc : memref<!tpu.dma_semaphore, #tpu.memory_space<semaphore_mem>>
      %dma_start3A = arith.constant 0 : i32
      %dma_start3A_67 = tpu.memref_slice %arg12[%run_scoped3A_34, %dma_start3A] : memref<16x256xf32, #tpu.memory_space<vmem>> -> memref<1x256xf32, #tpu.memory_space<vmem>>
      %dma_start3A_68 = tpu.memref_squeeze %dma_start3A_67 : memref<1x256xf32, #tpu.memory_space<vmem>> -> memref<256xf32, #tpu.memory_space<vmem>>
      %dma_start3A_69 = tpu.memref_slice %arg13[%run_scoped3A_33, %mul3A_26] : memref<16x4096xf32, #tpu.memory_space<vmem_shared>> -> memref<1x256xf32, #tpu.memory_space<vmem_shared>>
      %dma_start3A_70 = tpu.memref_squeeze %dma_start3A_69 : memref<1x256xf32, #tpu.memory_space<vmem_shared>> -> memref<256xf32, #tpu.memory_space<vmem_shared>>
      %dma_start3A_71 = arith.constant 0 : i32
      %dma_start3A_72 = tpu.memref_slice %arg12[%run_scoped3A_34, %dma_start3A_71] : memref<16x256xf32, #tpu.memory_space<vmem>> -> memref<1x256xf32, #tpu.memory_space<vmem>>
      %dma_start3A_73 = tpu.memref_squeeze %dma_start3A_72 : memref<1x256xf32, #tpu.memory_space<vmem>> -> memref<256xf32, #tpu.memory_space<vmem>>
      %dma_start3A_74 = tpu.memref_slice %arg13[%run_scoped3A_33, %mul3A_26] : memref<16x4096xf32, #tpu.memory_space<vmem_shared>> -> memref<1x256xf32, #tpu.memory_space<vmem_shared>>
      %dma_start3A_75 = tpu.memref_squeeze %dma_start3A_74 : memref<1x256xf32, #tpu.memory_space<vmem_shared>> -> memref<256xf32, #tpu.memory_space<vmem_shared>>
      tpu.enqueue_dma source(%dma_start3A_75 : memref<256xf32, #tpu.memory_space<vmem_shared>>) target(%dma_start3A_73 : memref<256xf32, #tpu.memory_space<vmem>>) target_semaphore(%run_scoped3A_66 : memref<!tpu.dma_semaphore, #tpu.memory_space<semaphore_mem>>)
      %dma_wait3A = arith.constant 0 : i32
      %dma_wait3A_76 = tpu.memref_slice %arg12[%run_scoped3A_34, %dma_wait3A] : memref<16x256xf32, #tpu.memory_space<vmem>> -> memref<1x256xf32, #tpu.memory_space<vmem>>
      %dma_wait3A_77 = tpu.memref_squeeze %dma_wait3A_76 : memref<1x256xf32, #tpu.memory_space<vmem>> -> memref<256xf32, #tpu.memory_space<vmem>>
      %dma_wait3A_78 = tpu.memref_slice %arg13[%run_scoped3A_33, %mul3A_26] : memref<16x4096xf32, #tpu.memory_space<vmem_shared>> -> memref<1x256xf32, #tpu.memory_space<vmem_shared>>
      %dma_wait3A_79 = tpu.memref_squeeze %dma_wait3A_78 : memref<1x256xf32, #tpu.memory_space<vmem_shared>> -> memref<256xf32, #tpu.memory_space<vmem_shared>>
      %dma_wait3A_80 = arith.constant 0 : i32
      %dma_wait3A_81 = tpu.memref_slice %arg12[%run_scoped3A_34, %dma_wait3A_80] : memref<16x256xf32, #tpu.memory_space<vmem>> -> memref<1x256xf32, #tpu.memory_space<vmem>>
      %dma_wait3A_82 = tpu.memref_squeeze %dma_wait3A_81 : memref<1x256xf32, #tpu.memory_space<vmem>> -> memref<256xf32, #tpu.memory_space<vmem>>
      %dma_wait3A_83 = tpu.memref_slice %arg13[%run_scoped3A_33, %mul3A_26] : memref<16x4096xf32, #tpu.memory_space<vmem_shared>> -> memref<1x256xf32, #tpu.memory_space<vmem_shared>>
      %dma_wait3A_84 = tpu.memref_squeeze %dma_wait3A_83 : memref<1x256xf32, #tpu.memory_space<vmem_shared>> -> memref<256xf32, #tpu.memory_space<vmem_shared>>
      tpu.wait_dma2 semaphore(%run_scoped3A_66 : memref<!tpu.dma_semaphore, #tpu.memory_space<semaphore_mem>>) src(%dma_wait3A_84 : memref<256xf32, #tpu.memory_space<vmem_shared>>) dst(%dma_wait3A_82 : memref<256xf32, #tpu.memory_space<vmem>>)
      tpu.yield
    }) : () -> ()
    %run_scoped3A_35 = arith.constant 4 : i32
    %run_scoped3A_36 = arith.constant 4 : i32
    "tpu.region"() ({
      %run_scoped3A_66 = tpu.sem_alloc : memref<!tpu.dma_semaphore, #tpu.memory_space<semaphore_mem>>
      %dma_start3A = arith.constant 0 : i32
      %dma_start3A_67 = tpu.memref_slice %arg12[%run_scoped3A_36, %dma_start3A] : memref<16x256xf32, #tpu.memory_space<vmem>> -> memref<1x256xf32, #tpu.memory_space<vmem>>
      %dma_start3A_68 = tpu.memref_squeeze %dma_start3A_67 : memref<1x256xf32, #tpu.memory_space<vmem>> -> memref<256xf32, #tpu.memory_space<vmem>>
      %dma_start3A_69 = tpu.memref_slice %arg13[%run_scoped3A_35, %mul3A_26] : memref<16x4096xf32, #tpu.memory_space<vmem_shared>> -> memref<1x256xf32, #tpu.memory_space<vmem_shared>>
      %dma_start3A_70 = tpu.memref_squeeze %dma_start3A_69 : memref<1x256xf32, #tpu.memory_space<vmem_shared>> -> memref<256xf32, #tpu.memory_space<vmem_shared>>
      %dma_start3A_71 = arith.constant 0 : i32
      %dma_start3A_72 = tpu.memref_slice %arg12[%run_scoped3A_36, %dma_start3A_71] : memref<16x256xf32, #tpu.memory_space<vmem>> -> memref<1x256xf32, #tpu.memory_space<vmem>>
      %dma_start3A_73 = tpu.memref_squeeze %dma_start3A_72 : memref<1x256xf32, #tpu.memory_space<vmem>> -> memref<256xf32, #tpu.memory_space<vmem>>
      %dma_start3A_74 = tpu.memref_slice %arg13[%run_scoped3A_35, %mul3A_26] : memref<16x4096xf32, #tpu.memory_space<vmem_shared>> -> memref<1x256xf32, #tpu.memory_space<vmem_shared>>
      %dma_start3A_75 = tpu.memref_squeeze %dma_start3A_74 : memref<1x256xf32, #tpu.memory_space<vmem_shared>> -> memref<256xf32, #tpu.memory_space<vmem_shared>>
      tpu.enqueue_dma source(%dma_start3A_75 : memref<256xf32, #tpu.memory_space<vmem_shared>>) target(%dma_start3A_73 : memref<256xf32, #tpu.memory_space<vmem>>) target_semaphore(%run_scoped3A_66 : memref<!tpu.dma_semaphore, #tpu.memory_space<semaphore_mem>>)
      %dma_wait3A = arith.constant 0 : i32
      %dma_wait3A_76 = tpu.memref_slice %arg12[%run_scoped3A_36, %dma_wait3A] : memref<16x256xf32, #tpu.memory_space<vmem>> -> memref<1x256xf32, #tpu.memory_space<vmem>>
      %dma_wait3A_77 = tpu.memref_squeeze %dma_wait3A_76 : memref<1x256xf32, #tpu.memory_space<vmem>> -> memref<256xf32, #tpu.memory_space<vmem>>
      %dma_wait3A_78 = tpu.memref_slice %arg13[%run_scoped3A_35, %mul3A_26] : memref<16x4096xf32, #tpu.memory_space<vmem_shared>> -> memref<1x256xf32, #tpu.memory_space<vmem_shared>>
      %dma_wait3A_79 = tpu.memref_squeeze %dma_wait3A_78 : memref<1x256xf32, #tpu.memory_space<vmem_shared>> -> memref<256xf32, #tpu.memory_space<vmem_shared>>
      %dma_wait3A_80 = arith.constant 0 : i32
      %dma_wait3A_81 = tpu.memref_slice %arg12[%run_scoped3A_36, %dma_wait3A_80] : memref<16x256xf32, #tpu.memory_space<vmem>> -> memref<1x256xf32, #tpu.memory_space<vmem>>
      %dma_wait3A_82 = tpu.memref_squeeze %dma_wait3A_81 : memref<1x256xf32, #tpu.memory_space<vmem>> -> memref<256xf32, #tpu.memory_space<vmem>>
      %dma_wait3A_83 = tpu.memref_slice %arg13[%run_scoped3A_35, %mul3A_26] : memref<16x4096xf32, #tpu.memory_space<vmem_shared>> -> memref<1x256xf32, #tpu.memory_space<vmem_shared>>
      %dma_wait3A_84 = tpu.memref_squeeze %dma_wait3A_83 : memref<1x256xf32, #tpu.memory_space<vmem_shared>> -> memref<256xf32, #tpu.memory_space<vmem_shared>>
      tpu.wait_dma2 semaphore(%run_scoped3A_66 : memref<!tpu.dma_semaphore, #tpu.memory_space<semaphore_mem>>) src(%dma_wait3A_84 : memref<256xf32, #tpu.memory_space<vmem_shared>>) dst(%dma_wait3A_82 : memref<256xf32, #tpu.memory_space<vmem>>)
      tpu.yield
    }) : () -> ()
    %run_scoped3A_37 = arith.constant 5 : i32
    %run_scoped3A_38 = arith.constant 5 : i32
    "tpu.region"() ({
      %run_scoped3A_66 = tpu.sem_alloc : memref<!tpu.dma_semaphore, #tpu.memory_space<semaphore_mem>>
      %dma_start3A = arith.constant 0 : i32
      %dma_start3A_67 = tpu.memref_slice %arg12[%run_scoped3A_38, %dma_start3A] : memref<16x256xf32, #tpu.memory_space<vmem>> -> memref<1x256xf32, #tpu.memory_space<vmem>>
      %dma_start3A_68 = tpu.memref_squeeze %dma_start3A_67 : memref<1x256xf32, #tpu.memory_space<vmem>> -> memref<256xf32, #tpu.memory_space<vmem>>
      %dma_start3A_69 = tpu.memref_slice %arg13[%run_scoped3A_37, %mul3A_26] : memref<16x4096xf32, #tpu.memory_space<vmem_shared>> -> memref<1x256xf32, #tpu.memory_space<vmem_shared>>
      %dma_start3A_70 = tpu.memref_squeeze %dma_start3A_69 : memref<1x256xf32, #tpu.memory_space<vmem_shared>> -> memref<256xf32, #tpu.memory_space<vmem_shared>>
      %dma_start3A_71 = arith.constant 0 : i32
      %dma_start3A_72 = tpu.memref_slice %arg12[%run_scoped3A_38, %dma_start3A_71] : memref<16x256xf32, #tpu.memory_space<vmem>> -> memref<1x256xf32, #tpu.memory_space<vmem>>
      %dma_start3A_73 = tpu.memref_squeeze %dma_start3A_72 : memref<1x256xf32, #tpu.memory_space<vmem>> -> memref<256xf32, #tpu.memory_space<vmem>>
      %dma_start3A_74 = tpu.memref_slice %arg13[%run_scoped3A_37, %mul3A_26] : memref<16x4096xf32, #tpu.memory_space<vmem_shared>> -> memref<1x256xf32, #tpu.memory_space<vmem_shared>>
      %dma_start3A_75 = tpu.memref_squeeze %dma_start3A_74 : memref<1x256xf32, #tpu.memory_space<vmem_shared>> -> memref<256xf32, #tpu.memory_space<vmem_shared>>
      tpu.enqueue_dma source(%dma_start3A_75 : memref<256xf32, #tpu.memory_space<vmem_shared>>) target(%dma_start3A_73 : memref<256xf32, #tpu.memory_space<vmem>>) target_semaphore(%run_scoped3A_66 : memref<!tpu.dma_semaphore, #tpu.memory_space<semaphore_mem>>)
      %dma_wait3A = arith.constant 0 : i32
      %dma_wait3A_76 = tpu.memref_slice %arg12[%run_scoped3A_38, %dma_wait3A] : memref<16x256xf32, #tpu.memory_space<vmem>> -> memref<1x256xf32, #tpu.memory_space<vmem>>
      %dma_wait3A_77 = tpu.memref_squeeze %dma_wait3A_76 : memref<1x256xf32, #tpu.memory_space<vmem>> -> memref<256xf32, #tpu.memory_space<vmem>>
      %dma_wait3A_78 = tpu.memref_slice %arg13[%run_scoped3A_37, %mul3A_26] : memref<16x4096xf32, #tpu.memory_space<vmem_shared>> -> memref<1x256xf32, #tpu.memory_space<vmem_shared>>
      %dma_wait3A_79 = tpu.memref_squeeze %dma_wait3A_78 : memref<1x256xf32, #tpu.memory_space<vmem_shared>> -> memref<256xf32, #tpu.memory_space<vmem_shared>>
      %dma_wait3A_80 = arith.constant 0 : i32
      %dma_wait3A_81 = tpu.memref_slice %arg12[%run_scoped3A_38, %dma_wait3A_80] : memref<16x256xf32, #tpu.memory_space<vmem>> -> memref<1x256xf32, #tpu.memory_space<vmem>>
      %dma_wait3A_82 = tpu.memref_squeeze %dma_wait3A_81 : memref<1x256xf32, #tpu.memory_space<vmem>> -> memref<256xf32, #tpu.memory_space<vmem>>
      %dma_wait3A_83 = tpu.memref_slice %arg13[%run_scoped3A_37, %mul3A_26] : memref<16x4096xf32, #tpu.memory_space<vmem_shared>> -> memref<1x256xf32, #tpu.memory_space<vmem_shared>>
      %dma_wait3A_84 = tpu.memref_squeeze %dma_wait3A_83 : memref<1x256xf32, #tpu.memory_space<vmem_shared>> -> memref<256xf32, #tpu.memory_space<vmem_shared>>
      tpu.wait_dma2 semaphore(%run_scoped3A_66 : memref<!tpu.dma_semaphore, #tpu.memory_space<semaphore_mem>>) src(%dma_wait3A_84 : memref<256xf32, #tpu.memory_space<vmem_shared>>) dst(%dma_wait3A_82 : memref<256xf32, #tpu.memory_space<vmem>>)
      tpu.yield
    }) : () -> ()
    %run_scoped3A_39 = arith.constant 6 : i32
    %run_scoped3A_40 = arith.constant 6 : i32
    "tpu.region"() ({
      %run_scoped3A_66 = tpu.sem_alloc : memref<!tpu.dma_semaphore, #tpu.memory_space<semaphore_mem>>
      %dma_start3A = arith.constant 0 : i32
      %dma_start3A_67 = tpu.memref_slice %arg12[%run_scoped3A_40, %dma_start3A] : memref<16x256xf32, #tpu.memory_space<vmem>> -> memref<1x256xf32, #tpu.memory_space<vmem>>
      %dma_start3A_68 = tpu.memref_squeeze %dma_start3A_67 : memref<1x256xf32, #tpu.memory_space<vmem>> -> memref<256xf32, #tpu.memory_space<vmem>>
      %dma_start3A_69 = tpu.memref_slice %arg13[%run_scoped3A_39, %mul3A_26] : memref<16x4096xf32, #tpu.memory_space<vmem_shared>> -> memref<1x256xf32, #tpu.memory_space<vmem_shared>>
      %dma_start3A_70 = tpu.memref_squeeze %dma_start3A_69 : memref<1x256xf32, #tpu.memory_space<vmem_shared>> -> memref<256xf32, #tpu.memory_space<vmem_shared>>
      %dma_start3A_71 = arith.constant 0 : i32
      %dma_start3A_72 = tpu.memref_slice %arg12[%run_scoped3A_40, %dma_start3A_71] : memref<16x256xf32, #tpu.memory_space<vmem>> -> memref<1x256xf32, #tpu.memory_space<vmem>>
      %dma_start3A_73 = tpu.memref_squeeze %dma_start3A_72 : memref<1x256xf32, #tpu.memory_space<vmem>> -> memref<256xf32, #tpu.memory_space<vmem>>
      %dma_start3A_74 = tpu.memref_slice %arg13[%run_scoped3A_39, %mul3A_26] : memref<16x4096xf32, #tpu.memory_space<vmem_shared>> -> memref<1x256xf32, #tpu.memory_space<vmem_shared>>
      %dma_start3A_75 = tpu.memref_squeeze %dma_start3A_74 : memref<1x256xf32, #tpu.memory_space<vmem_shared>> -> memref<256xf32, #tpu.memory_space<vmem_shared>>
      tpu.enqueue_dma source(%dma_start3A_75 : memref<256xf32, #tpu.memory_space<vmem_shared>>) target(%dma_start3A_73 : memref<256xf32, #tpu.memory_space<vmem>>) target_semaphore(%run_scoped3A_66 : memref<!tpu.dma_semaphore, #tpu.memory_space<semaphore_mem>>)
      %dma_wait3A = arith.constant 0 : i32
      %dma_wait3A_76 = tpu.memref_slice %arg12[%run_scoped3A_40, %dma_wait3A] : memref<16x256xf32, #tpu.memory_space<vmem>> -> memref<1x256xf32, #tpu.memory_space<vmem>>
      %dma_wait3A_77 = tpu.memref_squeeze %dma_wait3A_76 : memref<1x256xf32, #tpu.memory_space<vmem>> -> memref<256xf32, #tpu.memory_space<vmem>>
      %dma_wait3A_78 = tpu.memref_slice %arg13[%run_scoped3A_39, %mul3A_26] : memref<16x4096xf32, #tpu.memory_space<vmem_shared>> -> memref<1x256xf32, #tpu.memory_space<vmem_shared>>
      %dma_wait3A_79 = tpu.memref_squeeze %dma_wait3A_78 : memref<1x256xf32, #tpu.memory_space<vmem_shared>> -> memref<256xf32, #tpu.memory_space<vmem_shared>>
      %dma_wait3A_80 = arith.constant 0 : i32
      %dma_wait3A_81 = tpu.memref_slice %arg12[%run_scoped3A_40, %dma_wait3A_80] : memref<16x256xf32, #tpu.memory_space<vmem>> -> memref<1x256xf32, #tpu.memory_space<vmem>>
      %dma_wait3A_82 = tpu.memref_squeeze %dma_wait3A_81 : memref<1x256xf32, #tpu.memory_space<vmem>> -> memref<256xf32, #tpu.memory_space<vmem>>
      %dma_wait3A_83 = tpu.memref_slice %arg13[%run_scoped3A_39, %mul3A_26] : memref<16x4096xf32, #tpu.memory_space<vmem_shared>> -> memref<1x256xf32, #tpu.memory_space<vmem_shared>>
      %dma_wait3A_84 = tpu.memref_squeeze %dma_wait3A_83 : memref<1x256xf32, #tpu.memory_space<vmem_shared>> -> memref<256xf32, #tpu.memory_space<vmem_shared>>
      tpu.wait_dma2 semaphore(%run_scoped3A_66 : memref<!tpu.dma_semaphore, #tpu.memory_space<semaphore_mem>>) src(%dma_wait3A_84 : memref<256xf32, #tpu.memory_space<vmem_shared>>) dst(%dma_wait3A_82 : memref<256xf32, #tpu.memory_space<vmem>>)
      tpu.yield
    }) : () -> ()
    %run_scoped3A_41 = arith.constant 7 : i32
    %run_scoped3A_42 = arith.constant 7 : i32
    "tpu.region"() ({
      %run_scoped3A_66 = tpu.sem_alloc : memref<!tpu.dma_semaphore, #tpu.memory_space<semaphore_mem>>
      %dma_start3A = arith.constant 0 : i32
      %dma_start3A_67 = tpu.memref_slice %arg12[%run_scoped3A_42, %dma_start3A] : memref<16x256xf32, #tpu.memory_space<vmem>> -> memref<1x256xf32, #tpu.memory_space<vmem>>
      %dma_start3A_68 = tpu.memref_squeeze %dma_start3A_67 : memref<1x256xf32, #tpu.memory_space<vmem>> -> memref<256xf32, #tpu.memory_space<vmem>>
      %dma_start3A_69 = tpu.memref_slice %arg13[%run_scoped3A_41, %mul3A_26] : memref<16x4096xf32, #tpu.memory_space<vmem_shared>> -> memref<1x256xf32, #tpu.memory_space<vmem_shared>>
      %dma_start3A_70 = tpu.memref_squeeze %dma_start3A_69 : memref<1x256xf32, #tpu.memory_space<vmem_shared>> -> memref<256xf32, #tpu.memory_space<vmem_shared>>
      %dma_start3A_71 = arith.constant 0 : i32
      %dma_start3A_72 = tpu.memref_slice %arg12[%run_scoped3A_42, %dma_start3A_71] : memref<16x256xf32, #tpu.memory_space<vmem>> -> memref<1x256xf32, #tpu.memory_space<vmem>>
      %dma_start3A_73 = tpu.memref_squeeze %dma_start3A_72 : memref<1x256xf32, #tpu.memory_space<vmem>> -> memref<256xf32, #tpu.memory_space<vmem>>
      %dma_start3A_74 = tpu.memref_slice %arg13[%run_scoped3A_41, %mul3A_26] : memref<16x4096xf32, #tpu.memory_space<vmem_shared>> -> memref<1x256xf32, #tpu.memory_space<vmem_shared>>
      %dma_start3A_75 = tpu.memref_squeeze %dma_start3A_74 : memref<1x256xf32, #tpu.memory_space<vmem_shared>> -> memref<256xf32, #tpu.memory_space<vmem_shared>>
      tpu.enqueue_dma source(%dma_start3A_75 : memref<256xf32, #tpu.memory_space<vmem_shared>>) target(%dma_start3A_73 : memref<256xf32, #tpu.memory_space<vmem>>) target_semaphore(%run_scoped3A_66 : memref<!tpu.dma_semaphore, #tpu.memory_space<semaphore_mem>>)
      %dma_wait3A = arith.constant 0 : i32
      %dma_wait3A_76 = tpu.memref_slice %arg12[%run_scoped3A_42, %dma_wait3A] : memref<16x256xf32, #tpu.memory_space<vmem>> -> memref<1x256xf32, #tpu.memory_space<vmem>>
      %dma_wait3A_77 = tpu.memref_squeeze %dma_wait3A_76 : memref<1x256xf32, #tpu.memory_space<vmem>> -> memref<256xf32, #tpu.memory_space<vmem>>
      %dma_wait3A_78 = tpu.memref_slice %arg13[%run_scoped3A_41, %mul3A_26] : memref<16x4096xf32, #tpu.memory_space<vmem_shared>> -> memref<1x256xf32, #tpu.memory_space<vmem_shared>>
      %dma_wait3A_79 = tpu.memref_squeeze %dma_wait3A_78 : memref<1x256xf32, #tpu.memory_space<vmem_shared>> -> memref<256xf32, #tpu.memory_space<vmem_shared>>
      %dma_wait3A_80 = arith.constant 0 : i32
      %dma_wait3A_81 = tpu.memref_slice %arg12[%run_scoped3A_42, %dma_wait3A_80] : memref<16x256xf32, #tpu.memory_space<vmem>> -> memref<1x256xf32, #tpu.memory_space<vmem>>
      %dma_wait3A_82 = tpu.memref_squeeze %dma_wait3A_81 : memref<1x256xf32, #tpu.memory_space<vmem>> -> memref<256xf32, #tpu.memory_space<vmem>>
      %dma_wait3A_83 = tpu.memref_slice %arg13[%run_scoped3A_41, %mul3A_26] : memref<16x4096xf32, #tpu.memory_space<vmem_shared>> -> memref<1x256xf32, #tpu.memory_space<vmem_shared>>
      %dma_wait3A_84 = tpu.memref_squeeze %dma_wait3A_83 : memref<1x256xf32, #tpu.memory_space<vmem_shared>> -> memref<256xf32, #tpu.memory_space<vmem_shared>>
      tpu.wait_dma2 semaphore(%run_scoped3A_66 : memref<!tpu.dma_semaphore, #tpu.memory_space<semaphore_mem>>) src(%dma_wait3A_84 : memref<256xf32, #tpu.memory_space<vmem_shared>>) dst(%dma_wait3A_82 : memref<256xf32, #tpu.memory_space<vmem>>)
      tpu.yield
    }) : () -> ()
    %run_scoped3A_43 = arith.constant 8 : i32
    %run_scoped3A_44 = arith.constant 8 : i32
    "tpu.region"() ({
      %run_scoped3A_66 = tpu.sem_alloc : memref<!tpu.dma_semaphore, #tpu.memory_space<semaphore_mem>>
      %dma_start3A = arith.constant 0 : i32
      %dma_start3A_67 = tpu.memref_slice %arg12[%run_scoped3A_44, %dma_start3A] : memref<16x256xf32, #tpu.memory_space<vmem>> -> memref<1x256xf32, #tpu.memory_space<vmem>>
      %dma_start3A_68 = tpu.memref_squeeze %dma_start3A_67 : memref<1x256xf32, #tpu.memory_space<vmem>> -> memref<256xf32, #tpu.memory_space<vmem>>
      %dma_start3A_69 = tpu.memref_slice %arg13[%run_scoped3A_43, %mul3A_26] : memref<16x4096xf32, #tpu.memory_space<vmem_shared>> -> memref<1x256xf32, #tpu.memory_space<vmem_shared>>
      %dma_start3A_70 = tpu.memref_squeeze %dma_start3A_69 : memref<1x256xf32, #tpu.memory_space<vmem_shared>> -> memref<256xf32, #tpu.memory_space<vmem_shared>>
      %dma_start3A_71 = arith.constant 0 : i32
      %dma_start3A_72 = tpu.memref_slice %arg12[%run_scoped3A_44, %dma_start3A_71] : memref<16x256xf32, #tpu.memory_space<vmem>> -> memref<1x256xf32, #tpu.memory_space<vmem>>
      %dma_start3A_73 = tpu.memref_squeeze %dma_start3A_72 : memref<1x256xf32, #tpu.memory_space<vmem>> -> memref<256xf32, #tpu.memory_space<vmem>>
      %dma_start3A_74 = tpu.memref_slice %arg13[%run_scoped3A_43, %mul3A_26] : memref<16x4096xf32, #tpu.memory_space<vmem_shared>> -> memref<1x256xf32, #tpu.memory_space<vmem_shared>>
      %dma_start3A_75 = tpu.memref_squeeze %dma_start3A_74 : memref<1x256xf32, #tpu.memory_space<vmem_shared>> -> memref<256xf32, #tpu.memory_space<vmem_shared>>
      tpu.enqueue_dma source(%dma_start3A_75 : memref<256xf32, #tpu.memory_space<vmem_shared>>) target(%dma_start3A_73 : memref<256xf32, #tpu.memory_space<vmem>>) target_semaphore(%run_scoped3A_66 : memref<!tpu.dma_semaphore, #tpu.memory_space<semaphore_mem>>)
      %dma_wait3A = arith.constant 0 : i32
      %dma_wait3A_76 = tpu.memref_slice %arg12[%run_scoped3A_44, %dma_wait3A] : memref<16x256xf32, #tpu.memory_space<vmem>> -> memref<1x256xf32, #tpu.memory_space<vmem>>
      %dma_wait3A_77 = tpu.memref_squeeze %dma_wait3A_76 : memref<1x256xf32, #tpu.memory_space<vmem>> -> memref<256xf32, #tpu.memory_space<vmem>>
      %dma_wait3A_78 = tpu.memref_slice %arg13[%run_scoped3A_43, %mul3A_26] : memref<16x4096xf32, #tpu.memory_space<vmem_shared>> -> memref<1x256xf32, #tpu.memory_space<vmem_shared>>
      %dma_wait3A_79 = tpu.memref_squeeze %dma_wait3A_78 : memref<1x256xf32, #tpu.memory_space<vmem_shared>> -> memref<256xf32, #tpu.memory_space<vmem_shared>>
      %dma_wait3A_80 = arith.constant 0 : i32
      %dma_wait3A_81 = tpu.memref_slice %arg12[%run_scoped3A_44, %dma_wait3A_80] : memref<16x256xf32, #tpu.memory_space<vmem>> -> memref<1x256xf32, #tpu.memory_space<vmem>>
      %dma_wait3A_82 = tpu.memref_squeeze %dma_wait3A_81 : memref<1x256xf32, #tpu.memory_space<vmem>> -> memref<256xf32, #tpu.memory_space<vmem>>
      %dma_wait3A_83 = tpu.memref_slice %arg13[%run_scoped3A_43, %mul3A_26] : memref<16x4096xf32, #tpu.memory_space<vmem_shared>> -> memref<1x256xf32, #tpu.memory_space<vmem_shared>>
      %dma_wait3A_84 = tpu.memref_squeeze %dma_wait3A_83 : memref<1x256xf32, #tpu.memory_space<vmem_shared>> -> memref<256xf32, #tpu.memory_space<vmem_shared>>
      tpu.wait_dma2 semaphore(%run_scoped3A_66 : memref<!tpu.dma_semaphore, #tpu.memory_space<semaphore_mem>>) src(%dma_wait3A_84 : memref<256xf32, #tpu.memory_space<vmem_shared>>) dst(%dma_wait3A_82 : memref<256xf32, #tpu.memory_space<vmem>>)
      tpu.yield
    }) : () -> ()
    %run_scoped3A_45 = arith.constant 9 : i32
    %run_scoped3A_46 = arith.constant 9 : i32
    "tpu.region"() ({
      %run_scoped3A_66 = tpu.sem_alloc : memref<!tpu.dma_semaphore, #tpu.memory_space<semaphore_mem>>
      %dma_start3A = arith.constant 0 : i32
      %dma_start3A_67 = tpu.memref_slice %arg12[%run_scoped3A_46, %dma_start3A] : memref<16x256xf32, #tpu.memory_space<vmem>> -> memref<1x256xf32, #tpu.memory_space<vmem>>
      %dma_start3A_68 = tpu.memref_squeeze %dma_start3A_67 : memref<1x256xf32, #tpu.memory_space<vmem>> -> memref<256xf32, #tpu.memory_space<vmem>>
      %dma_start3A_69 = tpu.memref_slice %arg13[%run_scoped3A_45, %mul3A_26] : memref<16x4096xf32, #tpu.memory_space<vmem_shared>> -> memref<1x256xf32, #tpu.memory_space<vmem_shared>>
      %dma_start3A_70 = tpu.memref_squeeze %dma_start3A_69 : memref<1x256xf32, #tpu.memory_space<vmem_shared>> -> memref<256xf32, #tpu.memory_space<vmem_shared>>
      %dma_start3A_71 = arith.constant 0 : i32
      %dma_start3A_72 = tpu.memref_slice %arg12[%run_scoped3A_46, %dma_start3A_71] : memref<16x256xf32, #tpu.memory_space<vmem>> -> memref<1x256xf32, #tpu.memory_space<vmem>>
      %dma_start3A_73 = tpu.memref_squeeze %dma_start3A_72 : memref<1x256xf32, #tpu.memory_space<vmem>> -> memref<256xf32, #tpu.memory_space<vmem>>
      %dma_start3A_74 = tpu.memref_slice %arg13[%run_scoped3A_45, %mul3A_26] : memref<16x4096xf32, #tpu.memory_space<vmem_shared>> -> memref<1x256xf32, #tpu.memory_space<vmem_shared>>
      %dma_start3A_75 = tpu.memref_squeeze %dma_start3A_74 : memref<1x256xf32, #tpu.memory_space<vmem_shared>> -> memref<256xf32, #tpu.memory_space<vmem_shared>>
      tpu.enqueue_dma source(%dma_start3A_75 : memref<256xf32, #tpu.memory_space<vmem_shared>>) target(%dma_start3A_73 : memref<256xf32, #tpu.memory_space<vmem>>) target_semaphore(%run_scoped3A_66 : memref<!tpu.dma_semaphore, #tpu.memory_space<semaphore_mem>>)
      %dma_wait3A = arith.constant 0 : i32
      %dma_wait3A_76 = tpu.memref_slice %arg12[%run_scoped3A_46, %dma_wait3A] : memref<16x256xf32, #tpu.memory_space<vmem>> -> memref<1x256xf32, #tpu.memory_space<vmem>>
      %dma_wait3A_77 = tpu.memref_squeeze %dma_wait3A_76 : memref<1x256xf32, #tpu.memory_space<vmem>> -> memref<256xf32, #tpu.memory_space<vmem>>
      %dma_wait3A_78 = tpu.memref_slice %arg13[%run_scoped3A_45, %mul3A_26] : memref<16x4096xf32, #tpu.memory_space<vmem_shared>> -> memref<1x256xf32, #tpu.memory_space<vmem_shared>>
      %dma_wait3A_79 = tpu.memref_squeeze %dma_wait3A_78 : memref<1x256xf32, #tpu.memory_space<vmem_shared>> -> memref<256xf32, #tpu.memory_space<vmem_shared>>
      %dma_wait3A_80 = arith.constant 0 : i32
      %dma_wait3A_81 = tpu.memref_slice %arg12[%run_scoped3A_46, %dma_wait3A_80] : memref<16x256xf32, #tpu.memory_space<vmem>> -> memref<1x256xf32, #tpu.memory_space<vmem>>
      %dma_wait3A_82 = tpu.memref_squeeze %dma_wait3A_81 : memref<1x256xf32, #tpu.memory_space<vmem>> -> memref<256xf32, #tpu.memory_space<vmem>>
      %dma_wait3A_83 = tpu.memref_slice %arg13[%run_scoped3A_45, %mul3A_26] : memref<16x4096xf32, #tpu.memory_space<vmem_shared>> -> memref<1x256xf32, #tpu.memory_space<vmem_shared>>
      %dma_wait3A_84 = tpu.memref_squeeze %dma_wait3A_83 : memref<1x256xf32, #tpu.memory_space<vmem_shared>> -> memref<256xf32, #tpu.memory_space<vmem_shared>>
      tpu.wait_dma2 semaphore(%run_scoped3A_66 : memref<!tpu.dma_semaphore, #tpu.memory_space<semaphore_mem>>) src(%dma_wait3A_84 : memref<256xf32, #tpu.memory_space<vmem_shared>>) dst(%dma_wait3A_82 : memref<256xf32, #tpu.memory_space<vmem>>)
      tpu.yield
    }) : () -> ()
    %run_scoped3A_47 = arith.constant 10 : i32
    %run_scoped3A_48 = arith.constant 10 : i32
    "tpu.region"() ({
      %run_scoped3A_66 = tpu.sem_alloc : memref<!tpu.dma_semaphore, #tpu.memory_space<semaphore_mem>>
      %dma_start3A = arith.constant 0 : i32
      %dma_start3A_67 = tpu.memref_slice %arg12[%run_scoped3A_48, %dma_start3A] : memref<16x256xf32, #tpu.memory_space<vmem>> -> memref<1x256xf32, #tpu.memory_space<vmem>>
      %dma_start3A_68 = tpu.memref_squeeze %dma_start3A_67 : memref<1x256xf32, #tpu.memory_space<vmem>> -> memref<256xf32, #tpu.memory_space<vmem>>
      %dma_start3A_69 = tpu.memref_slice %arg13[%run_scoped3A_47, %mul3A_26] : memref<16x4096xf32, #tpu.memory_space<vmem_shared>> -> memref<1x256xf32, #tpu.memory_space<vmem_shared>>
      %dma_start3A_70 = tpu.memref_squeeze %dma_start3A_69 : memref<1x256xf32, #tpu.memory_space<vmem_shared>> -> memref<256xf32, #tpu.memory_space<vmem_shared>>
      %dma_start3A_71 = arith.constant 0 : i32
      %dma_start3A_72 = tpu.memref_slice %arg12[%run_scoped3A_48, %dma_start3A_71] : memref<16x256xf32, #tpu.memory_space<vmem>> -> memref<1x256xf32, #tpu.memory_space<vmem>>
      %dma_start3A_73 = tpu.memref_squeeze %dma_start3A_72 : memref<1x256xf32, #tpu.memory_space<vmem>> -> memref<256xf32, #tpu.memory_space<vmem>>
      %dma_start3A_74 = tpu.memref_slice %arg13[%run_scoped3A_47, %mul3A_26] : memref<16x4096xf32, #tpu.memory_space<vmem_shared>> -> memref<1x256xf32, #tpu.memory_space<vmem_shared>>
      %dma_start3A_75 = tpu.memref_squeeze %dma_start3A_74 : memref<1x256xf32, #tpu.memory_space<vmem_shared>> -> memref<256xf32, #tpu.memory_space<vmem_shared>>
      tpu.enqueue_dma source(%dma_start3A_75 : memref<256xf32, #tpu.memory_space<vmem_shared>>) target(%dma_start3A_73 : memref<256xf32, #tpu.memory_space<vmem>>) target_semaphore(%run_scoped3A_66 : memref<!tpu.dma_semaphore, #tpu.memory_space<semaphore_mem>>)
      %dma_wait3A = arith.constant 0 : i32
      %dma_wait3A_76 = tpu.memref_slice %arg12[%run_scoped3A_48, %dma_wait3A] : memref<16x256xf32, #tpu.memory_space<vmem>> -> memref<1x256xf32, #tpu.memory_space<vmem>>
      %dma_wait3A_77 = tpu.memref_squeeze %dma_wait3A_76 : memref<1x256xf32, #tpu.memory_space<vmem>> -> memref<256xf32, #tpu.memory_space<vmem>>
      %dma_wait3A_78 = tpu.memref_slice %arg13[%run_scoped3A_47, %mul3A_26] : memref<16x4096xf32, #tpu.memory_space<vmem_shared>> -> memref<1x256xf32, #tpu.memory_space<vmem_shared>>
      %dma_wait3A_79 = tpu.memref_squeeze %dma_wait3A_78 : memref<1x256xf32, #tpu.memory_space<vmem_shared>> -> memref<256xf32, #tpu.memory_space<vmem_shared>>
      %dma_wait3A_80 = arith.constant 0 : i32
      %dma_wait3A_81 = tpu.memref_slice %arg12[%run_scoped3A_48, %dma_wait3A_80] : memref<16x256xf32, #tpu.memory_space<vmem>> -> memref<1x256xf32, #tpu.memory_space<vmem>>
      %dma_wait3A_82 = tpu.memref_squeeze %dma_wait3A_81 : memref<1x256xf32, #tpu.memory_space<vmem>> -> memref<256xf32, #tpu.memory_space<vmem>>
      %dma_wait3A_83 = tpu.memref_slice %arg13[%run_scoped3A_47, %mul3A_26] : memref<16x4096xf32, #tpu.memory_space<vmem_shared>> -> memref<1x256xf32, #tpu.memory_space<vmem_shared>>
      %dma_wait3A_84 = tpu.memref_squeeze %dma_wait3A_83 : memref<1x256xf32, #tpu.memory_space<vmem_shared>> -> memref<256xf32, #tpu.memory_space<vmem_shared>>
      tpu.wait_dma2 semaphore(%run_scoped3A_66 : memref<!tpu.dma_semaphore, #tpu.memory_space<semaphore_mem>>) src(%dma_wait3A_84 : memref<256xf32, #tpu.memory_space<vmem_shared>>) dst(%dma_wait3A_82 : memref<256xf32, #tpu.memory_space<vmem>>)
      tpu.yield
    }) : () -> ()
    %run_scoped3A_49 = arith.constant 11 : i32
    %run_scoped3A_50 = arith.constant 11 : i32
    "tpu.region"() ({
      %run_scoped3A_66 = tpu.sem_alloc : memref<!tpu.dma_semaphore, #tpu.memory_space<semaphore_mem>>
      %dma_start3A = arith.constant 0 : i32
      %dma_start3A_67 = tpu.memref_slice %arg12[%run_scoped3A_50, %dma_start3A] : memref<16x256xf32, #tpu.memory_space<vmem>> -> memref<1x256xf32, #tpu.memory_space<vmem>>
      %dma_start3A_68 = tpu.memref_squeeze %dma_start3A_67 : memref<1x256xf32, #tpu.memory_space<vmem>> -> memref<256xf32, #tpu.memory_space<vmem>>
      %dma_start3A_69 = tpu.memref_slice %arg13[%run_scoped3A_49, %mul3A_26] : memref<16x4096xf32, #tpu.memory_space<vmem_shared>> -> memref<1x256xf32, #tpu.memory_space<vmem_shared>>
      %dma_start3A_70 = tpu.memref_squeeze %dma_start3A_69 : memref<1x256xf32, #tpu.memory_space<vmem_shared>> -> memref<256xf32, #tpu.memory_space<vmem_shared>>
      %dma_start3A_71 = arith.constant 0 : i32
      %dma_start3A_72 = tpu.memref_slice %arg12[%run_scoped3A_50, %dma_start3A_71] : memref<16x256xf32, #tpu.memory_space<vmem>> -> memref<1x256xf32, #tpu.memory_space<vmem>>
      %dma_start3A_73 = tpu.memref_squeeze %dma_start3A_72 : memref<1x256xf32, #tpu.memory_space<vmem>> -> memref<256xf32, #tpu.memory_space<vmem>>
      %dma_start3A_74 = tpu.memref_slice %arg13[%run_scoped3A_49, %mul3A_26] : memref<16x4096xf32, #tpu.memory_space<vmem_shared>> -> memref<1x256xf32, #tpu.memory_space<vmem_shared>>
      %dma_start3A_75 = tpu.memref_squeeze %dma_start3A_74 : memref<1x256xf32, #tpu.memory_space<vmem_shared>> -> memref<256xf32, #tpu.memory_space<vmem_shared>>
      tpu.enqueue_dma source(%dma_start3A_75 : memref<256xf32, #tpu.memory_space<vmem_shared>>) target(%dma_start3A_73 : memref<256xf32, #tpu.memory_space<vmem>>) target_semaphore(%run_scoped3A_66 : memref<!tpu.dma_semaphore, #tpu.memory_space<semaphore_mem>>)
      %dma_wait3A = arith.constant 0 : i32
      %dma_wait3A_76 = tpu.memref_slice %arg12[%run_scoped3A_50, %dma_wait3A] : memref<16x256xf32, #tpu.memory_space<vmem>> -> memref<1x256xf32, #tpu.memory_space<vmem>>
      %dma_wait3A_77 = tpu.memref_squeeze %dma_wait3A_76 : memref<1x256xf32, #tpu.memory_space<vmem>> -> memref<256xf32, #tpu.memory_space<vmem>>
      %dma_wait3A_78 = tpu.memref_slice %arg13[%run_scoped3A_49, %mul3A_26] : memref<16x4096xf32, #tpu.memory_space<vmem_shared>> -> memref<1x256xf32, #tpu.memory_space<vmem_shared>>
      %dma_wait3A_79 = tpu.memref_squeeze %dma_wait3A_78 : memref<1x256xf32, #tpu.memory_space<vmem_shared>> -> memref<256xf32, #tpu.memory_space<vmem_shared>>
      %dma_wait3A_80 = arith.constant 0 : i32
      %dma_wait3A_81 = tpu.memref_slice %arg12[%run_scoped3A_50, %dma_wait3A_80] : memref<16x256xf32, #tpu.memory_space<vmem>> -> memref<1x256xf32, #tpu.memory_space<vmem>>
      %dma_wait3A_82 = tpu.memref_squeeze %dma_wait3A_81 : memref<1x256xf32, #tpu.memory_space<vmem>> -> memref<256xf32, #tpu.memory_space<vmem>>
      %dma_wait3A_83 = tpu.memref_slice %arg13[%run_scoped3A_49, %mul3A_26] : memref<16x4096xf32, #tpu.memory_space<vmem_shared>> -> memref<1x256xf32, #tpu.memory_space<vmem_shared>>
      %dma_wait3A_84 = tpu.memref_squeeze %dma_wait3A_83 : memref<1x256xf32, #tpu.memory_space<vmem_shared>> -> memref<256xf32, #tpu.memory_space<vmem_shared>>
      tpu.wait_dma2 semaphore(%run_scoped3A_66 : memref<!tpu.dma_semaphore, #tpu.memory_space<semaphore_mem>>) src(%dma_wait3A_84 : memref<256xf32, #tpu.memory_space<vmem_shared>>) dst(%dma_wait3A_82 : memref<256xf32, #tpu.memory_space<vmem>>)
      tpu.yield
    }) : () -> ()
    %run_scoped3A_51 = arith.constant 12 : i32
    %run_scoped3A_52 = arith.constant 12 : i32
    "tpu.region"() ({
      %run_scoped3A_66 = tpu.sem_alloc : memref<!tpu.dma_semaphore, #tpu.memory_space<semaphore_mem>>
      %dma_start3A = arith.constant 0 : i32
      %dma_start3A_67 = tpu.memref_slice %arg12[%run_scoped3A_52, %dma_start3A] : memref<16x256xf32, #tpu.memory_space<vmem>> -> memref<1x256xf32, #tpu.memory_space<vmem>>
      %dma_start3A_68 = tpu.memref_squeeze %dma_start3A_67 : memref<1x256xf32, #tpu.memory_space<vmem>> -> memref<256xf32, #tpu.memory_space<vmem>>
      %dma_start3A_69 = tpu.memref_slice %arg13[%run_scoped3A_51, %mul3A_26] : memref<16x4096xf32, #tpu.memory_space<vmem_shared>> -> memref<1x256xf32, #tpu.memory_space<vmem_shared>>
      %dma_start3A_70 = tpu.memref_squeeze %dma_start3A_69 : memref<1x256xf32, #tpu.memory_space<vmem_shared>> -> memref<256xf32, #tpu.memory_space<vmem_shared>>
      %dma_start3A_71 = arith.constant 0 : i32
      %dma_start3A_72 = tpu.memref_slice %arg12[%run_scoped3A_52, %dma_start3A_71] : memref<16x256xf32, #tpu.memory_space<vmem>> -> memref<1x256xf32, #tpu.memory_space<vmem>>
      %dma_start3A_73 = tpu.memref_squeeze %dma_start3A_72 : memref<1x256xf32, #tpu.memory_space<vmem>> -> memref<256xf32, #tpu.memory_space<vmem>>
      %dma_start3A_74 = tpu.memref_slice %arg13[%run_scoped3A_51, %mul3A_26] : memref<16x4096xf32, #tpu.memory_space<vmem_shared>> -> memref<1x256xf32, #tpu.memory_space<vmem_shared>>
      %dma_start3A_75 = tpu.memref_squeeze %dma_start3A_74 : memref<1x256xf32, #tpu.memory_space<vmem_shared>> -> memref<256xf32, #tpu.memory_space<vmem_shared>>
      tpu.enqueue_dma source(%dma_start3A_75 : memref<256xf32, #tpu.memory_space<vmem_shared>>) target(%dma_start3A_73 : memref<256xf32, #tpu.memory_space<vmem>>) target_semaphore(%run_scoped3A_66 : memref<!tpu.dma_semaphore, #tpu.memory_space<semaphore_mem>>)
      %dma_wait3A = arith.constant 0 : i32
      %dma_wait3A_76 = tpu.memref_slice %arg12[%run_scoped3A_52, %dma_wait3A] : memref<16x256xf32, #tpu.memory_space<vmem>> -> memref<1x256xf32, #tpu.memory_space<vmem>>
      %dma_wait3A_77 = tpu.memref_squeeze %dma_wait3A_76 : memref<1x256xf32, #tpu.memory_space<vmem>> -> memref<256xf32, #tpu.memory_space<vmem>>
      %dma_wait3A_78 = tpu.memref_slice %arg13[%run_scoped3A_51, %mul3A_26] : memref<16x4096xf32, #tpu.memory_space<vmem_shared>> -> memref<1x256xf32, #tpu.memory_space<vmem_shared>>
      %dma_wait3A_79 = tpu.memref_squeeze %dma_wait3A_78 : memref<1x256xf32, #tpu.memory_space<vmem_shared>> -> memref<256xf32, #tpu.memory_space<vmem_shared>>
      %dma_wait3A_80 = arith.constant 0 : i32
      %dma_wait3A_81 = tpu.memref_slice %arg12[%run_scoped3A_52, %dma_wait3A_80] : memref<16x256xf32, #tpu.memory_space<vmem>> -> memref<1x256xf32, #tpu.memory_space<vmem>>
      %dma_wait3A_82 = tpu.memref_squeeze %dma_wait3A_81 : memref<1x256xf32, #tpu.memory_space<vmem>> -> memref<256xf32, #tpu.memory_space<vmem>>
      %dma_wait3A_83 = tpu.memref_slice %arg13[%run_scoped3A_51, %mul3A_26] : memref<16x4096xf32, #tpu.memory_space<vmem_shared>> -> memref<1x256xf32, #tpu.memory_space<vmem_shared>>
      %dma_wait3A_84 = tpu.memref_squeeze %dma_wait3A_83 : memref<1x256xf32, #tpu.memory_space<vmem_shared>> -> memref<256xf32, #tpu.memory_space<vmem_shared>>
      tpu.wait_dma2 semaphore(%run_scoped3A_66 : memref<!tpu.dma_semaphore, #tpu.memory_space<semaphore_mem>>) src(%dma_wait3A_84 : memref<256xf32, #tpu.memory_space<vmem_shared>>) dst(%dma_wait3A_82 : memref<256xf32, #tpu.memory_space<vmem>>)
      tpu.yield
    }) : () -> ()
    %run_scoped3A_53 = arith.constant 13 : i32
    %run_scoped3A_54 = arith.constant 13 : i32
    "tpu.region"() ({
      %run_scoped3A_66 = tpu.sem_alloc : memref<!tpu.dma_semaphore, #tpu.memory_space<semaphore_mem>>
      %dma_start3A = arith.constant 0 : i32
      %dma_start3A_67 = tpu.memref_slice %arg12[%run_scoped3A_54, %dma_start3A] : memref<16x256xf32, #tpu.memory_space<vmem>> -> memref<1x256xf32, #tpu.memory_space<vmem>>
      %dma_start3A_68 = tpu.memref_squeeze %dma_start3A_67 : memref<1x256xf32, #tpu.memory_space<vmem>> -> memref<256xf32, #tpu.memory_space<vmem>>
      %dma_start3A_69 = tpu.memref_slice %arg13[%run_scoped3A_53, %mul3A_26] : memref<16x4096xf32, #tpu.memory_space<vmem_shared>> -> memref<1x256xf32, #tpu.memory_space<vmem_shared>>
      %dma_start3A_70 = tpu.memref_squeeze %dma_start3A_69 : memref<1x256xf32, #tpu.memory_space<vmem_shared>> -> memref<256xf32, #tpu.memory_space<vmem_shared>>
      %dma_start3A_71 = arith.constant 0 : i32
      %dma_start3A_72 = tpu.memref_slice %arg12[%run_scoped3A_54, %dma_start3A_71] : memref<16x256xf32, #tpu.memory_space<vmem>> -> memref<1x256xf32, #tpu.memory_space<vmem>>
      %dma_start3A_73 = tpu.memref_squeeze %dma_start3A_72 : memref<1x256xf32, #tpu.memory_space<vmem>> -> memref<256xf32, #tpu.memory_space<vmem>>
      %dma_start3A_74 = tpu.memref_slice %arg13[%run_scoped3A_53, %mul3A_26] : memref<16x4096xf32, #tpu.memory_space<vmem_shared>> -> memref<1x256xf32, #tpu.memory_space<vmem_shared>>
      %dma_start3A_75 = tpu.memref_squeeze %dma_start3A_74 : memref<1x256xf32, #tpu.memory_space<vmem_shared>> -> memref<256xf32, #tpu.memory_space<vmem_shared>>
      tpu.enqueue_dma source(%dma_start3A_75 : memref<256xf32, #tpu.memory_space<vmem_shared>>) target(%dma_start3A_73 : memref<256xf32, #tpu.memory_space<vmem>>) target_semaphore(%run_scoped3A_66 : memref<!tpu.dma_semaphore, #tpu.memory_space<semaphore_mem>>)
      %dma_wait3A = arith.constant 0 : i32
      %dma_wait3A_76 = tpu.memref_slice %arg12[%run_scoped3A_54, %dma_wait3A] : memref<16x256xf32, #tpu.memory_space<vmem>> -> memref<1x256xf32, #tpu.memory_space<vmem>>
      %dma_wait3A_77 = tpu.memref_squeeze %dma_wait3A_76 : memref<1x256xf32, #tpu.memory_space<vmem>> -> memref<256xf32, #tpu.memory_space<vmem>>
      %dma_wait3A_78 = tpu.memref_slice %arg13[%run_scoped3A_53, %mul3A_26] : memref<16x4096xf32, #tpu.memory_space<vmem_shared>> -> memref<1x256xf32, #tpu.memory_space<vmem_shared>>
      %dma_wait3A_79 = tpu.memref_squeeze %dma_wait3A_78 : memref<1x256xf32, #tpu.memory_space<vmem_shared>> -> memref<256xf32, #tpu.memory_space<vmem_shared>>
      %dma_wait3A_80 = arith.constant 0 : i32
      %dma_wait3A_81 = tpu.memref_slice %arg12[%run_scoped3A_54, %dma_wait3A_80] : memref<16x256xf32, #tpu.memory_space<vmem>> -> memref<1x256xf32, #tpu.memory_space<vmem>>
      %dma_wait3A_82 = tpu.memref_squeeze %dma_wait3A_81 : memref<1x256xf32, #tpu.memory_space<vmem>> -> memref<256xf32, #tpu.memory_space<vmem>>
      %dma_wait3A_83 = tpu.memref_slice %arg13[%run_scoped3A_53, %mul3A_26] : memref<16x4096xf32, #tpu.memory_space<vmem_shared>> -> memref<1x256xf32, #tpu.memory_space<vmem_shared>>
      %dma_wait3A_84 = tpu.memref_squeeze %dma_wait3A_83 : memref<1x256xf32, #tpu.memory_space<vmem_shared>> -> memref<256xf32, #tpu.memory_space<vmem_shared>>
      tpu.wait_dma2 semaphore(%run_scoped3A_66 : memref<!tpu.dma_semaphore, #tpu.memory_space<semaphore_mem>>) src(%dma_wait3A_84 : memref<256xf32, #tpu.memory_space<vmem_shared>>) dst(%dma_wait3A_82 : memref<256xf32, #tpu.memory_space<vmem>>)
      tpu.yield
    }) : () -> ()
    %run_scoped3A_55 = arith.constant 14 : i32
    %run_scoped3A_56 = arith.constant 14 : i32
    "tpu.region"() ({
      %run_scoped3A_66 = tpu.sem_alloc : memref<!tpu.dma_semaphore, #tpu.memory_space<semaphore_mem>>
      %dma_start3A = arith.constant 0 : i32
      %dma_start3A_67 = tpu.memref_slice %arg12[%run_scoped3A_56, %dma_start3A] : memref<16x256xf32, #tpu.memory_space<vmem>> -> memref<1x256xf32, #tpu.memory_space<vmem>>
      %dma_start3A_68 = tpu.memref_squeeze %dma_start3A_67 : memref<1x256xf32, #tpu.memory_space<vmem>> -> memref<256xf32, #tpu.memory_space<vmem>>
      %dma_start3A_69 = tpu.memref_slice %arg13[%run_scoped3A_55, %mul3A_26] : memref<16x4096xf32, #tpu.memory_space<vmem_shared>> -> memref<1x256xf32, #tpu.memory_space<vmem_shared>>
      %dma_start3A_70 = tpu.memref_squeeze %dma_start3A_69 : memref<1x256xf32, #tpu.memory_space<vmem_shared>> -> memref<256xf32, #tpu.memory_space<vmem_shared>>
      %dma_start3A_71 = arith.constant 0 : i32
      %dma_start3A_72 = tpu.memref_slice %arg12[%run_scoped3A_56, %dma_start3A_71] : memref<16x256xf32, #tpu.memory_space<vmem>> -> memref<1x256xf32, #tpu.memory_space<vmem>>
      %dma_start3A_73 = tpu.memref_squeeze %dma_start3A_72 : memref<1x256xf32, #tpu.memory_space<vmem>> -> memref<256xf32, #tpu.memory_space<vmem>>
      %dma_start3A_74 = tpu.memref_slice %arg13[%run_scoped3A_55, %mul3A_26] : memref<16x4096xf32, #tpu.memory_space<vmem_shared>> -> memref<1x256xf32, #tpu.memory_space<vmem_shared>>
      %dma_start3A_75 = tpu.memref_squeeze %dma_start3A_74 : memref<1x256xf32, #tpu.memory_space<vmem_shared>> -> memref<256xf32, #tpu.memory_space<vmem_shared>>
      tpu.enqueue_dma source(%dma_start3A_75 : memref<256xf32, #tpu.memory_space<vmem_shared>>) target(%dma_start3A_73 : memref<256xf32, #tpu.memory_space<vmem>>) target_semaphore(%run_scoped3A_66 : memref<!tpu.dma_semaphore, #tpu.memory_space<semaphore_mem>>)
      %dma_wait3A = arith.constant 0 : i32
      %dma_wait3A_76 = tpu.memref_slice %arg12[%run_scoped3A_56, %dma_wait3A] : memref<16x256xf32, #tpu.memory_space<vmem>> -> memref<1x256xf32, #tpu.memory_space<vmem>>
      %dma_wait3A_77 = tpu.memref_squeeze %dma_wait3A_76 : memref<1x256xf32, #tpu.memory_space<vmem>> -> memref<256xf32, #tpu.memory_space<vmem>>
      %dma_wait3A_78 = tpu.memref_slice %arg13[%run_scoped3A_55, %mul3A_26] : memref<16x4096xf32, #tpu.memory_space<vmem_shared>> -> memref<1x256xf32, #tpu.memory_space<vmem_shared>>
      %dma_wait3A_79 = tpu.memref_squeeze %dma_wait3A_78 : memref<1x256xf32, #tpu.memory_space<vmem_shared>> -> memref<256xf32, #tpu.memory_space<vmem_shared>>
      %dma_wait3A_80 = arith.constant 0 : i32
      %dma_wait3A_81 = tpu.memref_slice %arg12[%run_scoped3A_56, %dma_wait3A_80] : memref<16x256xf32, #tpu.memory_space<vmem>> -> memref<1x256xf32, #tpu.memory_space<vmem>>
      %dma_wait3A_82 = tpu.memref_squeeze %dma_wait3A_81 : memref<1x256xf32, #tpu.memory_space<vmem>> -> memref<256xf32, #tpu.memory_space<vmem>>
      %dma_wait3A_83 = tpu.memref_slice %arg13[%run_scoped3A_55, %mul3A_26] : memref<16x4096xf32, #tpu.memory_space<vmem_shared>> -> memref<1x256xf32, #tpu.memory_space<vmem_shared>>
      %dma_wait3A_84 = tpu.memref_squeeze %dma_wait3A_83 : memref<1x256xf32, #tpu.memory_space<vmem_shared>> -> memref<256xf32, #tpu.memory_space<vmem_shared>>
      tpu.wait_dma2 semaphore(%run_scoped3A_66 : memref<!tpu.dma_semaphore, #tpu.memory_space<semaphore_mem>>) src(%dma_wait3A_84 : memref<256xf32, #tpu.memory_space<vmem_shared>>) dst(%dma_wait3A_82 : memref<256xf32, #tpu.memory_space<vmem>>)
      tpu.yield
    }) : () -> ()
    %run_scoped3A_57 = arith.constant 15 : i32
    %run_scoped3A_58 = arith.constant 15 : i32
    "tpu.region"() ({
      %run_scoped3A_66 = tpu.sem_alloc : memref<!tpu.dma_semaphore, #tpu.memory_space<semaphore_mem>>
      %dma_start3A = arith.constant 0 : i32
      %dma_start3A_67 = tpu.memref_slice %arg12[%run_scoped3A_58, %dma_start3A] : memref<16x256xf32, #tpu.memory_space<vmem>> -> memref<1x256xf32, #tpu.memory_space<vmem>>
      %dma_start3A_68 = tpu.memref_squeeze %dma_start3A_67 : memref<1x256xf32, #tpu.memory_space<vmem>> -> memref<256xf32, #tpu.memory_space<vmem>>
      %dma_start3A_69 = tpu.memref_slice %arg13[%run_scoped3A_57, %mul3A_26] : memref<16x4096xf32, #tpu.memory_space<vmem_shared>> -> memref<1x256xf32, #tpu.memory_space<vmem_shared>>
      %dma_start3A_70 = tpu.memref_squeeze %dma_start3A_69 : memref<1x256xf32, #tpu.memory_space<vmem_shared>> -> memref<256xf32, #tpu.memory_space<vmem_shared>>
      %dma_start3A_71 = arith.constant 0 : i32
      %dma_start3A_72 = tpu.memref_slice %arg12[%run_scoped3A_58, %dma_start3A_71] : memref<16x256xf32, #tpu.memory_space<vmem>> -> memref<1x256xf32, #tpu.memory_space<vmem>>
      %dma_start3A_73 = tpu.memref_squeeze %dma_start3A_72 : memref<1x256xf32, #tpu.memory_space<vmem>> -> memref<256xf32, #tpu.memory_space<vmem>>
      %dma_start3A_74 = tpu.memref_slice %arg13[%run_scoped3A_57, %mul3A_26] : memref<16x4096xf32, #tpu.memory_space<vmem_shared>> -> memref<1x256xf32, #tpu.memory_space<vmem_shared>>
      %dma_start3A_75 = tpu.memref_squeeze %dma_start3A_74 : memref<1x256xf32, #tpu.memory_space<vmem_shared>> -> memref<256xf32, #tpu.memory_space<vmem_shared>>
      tpu.enqueue_dma source(%dma_start3A_75 : memref<256xf32, #tpu.memory_space<vmem_shared>>) target(%dma_start3A_73 : memref<256xf32, #tpu.memory_space<vmem>>) target_semaphore(%run_scoped3A_66 : memref<!tpu.dma_semaphore, #tpu.memory_space<semaphore_mem>>)
      %dma_wait3A = arith.constant 0 : i32
      %dma_wait3A_76 = tpu.memref_slice %arg12[%run_scoped3A_58, %dma_wait3A] : memref<16x256xf32, #tpu.memory_space<vmem>> -> memref<1x256xf32, #tpu.memory_space<vmem>>
      %dma_wait3A_77 = tpu.memref_squeeze %dma_wait3A_76 : memref<1x256xf32, #tpu.memory_space<vmem>> -> memref<256xf32, #tpu.memory_space<vmem>>
      %dma_wait3A_78 = tpu.memref_slice %arg13[%run_scoped3A_57, %mul3A_26] : memref<16x4096xf32, #tpu.memory_space<vmem_shared>> -> memref<1x256xf32, #tpu.memory_space<vmem_shared>>
      %dma_wait3A_79 = tpu.memref_squeeze %dma_wait3A_78 : memref<1x256xf32, #tpu.memory_space<vmem_shared>> -> memref<256xf32, #tpu.memory_space<vmem_shared>>
      %dma_wait3A_80 = arith.constant 0 : i32
      %dma_wait3A_81 = tpu.memref_slice %arg12[%run_scoped3A_58, %dma_wait3A_80] : memref<16x256xf32, #tpu.memory_space<vmem>> -> memref<1x256xf32, #tpu.memory_space<vmem>>
      %dma_wait3A_82 = tpu.memref_squeeze %dma_wait3A_81 : memref<1x256xf32, #tpu.memory_space<vmem>> -> memref<256xf32, #tpu.memory_space<vmem>>
      %dma_wait3A_83 = tpu.memref_slice %arg13[%run_scoped3A_57, %mul3A_26] : memref<16x4096xf32, #tpu.memory_space<vmem_shared>> -> memref<1x256xf32, #tpu.memory_space<vmem_shared>>
      %dma_wait3A_84 = tpu.memref_squeeze %dma_wait3A_83 : memref<1x256xf32, #tpu.memory_space<vmem_shared>> -> memref<256xf32, #tpu.memory_space<vmem_shared>>
      tpu.wait_dma2 semaphore(%run_scoped3A_66 : memref<!tpu.dma_semaphore, #tpu.memory_space<semaphore_mem>>) src(%dma_wait3A_84 : memref<256xf32, #tpu.memory_space<vmem_shared>>) dst(%dma_wait3A_82 : memref<256xf32, #tpu.memory_space<vmem>>)
      tpu.yield
    }) : () -> ()
    %scan3A_59 = arith.constant 0 : i32
    %scan3A_60 = arith.constant 0 : i32
    %scan3A_61 = arith.constant 16 : i32
    %scan3A_62 = arith.addi %scan3A_60, %scan3A_61 : i32
    %scan3A_63 = arith.constant 1 : i32
    %scan3A_64 = scf.for %scan3A_66 = %scan3A_60 to %scan3A_62 step %scan3A_63 iter_args(%scan3A_67 = %scan3A_59) -> (i32)  : i32 {
      %mul3A_68 = arith.constant 16 : i32
      %mul3A_69 = arith.muli %scan3A_66, %mul3A_68 : i32
      %get3A = arith.constant 0 : i32
      %get3A_70 = arith.index_cast %get3A : i32 to index
      %get3A_71 = arith.index_cast %mul3A_69 : i32 to index
      %get3A_72 = tpu.vector_load %arg12[%get3A_70, %get3A_71] {strides = array<i32>} : memref<16x256xf32, #tpu.memory_space<vmem>>, vector<1x16xf32>,
      %get3A_73 = vector.shape_cast %get3A_72 : vector<1x16xf32> to vector<16xf32>
      %get3A_74 = arith.constant 1 : i32
      %get3A_75 = arith.index_cast %get3A_74 : i32 to index
      %get3A_76 = arith.index_cast %mul3A_69 : i32 to index
      %get3A_77 = tpu.vector_load %arg12[%get3A_75, %get3A_76] {strides = array<i32>} : memref<16x256xf32, #tpu.memory_space<vmem>>, vector<1x16xf32>,
      %get3A_78 = vector.shape_cast %get3A_77 : vector<1x16xf32> to vector<16xf32>
      %min3A = arith.minimumf %get3A_73, %get3A_78 : vector<16xf32>
      %get3A_79 = arith.constant 2 : i32
      %get3A_80 = arith.index_cast %get3A_79 : i32 to index
      %get3A_81 = arith.index_cast %mul3A_69 : i32 to index
      %get3A_82 = tpu.vector_load %arg12[%get3A_80, %get3A_81] {strides = array<i32>} : memref<16x256xf32, #tpu.memory_space<vmem>>, vector<1x16xf32>,
      %get3A_83 = vector.shape_cast %get3A_82 : vector<1x16xf32> to vector<16xf32>
      %min3A_84 = arith.minimumf %min3A, %get3A_83 : vector<16xf32>
      %get3A_85 = arith.constant 3 : i32
      %get3A_86 = arith.index_cast %get3A_85 : i32 to index
      %get3A_87 = arith.index_cast %mul3A_69 : i32 to index
      %get3A_88 = tpu.vector_load %arg12[%get3A_86, %get3A_87] {strides = array<i32>} : memref<16x256xf32, #tpu.memory_space<vmem>>, vector<1x16xf32>,
      %get3A_89 = vector.shape_cast %get3A_88 : vector<1x16xf32> to vector<16xf32>
      %min3A_90 = arith.minimumf %min3A_84, %get3A_89 : vector<16xf32>
      %get3A_91 = arith.constant 4 : i32
      %get3A_92 = arith.index_cast %get3A_91 : i32 to index
      %get3A_93 = arith.index_cast %mul3A_69 : i32 to index
      %get3A_94 = tpu.vector_load %arg12[%get3A_92, %get3A_93] {strides = array<i32>} : memref<16x256xf32, #tpu.memory_space<vmem>>, vector<1x16xf32>,
      %get3A_95 = vector.shape_cast %get3A_94 : vector<1x16xf32> to vector<16xf32>
      %min3A_96 = arith.minimumf %min3A_90, %get3A_95 : vector<16xf32>
      %get3A_97 = arith.constant 5 : i32
      %get3A_98 = arith.index_cast %get3A_97 : i32 to index
      %get3A_99 = arith.index_cast %mul3A_69 : i32 to index
      %get3A_100 = tpu.vector_load %arg12[%get3A_98, %get3A_99] {strides = array<i32>} : memref<16x256xf32, #tpu.memory_space<vmem>>, vector<1x16xf32>,
      %get3A_101 = vector.shape_cast %get3A_100 : vector<1x16xf32> to vector<16xf32>
      %min3A_102 = arith.minimumf %min3A_96, %get3A_101 : vector<16xf32>
      %get3A_103 = arith.constant 6 : i32
      %get3A_104 = arith.index_cast %get3A_103 : i32 to index
      %get3A_105 = arith.index_cast %mul3A_69 : i32 to index
      %get3A_106 = tpu.vector_load %arg12[%get3A_104, %get3A_105] {strides = array<i32>} : memref<16x256xf32, #tpu.memory_space<vmem>>, vector<1x16xf32>,
      %get3A_107 = vector.shape_cast %get3A_106 : vector<1x16xf32> to vector<16xf32>
      %min3A_108 = arith.minimumf %min3A_102, %get3A_107 : vector<16xf32>
      %get3A_109 = arith.constant 7 : i32
      %get3A_110 = arith.index_cast %get3A_109 : i32 to index
      %get3A_111 = arith.index_cast %mul3A_69 : i32 to index
      %get3A_112 = tpu.vector_load %arg12[%get3A_110, %get3A_111] {strides = array<i32>} : memref<16x256xf32, #tpu.memory_space<vmem>>, vector<1x16xf32>,
      %get3A_113 = vector.shape_cast %get3A_112 : vector<1x16xf32> to vector<16xf32>
      %min3A_114 = arith.minimumf %min3A_108, %get3A_113 : vector<16xf32>
      %get3A_115 = arith.constant 8 : i32
      %get3A_116 = arith.index_cast %get3A_115 : i32 to index
      %get3A_117 = arith.index_cast %mul3A_69 : i32 to index
      %get3A_118 = tpu.vector_load %arg12[%get3A_116, %get3A_117] {strides = array<i32>} : memref<16x256xf32, #tpu.memory_space<vmem>>, vector<1x16xf32>,
      %get3A_119 = vector.shape_cast %get3A_118 : vector<1x16xf32> to vector<16xf32>
      %min3A_120 = arith.minimumf %min3A_114, %get3A_119 : vector<16xf32>
      %get3A_121 = arith.constant 9 : i32
      %get3A_122 = arith.index_cast %get3A_121 : i32 to index
      %get3A_123 = arith.index_cast %mul3A_69 : i32 to index
      %get3A_124 = tpu.vector_load %arg12[%get3A_122, %get3A_123] {strides = array<i32>} : memref<16x256xf32, #tpu.memory_space<vmem>>, vector<1x16xf32>,
      %get3A_125 = vector.shape_cast %get3A_124 : vector<1x16xf32> to vector<16xf32>
      %min3A_126 = arith.minimumf %min3A_120, %get3A_125 : vector<16xf32>
      %get3A_127 = arith.constant 10 : i32
      %get3A_128 = arith.index_cast %get3A_127 : i32 to index
      %get3A_129 = arith.index_cast %mul3A_69 : i32 to index
      %get3A_130 = tpu.vector_load %arg12[%get3A_128, %get3A_129] {strides = array<i32>} : memref<16x256xf32, #tpu.memory_space<vmem>>, vector<1x16xf32>,
      %get3A_131 = vector.shape_cast %get3A_130 : vector<1x16xf32> to vector<16xf32>
      %min3A_132 = arith.minimumf %min3A_126, %get3A_131 : vector<16xf32>
      %get3A_133 = arith.constant 11 : i32
      %get3A_134 = arith.index_cast %get3A_133 : i32 to index
      %get3A_135 = arith.index_cast %mul3A_69 : i32 to index
      %get3A_136 = tpu.vector_load %arg12[%get3A_134, %get3A_135] {strides = array<i32>} : memref<16x256xf32, #tpu.memory_space<vmem>>, vector<1x16xf32>,
      %get3A_137 = vector.shape_cast %get3A_136 : vector<1x16xf32> to vector<16xf32>
      %min3A_138 = arith.minimumf %min3A_132, %get3A_137 : vector<16xf32>
      %get3A_139 = arith.constant 12 : i32
      %get3A_140 = arith.index_cast %get3A_139 : i32 to index
      %get3A_141 = arith.index_cast %mul3A_69 : i32 to index
      %get3A_142 = tpu.vector_load %arg12[%get3A_140, %get3A_141] {strides = array<i32>} : memref<16x256xf32, #tpu.memory_space<vmem>>, vector<1x16xf32>,
      %get3A_143 = vector.shape_cast %get3A_142 : vector<1x16xf32> to vector<16xf32>
      %min3A_144 = arith.minimumf %min3A_138, %get3A_143 : vector<16xf32>
      %get3A_145 = arith.constant 13 : i32
      %get3A_146 = arith.index_cast %get3A_145 : i32 to index
      %get3A_147 = arith.index_cast %mul3A_69 : i32 to index
      %get3A_148 = tpu.vector_load %arg12[%get3A_146, %get3A_147] {strides = array<i32>} : memref<16x256xf32, #tpu.memory_space<vmem>>, vector<1x16xf32>,
      %get3A_149 = vector.shape_cast %get3A_148 : vector<1x16xf32> to vector<16xf32>
      %min3A_150 = arith.minimumf %min3A_144, %get3A_149 : vector<16xf32>
      %get3A_151 = arith.constant 14 : i32
      %get3A_152 = arith.index_cast %get3A_151 : i32 to index
      %get3A_153 = arith.index_cast %mul3A_69 : i32 to index
      %get3A_154 = tpu.vector_load %arg12[%get3A_152, %get3A_153] {strides = array<i32>} : memref<16x256xf32, #tpu.memory_space<vmem>>, vector<1x16xf32>,
      %get3A_155 = vector.shape_cast %get3A_154 : vector<1x16xf32> to vector<16xf32>
      %min3A_156 = arith.minimumf %min3A_150, %get3A_155 : vector<16xf32>
      %get3A_157 = arith.constant 15 : i32
      %get3A_158 = arith.index_cast %get3A_157 : i32 to index
      %get3A_159 = arith.index_cast %mul3A_69 : i32 to index
      %get3A_160 = tpu.vector_load %arg12[%get3A_158, %get3A_159] {strides = array<i32>} : memref<16x256xf32, #tpu.memory_space<vmem>>, vector<1x16xf32>,
      %get3A_161 = vector.shape_cast %get3A_160 : vector<1x16xf32> to vector<16xf32>
      %min3A_162 = arith.minimumf %min3A_156, %get3A_161 : vector<16xf32>
      %swap3A = arith.index_cast %mul3A_69 : i32 to index
      %swap3A_163 = tpu.vector_load %arg10[%swap3A] {strides = array<i32>} : memref<4096xf32, #tpu.memory_space<vmem>>, vector<16xf32>,
      %swap3A_164 = vector.shape_cast %swap3A_163 : vector<16xf32> to vector<16xf32>
      %swap3A_165 = vector.shape_cast %min3A_162 : vector<16xf32> to vector<16xf32>
      tpu.vector_store %arg10[%swap3A], %swap3A_165 {strides = array<i32>} : memref<4096xf32, #tpu.memory_space<vmem>>, vector<16xf32>,
      %scan3A_166 = arith.constant 0 : i32
      scf.yield %scan3A_166 : i32
    }
    %scan3A_65 = arith.constant 16 : i32
    "tpu.region"() ({
      %run_scoped3A_66 = tpu.sem_alloc : memref<!tpu.dma_semaphore, #tpu.memory_space<semaphore_mem>>
      %dma_start3A = arith.constant 0 : i32
      %dma_start3A_67 = tpu.memref_slice %arg10[%dma_start3A] : memref<4096xf32, #tpu.memory_space<vmem>> -> memref<256xf32, #tpu.memory_space<vmem>>
      %dma_start3A_68 = tpu.memref_slice %arg5[%arg0, %mul3A_26] : memref<2x4096xf32, #tpu.memory_space<hbm>> -> memref<1x256xf32, #tpu.memory_space<hbm>>
      %dma_start3A_69 = tpu.memref_squeeze %dma_start3A_68 : memref<1x256xf32, #tpu.memory_space<hbm>> -> memref<256xf32, #tpu.memory_space<hbm>>
      %dma_start3A_70 = tpu.memref_slice %arg5[%arg0, %mul3A_26] : memref<2x4096xf32, #tpu.memory_space<hbm>> -> memref<1x256xf32, #tpu.memory_space<hbm>>
      %dma_start3A_71 = tpu.memref_squeeze %dma_start3A_70 : memref<1x256xf32, #tpu.memory_space<hbm>> -> memref<256xf32, #tpu.memory_space<hbm>>
      %dma_start3A_72 = arith.constant 0 : i32
      %dma_start3A_73 = tpu.memref_slice %arg10[%dma_start3A_72] : memref<4096xf32, #tpu.memory_space<vmem>> -> memref<256xf32, #tpu.memory_space<vmem>>
      tpu.enqueue_dma source(%dma_start3A_73 : memref<256xf32, #tpu.memory_space<vmem>>) target(%dma_start3A_71 : memref<256xf32, #tpu.memory_space<hbm>>) target_semaphore(%run_scoped3A_66 : memref<!tpu.dma_semaphore, #tpu.memory_space<semaphore_mem>>)
      %dma_wait3A = arith.constant 0 : i32
      %dma_wait3A_74 = tpu.memref_slice %arg10[%dma_wait3A] : memref<4096xf32, #tpu.memory_space<vmem>> -> memref<256xf32, #tpu.memory_space<vmem>>
      %dma_wait3A_75 = tpu.memref_slice %arg5[%arg0, %mul3A_26] : memref<2x4096xf32, #tpu.memory_space<hbm>> -> memref<1x256xf32, #tpu.memory_space<hbm>>
      %dma_wait3A_76 = tpu.memref_squeeze %dma_wait3A_75 : memref<1x256xf32, #tpu.memory_space<hbm>> -> memref<256xf32, #tpu.memory_space<hbm>>
      %dma_wait3A_77 = tpu.memref_slice %arg5[%arg0, %mul3A_26] : memref<2x4096xf32, #tpu.memory_space<hbm>> -> memref<1x256xf32, #tpu.memory_space<hbm>>
      %dma_wait3A_78 = tpu.memref_squeeze %dma_wait3A_77 : memref<1x256xf32, #tpu.memory_space<hbm>> -> memref<256xf32, #tpu.memory_space<hbm>>
      %dma_wait3A_79 = arith.constant 0 : i32
      %dma_wait3A_80 = tpu.memref_slice %arg10[%dma_wait3A_79] : memref<4096xf32, #tpu.memory_space<vmem>> -> memref<256xf32, #tpu.memory_space<vmem>>
      tpu.wait_dma2 semaphore(%run_scoped3A_66 : memref<!tpu.dma_semaphore, #tpu.memory_space<semaphore_mem>>) src(%dma_wait3A_80 : memref<256xf32, #tpu.memory_space<vmem>>) dst(%dma_wait3A_78 : memref<256xf32, #tpu.memory_space<hbm>>)
      tpu.yield
    }) : () -> ()
    return
  }
}

#map = affine_map<(d0, d1) -> (0, 0)>
module attributes {stable_mosaic.version = 14 : i64} {
  func.func @merge_kernel(%arg0: i32, %arg1: i32, %arg2: memref<2x4096xf32, #tpu.memory_space<hbm>>, %arg3: memref<1x4096xf32, #tpu.memory_space<hbm>>, %arg4: memref<128xf32, #tpu.memory_space<vmem>>, %arg5: memref<128xf32, #tpu.memory_space<vmem>>) attributes {dimension_semantics = [#tpu.dimension_semantics<core_parallel>, #tpu.dimension_semantics<subcore_parallel>], iteration_bounds = array<i64: 2, 16>, scalar_prefetch = 0 : i64, scratch_operands = 2 : i64, tpu.core_type = #tpu.core_type<sc_vector_subcore>, window_params = [{transform_indices = #map}, {transform_indices = #map}]} {
    %mul3A = arith.constant 2 : i32
    %mul3A_0 = arith.muli %arg1, %mul3A : i32
    %add3A = arith.addi %mul3A_0, %arg0 : i32
    %mul3A_1 = arith.constant 128 : i32
    %mul3A_2 = arith.muli %add3A, %mul3A_1 : i32
    %run_scoped3A = arith.constant 0 : i32
    "tpu.region"() ({
      %run_scoped3A_11 = tpu.sem_alloc : memref<!tpu.dma_semaphore, #tpu.memory_space<semaphore_mem>>
      %dma_start3A = tpu.memref_slice %arg2[%run_scoped3A, %mul3A_2] : memref<2x4096xf32, #tpu.memory_space<hbm>> -> memref<1x128xf32, #tpu.memory_space<hbm>>
      %dma_start3A_12 = tpu.memref_squeeze %dma_start3A : memref<1x128xf32, #tpu.memory_space<hbm>> -> memref<128xf32, #tpu.memory_space<hbm>>
      %dma_start3A_13 = tpu.memref_slice %arg2[%run_scoped3A, %mul3A_2] : memref<2x4096xf32, #tpu.memory_space<hbm>> -> memref<1x128xf32, #tpu.memory_space<hbm>>
      %dma_start3A_14 = tpu.memref_squeeze %dma_start3A_13 : memref<1x128xf32, #tpu.memory_space<hbm>> -> memref<128xf32, #tpu.memory_space<hbm>>
      tpu.enqueue_dma source(%dma_start3A_14 : memref<128xf32, #tpu.memory_space<hbm>>) target(%arg4 : memref<128xf32, #tpu.memory_space<vmem>>) target_semaphore(%run_scoped3A_11 : memref<!tpu.dma_semaphore, #tpu.memory_space<semaphore_mem>>)
      %dma_wait3A = tpu.memref_slice %arg2[%run_scoped3A, %mul3A_2] : memref<2x4096xf32, #tpu.memory_space<hbm>> -> memref<1x128xf32, #tpu.memory_space<hbm>>
      %dma_wait3A_15 = tpu.memref_squeeze %dma_wait3A : memref<1x128xf32, #tpu.memory_space<hbm>> -> memref<128xf32, #tpu.memory_space<hbm>>
      %dma_wait3A_16 = tpu.memref_slice %arg2[%run_scoped3A, %mul3A_2] : memref<2x4096xf32, #tpu.memory_space<hbm>> -> memref<1x128xf32, #tpu.memory_space<hbm>>
      %dma_wait3A_17 = tpu.memref_squeeze %dma_wait3A_16 : memref<1x128xf32, #tpu.memory_space<hbm>> -> memref<128xf32, #tpu.memory_space<hbm>>
      tpu.wait_dma2 semaphore(%run_scoped3A_11 : memref<!tpu.dma_semaphore, #tpu.memory_space<semaphore_mem>>) src(%dma_wait3A_17 : memref<128xf32, #tpu.memory_space<hbm>>) dst(%arg4 : memref<128xf32, #tpu.memory_space<vmem>>)
      tpu.yield
    }) : () -> ()
    %run_scoped3A_3 = arith.constant 1 : i32
    "tpu.region"() ({
      %run_scoped3A_11 = tpu.sem_alloc : memref<!tpu.dma_semaphore, #tpu.memory_space<semaphore_mem>>
      %dma_start3A = tpu.memref_slice %arg2[%run_scoped3A_3, %mul3A_2] : memref<2x4096xf32, #tpu.memory_space<hbm>> -> memref<1x128xf32, #tpu.memory_space<hbm>>
      %dma_start3A_12 = tpu.memref_squeeze %dma_start3A : memref<1x128xf32, #tpu.memory_space<hbm>> -> memref<128xf32, #tpu.memory_space<hbm>>
      %dma_start3A_13 = tpu.memref_slice %arg2[%run_scoped3A_3, %mul3A_2] : memref<2x4096xf32, #tpu.memory_space<hbm>> -> memref<1x128xf32, #tpu.memory_space<hbm>>
      %dma_start3A_14 = tpu.memref_squeeze %dma_start3A_13 : memref<1x128xf32, #tpu.memory_space<hbm>> -> memref<128xf32, #tpu.memory_space<hbm>>
      tpu.enqueue_dma source(%dma_start3A_14 : memref<128xf32, #tpu.memory_space<hbm>>) target(%arg5 : memref<128xf32, #tpu.memory_space<vmem>>) target_semaphore(%run_scoped3A_11 : memref<!tpu.dma_semaphore, #tpu.memory_space<semaphore_mem>>)
      %dma_wait3A = tpu.memref_slice %arg2[%run_scoped3A_3, %mul3A_2] : memref<2x4096xf32, #tpu.memory_space<hbm>> -> memref<1x128xf32, #tpu.memory_space<hbm>>
      %dma_wait3A_15 = tpu.memref_squeeze %dma_wait3A : memref<1x128xf32, #tpu.memory_space<hbm>> -> memref<128xf32, #tpu.memory_space<hbm>>
      %dma_wait3A_16 = tpu.memref_slice %arg2[%run_scoped3A_3, %mul3A_2] : memref<2x4096xf32, #tpu.memory_space<hbm>> -> memref<1x128xf32, #tpu.memory_space<hbm>>
      %dma_wait3A_17 = tpu.memref_squeeze %dma_wait3A_16 : memref<1x128xf32, #tpu.memory_space<hbm>> -> memref<128xf32, #tpu.memory_space<hbm>>
      tpu.wait_dma2 semaphore(%run_scoped3A_11 : memref<!tpu.dma_semaphore, #tpu.memory_space<semaphore_mem>>) src(%dma_wait3A_17 : memref<128xf32, #tpu.memory_space<hbm>>) dst(%arg5 : memref<128xf32, #tpu.memory_space<vmem>>)
      tpu.yield
    }) : () -> ()
    %scan3A = arith.constant 0 : i32
    %scan3A_4 = arith.constant 0 : i32
    %scan3A_5 = arith.constant 8 : i32
    %scan3A_6 = arith.addi %scan3A_4, %scan3A_5 : i32
    %scan3A_7 = arith.constant 1 : i32
    %scan3A_8 = scf.for %scan3A_11 = %scan3A_4 to %scan3A_6 step %scan3A_7 iter_args(%scan3A_12 = %scan3A) -> (i32)  : i32 {
      %mul3A_13 = arith.constant 16 : i32
      %mul3A_14 = arith.muli %scan3A_11, %mul3A_13 : i32
      %get3A = arith.index_cast %mul3A_14 : i32 to index
      %get3A_15 = tpu.vector_load %arg4[%get3A] {strides = array<i32>} : memref<128xf32, #tpu.memory_space<vmem>>, vector<16xf32>,
      %get3A_16 = vector.shape_cast %get3A_15 : vector<16xf32> to vector<16xf32>
      %get3A_17 = arith.index_cast %mul3A_14 : i32 to index
      %get3A_18 = tpu.vector_load %arg5[%get3A_17] {strides = array<i32>} : memref<128xf32, #tpu.memory_space<vmem>>, vector<16xf32>,
      %get3A_19 = vector.shape_cast %get3A_18 : vector<16xf32> to vector<16xf32>
      %min3A = arith.minimumf %get3A_16, %get3A_19 : vector<16xf32>
      %swap3A = arith.index_cast %mul3A_14 : i32 to index
      %swap3A_20 = tpu.vector_load %arg4[%swap3A] {strides = array<i32>} : memref<128xf32, #tpu.memory_space<vmem>>, vector<16xf32>,
      %swap3A_21 = vector.shape_cast %swap3A_20 : vector<16xf32> to vector<16xf32>
      %swap3A_22 = vector.shape_cast %min3A : vector<16xf32> to vector<16xf32>
      tpu.vector_store %arg4[%swap3A], %swap3A_22 {strides = array<i32>} : memref<128xf32, #tpu.memory_space<vmem>>, vector<16xf32>,
      %scan3A_23 = arith.constant 0 : i32
      scf.yield %scan3A_23 : i32
    }
    %scan3A_9 = arith.constant 8 : i32
    %run_scoped3A_10 = arith.constant 0 : i32
    "tpu.region"() ({
      %run_scoped3A_11 = tpu.sem_alloc : memref<!tpu.dma_semaphore, #tpu.memory_space<semaphore_mem>>
      %dma_start3A = tpu.memref_slice %arg3[%run_scoped3A_10, %mul3A_2] : memref<1x4096xf32, #tpu.memory_space<hbm>> -> memref<1x128xf32, #tpu.memory_space<hbm>>
      %dma_start3A_12 = tpu.memref_squeeze %dma_start3A : memref<1x128xf32, #tpu.memory_space<hbm>> -> memref<128xf32, #tpu.memory_space<hbm>>
      %dma_start3A_13 = tpu.memref_slice %arg3[%run_scoped3A_10, %mul3A_2] : memref<1x4096xf32, #tpu.memory_space<hbm>> -> memref<1x128xf32, #tpu.memory_space<hbm>>
      %dma_start3A_14 = tpu.memref_squeeze %dma_start3A_13 : memref<1x128xf32, #tpu.memory_space<hbm>> -> memref<128xf32, #tpu.memory_space<hbm>>
      tpu.enqueue_dma source(%arg4 : memref<128xf32, #tpu.memory_space<vmem>>) target(%dma_start3A_14 : memref<128xf32, #tpu.memory_space<hbm>>) target_semaphore(%run_scoped3A_11 : memref<!tpu.dma_semaphore, #tpu.memory_space<semaphore_mem>>)
      %dma_wait3A = tpu.memref_slice %arg3[%run_scoped3A_10, %mul3A_2] : memref<1x4096xf32, #tpu.memory_space<hbm>> -> memref<1x128xf32, #tpu.memory_space<hbm>>
      %dma_wait3A_15 = tpu.memref_squeeze %dma_wait3A : memref<1x128xf32, #tpu.memory_space<hbm>> -> memref<128xf32, #tpu.memory_space<hbm>>
      %dma_wait3A_16 = tpu.memref_slice %arg3[%run_scoped3A_10, %mul3A_2] : memref<1x4096xf32, #tpu.memory_space<hbm>> -> memref<1x128xf32, #tpu.memory_space<hbm>>
      %dma_wait3A_17 = tpu.memref_squeeze %dma_wait3A_16 : memref<1x128xf32, #tpu.memory_space<hbm>> -> memref<128xf32, #tpu.memory_space<hbm>>
      tpu.wait_dma2 semaphore(%run_scoped3A_11 : memref<!tpu.dma_semaphore, #tpu.memory_space<semaphore_mem>>) src(%arg4 : memref<128xf32, #tpu.memory_space<vmem>>) dst(%dma_wait3A_17 : memref<128xf32, #tpu.memory_space<hbm>>)
      tpu.yield
    }) : () -> ()
    return
  }
}

module attributes {stable_mosaic.version = 14 : i64} {
  func.func @_nnd_body(%arg0: i32, %arg1: i32, %arg2: memref<1x2048x3xf32, #tpu.memory_space<vmem>>, %arg3: memref<1x3x4096xf32, #tpu.memory_space<vmem>>, %arg4: memref<1x2048x1xf32, #tpu.memory_space<vmem>>, %arg5: memref<1x1x4096xf32, #tpu.memory_space<vmem>>) attributes {dimension_semantics = [#tpu.dimension_semantics<arbitrary>, #tpu.dimension_semantics<arbitrary>], iteration_bounds = array<i64: 7, 2>, scalar_prefetch = 0 : i64, scratch_operands = 0 : i64, tpu.core_type = #tpu.core_type<tc>, window_params = [{transform_indices = @transform_0, window_bounds = array<i64: 1, 2048, 3>}, {transform_indices = @transform_1, window_bounds = array<i64: 1, 3, 4096>}, {transform_indices = @transform_2, window_bounds = array<i64: 1, 2048, 1>}, {transform_indices = @transform_3, window_bounds = array<i64: 1, 1, 4096>}]} {
    %get3A = arith.constant 0 : index
    %get3A_0 = arith.constant 0 : index
    %get3A_1 = arith.constant 0 : index
    %get3A_2 = vector.load %arg2[%get3A, %get3A_0, %get3A_1] : memref<1x2048x3xf32, #tpu.memory_space<vmem>>, vector<1x2048x3xf32>
    %get3A_3 = vector.shape_cast %get3A_2 : vector<1x2048x3xf32> to vector<2048x3xf32>
    %get3A_4 = arith.constant 0 : index
    %get3A_5 = arith.constant 0 : index
    %get3A_6 = arith.constant 0 : index
    %get3A_7 = vector.load %arg3[%get3A_4, %get3A_5, %get3A_6] : memref<1x3x4096xf32, #tpu.memory_space<vmem>>, vector<1x3x4096xf32>
    %get3A_8 = vector.shape_cast %get3A_7 : vector<1x3x4096xf32> to vector<3x4096xf32>
    %slice3A = vector.extract_strided_slice %get3A_3 {offsets = [0, 0], sizes = [2048, 1], strides = [1, 1]} : vector<2048x3xf32> to vector<2048x1xf32>
    %slice3A_9 = vector.extract_strided_slice %get3A_3 {offsets = [0, 0], sizes = [2048, 1], strides = [1, 1]} : vector<2048x3xf32> to vector<2048x1xf32>
    %mul3A = arith.mulf %slice3A, %slice3A_9 : vector<2048x1xf32>
    %slice3A_10 = vector.extract_strided_slice %get3A_3 {offsets = [0, 1], sizes = [2048, 1], strides = [1, 1]} : vector<2048x3xf32> to vector<2048x1xf32>
    %slice3A_11 = vector.extract_strided_slice %get3A_3 {offsets = [0, 1], sizes = [2048, 1], strides = [1, 1]} : vector<2048x3xf32> to vector<2048x1xf32>
    %mul3A_12 = arith.mulf %slice3A_10, %slice3A_11 : vector<2048x1xf32>
    %add3A = arith.addf %mul3A, %mul3A_12 : vector<2048x1xf32>
    %slice3A_13 = vector.extract_strided_slice %get3A_3 {offsets = [0, 2], sizes = [2048, 1], strides = [1, 1]} : vector<2048x3xf32> to vector<2048x1xf32>
    %slice3A_14 = vector.extract_strided_slice %get3A_3 {offsets = [0, 2], sizes = [2048, 1], strides = [1, 1]} : vector<2048x3xf32> to vector<2048x1xf32>
    %mul3A_15 = arith.mulf %slice3A_13, %slice3A_14 : vector<2048x1xf32>
    %add3A_16 = arith.addf %add3A, %mul3A_15 : vector<2048x1xf32>
    %slice3A_17 = vector.extract_strided_slice %get3A_8 {offsets = [0, 0], sizes = [1, 4096], strides = [1, 1]} : vector<3x4096xf32> to vector<1x4096xf32>
    %slice3A_18 = vector.extract_strided_slice %get3A_8 {offsets = [0, 0], sizes = [1, 4096], strides = [1, 1]} : vector<3x4096xf32> to vector<1x4096xf32>
    %mul3A_19 = arith.mulf %slice3A_17, %slice3A_18 : vector<1x4096xf32>
    %slice3A_20 = vector.extract_strided_slice %get3A_8 {offsets = [1, 0], sizes = [1, 4096], strides = [1, 1]} : vector<3x4096xf32> to vector<1x4096xf32>
    %slice3A_21 = vector.extract_strided_slice %get3A_8 {offsets = [1, 0], sizes = [1, 4096], strides = [1, 1]} : vector<3x4096xf32> to vector<1x4096xf32>
    %mul3A_22 = arith.mulf %slice3A_20, %slice3A_21 : vector<1x4096xf32>
    %add3A_23 = arith.addf %mul3A_19, %mul3A_22 : vector<1x4096xf32>
    %slice3A_24 = vector.extract_strided_slice %get3A_8 {offsets = [2, 0], sizes = [1, 4096], strides = [1, 1]} : vector<3x4096xf32> to vector<1x4096xf32>
    %slice3A_25 = vector.extract_strided_slice %get3A_8 {offsets = [2, 0], sizes = [1, 4096], strides = [1, 1]} : vector<3x4096xf32> to vector<1x4096xf32>
    %mul3A_26 = arith.mulf %slice3A_24, %slice3A_25 : vector<1x4096xf32>
    %add3A_27 = arith.addf %add3A_23, %mul3A_26 : vector<1x4096xf32>
    %convert_element_type3A = arith.truncf %add3A_16 : vector<2048x1xf32> to vector<2048x1xbf16>
    %convert_element_type3A_28 = arith.extf %convert_element_type3A : vector<2048x1xbf16> to vector<2048x1xf32>
    %sub3A = arith.subf %add3A_16, %convert_element_type3A_28 : vector<2048x1xf32>
    %convert_element_type3A_29 = arith.truncf %sub3A : vector<2048x1xf32> to vector<2048x1xbf16>
    %convert_element_type3A_30 = arith.truncf %add3A_27 : vector<1x4096xf32> to vector<1x4096xbf16>
    %convert_element_type3A_31 = arith.extf %convert_element_type3A_30 : vector<1x4096xbf16> to vector<1x4096xf32>
    %sub3A_32 = arith.subf %add3A_27, %convert_element_type3A_31 : vector<1x4096xf32>
    %convert_element_type3A_33 = arith.truncf %sub3A_32 : vector<1x4096xf32> to vector<1x4096xbf16>
    %broadcast_in_dim3A = arith.constant 1.000000e+00 : bf16
    %broadcast_in_dim3A_34 = vector.broadcast %broadcast_in_dim3A : bf16 to vector<2048x1xbf16>
    %broadcast_in_dim3A_35 = arith.constant 1.000000e+00 : bf16
    %broadcast_in_dim3A_36 = vector.broadcast %broadcast_in_dim3A_35 : bf16 to vector<1x4096xbf16>
    %mul3A_37 = arith.constant -2.000000e+00 : f32
    %mul3A_38 = vector.broadcast %mul3A_37 : f32 to vector<2048x3xf32>
    %mul3A_39 = arith.mulf %get3A_3, %mul3A_38 : vector<2048x3xf32>
    %convert_element_type3A_40 = arith.truncf %mul3A_39 : vector<2048x3xf32> to vector<2048x3xbf16>
    %concatenate3A = tpu.concatenate %convert_element_type3A_40, %convert_element_type3A, %convert_element_type3A_29, %broadcast_in_dim3A_34, %broadcast_in_dim3A_34 in 1 : vector<2048x3xbf16>, vector<2048x1xbf16>, vector<2048x1xbf16>, vector<2048x1xbf16>, vector<2048x1xbf16> -> vector<2048x7xbf16>
    %convert_element_type3A_41 = arith.truncf %get3A_8 : vector<3x4096xf32> to vector<3x4096xbf16>
    %concatenate3A_42 = tpu.concatenate %convert_element_type3A_41, %broadcast_in_dim3A_36, %broadcast_in_dim3A_36, %convert_element_type3A_30, %convert_element_type3A_33 in 0 : vector<3x4096xbf16>, vector<1x4096xbf16>, vector<1x4096xbf16>, vector<1x4096xbf16>, vector<1x4096xbf16> -> vector<7x4096xbf16>
    %slice3A_43 = vector.extract_strided_slice %concatenate3A_42 {offsets = [0, 0], sizes = [7, 1024], strides = [1, 1]} : vector<7x4096xbf16> to vector<7x1024xbf16>
    %dot_general3A = arith.constant dense<0.000000e+00> : vector<2048x1024xf32>
    %dot_general3A_44 = tpu.matmul %concatenate3A, %slice3A_43, %dot_general3A {dimension_numbers = #tpu.dot_dimension_numbers<[1], [0], [0], [1], [0, 0, 1, 1], [], []>, transpose_lhs_hint = false} : vector<2048x7xbf16>, vector<7x1024xbf16>, vector<2048x1024xf32> -> vector<2048x1024xf32>
    %reduce_min3A = arith.constant dense<0x7F800000> : vector<2048xf32>
    %reduce_min3A_45 = vector.multi_reduction <minimumf>, %dot_general3A_44, %reduce_min3A [1] : vector<2048x1024xf32> to vector<2048xf32>
    %broadcast_in_dim3A_46 = vector.shape_cast %reduce_min3A_45 : vector<2048xf32> to vector<2048x1xf32>
    %reduce_min3A_47 = arith.constant dense<0x7F800000> : vector<1024xf32>
    %reduce_min3A_48 = vector.multi_reduction <minimumf>, %dot_general3A_44, %reduce_min3A_47 [0] : vector<2048x1024xf32> to vector<1024xf32>
    %broadcast_in_dim3A_49 = vector.shape_cast %reduce_min3A_48 : vector<1024xf32> to vector<1x1024xf32>
    %slice3A_50 = vector.extract_strided_slice %concatenate3A_42 {offsets = [0, 1024], sizes = [7, 1024], strides = [1, 1]} : vector<7x4096xbf16> to vector<7x1024xbf16>
    %dot_general3A_51 = arith.constant dense<0.000000e+00> : vector<2048x1024xf32>
    %dot_general3A_52 = tpu.matmul %concatenate3A, %slice3A_50, %dot_general3A_51 {dimension_numbers = #tpu.dot_dimension_numbers<[1], [0], [0], [1], [0, 0, 1, 1], [], []>, transpose_lhs_hint = false} : vector<2048x7xbf16>, vector<7x1024xbf16>, vector<2048x1024xf32> -> vector<2048x1024xf32>
    %reduce_min3A_53 = arith.constant dense<0x7F800000> : vector<2048xf32>
    %reduce_min3A_54 = vector.multi_reduction <minimumf>, %dot_general3A_52, %reduce_min3A_53 [1] : vector<2048x1024xf32> to vector<2048xf32>
    %broadcast_in_dim3A_55 = vector.shape_cast %reduce_min3A_54 : vector<2048xf32> to vector<2048x1xf32>
    %reduce_min3A_56 = arith.constant dense<0x7F800000> : vector<1024xf32>
    %reduce_min3A_57 = vector.multi_reduction <minimumf>, %dot_general3A_52, %reduce_min3A_56 [0] : vector<2048x1024xf32> to vector<1024xf32>
    %broadcast_in_dim3A_58 = vector.shape_cast %reduce_min3A_57 : vector<1024xf32> to vector<1x1024xf32>
    %slice3A_59 = vector.extract_strided_slice %concatenate3A_42 {offsets = [0, 2048], sizes = [7, 1024], strides = [1, 1]} : vector<7x4096xbf16> to vector<7x1024xbf16>
    %dot_general3A_60 = arith.constant dense<0.000000e+00> : vector<2048x1024xf32>
    %dot_general3A_61 = tpu.matmul %concatenate3A, %slice3A_59, %dot_general3A_60 {dimension_numbers = #tpu.dot_dimension_numbers<[1], [0], [0], [1], [0, 0, 1, 1], [], []>, transpose_lhs_hint = false} : vector<2048x7xbf16>, vector<7x1024xbf16>, vector<2048x1024xf32> -> vector<2048x1024xf32>
    %reduce_min3A_62 = arith.constant dense<0x7F800000> : vector<2048xf32>
    %reduce_min3A_63 = vector.multi_reduction <minimumf>, %dot_general3A_61, %reduce_min3A_62 [1] : vector<2048x1024xf32> to vector<2048xf32>
    %broadcast_in_dim3A_64 = vector.shape_cast %reduce_min3A_63 : vector<2048xf32> to vector<2048x1xf32>
    %reduce_min3A_65 = arith.constant dense<0x7F800000> : vector<1024xf32>
    %reduce_min3A_66 = vector.multi_reduction <minimumf>, %dot_general3A_61, %reduce_min3A_65 [0] : vector<2048x1024xf32> to vector<1024xf32>
    %broadcast_in_dim3A_67 = vector.shape_cast %reduce_min3A_66 : vector<1024xf32> to vector<1x1024xf32>
    %slice3A_68 = vector.extract_strided_slice %concatenate3A_42 {offsets = [0, 3072], sizes = [7, 1024], strides = [1, 1]} : vector<7x4096xbf16> to vector<7x1024xbf16>
    %dot_general3A_69 = arith.constant dense<0.000000e+00> : vector<2048x1024xf32>
    %dot_general3A_70 = tpu.matmul %concatenate3A, %slice3A_68, %dot_general3A_69 {dimension_numbers = #tpu.dot_dimension_numbers<[1], [0], [0], [1], [0, 0, 1, 1], [], []>, transpose_lhs_hint = false} : vector<2048x7xbf16>, vector<7x1024xbf16>, vector<2048x1024xf32> -> vector<2048x1024xf32>
    %reduce_min3A_71 = arith.constant dense<0x7F800000> : vector<2048xf32>
    %reduce_min3A_72 = vector.multi_reduction <minimumf>, %dot_general3A_70, %reduce_min3A_71 [1] : vector<2048x1024xf32> to vector<2048xf32>
    %broadcast_in_dim3A_73 = vector.shape_cast %reduce_min3A_72 : vector<2048xf32> to vector<2048x1xf32>
    %reduce_min3A_74 = arith.constant dense<0x7F800000> : vector<1024xf32>
    %reduce_min3A_75 = vector.multi_reduction <minimumf>, %dot_general3A_70, %reduce_min3A_74 [0] : vector<2048x1024xf32> to vector<1024xf32>
    %broadcast_in_dim3A_76 = vector.shape_cast %reduce_min3A_75 : vector<1024xf32> to vector<1x1024xf32>
    %min3A = arith.minimumf %broadcast_in_dim3A_46, %broadcast_in_dim3A_55 : vector<2048x1xf32>
    %min3A_77 = arith.minimumf %min3A, %broadcast_in_dim3A_64 : vector<2048x1xf32>
    %min3A_78 = arith.minimumf %min3A_77, %broadcast_in_dim3A_73 : vector<2048x1xf32>
    %swap3A = arith.constant 0 : index
    %swap3A_79 = arith.constant 0 : index
    %swap3A_80 = arith.constant 0 : index
    %swap3A_81 = vector.load %arg4[%swap3A, %swap3A_79, %swap3A_80] : memref<1x2048x1xf32, #tpu.memory_space<vmem>>, vector<1x2048x1xf32>
    %swap3A_82 = vector.shape_cast %swap3A_81 : vector<1x2048x1xf32> to vector<2048x1xf32>
    %swap3A_83 = vector.shape_cast %min3A_78 : vector<2048x1xf32> to vector<1x2048x1xf32>
    tpu.vector_store %arg4[%swap3A, %swap3A_79, %swap3A_80], %swap3A_83 {strides = array<i32>} : memref<1x2048x1xf32, #tpu.memory_space<vmem>>, vector<1x2048x1xf32>,
    %concatenate3A_84 = tpu.concatenate %broadcast_in_dim3A_49, %broadcast_in_dim3A_58, %broadcast_in_dim3A_67, %broadcast_in_dim3A_76 in 1 : vector<1x1024xf32>, vector<1x1024xf32>, vector<1x1024xf32>, vector<1x1024xf32> -> vector<1x4096xf32>
    %eq3A = arith.constant 0 : i32
    %eq3A_85 = arith.cmpi eq, %arg1, %eq3A : i32
    %convert_element_type3A_86 = arith.extui %eq3A_85 : i1 to i32
    %cond3A = arith.constant 0 : i32
    %cond3A_87 = arith.cmpi ne, %convert_element_type3A_86, %cond3A : i32
    scf.if %cond3A_87 {
      %swap3A_92 = arith.constant 0 : index
      %swap3A_93 = arith.constant 0 : index
      %swap3A_94 = arith.constant 0 : index
      %swap3A_95 = vector.load %arg5[%swap3A_92, %swap3A_93, %swap3A_94] : memref<1x1x4096xf32, #tpu.memory_space<vmem>>, vector<1x1x4096xf32>
      %swap3A_96 = vector.shape_cast %swap3A_95 : vector<1x1x4096xf32> to vector<1x4096xf32>
      %swap3A_97 = vector.shape_cast %concatenate3A_84 : vector<1x4096xf32> to vector<1x1x4096xf32>
      tpu.vector_store %arg5[%swap3A_92, %swap3A_93, %swap3A_94], %swap3A_97 {strides = array<i32>} : memref<1x1x4096xf32, #tpu.memory_space<vmem>>, vector<1x1x4096xf32>,
    } else {
    }
    %gt3A = arith.constant 0 : i32
    %gt3A_88 = arith.cmpi sgt, %arg1, %gt3A : i32
    %convert_element_type3A_89 = arith.extui %gt3A_88 : i1 to i32
    %cond3A_90 = arith.constant 0 : i32
    %cond3A_91 = arith.cmpi ne, %convert_element_type3A_89, %cond3A_90 : i32
    scf.if %cond3A_91 {
      %get3A_92 = arith.constant 0 : index
      %get3A_93 = arith.constant 0 : index
      %get3A_94 = arith.constant 0 : index
      %get3A_95 = vector.load %arg5[%get3A_92, %get3A_93, %get3A_94] : memref<1x1x4096xf32, #tpu.memory_space<vmem>>, vector<1x1x4096xf32>
      %get3A_96 = vector.shape_cast %get3A_95 : vector<1x1x4096xf32> to vector<1x4096xf32>
      %min3A_97 = arith.minimumf %get3A_96, %concatenate3A_84 : vector<1x4096xf32>
      %swap3A_98 = arith.constant 0 : index
      %swap3A_99 = arith.constant 0 : index
      %swap3A_100 = arith.constant 0 : index
      %swap3A_101 = vector.load %arg5[%swap3A_98, %swap3A_99, %swap3A_100] : memref<1x1x4096xf32, #tpu.memory_space<vmem>>, vector<1x1x4096xf32>
      %swap3A_102 = vector.shape_cast %swap3A_101 : vector<1x1x4096xf32> to vector<1x4096xf32>
      %swap3A_103 = vector.shape_cast %min3A_97 : vector<1x4096xf32> to vector<1x1x4096xf32>
      tpu.vector_store %arg5[%swap3A_98, %swap3A_99, %swap3A_100], %swap3A_103 {strides = array<i32>} : memref<1x1x4096xf32, #tpu.memory_space<vmem>>, vector<1x1x4096xf32>,
    } else {
    }
    return
  }
  func.func @transform_0(%arg0: i32, %arg1: i32) -> (i32, i32, i32) {
    %c0_i32 = arith.constant 0 : i32
    %c0_i32_0 = arith.constant 0 : i32
    return %arg0, %arg1, %c0_i32 : i32, i32, i32
  }
  func.func @transform_1(%arg0: i32, %arg1: i32) -> (i32, i32, i32) {
    %c0_i32 = arith.constant 0 : i32
    %c0_i32_0 = arith.constant 0 : i32
    %c0_i32_1 = arith.constant 0 : i32
    return %arg0, %c0_i32, %c0_i32_0 : i32, i32, i32
  }
  func.func @transform_2(%arg0: i32, %arg1: i32) -> (i32, i32, i32) {
    %c0_i32 = arith.constant 0 : i32
    %c0_i32_0 = arith.constant 0 : i32
    return %arg0, %arg1, %c0_i32 : i32, i32, i32
  }
  func.func @transform_3(%arg0: i32, %arg1: i32) -> (i32, i32, i32) {
    %c0_i32 = arith.constant 0 : i32
    %c0_i32_0 = arith.constant 0 : i32
    %c0_i32_1 = arith.constant 0 : i32
    return %arg0, %c0_i32, %c0_i32_0 : i32, i32, i32
  }
}

</mosaic_0001>

<sc_bundles>
// kernel: kernel.5.cloned.1.call-start
scs
__scs_entry_jumppad:
0x0: {  	(pc) =	sbr.rel $0x88, $3  }
0x1: {  	(tag) =	ssettag $0x0;
	lr =	simm.s32 $0x1  }
0x2: {  	[smem:$0x3F9F] =	sst lr;
	_ =	strace $0xD0000000  }
0x3: {  	_ = 	snop  }
0x4: {  	_ = 	snop  }
0x5: {  	_ = 	snop  }
0x6: {  	_ = 	snop  }
0x7: {  	_ = 	snop  }
__scs_overlays_trampoline_lowered:
0x8: {  	[smem:$0x3FAE] =	sst s0  }
0x9: {  	[smem:$0x3FAF] =	sst s1  }
0xa: {  	[smem:$0x3FB0] =	sst s2  }
0xb: {  	[smem:$0x3FB1] =	sst s3  }
0xc: {  	[smem:$0x3FB2] =	sst s4  }
0xd: {  	[smem:$0x3FB3] =	sst s5  }
0xe: {  	[smem:$0x3FB4] =	sst s6  }
0xf: {  	[smem:$0x3FB5] =	sst s7  }
0x10: {  	[smem:$0x3FB6] =	sst s8  }
0x11: {  	[smem:$0x3FB7] =	sst s9;
	s0 =	simm.s32 @!p0 $0x0  }
0x12: {  	s1 =	sld [smem:$0x3F9D];
	s0 =	simm.s32 @p0 $0x1  }
0x13: {  	[smem:$0x3FB8] =	sst s0;
	s0 =	simm.s32 @!p1 $0x0  }
0x14: {  	s2 =	sld [smem:$0x3F9C];
	s0 =	simm.s32 @p1 $0x1  }
0x15: {  	[smem:$0x3FB9] =	sst s0;
	s0 =	simm.s32 @!p2 $0x0  }
0x16: {  	s3 =	sld [smem:$0x3FDB];
	s0 =	simm.s32 @p2 $0x1  }
0x17: {  	s4 =	simm.s32 $0x1BF5;
	[smem:$0x3FBB] =	sst s0  }
0x18: {  	s0 =	sld [smem:$0x3F9E];
	_ =	swait.ge [sflag:s4], $0x0  }
0x19: {  	s7 =	sld [smem:$0x3F9F]  }
0x1a: {  	s8 =	sadd.s32 $0xFFFFE003, lr  }
0x1b: {  	s9 =	sadd.s32 $0xFFFFFEF7, lr;
	s5 =	simm.s32 $0xFFFFFFFF;
	p2 =	slt.u32 s8, $0xFFFFF086  }
0x1c: {  	p1 =	slt.u32 s9, $0xF7A;
	s5 =	simm.s32 @!p2 $0x0  }
0x1d: {  	s5 =	simm.s32 @p1 $0x1;
	p0 =	seq.s32 s7, s2  }
0x1e: {  	s7 =	smul.u32 @!p0 $0xF7A, s2;
	p2 =	seq.s32 @!p0 s5, $0x0  }
0x1f: {  	s9 =	smul.u32 $0xF7A, s1;
	s8 =	simm.s32 @!p0 $0x1BF5;
	p2 =	por !p2, p0  }
0x20: {  	[sflag:s8] =	ssyncset.s32 @!p0 $0xFFFFF086;
	s6 =	sadd.s32 @!p0 s3, s7;
	s7 =	simm.s32 @!p0 $0x108  }
0x21: {  	s3 =	sadd.s32 s3, s9;
	s6 =	sadd.s32 @!p0 $0x88, s6;
	s7 =	simm.s32 @p2 $0x1082  }
0x22: {  	[simem:s7], [sflag:s8] =	dma.local @!p0 [hbm:s6], $0xF7A  }
0x23: {  	s9 =	sor.u32 $0xD0000000, s2;
	s6 =	simm.s32 $0x108;
	_ =	swait.ge @!p0 [sflag:s8], $0x0  }
0x24: {  	s3 =	sadd.s32 $0x88, s3;
	s6 =	simm.s32 @!p1 $0x1082;
	[sflag:s4] =	ssyncset.s32 $0xFFFFF086  }
0x25: {  	[simem:s6], [sflag:s4] =	dma.local [hbm:s3], $0xF7A  }
0x26: {  	[smem:$0x3F9F] =	sst s1;
	(tag) =	ssettag s2;
	_ =	strace s9  }
0x27: {  	s1 =	sld [smem:$0x3FAF]  }
0x28: {  	s2 =	sld [smem:$0x3FB0]  }
0x29: {  	s4 =	sld [smem:$0x3FB2]  }
0x2a: {  	p0 =	seq.s32 s5, $0x0;
	s5 =	sld [smem:$0x3FB3]  }
0x2b: {  	s6 =	sld [smem:$0x3FB4]  }
0x2c: {  	s7 =	sld [smem:$0x3FB5]  }
0x2d: {  	s3 =	simm.s32 $0x108;
	s8 =	sld [smem:$0x3FB6]  }
0x2e: {  	s3 =	simm.s32 @!p0 $0x1082;
	s9 =	sld [smem:$0x3FB7]  }
0x2f: {  	lr =	sadd.s32 s0, s3;
	s0 =	sld [smem:$0x3FAE]  }
0x30: {  	s3 =	sld [smem:$0x3FB1]  }
0x31: {  	[smem:$0x3FBA] =	sst s10  }
0x32: {  	s10 =	sld [smem:$0x3FB8];
	_ =	sdelay $0x3  }
0x33: {  	p0 =	seq.s32 s10, $0x1;
	s10 =	sld [smem:$0x3FBA];
	_ =	sdelay $0x3  }
0x34: {  	[smem:$0x3FBA] =	sst s10  }
0x35: {  	s10 =	sld [smem:$0x3FB9];
	_ =	sdelay $0x3  }
0x36: {  	p1 =	seq.s32 s10, $0x1;
	s10 =	sld [smem:$0x3FBA];
	_ =	sdelay $0x3  }
0x37: {  	[smem:$0x3FBA] =	sst s10  }
0x38: {  	s10 =	sld [smem:$0x3FBB]  }
0x39: {  	_ = 	snop;
	(pc) =	sbr.ind lr, $3  }
0x3a: {  	_ = 	snop  }
0x3b: {  	_ = 	snop  }
0x3c: {  	p2 =	seq.s32 s10, $0x1;
	s10 =	sld [smem:$0x3FBA]  }
0x3d: {  	_ =	shalt  }
0x3e: {  	_ =	shalt  }
0x3f: {  	_ =	shalt  }
0x40: {  	_ =	shalt  }
0x41: {  	_ =	shalt  }
0x42: {  	_ =	shalt  }
0x43: {  	_ =	shalt  }
0x44: {  	_ =	shalt  }
0x45: {  	_ =	shalt  }
0x46: {  	_ =	shalt  }
0x47: {  	_ =	shalt  }
0x48: {  	_ =	shalt  }
0x49: {  	_ =	shalt  }
0x4a: {  	_ =	shalt  }
0x4b: {  	_ =	shalt  }
0x4c: {  	_ =	shalt  }
0x4d: {  	_ =	shalt  }
0x4e: {  	_ =	shalt  }
0x4f: {  	_ =	shalt  }
0x50: {  	_ =	shalt  }
0x51: {  	_ =	shalt  }
0x52: {  	_ =	shalt  }
0x53: {  	_ =	shalt  }
0x54: {  	_ =	shalt  }
0x55: {  	_ =	shalt  }
0x56: {  	_ =	shalt  }
0x57: {  	_ =	shalt  }
0x58: {  	_ =	shalt  }
0x59: {  	_ =	shalt  }
0x5a: {  	_ =	shalt  }
0x5b: {  	_ =	shalt  }
0x5c: {  	_ =	shalt  }
0x5d: {  	_ =	shalt  }
0x5e: {  	_ =	shalt  }
0x5f: {  	_ =	shalt  }
0x60: {  	_ =	shalt  }
0x61: {  	_ =	shalt  }
0x62: {  	_ =	shalt  }
0x63: {  	_ =	shalt  }
0x64: {  	_ =	shalt  }
0x65: {  	_ =	shalt  }
0x66: {  	_ =	shalt  }
0x67: {  	_ =	shalt  }
0x68: {  	_ =	shalt  }
0x69: {  	_ =	shalt  }
0x6a: {  	_ =	shalt  }
0x6b: {  	_ =	shalt  }
0x6c: {  	_ =	shalt  }
0x6d: {  	_ =	shalt  }
0x6e: {  	_ =	shalt  }
0x6f: {  	_ =	shalt  }
0x70: {  	_ =	shalt  }
0x71: {  	_ =	shalt  }
0x72: {  	_ =	shalt  }
0x73: {  	_ =	shalt  }
0x74: {  	_ =	shalt  }
0x75: {  	_ =	shalt  }
0x76: {  	_ =	shalt  }
0x77: {  	_ =	shalt  }
0x78: {  	_ =	shalt  }
0x79: {  	_ =	shalt  }
0x7a: {  	_ =	shalt  }
0x7b: {  	_ =	shalt  }
0x7c: {  	_ =	shalt  }
0x7d: {  	_ =	shalt  }
0x7e: {  	_ =	shalt  }
0x7f: {  	_ =	shalt  }
0x80: {  	_ =	shalt  }
0x81: {  	_ =	shalt  }
0x82: {  	_ =	shalt  }
0x83: {  	_ =	shalt  }
0x84: {  	_ =	shalt  }
0x85: {  	_ =	shalt  }
0x86: {  	_ =	shalt  }
0x87: {  	_ =	shalt  }
.Lfunc_end0:
.L_simem_size_0:
called_computation_lowered:
.L_overlay_start_0:
0x88: {  	s2 =	sld [smem:$0x3FD9]  }
0x89: {  	s3 =	sld [smem:$0x3FFE];
	_ =	sdelay $0x1  }
0x8a: {  	s1 =	srdreg.scid  }
0x8b: {  	s0 =	sand.u32 $0x1, s1  }
0x8c: {  	s14 =	sshll.u32 s0, $0xA;
	s2 =	sadd.s32 s3, s2  }
0x8d: {  	s2 =	sadd.s32 s2, s14  }
0x8e: {  	[smem:$0x3FC6] =	sst s2  }
0x8f: {  	_ = 	snop  }
0x90: {  	s2 =	sld [smem:$0x3FD0];
	_ =	sdelay $0x2  }
0x91: {  	s15 =	simm.s32 $0xA;
	s4 =	simm.s32 $0x10  }
0x92: {  	[smem:s4], [sflag:s15] =	dma.local [hbm:s2], $0x1  }
0x93: {  	_ =	swait.eq [sflag:s15], $0x1  }
0x94: {  	[sflag:s15] =	ssyncset.done $0x0  }
0x95: {  	s16 =	sld [smem:$0x10];
	[sflag:s15] =	ssyncadd.s32 $0xFFFFFFFF  }
0x96: {  	s17 =	sld [smem:$0x11];
	(tm) =	ssettm $0x1  }
0x97: {  	s18 =	sld [smem:$0x3FFB];
	_ =	sdelay $0x3  }
0x98: {  	_ =	strace s18  }
0x99: {  	s4 =	sld [smem:$0x3FFC];
	_ =	sdelay $0x3  }
0x9a: {  	_ =	strace s4  }
0x9b: {  	s4 =	sld [smem:$0x3FFD];
	_ =	sdelay $0x3  }
0x9c: {  	_ =	strace s4  }
0x9d: {  	_ =	strace $0x8FFFFFFF  }
0x9e: {  	s19 =	sld [smem:$0x3FDB];
	_ =	sdelay $0x1  }
0x9f: {  	s5 =	simm.s32 $_scs_section_size  }
0xa0: {  	s6 =	simm.s32 $_size__tile_overlayer_lowered;
	s7 =	simm.s32 $_tile_overlayer_lowered  }
0xa1: {  	s22 =	simm.s32 $0x1BFF;
	s21 =	sshll.u32 s7, $0x1;
	s4 =	sadd.s32 s5, s19  }
0xa2: {  	s8 =	simm.s32 $0x0;
	s20 =	sshll.u32 s6, $0x1;
	s6 =	sadd.s32 s21, s4  }
0xa3: {  	[timem:s8], [sflag:s22] =	dma.local [hbm:s6], s20  }
0xa4: {  	_ =	swait.ge [sflag:s22], s20  }
0xa5: {  	s5 =	ssub.s32 $0x0, s20;
	[sflag:s22] =	ssyncset.done $0x0  }
0xa6: {  	[sflag:s22] =	ssyncadd.s32 s5;
	_ =	sdelay $0x1  }
0xa7: {  	s23 =	simm.s32 $0x1B8B  }
0xa8: {  	_ =	swait.ge [sflag:s23], $0x1  }
0xa9: {  	[sflag:s23] =	ssyncset.done $0x0  }
0xaa: {  	s25 =	simm.s32 $0x1B8E;
	s24 =	sld [smem:$0x3FFE];
	[sflag:s23] =	ssyncadd.s32 $0xFFFFFFFF  }
0xab: {  	s26 =	simm.s32 $execute0_lowered;
	[smem:$0x3FD2] =	sst s25  }
0xac: {  	s6 =	sshll.u32 s26, $0x1;
	_ =	strace $0x80000046;
	[dreg:$0x1] =	wrdreg $0xFFFFFFFF  }
0xad: {  	s28 =	simm.s32 $_size_execute0_lowered;
	s4 =	sadd.s32 s4, s6;
	[dreg:$0x0] =	wrdreg $0x0  }
0xae: {  	s6 =	sshll.u32 s28, $0x1;
	[dreg:$0x2] =	wrdreg s4  }
0xaf: {  	[dreg:$0x3] =	wrdreg s6  }
0xb0: {  	[dreg:$0x4] =	wrdreg $0xC0  }
0xb1: {  	_ =	task [dreg:s8], $0x5FFFF  }
0xb2: {  	[dreg:$0x1] =	wrdreg $0xFFFFFFFF  }
0xb3: {  	[dreg:$0x0] =	wrdreg $0x60  }
0xb4: {  	[dreg:$0x2] =	wrdreg s16  }
0xb5: {  	[dreg:$0x3] =	wrdreg s17  }
0xb6: {  	[dreg:$0x4] =	wrdreg s24  }
0xb7: {  	[dreg:$0x5] =	wrdreg $0xA4800  }
0xb8: {  	[dreg:$0x6] =	wrdreg $0x9  }
0xb9: {  	_ =	task.clear_ibuf [dreg:s8], $0x7FFFF;
	_ =	strace $0x90000046  }
0xba: {  	s29 =	simm.s32 $0x9;
	_ =	strace $0x80000048  }
0xbb: {  	_ =	swait.ge [sflag:s29], $0x1  }
0xbc: {  	[sflag:s29] =	ssyncadd.s32 $0xFFFFFFFF  }
0xbd: {  	_ =	strace $0x90000048  }
0xbe: {  	_ =	sfence  }
0xbf: {  	s30 =	sld [smem:$0x0];
	_ =	sdelay $0x2  }
0xc0: {  	s31 =	sshll.u32 s1, $0xD;
	s1 =	sshrl.u32 s1, $0x2  }
0xc1: {  	s3 =	sand.u32 $0x4000, s31;
	s1 =	sadd.s32 s1, s30  }
0xc2: {  	s0 =	sor.u32 s3, s0;
	s1 =	sshll.u32 s1, $0x11  }
0xc3: {  	s0 =	sor.u32 s1, s0  }
0xc4: {  	s0 =	sadd.s32 $0x8F2B, s0  }
0xc5: {  	[sflag:s0] =	ssyncadd.remote.s32 $0x1  }
0xc6: {  	_ =	sfence.sel $0xFFFF  }
0xc7: {  	[dreg:$0x0] =	wrdreg $0xFFFFFFFF;
	(pc) =	sbr.abs _section_cstart, $3  }
0xc8: {  	[dreg:$0x1] =	wrdreg $0xFFFFFFFF  }
0xc9: {  	_ =	task.clear_ibuf [dreg:s8], $0x2FFFF;
	_ =	strace $0x9FFFFFFF  }
0xca: {  	(tm) =	ssettm $0x7FFFFFFF  }
0xcb: {  	_ =	shalt  }
tec
execute0_lowered:
.L_overlay_start_1:
0x0: {  	(tag) =	ssettag $0x1  }
0x1: {  	s0 =	rddreg [dreg:$0x0]  }
0x2: {  	s1 =	rddreg [dreg:$0x2]  }
0x3: {  	s2 =	rddreg [dreg:$0x3];
	s4 =	simm.s32 $0x0;
	s3 =	srdreg.scid  }
0x4: {  	s8 =	stileid.u32;
	[smem:$0x7FF] =	sst s4;
	s3 =	sand.u32 $0x1, s3  }
0x5: {  	s24 =	sshll.u32 s8, $0x1;
	s26 =	sshll.u32 s8, $0xC;
	s7 =	sshll.u32 s8, $0x7  }
0x6: {  	_ =	strace $0x80000047;
	s4 =	sor.u32 s3, s24;
	s6 =	sshll.u32 s3, $0x4  }
0x7: {  	s3 =	ssub.s32 $0x2, s3;
	s28 =	sand.u32 $0x8000, s26;
	s5 =	sshll.u32 s4, $0x4  }
0x8: {  	s25 =	sshrl.u32 s3, $0x1;
	s4 =	sshll.u32 s4, $0x6;
	s5 =	sadd.s32 s5, s1  }
0x9: {  	s1 =	sadd.s32 s6, s1;
	s3 =	ssub.s32 s3, s25;
	s4 =	sadd.s32 s0, s4  }
0xa: {  	s6 =	sand.u32 $0x380, s7;
	s0 =	sadd.s32 s28, s2;
	s5 =	sadd.s32 $0xE00, s5  }
0xb: {  	s7 =	sshll.u32 s8, $0xB;
	s0 =	sadd.s32 s6, s0;
	[dreg:$0x5] =	wrdreg s5  }
0xc: {  	s7 =	sadd.s32 s7, s2;
	s24 =	smax.u32 s3, $0x1;
	[dreg:$0x6] =	wrdreg s0  }
0xd: {  	s2 =	sadd.s32 $0x80, s7;
	[dreg:$0x17] =	wrdreg s24  }
0xe: {  	s10 =	sadd.s32 $0x100, s7;
	[dreg:$0x7] =	wrdreg s2  }
0xf: {  	s11 =	sadd.s32 $0x180, s7;
	[dreg:$0x8] =	wrdreg s10  }
0x10: {  	s12 =	sadd.s32 $0x200, s7;
	[dreg:$0x9] =	wrdreg s11  }
0x11: {  	s13 =	sadd.s32 $0x280, s7;
	[dreg:$0xa] =	wrdreg s12  }
0x12: {  	s14 =	sadd.s32 $0x300, s7;
	[dreg:$0xb] =	wrdreg s13  }
0x13: {  	s15 =	sadd.s32 $0x380, s7;
	[dreg:$0xc] =	wrdreg s14  }
0x14: {  	s9 =	sshll.u32 s8, $0x6;
	s16 =	sadd.s32 $0x8000, s7;
	[dreg:$0xd] =	wrdreg s15  }
0x15: {  	v0 =	vimm.s32 $0x76543210;
	v1 =	vimm.s32 $0xFEDCBA98;
	s17 =	sadd.s32 $0x8080, s7;
	s18 =	sadd.s32 $0x8100, s7;
	[dreg:$0xe] =	wrdreg s16  }
0x16: {  	v2 =	vimm.s32 $0xBA98FEDC;
	v3 =	vimm.s32 $0x32107654;
	s19 =	sadd.s32 $0x8180, s7;
	s20 =	sadd.s32 $0x8200, s7;
	[dreg:$0xf] =	wrdreg s17  }
0x17: {  	v4 =	vimm.s32 $0xDCFE98BA;
	v5 =	vimm.s32 $0x54761032;
	s21 =	sadd.s32 $0x8280, s7;
	s0 =	sadd.s32 s9, s1;
	[dreg:$0x10] =	wrdreg s18  }
0x18: {  	v6 =	vimm.s32 $0xEFCDAB89;
	v7 =	vimm.s32 $0x67452301;
	s22 =	sadd.s32 $0x8300, s7;
	s23 =	sadd.s32 $0x8380, s7;
	[dreg:$0x11] =	wrdreg s19  }
0x19: {  	v1 =	vunpack.c.l.s4.s8 v1;
	v0 =	vunpack.c.l.s4.s8 v0;
	v2 =	vunpack.c.l.s4.s8 v2;
	s25 =	sadd.s32 $0x400, s7;
	s26 =	sadd.s32 $0x480, s7;
	[dreg:$0x12] =	wrdreg s20  }
0x1a: {  	v3 =	vunpack.c.l.s4.s8 v3;
	v4 =	vunpack.c.l.s4.s8 v4;
	v5 =	vunpack.c.l.s4.s8 v5;
	s28 =	sadd.s32 $0x500, s7;
	s29 =	sadd.s32 $0x580, s7;
	[dreg:$0x13] =	wrdreg s21  }
0x1b: {  	v6 =	vunpack.c.l.s4.s8 v6;
	v7 =	vunpack.c.l.s4.s8 v7;
	v1 =	vunpack.c.0.s8.s32 v1;
	s30 =	sadd.s32 $0x600, s7;
	s31 =	sadd.s32 $0x680, s7;
	[dreg:$0x14] =	wrdreg s22  }
0x1c: {  	v2 =	vunpack.c.0.s8.s32 v2;
	v3 =	vunpack.c.0.s8.s32 v3;
	v4 =	vunpack.c.0.s8.s32 v4;
	s1 =	sadd.s32 $0x8400, s7;
	s3 =	sadd.s32 $0x8480, s7;
	[dreg:$0x15] =	wrdreg s23  }
0x1d: {  	v5 =	vunpack.c.0.s8.s32 v5;
	v6 =	vunpack.c.0.s8.s32 v6;
	v7 =	vunpack.c.0.s8.s32 v7;
	s5 =	sadd.s32 $0x8500, s7;
	s6 =	sadd.s32 $0x8580, s7;
	[dreg:$0x18] =	wrdreg s25  }
0x1e: {  	v2 =	vcombine.low v3, v2;
	v3 =	vunpack.c.0.s8.s32 v0;
	s8 =	sadd.s32 $0x8600, s7;
	s9 =	sadd.s32 $0x8680, s7;
	[dreg:$0x19] =	wrdreg s26  }
0x1f: {  	v4 =	vcombine.low v5, v4;
	v1 =	vand.u32 $0xF, v1;
	v5 =	vcombine.low v7, v6;
	s0 =	sadd.s32 $0x1000, s0;
	[dreg:$0x1a] =	wrdreg s28;
	s2 =	sadd.s32 $0x780, s7  }
0x20: {  	v0 =	vimm.f32 $+Inf;
	s10 =	sadd.s32 $0x8700, s7;
	s11 =	sadd.s32 $0x8780, s7;
	s12 =	simm.s32 $0x1;
	v1 =	vcombine.low v1, v3  }
0x21: {  	v2 =	vand.u32 $0xF, v2;
	v3 =	vand.u32 $0xF, v4;
	v4 =	vand.u32 $0xF, v5;
	s13 =	simm.s32 $0x0;
	[dreg:$0x16] =	wrdreg s0;
	s0 =	sadd.s32 $0x700, s7  }
.LBB2_1:
0x22: {  	s14 =	simm.s32 $0x200;
	s15 =	simm.s32 $0x4000;
	s16 =	simm.s32 $0x4200  }
0x23: {  	[tilespmem:s16], [sflag:$0x1] =	stream.strided.gather [hbm4b:s4+s14], $0x0, s15, s14, $0x38;
	[tilespmem:$0xB480] =	vst v63  }
0x24: {  	s25 =	simm.s32 $0x0  }
0x25: {  	[tilespmem:s16], [sflag:$0x1] =	stream.linear.gather [hbm4b:s4+s25], $0x180, $0x38;
	[tilespmem:$0xB480] =	vst v63  }
0x26: {  	_ =	swait.ge [sflag:s12], $0x180  }
0x27: {  	[sflag:s12] =	ssyncset.done $0x0  }
0x28: {  	[sflag:s12] =	ssyncadd.s32 $0xFFFFFE80  }
0x29: {  	s28 =	simm.s32 $0x4400;
	s26 =	rddreg [dreg:$0x1]  }
0x2a: {  	[tilespmem:s28], [sflag:$0x1] =	stream.linear.gather [hbm4b:s26+s25], $0x4000, $0x38;
	[tilespmem:$0xB480] =	vst v63  }
0x2b: {  	_ =	swait.ge [sflag:s12], $0x4000  }
0x2c: {  	[sflag:s12] =	ssyncset.done $0x0  }
0x2d: {  	s15 =	simm.s32 $0x0;
	[sflag:s12] =	ssyncadd.s32 $0xFFFFC000  }
0x2e: {  	v5 =	vld [tilespmem:s15+$0x4300]  }
0x2f: {  	v6 =	vld [tilespmem:s15+$0x4200]  }
0x30: {  	v7 =	vld [tilespmem:s15+$0x4280];
	_ =	sdelay $0x2  }
0x31: {  	v8 =	vshrl.u32 v5, $0x10  }
0x32: {  	v9 =	vmul.f32 v5, v5;
	v10 =	vshrl.u32 v6, $0x10;
	v11 =	vmul.f32 v6, v6  }
0x33: {  	s14 =	simm.s32 $0x10;
	v12 =	vshrl.u32 v7, $0x10;
	v14 =	vmul.f32 v7, v7;
	v8 =	vand.u32 $0x1, v8  }
0x34: {  	v13 =	vld [tilespmem:s14+$0x4300];
	v10 =	vand.u32 $0x1, v10;
	v5 =	vadd.s32 v8, v5;
	v8 =	vand.u32 $0x1, v12  }
0x35: {  	v6 =	vadd.s32 v10, v6;
	v11 =	vadd.f32 v14, v11;
	v12 =	vadd.s32 $0x7FFF, v5;
	v5 =	vld [tilespmem:s14+$0x4200]  }
0x36: {  	v8 =	vadd.s32 v8, v7;
	v7 =	vld [tilespmem:s14+$0x4280];
	v6 =	vadd.s32 $0x7FFF, v6;
	v10 =	vand.u32 $0xFFFF0000, v12  }
0x37: {  	v8 =	vadd.s32 $0x7FFF, v8;
	v6 =	vand.u32 $0xFFFF0000, v6;
	v10 =	vmul.f32 $-2.000000000e+00, v10  }
0x38: {  	v9 =	vadd.f32 v9, v11;
	v8 =	vand.u32 $0xFFFF0000, v8;
	v12 =	vmul.f32 $-2.000000000e+00, v6  }
0x39: {  	v6 =	vmul.f32 v13, v13;
	v14 =	vmul.f32 $-2.000000000e+00, v8;
	v8 =	vshrl.u32 v13, $0x10;
	[tilespmem:s15+$0x100] =	vst v10  }
0x3a: {  	v15 =	vand.u32 $0x1, v8;
	[tilespmem:s15+$0x0] =	vst v12;
	v10 =	vshrl.u32 v5, $0x10;
	v8 =	vmul.f32 v5, v5  }
0x3b: {  	s17 =	simm.s32 $0xC0;
	s16 =	simm.s32 $0x20;
	v11 =	vshrl.u32 v7, $0x10;
	v12 =	vadd.s32 v15, v13;
	[tilespmem:s15+$0x80] =	vst v14;
	v10 =	vand.u32 $0x1, v10  }
.LBB2_2:
0x3c: {  	p0 =	sne.s32 s17, $0x1C0;
	v13 =	vld [tilespmem:s16+$0x4300];
	v11 =	vand.u32 $0x1, v11;
	v12 =	vadd.s32 $0x7FFF, v12;
	v14 =	vmul.f32 v7, v7;
	[tilespmem:s15+$0x180] =	vst v9;
	s15 =	smov.u32 s14;
	s14 =	smov.u32 s16  }
0x3d: {  	v9 =	vadd.s32 v10, v5;
	v5 =	vld [tilespmem:s14+$0x4200];
	v10 =	vadd.s32 v11, v7;
	v11 =	vand.u32 $0xFFFF0000, v12  }
0x3e: {  	v9 =	vadd.s32 $0x7FFF, v9;
	v7 =	vld [tilespmem:s14+$0x4280];
	v10 =	vadd.s32 $0x7FFF, v10;
	v11 =	vmul.f32 $-2.000000000e+00, v11  }
.Ltmp0:
0x3f: {  	v9 =	vand.u32 $0xFFFF0000, v9;
	v8 =	vadd.f32 v14, v8;
	v10 =	vand.u32 $0xFFFF0000, v10;
	(pc) =	sbr.rel @p0 .LBB2_2-.Ltmp0, $4  }
0x40: {  	v12 =	vmul.f32 $-2.000000000e+00, v9;
	v14 =	vmul.f32 $-2.000000000e+00, v10;
	[tilespmem:s15+$0x100] =	vst v11  }
0x41: {  	v9 =	vadd.f32 v6, v8;
	v10 =	vshrl.u32 v13, $0x10;
	v6 =	vmul.f32 v13, v13  }
0x42: {  	v11 =	vshrl.u32 v5, $0x10;
	v15 =	vand.u32 $0x1, v10;
	v8 =	vmul.f32 v5, v5;
	[tilespmem:s15+$0x0] =	vst v12  }
0x43: {  	s16 =	sshra.s32 s17, $0x2;
	s17 =	sadd.s32 $0x40, s17;
	v10 =	vand.u32 $0x1, v11;
	v11 =	vshrl.u32 v7, $0x10;
	v12 =	vadd.s32 v15, v13;
	[tilespmem:s15+$0x80] =	vst v14  }
0x44: {  	v13 =	vld [tilespmem:s16+$0x4300];
	[tilespmem:s15+$0x180] =	vst v9  }
0x45: {  	v47 =	vand.u32 $0x1, v11;
	v48 =	vadd.s32 $0x7FFF, v12;
	v49 =	vmul.f32 v7, v7;
	v14 =	vld [tilespmem:s16+$0x4200]  }
0x46: {  	v5 =	vadd.s32 v10, v5;
	v7 =	vadd.s32 v47, v7;
	v50 =	vand.u32 $0xFFFF0000, v48;
	v51 =	vld [tilespmem:s16+$0x4280]  }
0x47: {  	v5 =	vadd.s32 $0x7FFF, v5;
	v7 =	vadd.s32 $0x7FFF, v7;
	v9 =	vmul.f32 $-2.000000000e+00, v50  }
0x48: {  	v5 =	vand.u32 $0xFFFF0000, v5;
	v8 =	vadd.f32 v49, v8;
	v7 =	vand.u32 $0xFFFF0000, v7  }
0x49: {  	v5 =	vmul.f32 $-2.000000000e+00, v5;
	v7 =	vmul.f32 $-2.000000000e+00, v7  }
0x4a: {  	v6 =	vadd.f32 v6, v8;
	v52 =	vshrl.u32 v13, $0x10;
	v53 =	vmul.f32 v13, v13  }
0x4b: {  	v8 =	vand.u32 $0x1, v52;
	v54 =	vshrl.u32 v14, $0x10;
	v15 =	vshrl.u32 v51, $0x10  }
0x4c: {  	[tilespmem:s14+$0x100] =	vst v9;
	v55 =	vmul.f32 v14, v14;
	v57 =	vmul.f32 v51, v51;
	v8 =	vadd.s32 v8, v13  }
0x4d: {  	[tilespmem:s14+$0x0] =	vst v5;
	v11 =	vand.u32 $0x1, v54;
	v15 =	vand.u32 $0x1, v15;
	v8 =	vadd.s32 $0x7FFF, v8  }
0x4e: {  	[tilespmem:s14+$0x180] =	vst v6;
	v56 =	vadd.s32 v11, v14;
	v6 =	vadd.f32 v57, v55;
	v8 =	vand.u32 $0xFFFF0000, v8  }
0x4f: {  	[tilespmem:s14+$0x80] =	vst v7;
	v5 =	vadd.s32 v15, v51;
	v9 =	vadd.s32 $0x7FFF, v56;
	v7 =	vmul.f32 $-2.000000000e+00, v8  }
0x50: {  	v5 =	vadd.s32 $0x7FFF, v5;
	v8 =	vand.u32 $0xFFFF0000, v9;
	v6 =	vadd.f32 v53, v6  }
0x51: {  	v5 =	vand.u32 $0xFFFF0000, v5;
	v8 =	vmul.f32 $-2.000000000e+00, v8;
	[tilespmem:s16+$0x100] =	vst v7  }
0x52: {  	s14 =	simm.s32 $0x0;
	v5 =	vmul.f32 $-2.000000000e+00, v5;
	[tilespmem:s16+$0x180] =	vst v6  }
0x53: {  	s28 =	sand.u32 $0x70, s14;
	s17 =	sand.u32 $0x3E00, s14;
	[tilespmem:s16+$0x0] =	vst v8  }
0x54: {  	s15 =	sor.u32 s28, s17;
	[tilespmem:s16+$0x80] =	vst v5  }
0x55: {  	v5 =	vld [tilespmem:s15+$0x4500]  }
0x56: {  	v6 =	vld [tilespmem:s15+$0x4480]  }
0x57: {  	v7 =	vld [tilespmem:s15+$0x4400];
	_ =	sdelay $0x3  }
0x58: {  	v8 =	vshrl.u32 v5, $0x10;
	v58 =	vmul.f32 v5, v5  }
0x59: {  	p0 =	por $0x1, $0x1;
	v59 =	vshrl.u32 v6, $0x10;
	v60 =	vmul.f32 v6, v6;
	v61 =	vshrl.u32 v7, $0x10  }
.Ltmp1:
0x5a: {  	v62 =	vmul.f32 v7, v7;
	v8 =	vand.u32 $0x1, v8;
	v10 =	vand.u32 $0x1, v59;
	(pc) =	sbr.rel @!p0 .LBB2_5-.Ltmp1, $4  }
0x5b: {  	v12 =	vand.u32 $0x1, v61;
	v6 =	vadd.s32 v10, v6;
	v5 =	vadd.s32 v8, v5  }
0x5c: {  	v7 =	vadd.s32 v12, v7;
	v8 =	vadd.f32 v60, v62;
	v6 =	vadd.s32 $0x7FFF, v6  }
0x5d: {  	v7 =	vadd.s32 $0x7FFF, v7;
	v5 =	vadd.s32 $0x7FFF, v5;
	v63 =	vand.u32 $0xFFFF0000, v6  }
0x5e: {  	s18 =	simm.s32 $0x0;
	s17 =	simm.s32 $0x0;
	s16 =	simm.s32 $0x10;
	v6 =	vand.u32 $0xFFFF0000, v7;
	v5 =	vand.u32 $0xFFFF0000, v5;
	v7 =	vadd.f32 v58, v8;
	[tilespmem:s15+$0x280] =	vst v63  }
.LBB2_4:
0x5f: {  	p0 =	sne.s32 s16, $0xFF0  }
0x60: {  	[tilespmem:s15+$0x200] =	vst v6;
	s18 =	sadd.s32 $0x40, s18;
	s19 =	smov.u32 s16;
	s16 =	sadd.s32 $0x10, s16  }
0x61: {  	s20 =	sshra.s32 s17, $0x2;
	[tilespmem:s15+$0x380] =	vst v7;
	s17 =	smov.u32 s18  }
0x62: {  	s19 =	sand.u32 $0x70, s19;
	s21 =	sand.u32 $0x3E00, s18;
	[tilespmem:s15+$0x300] =	vst v5  }
0x63: {  	s15 =	sor.u32 s19, s21;
	[tilespmem:s20+$0x8400] =	vst v0  }
0x64: {  	v5 =	vld [tilespmem:s15+$0x4500]  }
0x65: {  	v6 =	vld [tilespmem:s15+$0x4480]  }
0x66: {  	v7 =	vld [tilespmem:s15+$0x4400];
	_ =	sdelay $0x2  }
0x67: {  	v8 =	vshrl.u32 v5, $0x10;
	v9 =	vmul.f32 v5, v5  }
0x68: {  	v10 =	vshrl.u32 v6, $0x10;
	v8 =	vand.u32 $0x1, v8;
	v11 =	vmul.f32 v6, v6  }
.Ltmp2:
0x69: {  	v12 =	vshrl.u32 v7, $0x10;
	v10 =	vand.u32 $0x1, v10;
	v13 =	vmul.f32 v7, v7;
	(pc) =	sbr.rel @p0 .LBB2_4-.Ltmp2, $4  }
0x6a: {  	v5 =	vadd.s32 v8, v5;
	v12 =	vand.u32 $0x1, v12;
	v6 =	vadd.s32 v10, v6  }
0x6b: {  	v7 =	vadd.s32 v12, v7;
	v6 =	vadd.s32 $0x7FFF, v6;
	v8 =	vadd.f32 v11, v13  }
0x6c: {  	v5 =	vadd.s32 $0x7FFF, v5;
	v7 =	vadd.s32 $0x7FFF, v7;
	v10 =	vand.u32 $0xFFFF0000, v6  }
0x6d: {  	v5 =	vand.u32 $0xFFFF0000, v5;
	v6 =	vand.u32 $0xFFFF0000, v7;
	[tilespmem:s15+$0x280] =	vst v10;
	v7 =	vadd.f32 v9, v8  }
.LBB2_5:
0x6e: {  	[tilespmem:s15+$0x200] =	vst v6  }
0x6f: {  	[tilespmem:s15+$0x300] =	vst v5  }
0x70: {  	s16 =	sshra.s32 s17, $0x2;
	[tilespmem:s15+$0x380] =	vst v7  }
0x71: {  	[tilespmem:s16+$0x8400] =	vst v0  }
.LBB2_6:
0x72: {  	s15 =	sshll.u32 s14, $0x4  }
0x73: {  	v8 =	vld [tilespmem:s15+$0x0]  }
0x74: {  	v6 =	vld [tilespmem:s15+$0x80]  }
0x75: {  	v7 =	vld [tilespmem:s15+$0x100];
	_ =	sdelay $0x2  }
0x76: {  	s19 =	simm.s32 $0x0  }
0x77: {  	s17 =	sand.u32 $0x40, s19;
	s16 =	sand.u32 $0x3E00, s19;
	v12 =	vbroadcast v8, $0x0  }
0x78: {  	v5 =	vld [tilespmem:s15+$0x180];
	s18 =	sadd.s32 $0x200, s16;
	s16 =	sor.u32 $0x30, s17;
	v15 =	vbroadcast v6, $0x0;
	v20 =	vbroadcast v7, $0x0  }
0x79: {  	s24 =	sor.u32 s16, s18;
	v14 =	vbroadcast v8, $0x1;
	v19 =	vbroadcast v6, $0x1  }
0x7a: {  	s20 =	sor.u32 s17, s18;
	v25 =	vld [tilespmem:s24+$0x100];
	v24 =	vbroadcast v7, $0x1;
	v18 =	vbroadcast v8, $0x2  }
0x7b: {  	v26 =	vld [tilespmem:s20+$0x100];
	v16 =	vbroadcast v6, $0x2;
	v22 =	vbroadcast v7, $0x2  }
0x7c: {  	v38 =	vld [tilespmem:s20+$0x0];
	v21 =	vbroadcast v8, $0x3;
	v17 =	vbroadcast v6, $0x3  }
0x7d: {  	s21 =	sor.u32 $0x10, s17;
	v23 =	vbroadcast v7, $0x3;
	v10 =	vbroadcast v5, $0x0  }
0x7e: {  	s22 =	sor.u32 s21, s18;
	v28 =	vld [tilespmem:s20+$0x80];
	v13 =	vbroadcast v5, $0x1;
	v11 =	vbroadcast v5, $0x2  }
0x7f: {  	v29 =	vld [tilespmem:s22+$0x80];
	v9 =	vbroadcast v5, $0x3;
	v31 =	vmul.f32 v25, v24  }
0x80: {  	v36 =	vmul.f32 v25, v23;
	v27 =	vmul.f32 v26, v20  }
0x81: {  	v34 =	vld [tilespmem:s22+$0x0];
	v39 =	vmul.f32 v25, v22;
	v37 =	vmul.f32 v38, v12  }
0x82: {  	v41 =	vmul.f32 v25, v20;
	v25 =	vmul.f32 v26, v24  }
0x83: {  	v30 =	vld [tilespmem:s20+$0x180];
	v43 =	vmul.f32 v28, v16;
	v50 =	vmul.f32 v26, v22  }
0x84: {  	v52 =	vld [tilespmem:s24+$0x180];
	v42 =	vmul.f32 v29, v15;
	v26 =	vmul.f32 v26, v23  }
0x85: {  	v47 =	vld [tilespmem:s22+$0x100];
	v35 =	vmul.f32 v29, v19;
	v48 =	vmul.f32 v38, v14  }
0x86: {  	v49 =	vmul.f32 v29, v16;
	v45 =	vmul.f32 v34, v12  }
0x87: {  	v46 =	vmul.f32 v28, v15;
	v63 =	vmul.f32 v34, v21  }
0x88: {  	v54 =	vmul.f32 v28, v19;
	v29 =	vmul.f32 v29, v17;
	v44 =	vadd.f32 v25, v30  }
0x89: {  	s17 =	sor.u32 $0x20, s17;
	v55 =	vmul.f32 v38, v18;
	v40 =	vadd.f32 v27, v30;
	v33 =	vadd.f32 v26, v30  }
0x8a: {  	s25 =	sor.u32 s17, s18;
	v58 =	vmul.f32 v47, v24;
	v25 =	vadd.f32 v39, v52;
	v27 =	vadd.f32 v41, v52;
	v41 =	vld [tilespmem:s22+$0x180]  }
0x8b: {  	v57 =	vmul.f32 v34, v18;
	v26 =	vadd.f32 v36, v52;
	v31 =	vadd.f32 v31, v52;
	v52 =	vld [tilespmem:s25+$0x0]  }
0x8c: {  	v32 =	vimm.f32 $+Inf;
	v56 =	vmul.f32 v47, v23;
	v53 =	vmul.f32 v28, v17  }
0x8d: {  	s23 =	simm.s32 $0x0;
	v28 =	vimm.f32 $+Inf;
	v51 =	vadd.f32 v50, v30;
	v36 =	vadd.f32 v29, v63  }
0x8e: {  	s18 =	sand.u32 $0xF80, s19;
	s20 =	simm.s32 $0x0;
	s22 =	simm.s32 $0x0;
	v39 =	vld [tilespmem:s25+$0x80];
	v50 =	vmul.f32 v47, v20;
	v29 =	vimm.f32 $+Inf;
	v30 =	vimm.f32 $+Inf  }
.LBB2_7:
0x8f: {  	s22 =	sadd.s32 $0x4, s22;
	v38 =	vmul.f32 v38, v21;
	v47 =	vmul.f32 v47, v22;
	v58 =	vadd.f32 v58, v41;
	s19 =	sadd.s32 $0x100, s19;
	s23 =	sadd.s32 $0x40, s23  }
0x90: {  	v60 =	vmul.f32 v52, v14;
	v48 =	vadd.f32 v54, v48;
	v49 =	vadd.f32 v49, v57;
	s26 =	sand.u32 $0xF80, s23;
	p0 =	slt.u32 s22, $0xFC;
	v59 =	vld [tilespmem:s25+$0x100]  }
0x91: {  	v54 =	vmul.f32 v52, v18;
	v43 =	vadd.f32 v43, v55;
	v47 =	vadd.f32 v47, v41  }
0x92: {  	v55 =	vmul.f32 v52, v12;
	v44 =	vadd.f32 v44, v48;
	v48 =	vadd.f32 v56, v41  }
0x93: {  	v57 =	vmul.f32 v39, v15;
	v37 =	vadd.f32 v46, v37;
	v42 =	vadd.f32 v42, v45;
	v56 =	vld [tilespmem:s25+$0x180]  }
0x94: {  	v34 =	vmul.f32 v34, v14;
	v45 =	vmul.f32 v52, v21;
	v43 =	vadd.f32 v51, v43  }
0x95: {  	v38 =	vadd.f32 v53, v38;
	v51 =	vadd.f32 v57, v55;
	v46 =	vmul.f32 v59, v24  }
0x96: {  	v37 =	vadd.f32 v40, v37;
	v40 =	vadd.f32 v47, v49;
	v32 =	vmin.f32 v32, v43  }
0x97: {  	v41 =	vadd.f32 v50, v41;
	v47 =	vmul.f32 v39, v19;
	v43 =	vadd.f32 v43, v11  }
0x98: {  	v34 =	vadd.f32 v35, v34;
	v49 =	vmul.f32 v39, v17;
	v35 =	vadd.f32 v40, v11  }
0x99: {  	v39 =	vmul.f32 v39, v16;
	v52 =	vmul.f32 v59, v23;
	v47 =	vadd.f32 v47, v60;
	v50 =	vld [tilespmem:s24+$0x0]  }
0x9a: {  	v55 =	vadd.f32 v44, v13;
	v53 =	vmul.f32 v59, v22;
	v46 =	vadd.f32 v46, v56  }
0x9b: {  	v41 =	vadd.f32 v41, v42;
	v59 =	vmul.f32 v59, v20;
	v39 =	vadd.f32 v39, v54;
	v57 =	vld [tilespmem:s24+$0x80]  }
0x9c: {  	v34 =	vadd.f32 v58, v34;
	v29 =	vmin.f32 v29, v44;
	v42 =	vadd.f32 v53, v56  }
0x9d: {  	v33 =	vadd.f32 v33, v38;
	v36 =	vadd.f32 v48, v36;
	v32 =	vmin.f32 v32, v40;
	s24 =	sadd.s32 $0x8400, s18;
	s18 =	smov.u32 s26  }
0x9e: {  	v30 =	vmin.f32 v30, v37;
	v37 =	vadd.f32 v37, v10;
	v38 =	vadd.f32 v59, v56;
	s21 =	sor.u32 s21, s24  }
0x9f: {  	v30 =	vmin.f32 v30, v41;
	v48 =	vadd.f32 v36, v9;
	v44 =	vmul.f32 v50, v21;
	v40 =	vld [tilespmem:s21+$0x0]  }
0xa0: {  	v37 =	vmin.f32 v37, v55;
	v53 =	vmul.f32 v57, v15;
	v54 =	vmul.f32 v57, v19  }
0xa1: {  	v45 =	vadd.f32 v49, v45;
	v35 =	vmin.f32 v35, v48;
	v38 =	vadd.f32 v38, v51  }
0xa2: {  	v41 =	vadd.f32 v41, v10;
	v46 =	vadd.f32 v46, v47;
	v48 =	vmul.f32 v50, v18  }
0xa3: {  	v29 =	vmin.f32 v29, v34;
	v49 =	vadd.f32 v33, v9;
	v47 =	vmul.f32 v50, v14  }
0xa4: {  	v28 =	vmin.f32 v28, v33;
	v39 =	vadd.f32 v42, v39;
	v51 =	vmul.f32 v57, v16  }
0xa5: {  	v34 =	vadd.f32 v34, v13;
	v33 =	vmul.f32 v50, v12;
	v42 =	vmul.f32 v57, v17  }
0xa6: {  	v29 =	vmin.f32 v29, v46;
	v50 =	vadd.f32 v52, v56;
	v47 =	vadd.f32 v54, v47  }
0xa7: {  	v30 =	vmin.f32 v30, v38;
	v46 =	vadd.f32 v46, v13;
	v48 =	vadd.f32 v51, v48  }
0xa8: {  	v43 =	vmin.f32 v43, v49;
	v33 =	vadd.f32 v53, v33;
	v42 =	vadd.f32 v42, v44  }
0xa9: {  	s25 =	sshra.s32 s20, $0x2;
	s20 =	smov.u32 s19;
	v28 =	vmin.f32 v28, v36;
	v36 =	vadd.f32 v39, v11;
	v31 =	vadd.f32 v31, v47  }
0xaa: {  	v32 =	vmin.f32 v32, v39;
	v38 =	vadd.f32 v38, v10;
	v45 =	vadd.f32 v50, v45;
	v44 =	vld [tilespmem:s25+$0x8400]  }
0xab: {  	v29 =	vmin.f32 v29, v31;
	v31 =	vadd.f32 v31, v13  }
0xac: {  	v38 =	vmin.f32 v38, v46;
	v27 =	vadd.f32 v27, v33;
	v33 =	vadd.f32 v45, v9  }
0xad: {  	v37 =	vmin.f32 v37, v43;
	s26 =	sor.u32 s17, s24;
	v28 =	vmin.f32 v28, v45;
	v25 =	vadd.f32 v25, v48  }
0xae: {  	v34 =	vmin.f32 v41, v34;
	s24 =	sor.u32 s16, s24;
	v26 =	vadd.f32 v26, v42;
	v41 =	vadd.f32 v27, v10;
	v39 =	vld [tilespmem:s26+$0x0]  }
0xaf: {  	v34 =	vmin.f32 v34, v35;
	v35 =	vadd.f32 v25, v11;
	v42 =	vld [tilespmem:s24+$0x0];
	v37 =	vmin.f32 v44, v37  }
0xb0: {  	v32 =	vmin.f32 v32, v25;
	v25 =	vadd.f32 v26, v9;
	v31 =	vmin.f32 v41, v31;
	[tilespmem:s25+$0x8400] =	vst v37  }
0xb1: {  	v30 =	vmin.f32 v30, v27;
	v28 =	vmin.f32 v28, v26;
	v26 =	vmin.f32 v36, v33  }
0xb2: {  	v27 =	vmin.f32 v40, v34;
	v26 =	vmin.f32 v38, v26;
	v25 =	vmin.f32 v35, v25  }
0xb3: {  	s16 =	sand.u32 $0x40, s23;
	s17 =	sand.u32 $0x3E00, s19;
	v25 =	vmin.f32 v31, v25;
	[tilespmem:s21+$0x0] =	vst v27;
	v26 =	vmin.f32 v39, v26  }
0xb4: {  	s25 =	sadd.s32 $0x200, s17;
	s17 =	sor.u32 $0x20, s16;
	s21 =	sor.u32 $0x10, s16;
	[tilespmem:s26+$0x0] =	vst v26;
	v25 =	vmin.f32 v42, v25  }
0xb5: {  	s26 =	sor.u32 s16, s25;
	s28 =	sor.u32 s21, s25;
	s16 =	sor.u32 $0x30, s16;
	[tilespmem:s24+$0x0] =	vst v25  }
0xb6: {  	s24 =	sor.u32 s16, s25;
	v31 =	vld [tilespmem:s26+$0x180]  }
0xb7: {  	v25 =	vld [tilespmem:s24+$0x100]  }
0xb8: {  	v26 =	vld [tilespmem:s26+$0x100]  }
0xb9: {  	v38 =	vld [tilespmem:s26+$0x0]  }
0xba: {  	v50 =	vld [tilespmem:s26+$0x80]  }
0xbb: {  	v36 =	vld [tilespmem:s28+$0x80]  }
0xbc: {  	v34 =	vld [tilespmem:s28+$0x0];
	v59 =	vmul.f32 v25, v24;
	v51 =	vmul.f32 v25, v23  }
0xbd: {  	v46 =	vmul.f32 v25, v22;
	v27 =	vmul.f32 v26, v20  }
0xbe: {  	v53 =	vmul.f32 v25, v20;
	v60 =	vld [tilespmem:s24+$0x180];
	v37 =	vmul.f32 v38, v12  }
0xbf: {  	v25 =	vmul.f32 v26, v24;
	v43 =	vmul.f32 v50, v16  }
0xc0: {  	v56 =	vmul.f32 v26, v22;
	v47 =	vld [tilespmem:s28+$0x100];
	v42 =	vmul.f32 v36, v15  }
0xc1: {  	v26 =	vmul.f32 v26, v23;
	v44 =	vadd.f32 v25, v31;
	v35 =	vmul.f32 v36, v19  }
0xc2: {  	s25 =	sor.u32 s17, s25;
	v48 =	vmul.f32 v38, v14;
	v40 =	vadd.f32 v27, v31;
	v49 =	vmul.f32 v36, v16;
	v41 =	vld [tilespmem:s28+$0x180]  }
0xc3: {  	v33 =	vadd.f32 v26, v31;
	v45 =	vmul.f32 v34, v12;
	v39 =	vld [tilespmem:s25+$0x80];
	v25 =	vadd.f32 v46, v60  }
.Ltmp3:
0xc4: {  	v61 =	vmul.f32 v34, v21;
	v46 =	vmul.f32 v50, v15;
	v27 =	vadd.f32 v53, v60;
	v52 =	vld [tilespmem:s25+$0x0];
	(pc) =	sbr.rel @p0 .LBB2_7-.Ltmp3, $4  }
0xc5: {  	v54 =	vmul.f32 v50, v19;
	v36 =	vmul.f32 v36, v17;
	v26 =	vadd.f32 v51, v60  }
0xc6: {  	v55 =	vmul.f32 v38, v18;
	v51 =	vadd.f32 v56, v31;
	v58 =	vmul.f32 v47, v24  }
0xc7: {  	v57 =	vmul.f32 v34, v18;
	v36 =	vadd.f32 v36, v61;
	v56 =	vmul.f32 v47, v23  }
0xc8: {  	v53 =	vmul.f32 v50, v17;
	v31 =	vadd.f32 v59, v60;
	v50 =	vmul.f32 v47, v20  }
0xc9: {  	v38 =	vmul.f32 v38, v21;
	v47 =	vmul.f32 v47, v22;
	v58 =	vadd.f32 v58, v41  }
0xca: {  	v59 =	vmul.f32 v52, v14;
	v48 =	vadd.f32 v54, v48;
	v49 =	vadd.f32 v49, v57  }
0xcb: {  	v54 =	vmul.f32 v52, v18;
	v43 =	vadd.f32 v43, v55;
	v37 =	vadd.f32 v46, v37  }
0xcc: {  	v62 =	vmul.f32 v52, v12;
	v42 =	vadd.f32 v42, v45;
	v47 =	vadd.f32 v47, v41  }
0xcd: {  	v63 =	vmul.f32 v39, v15;
	v44 =	vadd.f32 v44, v48;
	v48 =	vadd.f32 v56, v41  }
0xce: {  	v34 =	vmul.f32 v34, v14;
	v43 =	vadd.f32 v51, v43;
	v38 =	vadd.f32 v53, v38  }
0xcf: {  	v55 =	vmul.f32 v39, v19;
	v51 =	vadd.f32 v63, v62;
	v37 =	vadd.f32 v40, v37  }
0xd0: {  	v60 =	vld [tilespmem:s25+$0x100];
	v57 =	vmul.f32 v39, v16;
	v41 =	vadd.f32 v50, v41;
	v34 =	vadd.f32 v35, v34  }
0xd1: {  	v40 =	vadd.f32 v47, v49;
	v32 =	vmin.f32 v32, v43;
	v43 =	vadd.f32 v43, v11  }
0xd2: {  	v46 =	vmul.f32 v52, v21;
	v61 =	vld [tilespmem:s24+$0x0];
	v47 =	vadd.f32 v55, v59;
	v62 =	vadd.f32 v44, v13  }
0xd3: {  	v49 =	vmul.f32 v39, v17;
	v41 =	vadd.f32 v41, v42;
	v39 =	vadd.f32 v57, v54  }
0xd4: {  	v34 =	vadd.f32 v58, v34;
	v29 =	vmin.f32 v29, v44;
	v33 =	vadd.f32 v33, v38  }
0xd5: {  	v36 =	vadd.f32 v48, v36;
	v24 =	vmul.f32 v60, v24;
	v23 =	vmul.f32 v60, v23  }
0xd6: {  	v45 =	vld [tilespmem:s25+$0x180];
	v30 =	vmin.f32 v30, v37;
	v22 =	vmul.f32 v60, v22;
	v20 =	vmul.f32 v60, v20  }
0xd7: {  	v63 =	vld [tilespmem:s24+$0x80];
	v37 =	vadd.f32 v37, v10;
	v21 =	vmul.f32 v61, v21;
	v18 =	vmul.f32 v61, v18  }
0xd8: {  	v14 =	vmul.f32 v61, v14;
	v12 =	vmul.f32 v61, v12;
	v56 =	vadd.f32 v40, v11  }
0xd9: {  	v32 =	vmin.f32 v32, v40;
	v30 =	vmin.f32 v30, v41;
	v54 =	vadd.f32 v36, v9  }
0xda: {  	v37 =	vmin.f32 v37, v62;
	v55 =	vadd.f32 v49, v46;
	v57 =	vadd.f32 v33, v9  }
0xdb: {  	v29 =	vmin.f32 v29, v34;
	v58 =	vadd.f32 v34, v13;
	v24 =	vadd.f32 v24, v45  }
0xdc: {  	v22 =	vadd.f32 v22, v45;
	v20 =	vadd.f32 v20, v45;
	v15 =	vmul.f32 v63, v15  }
0xdd: {  	v19 =	vmul.f32 v63, v19;
	v16 =	vmul.f32 v63, v16;
	v23 =	vadd.f32 v23, v45  }
0xde: {  	v35 =	vmin.f32 v56, v54;
	v56 =	vadd.f32 v41, v10;
	v20 =	vadd.f32 v20, v51  }
0xdf: {  	v17 =	vmul.f32 v63, v17;
	v24 =	vadd.f32 v24, v47;
	v22 =	vadd.f32 v22, v39  }
0xe0: {  	v28 =	vmin.f32 v28, v33;
	v14 =	vadd.f32 v19, v14;
	v16 =	vadd.f32 v16, v18  }
0xe1: {  	v12 =	vadd.f32 v15, v12;
	v15 =	vadd.f32 v17, v21;
	v17 =	vmin.f32 v43, v57  }
0xe2: {  	v21 =	vmin.f32 v28, v36;
	v23 =	vadd.f32 v23, v55;
	v19 =	vmin.f32 v29, v24  }
0xe3: {  	v18 =	vmin.f32 v30, v20;
	v24 =	vadd.f32 v24, v13;
	v14 =	vadd.f32 v31, v14  }
0xe4: {  	v28 =	vadd.f32 v22, v11;
	v22 =	vmin.f32 v32, v22;
	v20 =	vadd.f32 v20, v10  }
0xe5: {  	s18 =	sadd.s32 $0x8400, s18;
	v12 =	vadd.f32 v27, v12;
	v16 =	vadd.f32 v25, v16;
	v21 =	vmin.f32 v21, v23  }
0xe6: {  	s22 =	sor.u32 s21, s18;
	v15 =	vadd.f32 v26, v15;
	v13 =	vadd.f32 v14, v13;
	v14 =	vmin.f32 v19, v14  }
0xe7: {  	v19 =	vadd.f32 v23, v9;
	v20 =	vmin.f32 v20, v24;
	v24 =	vld [tilespmem:s22+$0x0];
	v10 =	vadd.f32 v12, v10  }
0xe8: {  	v23 =	vmin.f32 v56, v58;
	v11 =	vadd.f32 v16, v11;
	v12 =	vmin.f32 v18, v12  }
0xe9: {  	v16 =	vmin.f32 v22, v16;
	v10 =	vmin.f32 v10, v13;
	v13 =	vperm.xlane v12, v1  }
0xea: {  	v9 =	vadd.f32 v15, v9;
	v15 =	vmin.f32 v21, v15;
	v23 =	vmin.f32 v23, v35  }
0xeb: {  	v21 =	vperm.xlane v15, v1;
	v18 =	vmin.f32 v28, v19;
	v12 =	vmin.f32 v12, v13  }
0xec: {  	s19 =	sshra.s32 s20, $0x2;
	v19 =	vperm.xlane v14, v1;
	v22 =	vmin.f32 v24, v23;
	v23 =	vperm.xlane v12, v2  }
0xed: {  	v17 =	vmin.f32 v37, v17;
	v29 =	vld [tilespmem:s19+$0x8400];
	v15 =	vmin.f32 v15, v21;
	v13 =	vperm.xlane v16, v1  }
0xee: {  	v14 =	vmin.f32 v14, v19;
	v21 =	vperm.xlane v15, v2;
	v12 =	vmin.f32 v12, v23  }
0xef: {  	v18 =	vmin.f32 v20, v18;
	v19 =	vperm.xlane v14, v2;
	v20 =	vperm.xlane v12, v3  }
0xf0: {  	v9 =	vmin.f32 v11, v9;
	v13 =	vmin.f32 v16, v13;
	v15 =	vmin.f32 v15, v21  }
0xf1: {  	s17 =	sor.u32 s17, s18;
	v16 =	vperm.xlane v13, v2;
	v14 =	vmin.f32 v14, v19;
	v21 =	vmin.f32 v12, v20  }
0xf2: {  	s18 =	sor.u32 s16, s18;
	v17 =	vmin.f32 v29, v17;
	v23 =	vld [tilespmem:s17+$0x0];
	v19 =	vperm.xlane v14, v3;
	v11 =	vperm.xlane v21, v4  }
0xf3: {  	v13 =	vmin.f32 v13, v16;
	v16 =	vld [tilespmem:s18+$0x0];
	[tilespmem:s19+$0x8400] =	vst v17  }
0xf4: {  	v27 =	vbroadcast v6, $0x5;
	v32 =	vbroadcast v7, $0x5;
	[tilespmem:$0x1FF90] =	vst v11;
	v11 =	vmin.f32 v14, v19  }
0xf5: {  	v26 =	vbroadcast v8, $0x6;
	[tilespmem:$0x1FFA0] =	vst v11;
	v11 =	vperm.xlane v11, v4  }
0xf6: {  	v30 =	vbroadcast v7, $0x6;
	v25 =	vbroadcast v6, $0x7;
	s19 =	simm.s32 $0x0;
	[tilespmem:s22+$0x0] =	vst v22  }
0xf7: {  	v31 =	vbroadcast v7, $0x7;
	v9 =	vmin.f32 v10, v9;
	s23 =	sand.u32 $0x40, s19;
	s25 =	sand.u32 $0x3E00, s19;
	[tilespmem:$0x1FFB0] =	vst v11;
	v11 =	vmin.f32 v23, v18  }
0xf8: {  	v28 =	vbroadcast v7, $0x4;
	v29 =	vbroadcast v8, $0x7;
	s22 =	sadd.s32 $0x200, s25;
	s16 =	sor.u32 $0x30, s23;
	v9 =	vmin.f32 v16, v9;
	[tilespmem:s17+$0x0] =	vst v11  }
0xf9: {  	v24 =	vbroadcast v6, $0x6;
	v12 =	vperm.xlane v13, v3;
	s24 =	sor.u32 s16, s22;
	[tilespmem:s18+$0x0] =	vst v9  }
0xfa: {  	v17 =	vbroadcast v5, $0x7;
	v20 =	vperm.xlane v15, v3;
	s26 =	sor.u32 s23, s22;
	v9 =	vld [tilespmem:s24+$0x100]  }
0xfb: {  	v22 =	vbroadcast v8, $0x5;
	[tilespmem:$0x1FF80] =	vst v21;
	v21 =	vbroadcast v5, $0x5;
	v13 =	vmin.f32 v13, v12;
	v10 =	vld [tilespmem:s26+$0x100]  }
0xfc: {  	s21 =	sor.u32 $0x10, s23;
	v12 =	vmin.f32 v15, v20;
	v20 =	vbroadcast v8, $0x4;
	[tilespmem:$0x1FFC0] =	vst v13;
	v13 =	vperm.xlane v13, v4;
	v46 =	vld [tilespmem:s26+$0x0]  }
0xfd: {  	s28 =	sor.u32 s21, s22;
	[tilespmem:$0x1FFE0] =	vst v12;
	v12 =	vperm.xlane v12, v4;
	v19 =	vbroadcast v5, $0x6;
	v36 =	vld [tilespmem:s26+$0x80]  }
0xfe: {  	v23 =	vbroadcast v6, $0x4;
	v18 =	vbroadcast v5, $0x4;
	v11 =	vld [tilespmem:s28+$0x80]  }
0xff: {  	v37 =	vmul.f32 v9, v32;
	v59 =	vmul.f32 v9, v31  }
0x100: {  	[tilespmem:$0x1FFD0] =	vst v13;
	v13 =	vld [tilespmem:s26+$0x180];
	v14 =	vmul.f32 v10, v28;
	v60 =	vmul.f32 v9, v30  }
0x101: {  	v42 =	vld [tilespmem:s28+$0x0];
	v45 =	vmul.f32 v46, v20;
	v9 =	vmul.f32 v9, v28  }
0x102: {  	[tilespmem:$0x1FFF0] =	vst v12;
	v15 =	vld [tilespmem:s28+$0x100];
	v12 =	vmul.f32 v10, v32;
	v51 =	vmul.f32 v36, v24  }
0x103: {  	v61 =	vld [tilespmem:s24+$0x180];
	v62 =	vmul.f32 v10, v30;
	v50 =	vmul.f32 v11, v23  }
0x104: {  	v10 =	vmul.f32 v10, v31;
	v43 =	vmul.f32 v11, v27  }
0x105: {  	v16 =	vmul.f32 v46, v22;
	v53 =	vmul.f32 v11, v24  }
0x106: {  	v38 =	vimm.f32 $+Inf;
	v52 =	vmul.f32 v42, v20;
	v63 =	vmul.f32 v42, v29  }
0x107: {  	v40 =	vimm.f32 $+Inf;
	v58 =	vmul.f32 v15, v32;
	v57 =	vmul.f32 v42, v26  }
0x108: {  	s17 =	sor.u32 $0x20, s23;
	v12 =	vadd.f32 v12, v13;
	v35 =	vadd.f32 v9, v61;
	v9 =	vmul.f32 v11, v25  }
0x109: {  	s25 =	sor.u32 s17, s22;
	v49 =	vld [tilespmem:s28+$0x180];
	v56 =	vmul.f32 v36, v25;
	v48 =	vadd.f32 v14, v13;
	v41 =	vadd.f32 v10, v13  }
0x10a: {  	v54 =	vmul.f32 v15, v28;
	v33 =	vadd.f32 v60, v61;
	v44 =	vadd.f32 v9, v63;
	v9 =	vld [tilespmem:s25+$0x0]  }
0x10b: {  	v14 =	vmul.f32 v36, v23;
	v10 =	vmul.f32 v36, v27;
	v34 =	vadd.f32 v59, v61  }
0x10c: {  	s20 =	simm.s32 $0x0;
	v11 =	vmul.f32 v46, v26;
	v55 =	vadd.f32 v62, v13;
	v13 =	vmul.f32 v15, v31  }
0x10d: {  	s23 =	simm.s32 $0x0;
	s22 =	simm.s32 $0x0;
	s18 =	sand.u32 $0xF80, s19;
	v47 =	vld [tilespmem:s25+$0x80];
	v39 =	vadd.f32 v37, v61;
	v37 =	vimm.f32 $+Inf;
	v36 =	vimm.f32 $+Inf  }
.LBB2_9:
0x10e: {  	s22 =	sadd.s32 $0x4, s22;
	v46 =	vmul.f32 v46, v29;
	v15 =	vmul.f32 v15, v30;
	v58 =	vadd.f32 v58, v49;
	s19 =	sadd.s32 $0x100, s19;
	s23 =	sadd.s32 $0x40, s23  }
0x10f: {  	v60 =	vmul.f32 v9, v22;
	v10 =	vadd.f32 v10, v16;
	v16 =	vadd.f32 v53, v57;
	s26 =	sand.u32 $0xF80, s23;
	p0 =	slt.u32 s22, $0xFC;
	v59 =	vld [tilespmem:s25+$0x100]  }
0x110: {  	v53 =	vmul.f32 v9, v26;
	v11 =	vadd.f32 v51, v11;
	v15 =	vadd.f32 v15, v49  }
0x111: {  	v51 =	vmul.f32 v9, v20;
	v10 =	vadd.f32 v12, v10;
	v12 =	vadd.f32 v13, v49  }
0x112: {  	v57 =	vmul.f32 v47, v23;
	v14 =	vadd.f32 v14, v45;
	v45 =	vadd.f32 v50, v52;
	v13 =	vld [tilespmem:s25+$0x180]  }
0x113: {  	v42 =	vmul.f32 v42, v22;
	v9 =	vmul.f32 v9, v29;
	v11 =	vadd.f32 v55, v11  }
0x114: {  	v46 =	vadd.f32 v56, v46;
	v51 =	vadd.f32 v57, v51;
	v50 =	vmul.f32 v59, v32  }
0x115: {  	v14 =	vadd.f32 v48, v14;
	v15 =	vadd.f32 v15, v16;
	v16 =	vmin.f32 v40, v11  }
0x116: {  	v48 =	vadd.f32 v54, v49;
	v40 =	vmul.f32 v47, v27;
	v11 =	vadd.f32 v11, v19  }
0x117: {  	v49 =	vmul.f32 v47, v25;
	v42 =	vadd.f32 v43, v42;
	v43 =	vadd.f32 v15, v19  }
0x118: {  	v47 =	vmul.f32 v47, v24;
	v54 =	vmul.f32 v59, v31;
	v40 =	vadd.f32 v40, v60;
	v52 =	vld [tilespmem:s24+$0x0]  }
0x119: {  	v56 =	vadd.f32 v10, v21;
	v55 =	vmul.f32 v59, v30;
	v50 =	vadd.f32 v50, v13  }
0x11a: {  	v45 =	vadd.f32 v48, v45;
	v59 =	vmul.f32 v59, v28;
	v47 =	vadd.f32 v47, v53;
	v57 =	vld [tilespmem:s24+$0x80]  }
0x11b: {  	v42 =	vadd.f32 v58, v42;
	v10 =	vmin.f32 v37, v10;
	v48 =	vadd.f32 v55, v13  }
0x11c: {  	v37 =	vadd.f32 v41, v46;
	v12 =	vadd.f32 v12, v44;
	v15 =	vmin.f32 v16, v15;
	s24 =	sadd.s32 $0x8400, s18;
	s18 =	smov.u32 s26  }
0x11d: {  	v38 =	vmin.f32 v38, v14;
	v14 =	vadd.f32 v14, v18;
	v16 =	vadd.f32 v59, v13;
	s21 =	sor.u32 s21, s24  }
0x11e: {  	v38 =	vmin.f32 v38, v45;
	v46 =	vadd.f32 v12, v17;
	v44 =	vmul.f32 v52, v29;
	v41 =	vld [tilespmem:s21+$0x0]  }
0x11f: {  	v14 =	vmin.f32 v14, v56;
	v53 =	vmul.f32 v57, v23;
	v55 =	vmul.f32 v57, v27  }
0x120: {  	v9 =	vadd.f32 v49, v9;
	v43 =	vmin.f32 v43, v46;
	v16 =	vadd.f32 v16, v51  }
0x121: {  	v45 =	vadd.f32 v45, v18;
	v40 =	vadd.f32 v50, v40;
	v46 =	vmul.f32 v52, v26  }
0x122: {  	v10 =	vmin.f32 v10, v42;
	v50 =	vadd.f32 v37, v17;
	v49 =	vmul.f32 v52, v22  }
0x123: {  	v36 =	vmin.f32 v36, v37;
	v47 =	vadd.f32 v48, v47;
	v51 =	vmul.f32 v57, v24  }
0x124: {  	v42 =	vadd.f32 v42, v21;
	v37 =	vmul.f32 v52, v20;
	v48 =	vmul.f32 v57, v25  }
0x125: {  	v13 =	vadd.f32 v54, v13;
	v10 =	vmin.f32 v10, v40;
	v49 =	vadd.f32 v55, v49  }
0x126: {  	v38 =	vmin.f32 v38, v16;
	v40 =	vadd.f32 v40, v21;
	v46 =	vadd.f32 v51, v46  }
0x127: {  	v11 =	vmin.f32 v11, v50;
	v51 =	vadd.f32 v53, v37;
	v44 =	vadd.f32 v48, v44  }
0x128: {  	s25 =	sshra.s32 s20, $0x2;
	s20 =	smov.u32 s19;
	v12 =	vmin.f32 v36, v12;
	v48 =	vadd.f32 v47, v19;
	v39 =	vadd.f32 v39, v49  }
0x129: {  	v9 =	vadd.f32 v13, v9;
	v13 =	vmin.f32 v15, v47;
	v15 =	vadd.f32 v16, v18;
	v36 =	vld [tilespmem:s25+$0x8400]  }
0x12a: {  	v37 =	vmin.f32 v10, v39;
	v10 =	vadd.f32 v39, v21  }
0x12b: {  	v15 =	vmin.f32 v15, v40;
	v16 =	vadd.f32 v35, v51;
	v35 =	vadd.f32 v9, v17  }
0x12c: {  	s26 =	sor.u32 s17, s24;
	v11 =	vmin.f32 v14, v11;
	v33 =	vadd.f32 v33, v46;
	v9 =	vmin.f32 v12, v9  }
0x12d: {  	s24 =	sor.u32 s16, s24;
	v14 =	vadd.f32 v34, v44;
	v34 =	vmin.f32 v45, v42;
	v39 =	vadd.f32 v16, v18;
	v12 =	vld [tilespmem:s26+$0x0]  }
0x12e: {  	v34 =	vmin.f32 v34, v43;
	v43 =	vadd.f32 v33, v19;
	v42 =	vld [tilespmem:s24+$0x0];
	v11 =	vmin.f32 v36, v11  }
0x12f: {  	v40 =	vmin.f32 v13, v33;
	v10 =	vmin.f32 v39, v10;
	[tilespmem:s25+$0x8400] =	vst v11;
	v11 =	vadd.f32 v14, v17  }
0x130: {  	v38 =	vmin.f32 v38, v16;
	v36 =	vmin.f32 v9, v14;
	v9 =	vmin.f32 v48, v35  }
0x131: {  	v13 =	vmin.f32 v41, v34;
	v9 =	vmin.f32 v15, v9;
	v11 =	vmin.f32 v43, v11  }
0x132: {  	s16 =	sand.u32 $0x40, s23;
	s17 =	sand.u32 $0x3E00, s19;
	[tilespmem:s21+$0x0] =	vst v13;
	v9 =	vmin.f32 v12, v9;
	v10 =	vmin.f32 v10, v11  }
0x133: {  	s25 =	sadd.s32 $0x200, s17;
	s17 =	sor.u32 $0x20, s16;
	s21 =	sor.u32 $0x10, s16;
	[tilespmem:s26+$0x0] =	vst v9;
	v9 =	vmin.f32 v42, v10  }
0x134: {  	s26 =	sor.u32 s16, s25;
	s28 =	sor.u32 s21, s25;
	s16 =	sor.u32 $0x30, s16;
	[tilespmem:s24+$0x0] =	vst v9  }
0x135: {  	s24 =	sor.u32 s16, s25;
	v13 =	vld [tilespmem:s26+$0x180]  }
0x136: {  	v9 =	vld [tilespmem:s24+$0x100]  }
0x137: {  	v10 =	vld [tilespmem:s26+$0x100]  }
0x138: {  	v46 =	vld [tilespmem:s26+$0x0]  }
0x139: {  	v39 =	vld [tilespmem:s26+$0x80]  }
0x13a: {  	v11 =	vld [tilespmem:s28+$0x80]  }
0x13b: {  	v42 =	vld [tilespmem:s28+$0x0];
	v59 =	vmul.f32 v9, v32;
	v34 =	vmul.f32 v9, v31  }
0x13c: {  	v33 =	vmul.f32 v9, v30;
	v14 =	vmul.f32 v10, v28  }
0x13d: {  	v35 =	vmul.f32 v9, v28;
	v60 =	vld [tilespmem:s24+$0x180];
	v45 =	vmul.f32 v46, v20  }
0x13e: {  	v9 =	vmul.f32 v10, v32;
	v51 =	vmul.f32 v39, v24  }
0x13f: {  	v44 =	vmul.f32 v10, v30;
	v15 =	vld [tilespmem:s28+$0x100];
	v50 =	vmul.f32 v11, v23  }
0x140: {  	v10 =	vmul.f32 v10, v31;
	v12 =	vadd.f32 v9, v13;
	v43 =	vmul.f32 v11, v27  }
0x141: {  	s25 =	sor.u32 s17, s25;
	v16 =	vmul.f32 v46, v22;
	v48 =	vadd.f32 v14, v13;
	v53 =	vmul.f32 v11, v24;
	v49 =	vld [tilespmem:s28+$0x180]  }
0x142: {  	v41 =	vadd.f32 v10, v13;
	v52 =	vmul.f32 v42, v20;
	v47 =	vld [tilespmem:s25+$0x80];
	v33 =	vadd.f32 v33, v60  }
.Ltmp4:
0x143: {  	v14 =	vmul.f32 v39, v23;
	v54 =	vmul.f32 v42, v29;
	v35 =	vadd.f32 v35, v60;
	v9 =	vld [tilespmem:s25+$0x0];
	(pc) =	sbr.rel @p0 .LBB2_9-.Ltmp4, $4  }
0x144: {  	v10 =	vmul.f32 v39, v27;
	v56 =	vmul.f32 v11, v25;
	v34 =	vadd.f32 v34, v60  }
0x145: {  	v55 =	vadd.f32 v44, v13;
	v11 =	vmul.f32 v46, v26;
	v58 =	vmul.f32 v15, v32  }
0x146: {  	v57 =	vmul.f32 v42, v26;
	v44 =	vadd.f32 v56, v54;
	v13 =	vmul.f32 v15, v31  }
0x147: {  	v56 =	vmul.f32 v39, v25;
	v39 =	vadd.f32 v59, v60;
	v54 =	vmul.f32 v15, v28  }
0x148: {  	v46 =	vmul.f32 v46, v29;
	v15 =	vmul.f32 v15, v30  }
0x149: {  	v58 =	vadd.f32 v58, v49;
	v59 =	vmul.f32 v9, v22;
	v10 =	vadd.f32 v10, v16  }
0x14a: {  	v16 =	vadd.f32 v53, v57;
	v53 =	vmul.f32 v9, v26;
	v11 =	vadd.f32 v51, v11  }
0x14b: {  	v63 =	vmul.f32 v9, v20;
	v14 =	vadd.f32 v14, v45;
	v45 =	vadd.f32 v50, v52  }
0x14c: {  	v42 =	vmul.f32 v42, v22;
	v15 =	vadd.f32 v15, v49;
	v10 =	vadd.f32 v12, v10  }
0x14d: {  	v62 =	vmul.f32 v47, v24;
	v12 =	vadd.f32 v13, v49;
	v11 =	vadd.f32 v55, v11  }
0x14e: {  	v13 =	vmul.f32 v47, v23;
	v46 =	vadd.f32 v56, v46;
	v14 =	vadd.f32 v48, v14  }
0x14f: {  	v60 =	vld [tilespmem:s25+$0x100];
	v57 =	vmul.f32 v47, v27;
	v48 =	vadd.f32 v54, v49;
	v42 =	vadd.f32 v43, v42  }
0x150: {  	v49 =	vmul.f32 v47, v25;
	v47 =	vadd.f32 v62, v53;
	v13 =	vadd.f32 v13, v63  }
0x151: {  	v51 =	vld [tilespmem:s24+$0x0];
	v15 =	vadd.f32 v15, v16;
	v16 =	vmin.f32 v40, v11;
	v11 =	vadd.f32 v11, v19  }
0x152: {  	v40 =	vadd.f32 v57, v59;
	v63 =	vadd.f32 v10, v21  }
0x153: {  	v9 =	vmul.f32 v9, v29;
	v45 =	vadd.f32 v48, v45;
	v42 =	vadd.f32 v58, v42  }
0x154: {  	v50 =	vld [tilespmem:s25+$0x180];
	v10 =	vmin.f32 v37, v10;
	v32 =	vmul.f32 v60, v32;
	v31 =	vmul.f32 v60, v31  }
0x155: {  	v59 =	vadd.f32 v41, v46;
	v30 =	vmul.f32 v60, v30;
	v28 =	vmul.f32 v60, v28  }
0x156: {  	v12 =	vadd.f32 v12, v44;
	v29 =	vmul.f32 v51, v29;
	v26 =	vmul.f32 v51, v26  }
0x157: {  	v9 =	vadd.f32 v49, v9;
	v22 =	vmul.f32 v51, v22;
	v20 =	vmul.f32 v51, v20  }
0x158: {  	v57 =	vld [tilespmem:s24+$0x80];
	v61 =	vadd.f32 v15, v19;
	v15 =	vmin.f32 v16, v15;
	v60 =	vadd.f32 v12, v17  }
0x159: {  	v10 =	vmin.f32 v10, v42;
	v62 =	vadd.f32 v59, v17;
	v32 =	vadd.f32 v32, v50  }
0x15a: {  	v36 =	vmin.f32 v36, v59;
	v30 =	vadd.f32 v30, v50;
	v16 =	vadd.f32 v28, v50  }
0x15b: {  	v28 =	vmin.f32 v38, v14;
	v14 =	vadd.f32 v14, v18;
	v31 =	vadd.f32 v31, v50  }
0x15c: {  	v12 =	vmin.f32 v36, v12;
	v28 =	vmin.f32 v28, v45;
	v11 =	vmin.f32 v11, v62  }
0x15d: {  	v23 =	vmul.f32 v57, v23;
	v27 =	vmul.f32 v57, v27;
	v14 =	vmin.f32 v14, v63  }
0x15e: {  	v13 =	vadd.f32 v16, v13;
	v16 =	vmin.f32 v61, v60;
	v32 =	vadd.f32 v32, v40  }
0x15f: {  	v61 =	vadd.f32 v45, v18;
	v24 =	vmul.f32 v57, v24;
	v30 =	vadd.f32 v30, v47  }
0x160: {  	v25 =	vmul.f32 v57, v25;
	v63 =	vadd.f32 v42, v21;
	v9 =	vadd.f32 v31, v9  }
0x161: {  	v11 =	vmin.f32 v14, v11;
	v22 =	vadd.f32 v27, v22;
	v24 =	vadd.f32 v24, v26  }
0x162: {  	v10 =	vmin.f32 v10, v32;
	v27 =	vadd.f32 v32, v21;
	v20 =	vadd.f32 v23, v20  }
0x163: {  	v26 =	vmin.f32 v28, v13;
	v23 =	vadd.f32 v25, v29;
	v25 =	vadd.f32 v30, v19  }
0x164: {  	v13 =	vadd.f32 v13, v18;
	v14 =	vmin.f32 v61, v63;
	v22 =	vadd.f32 v39, v22  }
0x165: {  	v15 =	vmin.f32 v15, v30;
	v14 =	vmin.f32 v14, v16;
	v20 =	vadd.f32 v35, v20  }
0x166: {  	s19 =	sshra.s32 s20, $0x2;
	s18 =	sadd.s32 $0x8400, s18;
	v13 =	vmin.f32 v13, v27;
	v24 =	vadd.f32 v33, v24;
	v21 =	vadd.f32 v22, v21  }
0x167: {  	s22 =	sor.u32 s21, s18;
	v28 =	vld [tilespmem:s19+$0x8400];
	v10 =	vmin.f32 v10, v22;
	v22 =	vadd.f32 v9, v17;
	v18 =	vadd.f32 v20, v18  }
0x168: {  	v9 =	vmin.f32 v12, v9;
	v12 =	vadd.f32 v34, v23;
	v23 =	vld [tilespmem:s22+$0x0];
	v16 =	vadd.f32 v24, v19  }
0x169: {  	v19 =	vmin.f32 v26, v20;
	v18 =	vmin.f32 v18, v21;
	v21 =	vperm.xlane v10, v1  }
0x16a: {  	v15 =	vmin.f32 v15, v24;
	v20 =	vperm.xlane v19, v1;
	v17 =	vadd.f32 v12, v17  }
0x16b: {  	v9 =	vmin.f32 v9, v12;
	v12 =	vmin.f32 v25, v22;
	v10 =	vmin.f32 v10, v21  }
0x16c: {  	v19 =	vmin.f32 v19, v20;
	v22 =	vperm.xlane v9, v1;
	v21 =	vperm.xlane v10, v2  }
0x16d: {  	v11 =	vmin.f32 v28, v11;
	v14 =	vmin.f32 v23, v14;
	v23 =	vperm.xlane v19, v2  }
0x16e: {  	v20 =	vperm.xlane v15, v1;
	v9 =	vmin.f32 v9, v22;
	v10 =	vmin.f32 v10, v21  }
0x16f: {  	v22 =	vperm.xlane v9, v2;
	v19 =	vmin.f32 v19, v23;
	v21 =	vperm.xlane v10, v3  }
0x170: {  	v12 =	vmin.f32 v13, v12;
	v15 =	vmin.f32 v15, v20;
	v13 =	vperm.xlane v19, v3  }
0x171: {  	s17 =	sor.u32 s17, s18;
	v20 =	vperm.xlane v15, v2;
	v9 =	vmin.f32 v9, v22;
	v10 =	vmin.f32 v10, v21  }
0x172: {  	s18 =	sor.u32 s16, s18;
	v23 =	vld [tilespmem:s17+$0x0];
	v22 =	vmin.f32 v19, v13;
	v19 =	vperm.xlane v9, v3;
	[tilespmem:$0x1FF20] =	vst v10;
	v10 =	vperm.xlane v10, v4  }
0x173: {  	v15 =	vmin.f32 v15, v20;
	v20 =	vld [tilespmem:s18+$0x0];
	[tilespmem:s19+$0x8400] =	vst v11  }
0x174: {  	v37 =	vbroadcast v8, $0xB;
	[tilespmem:$0x1FF30] =	vst v10;
	v10 =	vmin.f32 v9, v19  }
0x175: {  	v36 =	vbroadcast v7, $0x8;
	[tilespmem:$0x1FF60] =	vst v10;
	v10 =	vperm.xlane v10, v4  }
0x176: {  	v38 =	vbroadcast v7, $0xA;
	v31 =	vbroadcast v6, $0x8;
	v16 =	vmin.f32 v16, v17;
	s19 =	simm.s32 $0x0;
	[tilespmem:s22+$0x0] =	vst v14  }
0x177: {  	v40 =	vbroadcast v7, $0x9;
	s23 =	sand.u32 $0x40, s19;
	s25 =	sand.u32 $0x3E00, s19;
	v9 =	vmin.f32 v23, v12;
	[tilespmem:$0x1FF70] =	vst v10;
	v10 =	vmin.f32 v18, v16  }
0x178: {  	v30 =	vbroadcast v8, $0x9;
	v32 =	vbroadcast v6, $0xA;
	s22 =	sadd.s32 $0x200, s25;
	s16 =	sor.u32 $0x30, s23;
	[tilespmem:s17+$0x0] =	vst v9;
	v9 =	vmin.f32 v20, v10  }
0x179: {  	v29 =	vbroadcast v5, $0x9;
	v13 =	vperm.xlane v15, v3;
	s24 =	sor.u32 s16, s22;
	[tilespmem:s18+$0x0] =	vst v9  }
0x17a: {  	v35 =	vbroadcast v6, $0x9;
	v33 =	vbroadcast v6, $0xB;
	s26 =	sor.u32 s23, s22;
	v9 =	vld [tilespmem:s24+$0x100]  }
0x17b: {  	v39 =	vbroadcast v7, $0xB;
	v27 =	vbroadcast v5, $0xA;
	v13 =	vmin.f32 v15, v13;
	v10 =	vld [tilespmem:s26+$0x100]  }
0x17c: {  	v34 =	vbroadcast v8, $0xA;
	s21 =	sor.u32 $0x10, s23;
	v11 =	vperm.xlane v13, v4;
	v54 =	vld [tilespmem:s26+$0x0]  }
0x17d: {  	v26 =	vbroadcast v5, $0x8;
	v17 =	vperm.xlane v22, v4;
	s28 =	sor.u32 s21, s22;
	v19 =	vld [tilespmem:s26+$0x80]  }
0x17e: {  	v28 =	vbroadcast v8, $0x8;
	v25 =	vbroadcast v5, $0xB;
	[tilespmem:$0x1FF50] =	vst v11;
	v11 =	vld [tilespmem:s28+$0x80]  }
0x17f: {  	[tilespmem:$0x1FF10] =	vst v17;
	v20 =	vmul.f32 v9, v40;
	v17 =	vmul.f32 v9, v39  }
0x180: {  	[tilespmem:$0x1FF40] =	vst v13;
	v13 =	vld [tilespmem:s26+$0x180];
	v14 =	vmul.f32 v10, v36;
	v18 =	vmul.f32 v9, v38  }
0x181: {  	v50 =	vld [tilespmem:s28+$0x0];
	v53 =	vmul.f32 v54, v28;
	v9 =	vmul.f32 v9, v36  }
0x182: {  	v23 =	vld [tilespmem:s24+$0x180];
	v12 =	vmul.f32 v10, v40;
	v59 =	vmul.f32 v19, v32  }
0x183: {  	v48 =	vimm.f32 $+Inf;
	[tilespmem:$0x1FF00] =	vst v22;
	v15 =	vld [tilespmem:s28+$0x100];
	v22 =	vmul.f32 v10, v38;
	v58 =	vmul.f32 v11, v31  }
0x184: {  	v46 =	vimm.f32 $+Inf;
	v10 =	vmul.f32 v10, v39;
	v51 =	vmul.f32 v11, v35  }
0x185: {  	v44 =	vimm.f32 $+Inf;
	v16 =	vmul.f32 v54, v30;
	v21 =	vmul.f32 v11, v32  }
0x186: {  	v45 =	vimm.f32 $+Inf;
	v60 =	vmul.f32 v50, v28;
	v24 =	vmul.f32 v50, v37  }
0x187: {  	s17 =	sor.u32 $0x20, s23;
	v12 =	vadd.f32 v12, v13;
	v43 =	vadd.f32 v9, v23;
	v9 =	vmul.f32 v11, v33  }
0x188: {  	s25 =	sor.u32 s17, s22;
	v57 =	vld [tilespmem:s28+$0x180];
	v61 =	vmul.f32 v15, v36;
	v56 =	vadd.f32 v14, v13;
	v49 =	vadd.f32 v10, v13  }
0x189: {  	v41 =	vadd.f32 v18, v23;
	v14 =	vmul.f32 v19, v31;
	v52 =	vadd.f32 v9, v24;
	v9 =	vld [tilespmem:s25+$0x0]  }
0x18a: {  	v10 =	vmul.f32 v19, v35;
	v42 =	vadd.f32 v17, v23;
	v11 =	vmul.f32 v54, v34  }
0x18b: {  	s20 =	simm.s32 $0x0;
	v18 =	vmul.f32 v15, v40;
	v62 =	vadd.f32 v22, v13;
	v17 =	vmul.f32 v50, v34  }
0x18c: {  	s23 =	simm.s32 $0x0;
	s22 =	simm.s32 $0x0;
	s18 =	sand.u32 $0xF80, s19;
	v55 =	vld [tilespmem:s25+$0x80];
	v13 =	vmul.f32 v15, v39;
	v22 =	vmul.f32 v19, v33;
	v47 =	vadd.f32 v20, v23  }
.LBB2_11:
0x18d: {  	s22 =	sadd.s32 $0x4, s22;
	v19 =	vmul.f32 v54, v37;
	v15 =	vmul.f32 v15, v38;
	v18 =	vadd.f32 v18, v57;
	s19 =	sadd.s32 $0x100, s19;
	s23 =	sadd.s32 $0x40, s23  }
0x18e: {  	v23 =	vmul.f32 v9, v30;
	v10 =	vadd.f32 v10, v16;
	v16 =	vadd.f32 v21, v17;
	s26 =	sand.u32 $0xF80, s23;
	p0 =	slt.u32 s22, $0xFC;
	v20 =	vld [tilespmem:s25+$0x100]  }
0x18f: {  	v17 =	vmul.f32 v9, v34;
	v11 =	vadd.f32 v59, v11;
	v15 =	vadd.f32 v15, v57  }
0x190: {  	v21 =	vmul.f32 v9, v28;
	v10 =	vadd.f32 v12, v10;
	v12 =	vadd.f32 v13, v57  }
0x191: {  	v24 =	vmul.f32 v55, v31;
	v14 =	vadd.f32 v14, v53;
	v53 =	vadd.f32 v58, v60;
	v13 =	vld [tilespmem:s25+$0x180]  }
0x192: {  	v50 =	vmul.f32 v50, v30;
	v9 =	vmul.f32 v9, v37;
	v11 =	vadd.f32 v62, v11  }
0x193: {  	v19 =	vadd.f32 v22, v19;
	v21 =	vadd.f32 v24, v21;
	v54 =	vmul.f32 v20, v40  }
0x194: {  	v14 =	vadd.f32 v56, v14;
	v15 =	vadd.f32 v15, v16;
	v16 =	vmin.f32 v48, v11  }
0x195: {  	v22 =	vmul.f32 v55, v35;
	v24 =	vadd.f32 v61, v57;
	v11 =	vadd.f32 v11, v27  }
0x196: {  	v50 =	vadd.f32 v51, v50;
	v48 =	vmul.f32 v55, v33;
	v51 =	vadd.f32 v15, v27  }
0x197: {  	v55 =	vmul.f32 v55, v32;
	v22 =	vadd.f32 v22, v23;
	v57 =	vmul.f32 v20, v39;
	v56 =	vld [tilespmem:s24+$0x0]  }
0x198: {  	v58 =	vadd.f32 v10, v29;
	v23 =	vmul.f32 v20, v38;
	v54 =	vadd.f32 v54, v13  }
0x199: {  	v24 =	vadd.f32 v24, v53;
	v20 =	vmul.f32 v20, v36;
	v17 =	vadd.f32 v55, v17;
	v59 =	vld [tilespmem:s24+$0x80]  }
0x19a: {  	v18 =	vadd.f32 v18, v50;
	v10 =	vmin.f32 v45, v10;
	v23 =	vadd.f32 v23, v13  }
0x19b: {  	v19 =	vadd.f32 v49, v19;
	v12 =	vadd.f32 v12, v52;
	v15 =	vmin.f32 v16, v15;
	s24 =	sadd.s32 $0x8400, s18;
	s18 =	smov.u32 s26  }
0x19c: {  	v16 =	vadd.f32 v20, v13;
	v20 =	vmin.f32 v46, v14;
	v14 =	vadd.f32 v14, v26;
	s21 =	sor.u32 s21, s24  }
0x19d: {  	v46 =	vadd.f32 v12, v25;
	v20 =	vmin.f32 v20, v24;
	v45 =	vmul.f32 v56, v37;
	v49 =	vld [tilespmem:s21+$0x0]  }
0x19e: {  	v14 =	vmin.f32 v14, v58;
	v50 =	vmul.f32 v59, v31;
	v52 =	vmul.f32 v59, v35  }
0x19f: {  	v9 =	vadd.f32 v48, v9;
	v16 =	vadd.f32 v16, v21;
	v21 =	vmin.f32 v51, v46  }
0x1a0: {  	v24 =	vadd.f32 v24, v26;
	v22 =	vadd.f32 v54, v22;
	v46 =	vmul.f32 v56, v34  }
0x1a1: {  	v10 =	vmin.f32 v10, v18;
	v51 =	vadd.f32 v19, v25;
	v48 =	vmul.f32 v56, v30  }
0x1a2: {  	v17 =	vadd.f32 v23, v17;
	v19 =	vmin.f32 v44, v19;
	v53 =	vmul.f32 v59, v32  }
0x1a3: {  	v18 =	vadd.f32 v18, v29;
	v23 =	vmul.f32 v56, v28;
	v44 =	vmul.f32 v59, v33  }
0x1a4: {  	v13 =	vadd.f32 v57, v13;
	v10 =	vmin.f32 v10, v22;
	v48 =	vadd.f32 v52, v48  }
0x1a5: {  	v20 =	vmin.f32 v20, v16;
	v22 =	vadd.f32 v22, v29;
	v46 =	vadd.f32 v53, v46  }
0x1a6: {  	v11 =	vmin.f32 v11, v51;
	v23 =	vadd.f32 v50, v23;
	v44 =	vadd.f32 v44, v45  }
0x1a7: {  	s25 =	sshra.s32 s20, $0x2;
	s20 =	smov.u32 s19;
	v12 =	vmin.f32 v19, v12;
	v19 =	vadd.f32 v17, v27;
	v47 =	vadd.f32 v47, v48  }
0x1a8: {  	v9 =	vadd.f32 v13, v9;
	v13 =	vmin.f32 v15, v17;
	v15 =	vadd.f32 v16, v26;
	v48 =	vld [tilespmem:s25+$0x8400]  }
0x1a9: {  	v45 =	vmin.f32 v10, v47;
	v10 =	vadd.f32 v47, v29  }
0x1aa: {  	v17 =	vadd.f32 v9, v25;
	v15 =	vmin.f32 v15, v22;
	v16 =	vadd.f32 v43, v23  }
0x1ab: {  	s26 =	sor.u32 s17, s24;
	v9 =	vmin.f32 v12, v9;
	v11 =	vmin.f32 v14, v11;
	v22 =	vadd.f32 v41, v46  }
0x1ac: {  	v18 =	vmin.f32 v24, v18;
	s24 =	sor.u32 s16, s24;
	v14 =	vadd.f32 v42, v44;
	v23 =	vadd.f32 v16, v26;
	v12 =	vld [tilespmem:s26+$0x0]  }
0x1ad: {  	v18 =	vmin.f32 v18, v21;
	v21 =	vadd.f32 v22, v27;
	v24 =	vld [tilespmem:s24+$0x0];
	v11 =	vmin.f32 v48, v11  }
0x1ae: {  	v10 =	vmin.f32 v23, v10;
	v48 =	vmin.f32 v13, v22;
	[tilespmem:s25+$0x8400] =	vst v11;
	v11 =	vadd.f32 v14, v25  }
0x1af: {  	v46 =	vmin.f32 v20, v16;
	v44 =	vmin.f32 v9, v14;
	v9 =	vmin.f32 v19, v17  }
0x1b0: {  	v9 =	vmin.f32 v15, v9;
	v13 =	vmin.f32 v49, v18;
	v11 =	vmin.f32 v21, v11  }
0x1b1: {  	s16 =	sand.u32 $0x40, s23;
	s17 =	sand.u32 $0x3E00, s19;
	[tilespmem:s21+$0x0] =	vst v13;
	v9 =	vmin.f32 v12, v9;
	v10 =	vmin.f32 v10, v11  }
0x1b2: {  	s25 =	sadd.s32 $0x200, s17;
	s17 =	sor.u32 $0x20, s16;
	s21 =	sor.u32 $0x10, s16;
	[tilespmem:s26+$0x0] =	vst v9;
	v9 =	vmin.f32 v24, v10  }
0x1b3: {  	s26 =	sor.u32 s16, s25;
	s28 =	sor.u32 s21, s25;
	s16 =	sor.u32 $0x30, s16;
	[tilespmem:s24+$0x0] =	vst v9  }
0x1b4: {  	s24 =	sor.u32 s16, s25;
	v13 =	vld [tilespmem:s26+$0x180]  }
0x1b5: {  	v9 =	vld [tilespmem:s24+$0x100]  }
0x1b6: {  	v10 =	vld [tilespmem:s26+$0x100]  }
0x1b7: {  	v54 =	vld [tilespmem:s26+$0x0]  }
0x1b8: {  	v19 =	vld [tilespmem:s26+$0x80]  }
0x1b9: {  	v11 =	vld [tilespmem:s28+$0x80]  }
0x1ba: {  	v50 =	vld [tilespmem:s28+$0x0];
	v20 =	vmul.f32 v9, v40;
	v17 =	vmul.f32 v9, v39  }
0x1bb: {  	v18 =	vmul.f32 v9, v38;
	v14 =	vmul.f32 v10, v36  }
0x1bc: {  	v22 =	vmul.f32 v9, v36;
	v23 =	vld [tilespmem:s24+$0x180];
	v53 =	vmul.f32 v54, v28  }
0x1bd: {  	v9 =	vmul.f32 v10, v40;
	v59 =	vmul.f32 v19, v32  }
0x1be: {  	v24 =	vmul.f32 v10, v38;
	v15 =	vld [tilespmem:s28+$0x100];
	v58 =	vmul.f32 v11, v31  }
0x1bf: {  	v10 =	vmul.f32 v10, v39;
	v12 =	vadd.f32 v9, v13;
	v51 =	vmul.f32 v11, v35  }
0x1c0: {  	s25 =	sor.u32 s17, s25;
	v16 =	vmul.f32 v54, v30;
	v56 =	vadd.f32 v14, v13;
	v21 =	vmul.f32 v11, v32;
	v57 =	vld [tilespmem:s28+$0x180]  }
0x1c1: {  	v49 =	vadd.f32 v10, v13;
	v60 =	vmul.f32 v50, v28;
	v55 =	vld [tilespmem:s25+$0x80];
	v41 =	vadd.f32 v18, v23  }
.Ltmp5:
0x1c2: {  	v14 =	vmul.f32 v19, v31;
	v47 =	vmul.f32 v50, v37;
	v43 =	vadd.f32 v22, v23;
	v9 =	vld [tilespmem:s25+$0x0];
	(pc) =	sbr.rel @p0 .LBB2_11-.Ltmp5, $4  }
0x1c3: {  	v10 =	vmul.f32 v19, v35;
	v22 =	vmul.f32 v11, v33;
	v42 =	vadd.f32 v17, v23  }
0x1c4: {  	v62 =	vadd.f32 v24, v13;
	v11 =	vmul.f32 v54, v34;
	v18 =	vmul.f32 v15, v40  }
0x1c5: {  	v17 =	vmul.f32 v50, v34;
	v13 =	vmul.f32 v15, v39;
	v52 =	vadd.f32 v22, v47  }
0x1c6: {  	v22 =	vmul.f32 v19, v33;
	v61 =	vmul.f32 v15, v36;
	v47 =	vadd.f32 v20, v23  }
0x1c7: {  	v19 =	vmul.f32 v54, v37;
	v15 =	vmul.f32 v15, v38;
	v18 =	vadd.f32 v18, v57  }
0x1c8: {  	v10 =	vadd.f32 v10, v16;
	v16 =	vadd.f32 v21, v17;
	v17 =	vmul.f32 v9, v34  }
0x1c9: {  	v11 =	vadd.f32 v59, v11;
	v21 =	vmul.f32 v9, v28;
	v14 =	vadd.f32 v14, v53  }
0x1ca: {  	v24 =	vadd.f32 v58, v60;
	v50 =	vmul.f32 v50, v30;
	v15 =	vadd.f32 v15, v57  }
0x1cb: {  	v60 =	vmul.f32 v55, v32;
	v10 =	vadd.f32 v12, v10;
	v12 =	vadd.f32 v13, v57  }
0x1cc: {  	v13 =	vmul.f32 v55, v31;
	v11 =	vadd.f32 v62, v11;
	v19 =	vadd.f32 v22, v19  }
0x1cd: {  	v20 =	vmul.f32 v9, v30;
	v23 =	vld [tilespmem:s25+$0x100];
	v14 =	vadd.f32 v56, v14;
	v50 =	vadd.f32 v51, v50  }
0x1ce: {  	v9 =	vmul.f32 v9, v37;
	v63 =	vld [tilespmem:s24+$0x80];
	v17 =	vadd.f32 v60, v17;
	v13 =	vadd.f32 v13, v21  }
0x1cf: {  	v15 =	vadd.f32 v15, v16;
	v16 =	vmin.f32 v48, v11;
	v21 =	vmul.f32 v55, v35  }
0x1d0: {  	v11 =	vadd.f32 v11, v27;
	v48 =	vmul.f32 v55, v33;
	v62 =	vadd.f32 v10, v29  }
0x1d1: {  	v53 =	vld [tilespmem:s25+$0x180];
	v18 =	vadd.f32 v18, v50;
	v10 =	vmin.f32 v45, v10;
	v19 =	vadd.f32 v49, v19  }
0x1d2: {  	v12 =	vadd.f32 v12, v52;
	v22 =	vmul.f32 v23, v40;
	v40 =	vadd.f32 v61, v57  }
0x1d3: {  	v39 =	vmul.f32 v23, v39;
	v31 =	vmul.f32 v63, v31;
	v51 =	vadd.f32 v15, v27  }
0x1d4: {  	v52 =	vmul.f32 v63, v35;
	v20 =	vadd.f32 v21, v20;
	v50 =	vadd.f32 v12, v25  }
0x1d5: {  	v61 =	vld [tilespmem:s24+$0x0];
	v9 =	vadd.f32 v48, v9;
	v10 =	vmin.f32 v10, v18;
	v18 =	vadd.f32 v18, v29  }
0x1d6: {  	v21 =	vadd.f32 v22, v53;
	v22 =	vmul.f32 v23, v38;
	v23 =	vmul.f32 v23, v36  }
0x1d7: {  	v57 =	vmul.f32 v63, v32;
	v24 =	vadd.f32 v40, v24;
	v58 =	vadd.f32 v39, v53  }
0x1d8: {  	v15 =	vmin.f32 v16, v15;
	v22 =	vadd.f32 v22, v53;
	v16 =	vadd.f32 v23, v53  }
0x1d9: {  	v23 =	vmin.f32 v46, v14;
	v14 =	vadd.f32 v14, v26;
	v20 =	vadd.f32 v21, v20  }
0x1da: {  	v21 =	vadd.f32 v24, v26;
	v9 =	vadd.f32 v58, v9;
	v49 =	vmul.f32 v61, v37  }
0x1db: {  	v23 =	vmin.f32 v23, v24;
	v54 =	vmul.f32 v61, v34;
	v24 =	vmul.f32 v61, v30  }
0x1dc: {  	v30 =	vadd.f32 v19, v25;
	v19 =	vmin.f32 v44, v19;
	v14 =	vmin.f32 v14, v62  }
0x1dd: {  	v13 =	vadd.f32 v16, v13;
	v16 =	vmin.f32 v51, v50;
	v17 =	vadd.f32 v22, v17  }
0x1de: {  	v22 =	vmul.f32 v61, v28;
	v28 =	vmul.f32 v63, v33;
	v10 =	vmin.f32 v10, v20  }
0x1df: {  	v20 =	vadd.f32 v20, v29;
	v12 =	vmin.f32 v19, v12;
	v24 =	vadd.f32 v52, v24  }
0x1e0: {  	v32 =	vadd.f32 v57, v54;
	v11 =	vmin.f32 v11, v30;
	v22 =	vadd.f32 v31, v22  }
0x1e1: {  	v23 =	vmin.f32 v23, v13;
	v28 =	vadd.f32 v28, v49;
	v19 =	vadd.f32 v17, v27  }
0x1e2: {  	v13 =	vadd.f32 v13, v26;
	v11 =	vmin.f32 v14, v11;
	v14 =	vmin.f32 v21, v18  }
0x1e3: {  	v15 =	vmin.f32 v15, v17;
	v24 =	vadd.f32 v47, v24;
	v14 =	vmin.f32 v14, v16  }
0x1e4: {  	v22 =	vadd.f32 v43, v22;
	v13 =	vmin.f32 v13, v20;
	v20 =	vadd.f32 v41, v32  }
0x1e5: {  	s18 =	sadd.s32 $0x8400, s18;
	v17 =	vadd.f32 v24, v29;
	v10 =	vmin.f32 v10, v24;
	v24 =	vadd.f32 v9, v25  }
0x1e6: {  	s22 =	sor.u32 s21, s18;
	v9 =	vmin.f32 v12, v9;
	v12 =	vadd.f32 v42, v28;
	v21 =	vadd.f32 v22, v26  }
0x1e7: {  	v18 =	vld [tilespmem:s22+$0x0];
	v16 =	vadd.f32 v20, v27;
	v15 =	vmin.f32 v15, v20;
	v20 =	vmin.f32 v23, v22  }
0x1e8: {  	v22 =	vadd.f32 v12, v25;
	v9 =	vmin.f32 v9, v12;
	v12 =	vmin.f32 v19, v24  }
0x1e9: {  	v19 =	vperm.xlane v10, v1;
	v17 =	vmin.f32 v21, v17;
	v21 =	vperm.xlane v20, v1  }
0x1ea: {  	v23 =	vperm.xlane v9, v1  }
0x1eb: {  	v10 =	vmin.f32 v10, v19;
	v20 =	vmin.f32 v20, v21;
	v21 =	vperm.xlane v15, v1  }
0x1ec: {  	s19 =	sshra.s32 s20, $0x2;
	v14 =	vmin.f32 v18, v14;
	v19 =	vperm.xlane v10, v2;
	v18 =	vperm.xlane v20, v2  }
0x1ed: {  	v30 =	vld [tilespmem:s19+$0x8400];
	v9 =	vmin.f32 v9, v23;
	v15 =	vmin.f32 v15, v21  }
0x1ee: {  	v21 =	vperm.xlane v9, v2;
	v10 =	vmin.f32 v10, v19;
	v18 =	vmin.f32 v20, v18  }
0x1ef: {  	v12 =	vmin.f32 v13, v12;
	v19 =	vperm.xlane v10, v3;
	v13 =	vperm.xlane v18, v3  }
0x1f0: {  	s17 =	sor.u32 s17, s18;
	v20 =	vperm.xlane v15, v2;
	v9 =	vmin.f32 v9, v21  }
0x1f1: {  	s18 =	sor.u32 s16, s18;
	v23 =	vld [tilespmem:s17+$0x0];
	v29 =	vmin.f32 v10, v19;
	v27 =	vmin.f32 v18, v13;
	v18 =	vperm.xlane v9, v3  }
0x1f2: {  	v11 =	vmin.f32 v30, v11;
	v15 =	vmin.f32 v15, v20;
	v20 =	vld [tilespmem:s18+$0x0];
	v10 =	vperm.xlane v29, v4  }
0x1f3: {  	[tilespmem:s19+$0x8400] =	vst v11;
	v25 =	vmin.f32 v9, v18  }
0x1f4: {  	v45 =	vbroadcast v7, $0xF;
	[tilespmem:$0x1FEE0] =	vst v10;
	v10 =	vperm.xlane v25, v4  }
0x1f5: {  	v35 =	vbroadcast v8, $0xC;
	v36 =	vbroadcast v8, $0xD;
	v16 =	vmin.f32 v16, v22;
	s19 =	simm.s32 $0x0;
	[tilespmem:s22+$0x0] =	vst v14  }
0x1f6: {  	v40 =	vbroadcast v8, $0xE;
	s23 =	sand.u32 $0x40, s19;
	s25 =	sand.u32 $0x3E00, s19;
	v9 =	vmin.f32 v23, v12;
	[tilespmem:$0x1FEF0] =	vst v10;
	v10 =	vmin.f32 v17, v16  }
0x1f7: {  	v38 =	vbroadcast v6, $0xE;
	v39 =	vbroadcast v6, $0xF;
	s22 =	sadd.s32 $0x200, s25;
	s16 =	sor.u32 $0x30, s23;
	[tilespmem:s17+$0x0] =	vst v9;
	v9 =	vmin.f32 v20, v10  }
0x1f8: {  	v37 =	vbroadcast v6, $0xD;
	v44 =	vbroadcast v7, $0xD;
	s24 =	sor.u32 s16, s22;
	[tilespmem:s18+$0x0] =	vst v9  }
0x1f9: {  	v34 =	vbroadcast v5, $0xD;
	v33 =	vbroadcast v6, $0xC;
	s26 =	sor.u32 s23, s22;
	v9 =	vld [tilespmem:s24+$0x100]  }
0x1fa: {  	v6 =	vbroadcast v5, $0xF;
	v43 =	vbroadcast v7, $0xE;
	v10 =	vld [tilespmem:s26+$0x100]  }
0x1fb: {  	v41 =	vbroadcast v8, $0xF;
	v13 =	vperm.xlane v15, v3;
	v58 =	vld [tilespmem:s26+$0x0]  }
0x1fc: {  	v8 =	vbroadcast v5, $0xE;
	v42 =	vbroadcast v7, $0xC;
	s21 =	sor.u32 $0x10, s23  }
0x1fd: {  	v7 =	vbroadcast v5, $0xC;
	v31 =	vperm.xlane v27, v4;
	v28 =	vmin.f32 v15, v13;
	s28 =	sor.u32 s21, s22;
	v13 =	vld [tilespmem:s26+$0x80]  }
0x1fe: {  	v32 =	vperm.xlane v28, v4;
	v11 =	vld [tilespmem:s28+$0x80];
	v49 =	vmul.f32 v9, v44  }
0x1ff: {  	v14 =	vld [tilespmem:s26+$0x180];
	v18 =	vmul.f32 v9, v45;
	v17 =	vmul.f32 v10, v42  }
0x200: {  	v55 =	vld [tilespmem:s28+$0x0];
	v19 =	vmul.f32 v9, v43;
	v60 =	vmul.f32 v58, v35  }
0x201: {  	v9 =	vmul.f32 v9, v42;
	v15 =	vmul.f32 v10, v44  }
0x202: {  	v50 =	vld [tilespmem:s24+$0x180];
	v12 =	vmul.f32 v13, v38;
	v20 =	vmul.f32 v10, v43  }
0x203: {  	v63 =	vmul.f32 v11, v33;
	v10 =	vmul.f32 v10, v45  }
0x204: {  	v51 =	vimm.f32 $+Inf;
	v16 =	vld [tilespmem:s28+$0x100];
	v56 =	vmul.f32 v11, v37;
	v23 =	vmul.f32 v58, v36  }
0x205: {  	v24 =	vmul.f32 v11, v38;
	v21 =	vmul.f32 v55, v35;
	v15 =	vadd.f32 v15, v14  }
0x206: {  	v22 =	vmul.f32 v13, v33;
	v62 =	vadd.f32 v17, v14;
	v54 =	vadd.f32 v10, v14  }
0x207: {  	s17 =	sor.u32 $0x20, s23;
	v59 =	vmul.f32 v55, v41;
	v46 =	vadd.f32 v19, v50;
	v48 =	vadd.f32 v9, v50  }
0x208: {  	s25 =	sor.u32 s17, s22;
	v61 =	vld [tilespmem:s28+$0x180];
	v17 =	vmul.f32 v13, v37;
	v9 =	vmul.f32 v11, v39;
	v47 =	vadd.f32 v18, v50  }
0x209: {  	v19 =	vmul.f32 v58, v40;
	v18 =	vmul.f32 v16, v44;
	v10 =	vadd.f32 v20, v14;
	v14 =	vld [tilespmem:s25+$0x0]  }
0x20a: {  	v52 =	vimm.f32 $+Inf;
	v20 =	vmul.f32 v55, v40;
	v11 =	vmul.f32 v16, v45  }
0x20b: {  	s20 =	simm.s32 $0x0;
	v13 =	vmul.f32 v13, v39;
	v53 =	vadd.f32 v49, v50;
	v50 =	vimm.f32 $+Inf  }
0x20c: {  	s23 =	simm.s32 $0x0;
	s22 =	simm.s32 $0x0;
	s18 =	sand.u32 $0xF80, s19;
	v57 =	vld [tilespmem:s25+$0x80];
	v49 =	vimm.f32 $+Inf;
	v59 =	vadd.f32 v9, v59;
	v9 =	vmul.f32 v16, v42  }
.LBB2_13:
0x20d: {  	s22 =	sadd.s32 $0x4, s22;
	v58 =	vmul.f32 v58, v41;
	v16 =	vmul.f32 v16, v43;
	v18 =	vadd.f32 v18, v61;
	s19 =	sadd.s32 $0x100, s19;
	s23 =	sadd.s32 $0x40, s23  }
0x20e: {  	v30 =	vmul.f32 v14, v36;
	v17 =	vadd.f32 v17, v23;
	v20 =	vadd.f32 v24, v20;
	s26 =	sand.u32 $0xF80, s23;
	p0 =	slt.u32 s22, $0xFC;
	v26 =	vld [tilespmem:s25+$0x100]  }
0x20f: {  	v23 =	vmul.f32 v14, v40;
	v12 =	vadd.f32 v12, v19;
	v16 =	vadd.f32 v16, v61  }
0x210: {  	v19 =	vmul.f32 v14, v35;
	v11 =	vadd.f32 v11, v61;
	v15 =	vadd.f32 v15, v17  }
0x211: {  	v24 =	vmul.f32 v57, v33;
	v22 =	vadd.f32 v22, v60;
	v21 =	vadd.f32 v63, v21;
	v17 =	vld [tilespmem:s25+$0x180]  }
0x212: {  	v55 =	vmul.f32 v55, v36;
	v14 =	vmul.f32 v14, v41;
	v10 =	vadd.f32 v10, v12  }
0x213: {  	v13 =	vadd.f32 v13, v58;
	v19 =	vadd.f32 v24, v19;
	v12 =	vmul.f32 v26, v44  }
0x214: {  	v22 =	vadd.f32 v62, v22;
	v16 =	vadd.f32 v16, v20;
	v20 =	vmin.f32 v52, v10  }
0x215: {  	v9 =	vadd.f32 v9, v61;
	v24 =	vmul.f32 v57, v37;
	v10 =	vadd.f32 v10, v8  }
0x216: {  	v55 =	vadd.f32 v56, v55;
	v52 =	vmul.f32 v57, v39;
	v56 =	vadd.f32 v16, v8  }
0x217: {  	v57 =	vmul.f32 v57, v38;
	v24 =	vadd.f32 v24, v30;
	v60 =	vmul.f32 v26, v45;
	v58 =	vld [tilespmem:s24+$0x0]  }
0x218: {  	v61 =	vadd.f32 v15, v34;
	v30 =	vmul.f32 v26, v43;
	v12 =	vadd.f32 v12, v17  }
0x219: {  	v9 =	vadd.f32 v9, v21;
	v26 =	vmul.f32 v26, v42;
	v21 =	vadd.f32 v57, v23;
	v62 =	vld [tilespmem:s24+$0x80]  }
0x21a: {  	v18 =	vadd.f32 v18, v55;
	v15 =	vmin.f32 v50, v15;
	v23 =	vadd.f32 v30, v17  }
0x21b: {  	v11 =	vadd.f32 v11, v59;
	v13 =	vadd.f32 v54, v13;
	v16 =	vmin.f32 v20, v16;
	s24 =	sadd.s32 $0x8400, s18;
	s18 =	smov.u32 s26  }
0x21c: {  	v20 =	vadd.f32 v26, v17;
	v26 =	vmin.f32 v51, v22;
	v22 =	vadd.f32 v22, v7;
	s21 =	sor.u32 s21, s24  }
0x21d: {  	v51 =	vadd.f32 v11, v6;
	v26 =	vmin.f32 v26, v9;
	v50 =	vmul.f32 v58, v41;
	v30 =	vld [tilespmem:s21+$0x0]  }
0x21e: {  	v22 =	vmin.f32 v22, v61;
	v54 =	vmul.f32 v62, v33;
	v55 =	vmul.f32 v62, v37  }
0x21f: {  	v14 =	vadd.f32 v52, v14;
	v19 =	vadd.f32 v20, v19;
	v20 =	vmin.f32 v56, v51  }
0x220: {  	v9 =	vadd.f32 v9, v7;
	v12 =	vadd.f32 v12, v24;
	v51 =	vmul.f32 v58, v40  }
0x221: {  	v15 =	vmin.f32 v15, v18;
	v52 =	vadd.f32 v13, v6;
	v24 =	vmul.f32 v58, v36  }
0x222: {  	v13 =	vmin.f32 v49, v13;
	v21 =	vadd.f32 v23, v21;
	v56 =	vmul.f32 v62, v38  }
0x223: {  	v18 =	vadd.f32 v18, v34;
	v23 =	vmul.f32 v58, v35;
	v49 =	vmul.f32 v62, v39  }
0x224: {  	v17 =	vadd.f32 v60, v17;
	v15 =	vmin.f32 v15, v12;
	v24 =	vadd.f32 v55, v24  }
0x225: {  	v26 =	vmin.f32 v26, v19;
	v12 =	vadd.f32 v12, v34;
	v51 =	vadd.f32 v56, v51  }
0x226: {  	v10 =	vmin.f32 v10, v52;
	v23 =	vadd.f32 v54, v23;
	v49 =	vadd.f32 v49, v50  }
0x227: {  	s25 =	sshra.s32 s20, $0x2;
	s20 =	smov.u32 s19;
	v11 =	vmin.f32 v13, v11;
	v13 =	vadd.f32 v21, v8;
	v24 =	vadd.f32 v53, v24  }
0x228: {  	v14 =	vadd.f32 v17, v14;
	v16 =	vmin.f32 v16, v21;
	v17 =	vadd.f32 v19, v7;
	v52 =	vld [tilespmem:s25+$0x8400]  }
0x229: {  	v50 =	vmin.f32 v15, v24;
	v15 =	vadd.f32 v24, v34  }
0x22a: {  	v21 =	vadd.f32 v14, v6;
	v12 =	vmin.f32 v17, v12;
	v19 =	vadd.f32 v48, v23  }
0x22b: {  	v10 =	vmin.f32 v22, v10;
	s26 =	sor.u32 s17, s24;
	v11 =	vmin.f32 v11, v14;
	v17 =	vadd.f32 v46, v51  }
0x22c: {  	v9 =	vmin.f32 v9, v18;
	s24 =	sor.u32 s16, s24;
	v22 =	vadd.f32 v47, v49;
	v18 =	vadd.f32 v19, v7;
	v14 =	vld [tilespmem:s26+$0x0]  }
0x22d: {  	v9 =	vmin.f32 v9, v20;
	v20 =	vadd.f32 v17, v8;
	v23 =	vld [tilespmem:s24+$0x0];
	v10 =	vmin.f32 v52, v10  }
0x22e: {  	v15 =	vmin.f32 v18, v15;
	v52 =	vmin.f32 v16, v17;
	[tilespmem:s25+$0x8400] =	vst v10;
	v10 =	vadd.f32 v22, v6  }
0x22f: {  	v51 =	vmin.f32 v26, v19;
	v49 =	vmin.f32 v11, v22;
	v11 =	vmin.f32 v13, v21  }
0x230: {  	v9 =	vmin.f32 v30, v9;
	v11 =	vmin.f32 v12, v11;
	v10 =	vmin.f32 v20, v10  }
0x231: {  	s16 =	sand.u32 $0x40, s23;
	s17 =	sand.u32 $0x3E00, s19;
	[tilespmem:s21+$0x0] =	vst v9;
	v9 =	vmin.f32 v14, v11;
	v10 =	vmin.f32 v15, v10  }
0x232: {  	s25 =	sadd.s32 $0x200, s17;
	s17 =	sor.u32 $0x20, s16;
	s21 =	sor.u32 $0x10, s16;
	[tilespmem:s26+$0x0] =	vst v9;
	v9 =	vmin.f32 v23, v10  }
0x233: {  	s26 =	sor.u32 s16, s25;
	s28 =	sor.u32 s21, s25;
	s16 =	sor.u32 $0x30, s16;
	[tilespmem:s24+$0x0] =	vst v9  }
0x234: {  	s24 =	sor.u32 s16, s25;
	v9 =	vld [tilespmem:s26+$0x180]  }
0x235: {  	v10 =	vld [tilespmem:s24+$0x100]  }
0x236: {  	v11 =	vld [tilespmem:s26+$0x100]  }
0x237: {  	v58 =	vld [tilespmem:s26+$0x0]  }
0x238: {  	v13 =	vld [tilespmem:s26+$0x80]  }
0x239: {  	v18 =	vld [tilespmem:s28+$0x80]  }
0x23a: {  	v55 =	vld [tilespmem:s28+$0x0];
	v26 =	vmul.f32 v10, v44;
	v19 =	vmul.f32 v10, v45  }
0x23b: {  	v17 =	vmul.f32 v10, v43;
	v14 =	vmul.f32 v11, v42  }
0x23c: {  	v10 =	vmul.f32 v10, v42;
	v30 =	vld [tilespmem:s24+$0x180];
	v60 =	vmul.f32 v58, v35  }
0x23d: {  	v15 =	vmul.f32 v11, v44;
	v12 =	vmul.f32 v13, v38  }
0x23e: {  	v20 =	vmul.f32 v11, v43;
	v16 =	vld [tilespmem:s28+$0x100];
	v63 =	vmul.f32 v18, v33  }
0x23f: {  	v11 =	vmul.f32 v11, v45;
	v15 =	vadd.f32 v15, v9;
	v56 =	vmul.f32 v18, v37  }
0x240: {  	s25 =	sor.u32 s17, s25;
	v23 =	vmul.f32 v58, v36;
	v62 =	vadd.f32 v14, v9;
	v24 =	vmul.f32 v18, v38;
	v61 =	vld [tilespmem:s28+$0x180]  }
0x241: {  	v54 =	vadd.f32 v11, v9;
	v21 =	vmul.f32 v55, v35;
	v57 =	vld [tilespmem:s25+$0x80];
	v46 =	vadd.f32 v17, v30  }
.Ltmp6:
0x242: {  	v22 =	vmul.f32 v13, v33;
	v53 =	vmul.f32 v55, v41;
	v48 =	vadd.f32 v10, v30;
	v14 =	vld [tilespmem:s25+$0x0];
	(pc) =	sbr.rel @p0 .LBB2_13-.Ltmp6, $4  }
0x243: {  	v59 =	vmul.f32 v18, v39;
	v17 =	vmul.f32 v13, v37;
	v47 =	vadd.f32 v19, v30  }
0x244: {  	v19 =	vmul.f32 v58, v40;
	v10 =	vadd.f32 v20, v9;
	v18 =	vmul.f32 v16, v44  }
0x245: {  	v20 =	vmul.f32 v55, v40;
	v59 =	vadd.f32 v59, v53;
	v11 =	vmul.f32 v16, v45  }
0x246: {  	v13 =	vmul.f32 v13, v39;
	v53 =	vadd.f32 v26, v30;
	v9 =	vmul.f32 v16, v42  }
0x247: {  	v17 =	vadd.f32 v17, v23  }
0x248: {  	v20 =	vadd.f32 v24, v20;
	v12 =	vadd.f32 v12, v19  }
0x249: {  	v30 =	vadd.f32 v22, v60;
	v60 =	vmul.f32 v58, v41;
	v16 =	vmul.f32 v16, v43  }
0x24a: {  	v19 =	vadd.f32 v63, v21;
	v24 =	vmul.f32 v14, v35;
	v26 =	vmul.f32 v57, v33  }
0x24b: {  	v18 =	vadd.f32 v18, v61;
	v11 =	vadd.f32 v11, v61;
	v58 =	vmul.f32 v57, v37  }
0x24c: {  	vm0 =	vmmov $0x1;
	vm14 =	vmmov $0x3;
	vm15 =	vmmov $0x7  }
0x24d: {  	vm4 =	vmmov $0xf;
	vm5 =	vmmov $0x1f;
	vm6 =	vmmov $0x3f  }
0x24e: {  	vm7 =	vmmov $0x7f;
	vm8 =	vmmov $0xff;
	v9 =	vadd.f32 v9, v61  }
0x24f: {  	vm9 =	vmmov $0x1ff;
	v15 =	vadd.f32 v15, v17;
	v10 =	vadd.f32 v10, v12  }
0x250: {  	vm10 =	vmmov $0x3ff;
	v13 =	vadd.f32 v13, v60;
	v16 =	vadd.f32 v16, v61  }
0x251: {  	vm11 =	vmmov $0x7ff;
	v21 =	vadd.f32 v26, v24;
	v17 =	vadd.f32 v62, v30  }
0x252: {  	v63 =	vld [tilespmem:s25+$0x100];
	v30 =	vmul.f32 v55, v36;
	v55 =	vmul.f32 v14, v36;
	v11 =	vadd.f32 v11, v59  }
0x253: {  	v61 =	vmul.f32 v14, v40;
	v9 =	vadd.f32 v9, v19;
	v16 =	vadd.f32 v16, v20  }
0x254: {  	v20 =	vadd.f32 v56, v30;
	v22 =	vadd.f32 v58, v55;
	v30 =	vmul.f32 v57, v38  }
0x255: {  	v13 =	vadd.f32 v54, v13;
	v54 =	vmin.f32 v52, v10;
	v56 =	vmin.f32 v50, v15  }
0x256: {  	v15 =	vadd.f32 v15, v34;
	v57 =	vmul.f32 v57, v39;
	v59 =	vadd.f32 v17, v7  }
0x257: {  	v26 =	vld [tilespmem:s25+$0x180];
	v17 =	vmin.f32 v51, v17;
	v60 =	vmul.f32 v63, v44;
	v19 =	vmul.f32 v63, v45  }
0x258: {  	v10 =	vadd.f32 v10, v8;
	v62 =	vmul.f32 v63, v43;
	v12 =	vmul.f32 v63, v42  }
0x259: {  	v63 =	vmul.f32 v14, v41;
	v23 =	vadd.f32 v30, v61;
	v18 =	vadd.f32 v18, v20  }
0x25a: {  	v20 =	vmin.f32 v54, v16;
	v16 =	vadd.f32 v16, v8;
	v44 =	vadd.f32 v13, v6  }
0x25b: {  	v55 =	vld [tilespmem:s24+$0x0];
	v13 =	vmin.f32 v49, v13;
	v49 =	vmin.f32 v17, v9;
	v9 =	vadd.f32 v9, v7  }
0x25c: {  	vm12 =	vmmov $0xfff;
	v12 =	vadd.f32 v12, v26;
	v24 =	vadd.f32 v60, v26  }
0x25d: {  	vm13 =	vmmov $0x1fff;
	v58 =	vld [tilespmem:s24+$0x80];
	v60 =	vadd.f32 v11, v6;
	v14 =	vadd.f32 v57, v63  }
0x25e: {  	v15 =	vmin.f32 v59, v15;
	v43 =	vadd.f32 v62, v26;
	v19 =	vadd.f32 v19, v26  }
0x25f: {  	v11 =	vmin.f32 v13, v11;
	v10 =	vmin.f32 v10, v44;
	v50 =	vmin.f32 v56, v18  }
0x260: {  	s19 =	sshra.s32 s20, $0x2;
	s28 =	sadd.s32 $0x8400, s18;
	v18 =	vadd.f32 v18, v34;
	v12 =	vadd.f32 v12, v21;
	v61 =	vmul.f32 v55, v41  }
0x261: {  	s18 =	sor.u32 s21, s28;
	v51 =	vld [tilespmem:s19+$0x8400];
	v16 =	vmin.f32 v16, v60;
	v62 =	vmul.f32 v55, v40;
	v63 =	vmul.f32 v55, v36  }
0x262: {  	v22 =	vadd.f32 v24, v22;
	v30 =	vmul.f32 v55, v35;
	v37 =	vmul.f32 v58, v37;
	v55 =	vld [tilespmem:s18+$0x0]  }
0x263: {  	v23 =	vadd.f32 v43, v23;
	v41 =	vmul.f32 v58, v33;
	v43 =	vmul.f32 v58, v38;
	v60 =	vld [tilespmem:$0x1FF80]  }
0x264: {  	v21 =	vmul.f32 v58, v39;
	v14 =	vadd.f32 v19, v14;
	v10 =	vmin.f32 v15, v10;
	v33 =	vld [tilespmem:$0x1FF20]  }
0x265: {  	v36 =	vld [tilespmem:$0x1FF50];
	v40 =	vmin.f32 v27, v31;
	v9 =	vmin.f32 v9, v18;
	v26 =	vadd.f32 v37, v63  }
0x266: {  	v38 =	vld [tilespmem:$0x1FF70];
	v10 =	vmin.f32 v51, v10;
	v35 =	vadd.f32 v43, v62;
	v30 =	vadd.f32 v41, v30  }
0x267: {  	v21 =	vadd.f32 v21, v61;
	v17 =	vmin.f32 v50, v22;
	v13 =	vmin.f32 v49, v12;
	v61 =	vld [tilespmem:$0x1FF90]  }
0x268: {  	v22 =	vadd.f32 v22, v34;
	v12 =	vadd.f32 v12, v7;
	v56 =	vmin.f32 v20, v23;
	v62 =	vld [tilespmem:$0x1FFA0]  }
0x269: {  	v57 =	vadd.f32 v23, v8;
	v11 =	vmin.f32 v11, v14;
	v14 =	vadd.f32 v14, v6;
	v63 =	vld [tilespmem:$0x1FFB0]  }
0x26a: {  	v9 =	vmin.f32 v9, v16;
	v23 =	vld [tilespmem:$0x1FFE0];
	v45 =	vadd.f32 v53, v26;
	v52 =	vadd.f32 v48, v30  }
0x26b: {  	v12 =	vmin.f32 v12, v22;
	v53 =	vadd.f32 v46, v35;
	v54 =	vadd.f32 v47, v21;
	v21 =	vld [tilespmem:$0x1FFC0]  }
0x26c: {  	v14 =	vmin.f32 v57, v14;
	v22 =	vld [tilespmem:$0x1FFD0];
	v24 =	vadd.f32 v45, v34;
	v7 =	vadd.f32 v52, v7  }
0x26d: {  	v43 =	vmin.f32 v28, v32;
	v26 =	vld [tilespmem:$0x1FF00];
	v9 =	vmin.f32 v55, v9;
	v12 =	vmin.f32 v12, v14  }
0x26e: {  	v17 =	vmin.f32 v17, v45;
	v58 =	vadd.f32 v53, v8;
	v7 =	vmin.f32 v7, v24;
	v24 =	vld [tilespmem:$0x1FFF0]  }
0x26f: {  	v30 =	vld [tilespmem:$0x1FF10];
	v59 =	vmin.f32 v56, v53;
	v13 =	vmin.f32 v13, v52;
	v6 =	vadd.f32 v54, v6  }
0x270: {  	v11 =	vmin.f32 v11, v54;
	v34 =	vld [tilespmem:$0x1FF30];
	v15 =	vmin.f32 v60, v61;
	v41 =	vperm.xlane v13, v1  }
0x271: {  	v35 =	vld [tilespmem:$0x1FF40];
	v18 =	vmin.f32 v62, v63;
	v44 =	vperm.xlane v17, v1;
	v46 =	vperm.xlane v59, v1  }
0x272: {  	v37 =	vld [tilespmem:$0x1FF60];
	v48 =	vperm.xlane v11, v1;
	v15 =	vsel vm0, v15, v18;
	v18 =	vmin.f32 v21, v22  }
0x273: {  	v13 =	vmin.f32 v13, v41;
	v15 =	vsel vm14, v15, v18;
	v18 =	vmin.f32 v23, v24  }
0x274: {  	v42 =	vld [tilespmem:$0x1FEE0];
	v47 =	vmin.f32 v17, v44;
	v15 =	vsel vm15, v15, v18;
	v18 =	vmin.f32 v26, v30  }
0x275: {  	v16 =	vmin.f32 v59, v46;
	v15 =	vsel vm4, v15, v18;
	v18 =	vmin.f32 v33, v34  }
0x276: {  	v11 =	vmin.f32 v11, v48;
	v15 =	vsel vm5, v15, v18;
	v18 =	vmin.f32 v35, v36  }
0x277: {  	v51 =	vperm.xlane v16, v2;
	v15 =	vsel vm6, v15, v18;
	v18 =	vmin.f32 v37, v38  }
0x278: {  	v45 =	vld [tilespmem:$0x1FEF0];
	v52 =	vperm.xlane v11, v2;
	v39 =	vsel vm7, v15, v18;
	v15 =	vperm.xlane v13, v2  }
0x279: {  	v14 =	vmin.f32 v29, v42;
	v6 =	vmin.f32 v58, v6;
	v50 =	vperm.xlane v47, v2  }
0x27a: {  	v16 =	vmin.f32 v16, v51;
	v11 =	vmin.f32 v11, v52;
	v13 =	vmin.f32 v13, v15  }
0x27b: {  	v55 =	vperm.xlane v16, v3;
	v15 =	vmin.f32 v47, v50;
	v49 =	vperm.xlane v13, v3  }
0x27c: {  	v56 =	vperm.xlane v11, v3;
	v8 =	vsel vm8, v39, v40;
	v54 =	vperm.xlane v15, v3  }
0x27d: {  	v8 =	vsel vm9, v8, v14;
	v14 =	vmin.f32 v25, v45;
	v13 =	vmin.f32 v13, v49  }
0x27e: {  	s17 =	sor.u32 s17, s28;
	v8 =	vsel vm10, v8, v43;
	v15 =	vmin.f32 v15, v54;
	v53 =	vperm.xlane v13, v4  }
0x27f: {  	s16 =	sor.u32 s16, s28;
	v57 =	vld [tilespmem:s17+$0x0];
	v8 =	vsel vm11, v8, v14;
	v14 =	vmin.f32 v16, v55;
	v58 =	vperm.xlane v15, v4  }
0x280: {  	v59 =	vld [tilespmem:s16+$0x0];
	v11 =	vmin.f32 v11, v56;
	v60 =	vperm.xlane v14, v4;
	v13 =	vmin.f32 v13, v53  }
0x281: {  	s14 =	sadd.s32 $0x1, s14;
	v61 =	vperm.xlane v11, v4;
	v15 =	vmin.f32 v15, v58;
	v8 =	vsel vm12, v8, v13  }
0x282: {  	p0 =	sne.s32 s14, $0x8;
	vm14 =	vmmov $0x3fff;
	v14 =	vmin.f32 v14, v60;
	v8 =	vsel vm13, v8, v15  }
.Ltmp7:
0x283: {  	[tilespmem:s19+$0x8400] =	vst v10;
	vm15 =	vmmov $0x7fff;
	v62 =	vmin.f32 v11, v61;
	v8 =	vsel vm14, v8, v14;
	(pc) =	sbr.rel @p0 .LBB2_6-.Ltmp7, $4  }
0x284: {  	v63 =	vmin.f32 v57, v12;
	v6 =	vmin.f32 v7, v6;
	[tilespmem:s18+$0x0] =	vst v9;
	v7 =	vsel vm15, v8, v62  }
0x285: {  	[tilespmem:s17+$0x0] =	vst v63;
	v6 =	vmin.f32 v59, v6;
	v5 =	vadd.f32 v7, v5  }
0x286: {  	[tilespmem:s16+$0x0] =	vst v6  }
0x287: {  	[tilespmem:s15+$0x9400] =	vst v5  }
0x288: {  	s15 =	simm.s32 $0x0;
	s14 =	rddreg [dreg:$0x5];
	s16 =	simm.s32 $0x9400  }
0x289: {  	[hbm4b:s14+s15] =	stream.linear.scatter [tilespmem:s16], [sflag:$0x1], $0x80, $0x38;
	[tilespmem:$0xB480] =	vst v63  }
0x28a: {  	_ =	swait.ge [sflag:s12], $0x80  }
0x28b: {  	s19 =	simm.s32 $0x80;
	s17 =	simm.s32 $0x400;
	[sflag:s12] =	ssyncset.done $0x0  }
0x28c: {  	s14 =	simm.s32 $0x8400;
	s20 =	rddreg [dreg:$0x6];
	[sflag:s12] =	ssyncadd.s32 $0xFFFFFF80  }
0x28d: {  	[spmem:s20] =	stream.strided.scatter [tilespmem:s14], [sflag:$0x1], $0x1000, s17, s19, $0x38;
	[tilespmem:$0xB480] =	vst v63  }
0x28e: {  	_ =	swait.ge [sflag:s12], $0x1000  }
0x28f: {  	[sflag:s12] =	ssyncset.done $0x0  }
0x290: {  	[sflag:s12] =	ssyncadd.s32 $0xFFFFF000  }
0x291: {  	s21 =	simm.s32 $0x9480;
	[bflag:$0x0] =	sbarrier.arrive $0xFFFF  }
0x292: {  	[tilespmem:s21], [sflag:$0x1] =	stream.linear.gather [spmem:s7], $0x80, $0x38;
	[tilespmem:$0xB480] =	vst v63  }
0x293: {  	s23 =	simm.s32 $0x9880;
	s22 =	rddreg [dreg:$0x18]  }
0x294: {  	[tilespmem:s23], [sflag:$0x1] =	stream.linear.gather [spmem:s22], $0x80, $0x38;
	[tilespmem:$0xB480] =	vst v63  }
0x295: {  	_ =	swait.ge [sflag:s12], $0x100  }
0x296: {  	[sflag:s12] =	ssyncset.done $0x0  }
0x297: {  	s25 =	simm.s32 $0x9500;
	s24 =	rddreg [dreg:$0x7];
	[sflag:s12] =	ssyncadd.s32 $0xFFFFFF00  }
0x298: {  	[tilespmem:s25], [sflag:$0x1] =	stream.linear.gather [spmem:s24], $0x80, $0x38;
	[tilespmem:$0xB480] =	vst v63  }
0x299: {  	s28 =	simm.s32 $0x9900;
	s26 =	rddreg [dreg:$0x19]  }
0x29a: {  	[tilespmem:s28], [sflag:$0x1] =	stream.linear.gather [spmem:s26], $0x80, $0x38;
	[tilespmem:$0xB480] =	vst v63  }
0x29b: {  	_ =	swait.ge [sflag:s12], $0x100  }
0x29c: {  	[sflag:s12] =	ssyncset.done $0x0  }
0x29d: {  	s20 =	simm.s32 $0x9580;
	s18 =	rddreg [dreg:$0x8];
	[sflag:s12] =	ssyncadd.s32 $0xFFFFFF00  }
0x29e: {  	[tilespmem:s20], [sflag:$0x1] =	stream.linear.gather [spmem:s18], $0x80, $0x38;
	[tilespmem:$0xB480] =	vst v63  }
0x29f: {  	s22 =	simm.s32 $0x9980;
	s21 =	rddreg [dreg:$0x1a]  }
0x2a0: {  	[tilespmem:s22], [sflag:$0x1] =	stream.linear.gather [spmem:s21], $0x80, $0x38;
	[tilespmem:$0xB480] =	vst v63  }
0x2a1: {  	_ =	swait.ge [sflag:s12], $0x100  }
0x2a2: {  	[sflag:s12] =	ssyncset.done $0x0  }
0x2a3: {  	s24 =	simm.s32 $0x9600;
	s23 =	rddreg [dreg:$0x9];
	[sflag:s12] =	ssyncadd.s32 $0xFFFFFF00  }
0x2a4: {  	[tilespmem:s24], [sflag:$0x1] =	stream.linear.gather [spmem:s23], $0x80, $0x38;
	[tilespmem:$0xB480] =	vst v63  }
0x2a5: {  	s25 =	simm.s32 $0x9A00  }
0x2a6: {  	[tilespmem:s25], [sflag:$0x1] =	stream.linear.gather [spmem:s29], $0x80, $0x38;
	[tilespmem:$0xB480] =	vst v63  }
0x2a7: {  	_ =	swait.ge [sflag:s12], $0x100  }
0x2a8: {  	[sflag:s12] =	ssyncset.done $0x0  }
0x2a9: {  	s28 =	simm.s32 $0x9680;
	s26 =	rddreg [dreg:$0xa];
	[sflag:s12] =	ssyncadd.s32 $0xFFFFFF00  }
0x2aa: {  	[tilespmem:s28], [sflag:$0x1] =	stream.linear.gather [spmem:s26], $0x80, $0x38;
	[tilespmem:$0xB480] =	vst v63  }
0x2ab: {  	s18 =	simm.s32 $0x9A80  }
0x2ac: {  	[tilespmem:s18], [sflag:$0x1] =	stream.linear.gather [spmem:s30], $0x80, $0x38;
	[tilespmem:$0xB480] =	vst v63  }
0x2ad: {  	_ =	swait.ge [sflag:s12], $0x100  }
0x2ae: {  	[sflag:s12] =	ssyncset.done $0x0  }
0x2af: {  	s21 =	simm.s32 $0x9700;
	s20 =	rddreg [dreg:$0xb];
	[sflag:s12] =	ssyncadd.s32 $0xFFFFFF00  }
0x2b0: {  	[tilespmem:s21], [sflag:$0x1] =	stream.linear.gather [spmem:s20], $0x80, $0x38;
	[tilespmem:$0xB480] =	vst v63  }
0x2b1: {  	s22 =	simm.s32 $0x9B00  }
0x2b2: {  	[tilespmem:s22], [sflag:$0x1] =	stream.linear.gather [spmem:s31], $0x80, $0x38;
	[tilespmem:$0xB480] =	vst v63  }
0x2b3: {  	_ =	swait.ge [sflag:s12], $0x100  }
0x2b4: {  	[sflag:s12] =	ssyncset.done $0x0  }
0x2b5: {  	s24 =	simm.s32 $0x9780;
	s23 =	rddreg [dreg:$0xc];
	[sflag:s12] =	ssyncadd.s32 $0xFFFFFF00  }
0x2b6: {  	[tilespmem:s24], [sflag:$0x1] =	stream.linear.gather [spmem:s23], $0x80, $0x38;
	[tilespmem:$0xB480] =	vst v63  }
0x2b7: {  	s25 =	simm.s32 $0x9B80  }
0x2b8: {  	[tilespmem:s25], [sflag:$0x1] =	stream.linear.gather [spmem:s0], $0x80, $0x38;
	[tilespmem:$0xB480] =	vst v63  }
0x2b9: {  	_ =	swait.ge [sflag:s12], $0x100  }
0x2ba: {  	[sflag:s12] =	ssyncset.done $0x0  }
0x2bb: {  	s28 =	simm.s32 $0x9800;
	s26 =	rddreg [dreg:$0xd];
	[sflag:s12] =	ssyncadd.s32 $0xFFFFFF00  }
0x2bc: {  	[tilespmem:s28], [sflag:$0x1] =	stream.linear.gather [spmem:s26], $0x80, $0x38;
	[tilespmem:$0xB480] =	vst v63  }
0x2bd: {  	s18 =	simm.s32 $0x9C00  }
0x2be: {  	[tilespmem:s18], [sflag:$0x1] =	stream.linear.gather [spmem:s2], $0x80, $0x38;
	[tilespmem:$0xB480] =	vst v63  }
0x2bf: {  	_ =	swait.ge [sflag:s12], $0x100  }
0x2c0: {  	[sflag:s12] =	ssyncset.done $0x0  }
0x2c1: {  	s21 =	simm.s32 $0x9C80;
	s20 =	rddreg [dreg:$0xe];
	[sflag:s12] =	ssyncadd.s32 $0xFFFFFF00  }
0x2c2: {  	[tilespmem:s21], [sflag:$0x1] =	stream.linear.gather [spmem:s20], $0x80, $0x38;
	[tilespmem:$0xB480] =	vst v63  }
0x2c3: {  	s22 =	simm.s32 $0xA080  }
0x2c4: {  	[tilespmem:s22], [sflag:$0x1] =	stream.linear.gather [spmem:s1], $0x80, $0x38;
	[tilespmem:$0xB480] =	vst v63  }
0x2c5: {  	_ =	swait.ge [sflag:s12], $0x100  }
0x2c6: {  	[sflag:s12] =	ssyncset.done $0x0  }
0x2c7: {  	s24 =	simm.s32 $0x9D00;
	s23 =	rddreg [dreg:$0xf];
	[sflag:s12] =	ssyncadd.s32 $0xFFFFFF00  }
0x2c8: {  	[tilespmem:s24], [sflag:$0x1] =	stream.linear.gather [spmem:s23], $0x80, $0x38;
	[tilespmem:$0xB480] =	vst v63  }
0x2c9: {  	s25 =	simm.s32 $0xA100  }
0x2ca: {  	[tilespmem:s25], [sflag:$0x1] =	stream.linear.gather [spmem:s3], $0x80, $0x38;
	[tilespmem:$0xB480] =	vst v63  }
0x2cb: {  	_ =	swait.ge [sflag:s12], $0x100  }
0x2cc: {  	[sflag:s12] =	ssyncset.done $0x0  }
0x2cd: {  	s28 =	simm.s32 $0x9D80;
	s26 =	rddreg [dreg:$0x10];
	[sflag:s12] =	ssyncadd.s32 $0xFFFFFF00  }
0x2ce: {  	[tilespmem:s28], [sflag:$0x1] =	stream.linear.gather [spmem:s26], $0x80, $0x38;
	[tilespmem:$0xB480] =	vst v63  }
0x2cf: {  	s18 =	simm.s32 $0xA180  }
0x2d0: {  	[tilespmem:s18], [sflag:$0x1] =	stream.linear.gather [spmem:s5], $0x80, $0x38;
	[tilespmem:$0xB480] =	vst v63  }
0x2d1: {  	_ =	swait.ge [sflag:s12], $0x100  }
0x2d2: {  	[sflag:s12] =	ssyncset.done $0x0  }
0x2d3: {  	s21 =	simm.s32 $0x9E00;
	s20 =	rddreg [dreg:$0x11];
	[sflag:s12] =	ssyncadd.s32 $0xFFFFFF00  }
0x2d4: {  	[tilespmem:s21], [sflag:$0x1] =	stream.linear.gather [spmem:s20], $0x80, $0x38;
	[tilespmem:$0xB480] =	vst v63  }
0x2d5: {  	s22 =	simm.s32 $0xA200  }
0x2d6: {  	[tilespmem:s22], [sflag:$0x1] =	stream.linear.gather [spmem:s6], $0x80, $0x38;
	[tilespmem:$0xB480] =	vst v63  }
0x2d7: {  	_ =	swait.ge [sflag:s12], $0x100  }
0x2d8: {  	[sflag:s12] =	ssyncset.done $0x0  }
0x2d9: {  	s24 =	simm.s32 $0x9E80;
	s23 =	rddreg [dreg:$0x12];
	[sflag:s12] =	ssyncadd.s32 $0xFFFFFF00  }
0x2da: {  	[tilespmem:s24], [sflag:$0x1] =	stream.linear.gather [spmem:s23], $0x80, $0x38;
	[tilespmem:$0xB480] =	vst v63  }
0x2db: {  	s25 =	simm.s32 $0xA280  }
0x2dc: {  	[tilespmem:s25], [sflag:$0x1] =	stream.linear.gather [spmem:s8], $0x80, $0x38;
	[tilespmem:$0xB480] =	vst v63  }
0x2dd: {  	_ =	swait.ge [sflag:s12], $0x100  }
0x2de: {  	[sflag:s12] =	ssyncset.done $0x0  }
0x2df: {  	s28 =	simm.s32 $0x9F00;
	s26 =	rddreg [dreg:$0x13];
	[sflag:s12] =	ssyncadd.s32 $0xFFFFFF00  }
0x2e0: {  	[tilespmem:s28], [sflag:$0x1] =	stream.linear.gather [spmem:s26], $0x80, $0x38;
	[tilespmem:$0xB480] =	vst v63  }
0x2e1: {  	s17 =	simm.s32 $0xA300  }
0x2e2: {  	[tilespmem:s17], [sflag:$0x1] =	stream.linear.gather [spmem:s9], $0x80, $0x38;
	[tilespmem:$0xB480] =	vst v63  }
0x2e3: {  	_ =	swait.ge [sflag:s12], $0x100  }
0x2e4: {  	[sflag:s12] =	ssyncset.done $0x0  }
0x2e5: {  	s20 =	simm.s32 $0x9F80;
	s18 =	rddreg [dreg:$0x14];
	[sflag:s12] =	ssyncadd.s32 $0xFFFFFF00  }
0x2e6: {  	[tilespmem:s20], [sflag:$0x1] =	stream.linear.gather [spmem:s18], $0x80, $0x38;
	[tilespmem:$0xB480] =	vst v63  }
0x2e7: {  	s21 =	simm.s32 $0xA380  }
0x2e8: {  	[tilespmem:s21], [sflag:$0x1] =	stream.linear.gather [spmem:s10], $0x80, $0x38;
	[tilespmem:$0xB480] =	vst v63  }
0x2e9: {  	_ =	swait.ge [sflag:s12], $0x100  }
0x2ea: {  	[sflag:s12] =	ssyncset.done $0x0  }
0x2eb: {  	s23 =	simm.s32 $0xA000;
	s22 =	rddreg [dreg:$0x15];
	[sflag:s12] =	ssyncadd.s32 $0xFFFFFF00  }
0x2ec: {  	[tilespmem:s23], [sflag:$0x1] =	stream.linear.gather [spmem:s22], $0x80, $0x38;
	[tilespmem:$0xB480] =	vst v63  }
0x2ed: {  	s24 =	simm.s32 $0xA400  }
0x2ee: {  	[tilespmem:s24], [sflag:$0x1] =	stream.linear.gather [spmem:s11], $0x80, $0x38;
	[tilespmem:$0xB480] =	vst v63  }
0x2ef: {  	_ =	swait.ge [sflag:s12], $0x100  }
0x2f0: {  	s25 =	sand.u32 $0x70, s15;
	s15 =	sand.u32 $0x400, s15;
	[sflag:s12] =	ssyncset.done $0x0  }
0x2f1: {  	s15 =	sor.u32 s25, s15;
	[sflag:s12] =	ssyncadd.s32 $0xFFFFFF00  }
0x2f2: {  	v5 =	vld [tilespmem:s15+$0x9500]  }
0x2f3: {  	v6 =	vld [tilespmem:s15+$0x9480]  }
0x2f4: {  	v7 =	vld [tilespmem:s15+$0x9580]  }
0x2f5: {  	v8 =	vld [tilespmem:s15+$0x9600]  }
0x2f6: {  	v9 =	vld [tilespmem:s15+$0x9680]  }
0x2f7: {  	v10 =	vld [tilespmem:s15+$0x9700]  }
0x2f8: {  	v5 =	vmin.f32 v6, v5;
	v6 =	vld [tilespmem:s15+$0x9780]  }
0x2f9: {  	v5 =	vmin.f32 v5, v7;
	v7 =	vld [tilespmem:s15+$0x9800]  }
0x2fa: {  	v58 =	vld [tilespmem:s15+$0x9C80];
	v5 =	vmin.f32 v5, v8  }
0x2fb: {  	v59 =	vld [tilespmem:s15+$0x9D00];
	v5 =	vmin.f32 v5, v9  }
0x2fc: {  	v60 =	vld [tilespmem:s15+$0x9D80];
	v5 =	vmin.f32 v5, v10  }
0x2fd: {  	v5 =	vmin.f32 v5, v6;
	v6 =	vld [tilespmem:s15+$0x9E00]  }
0x2fe: {  	v5 =	vmin.f32 v5, v7;
	v7 =	vld [tilespmem:s15+$0x9E80]  }
0x2ff: {  	v61 =	vld [tilespmem:s15+$0x9F00];
	v5 =	vmin.f32 v5, v58  }
0x300: {  	v62 =	vld [tilespmem:s15+$0x9F80];
	v5 =	vmin.f32 v5, v59  }
0x301: {  	v63 =	vld [tilespmem:s15+$0xA000];
	v5 =	vmin.f32 v5, v60  }
0x302: {  	v5 =	vmin.f32 v5, v6  }
0x303: {  	v5 =	vmin.f32 v5, v7  }
0x304: {  	v5 =	vmin.f32 v5, v61  }
0x305: {  	s16 =	simm.s32 $0x80;
	s26 =	simm.s32 $0x10;
	v5 =	vmin.f32 v5, v62  }
0x306: {  	s28 =	sand.u32 $0x400, s16;
	s15 =	sand.u32 $0x70, s26;
	v5 =	vmin.f32 v5, v63  }
0x307: {  	s17 =	simm.s32 $0x20;
	s15 =	sor.u32 s15, s28;
	[tilespmem:s14+$0x0] =	vst v5  }
.LBB2_16:
0x308: {  	p0 =	sne.s32 s17, $0xF0;
	v5 =	vld [tilespmem:s15+$0x9500]  }
0x309: {  	v6 =	vld [tilespmem:s15+$0x9480]  }
0x30a: {  	v7 =	vld [tilespmem:s15+$0x9580]  }
0x30b: {  	v8 =	vld [tilespmem:s15+$0x9600]  }
0x30c: {  	v9 =	vld [tilespmem:s15+$0x9680]  }
0x30d: {  	v10 =	vld [tilespmem:s15+$0x9700]  }
0x30e: {  	v5 =	vmin.f32 v6, v5;
	v6 =	vld [tilespmem:s15+$0x9780]  }
0x30f: {  	v5 =	vmin.f32 v5, v7;
	v7 =	vld [tilespmem:s15+$0x9800]  }
0x310: {  	v5 =	vmin.f32 v5, v8;
	v8 =	vld [tilespmem:s15+$0x9C80]  }
0x311: {  	v5 =	vmin.f32 v5, v9;
	v9 =	vld [tilespmem:s15+$0x9D00]  }
0x312: {  	v5 =	vmin.f32 v5, v10;
	v10 =	vld [tilespmem:s15+$0x9D80]  }
0x313: {  	v5 =	vmin.f32 v5, v6;
	v6 =	vld [tilespmem:s15+$0x9E00]  }
0x314: {  	v5 =	vmin.f32 v5, v7;
	v7 =	vld [tilespmem:s15+$0x9E80]  }
0x315: {  	v5 =	vmin.f32 v5, v8;
	v8 =	vld [tilespmem:s15+$0x9F00]  }
0x316: {  	v5 =	vmin.f32 v5, v9;
	v9 =	vld [tilespmem:s15+$0x9F80]  }
0x317: {  	v5 =	vmin.f32 v5, v10;
	v10 =	vld [tilespmem:s15+$0xA000]  }
0x318: {  	v5 =	vmin.f32 v5, v6  }
.Ltmp8:
0x319: {  	v5 =	vmin.f32 v5, v7;
	(pc) =	sbr.rel @p0 .LBB2_16-.Ltmp8, $4  }
0x31a: {  	v5 =	vmin.f32 v5, v8  }
0x31b: {  	s16 =	sadd.s32 $0x80, s16;
	v5 =	vmin.f32 v5, v9  }
0x31c: {  	s14 =	sadd.s32 $0x10, s14;
	s18 =	sand.u32 $0x400, s16;
	s15 =	sand.u32 $0x70, s17;
	v5 =	vmin.f32 v5, v10  }
0x31d: {  	s17 =	sadd.s32 $0x10, s17;
	s15 =	sor.u32 s15, s18;
	[tilespmem:s14+$0x0] =	vst v5  }
0x31e: {  	v5 =	vld [tilespmem:s15+$0x9500]  }
0x31f: {  	v6 =	vld [tilespmem:s15+$0x9480]  }
0x320: {  	v7 =	vld [tilespmem:s15+$0x9580]  }
0x321: {  	v8 =	vld [tilespmem:s15+$0x9600]  }
0x322: {  	v9 =	vld [tilespmem:s15+$0x9680]  }
0x323: {  	v10 =	vld [tilespmem:s15+$0x9700]  }
0x324: {  	v5 =	vmin.f32 v6, v5;
	v6 =	vld [tilespmem:s15+$0x9780]  }
0x325: {  	v5 =	vmin.f32 v5, v7;
	v7 =	vld [tilespmem:s15+$0x9800]  }
0x326: {  	v58 =	vld [tilespmem:s15+$0x9C80];
	v5 =	vmin.f32 v5, v8  }
0x327: {  	v59 =	vld [tilespmem:s15+$0x9D00];
	v5 =	vmin.f32 v5, v9  }
0x328: {  	v60 =	vld [tilespmem:s15+$0x9D80];
	v5 =	vmin.f32 v5, v10  }
0x329: {  	v5 =	vmin.f32 v5, v6;
	v6 =	vld [tilespmem:s15+$0x9E00]  }
0x32a: {  	v5 =	vmin.f32 v5, v7;
	v7 =	vld [tilespmem:s15+$0x9E80]  }
0x32b: {  	v61 =	vld [tilespmem:s15+$0x9F00];
	v5 =	vmin.f32 v5, v58  }
0x32c: {  	v62 =	vld [tilespmem:s15+$0x9F80];
	v5 =	vmin.f32 v5, v59  }
0x32d: {  	v63 =	vld [tilespmem:s15+$0xA000];
	v5 =	vmin.f32 v5, v60  }
0x32e: {  	v5 =	vmin.f32 v5, v6  }
0x32f: {  	v5 =	vmin.f32 v5, v7  }
0x330: {  	v5 =	vmin.f32 v5, v61  }
0x331: {  	v5 =	vmin.f32 v5, v62  }
0x332: {  	s14 =	sadd.s32 $0x10, s14;
	v5 =	vmin.f32 v5, v63  }
0x333: {  	s25 =	rddreg [dreg:$0x16];
	s26 =	simm.s32 $0x100;
	s16 =	simm.s32 $0x8400;
	[tilespmem:s14+$0x0] =	vst v5  }
0x334: {  	[hbm4b:s25+s19] =	stream.strided.scatter [tilespmem:s16], [sflag:$0x1], $0x100, s26, s19, $0x38;
	[tilespmem:$0xB480] =	vst v63  }
0x335: {  	_ =	swait.ge [sflag:s12], $0x100  }
0x336: {  	s13 =	sadd.s32 $0x1, s13;
	s28 =	rddreg [dreg:$0x17]  }
0x337: {  	p0 =	sne.s32 s13, s28  }
.Ltmp9:
0x338: {  	_ = 	snop;
	(pc) =	sbr.rel @p0 .LBB2_1-.Ltmp9, $3  }
0x339: {  	_ =	sdelay $0x1  }
0x33a: {  	[sflag:s12] =	ssyncset.done $0x0  }
0x33b: {  	[sflag:s12] =	ssyncadd.s32 $0xFFFFFF00  }
0x33c: {  	_ =	sfence.sel $0x180000  }
0x33d: {  	[bflag:$0x0] =	sbarrier.arrive $0xFFFF  }
0x33e: {  	_ =	strace $0x90000047  }
0x33f: {  	s0 =	stileid.u32;
	[bflag:$0x2] =	sbarrier.arrive $0xFFFF  }
0x340: {  	p0 =	sne.s32 s0, $0x0;
	s0 =	rddreg [dreg:$0x4]  }
0x341: {  	s0 =	sadd.s32 @!p0 $0x100000, s0  }
0x342: {  	[sflag:s0] =	ssyncadd.tile.s32 @!p0 $0x1;
	_ =	shalt  }
.Lfunc_end2:
_tile_overlayer_lowered:
.L_overlay_start_2:
0x343: {  	(tag) =	ssettag $0x2  }
0x344: {  	s0 =	rddreg [dreg:$0x0];
	s2 =	stileid.u32  }
0x345: {  	s1 =	rddreg [dreg:$0x1];
	p0 =	sne.s32 s2, $0x0  }
0x346: {  	s3 =	rddreg [dreg:$0x2];
	[bflag:$0x3] =	sbarrier.arrive $0xFFFF;
	s2 =	simm.s32 @!p0 $0x1C01  }
0x347: {  	[timem:s3], [sflag:s2] =	dma.local @!p0 [hbm:s0], s1  }
0x348: {  	s0 =	simm.s32 @!p0 $0x1  }
0x349: {  	_ =	swait.ge @!p0 [sflag:s0], s1  }
0x34a: {  	s1 =	ssub.s32 @!p0 $0x0, s1;
	[sflag:s0] =	ssyncset.done @!p0 $0x0  }
0x34b: {  	[sflag:s0] =	ssyncadd.s32 @!p0 s1  }
0x34c: {  	[bflag:$0x3] =	sbarrier.arrive $0xFFFF  }
0x34d: {  	_ =	shalt  }

// kernel: kernel.8.cloned.1.call-start
scs
__scs_entry_jumppad:
0x0: {  	(pc) =	sbr.rel $0x88, $3  }
0x1: {  	(tag) =	ssettag $0x0;
	lr =	simm.s32 $0x1  }
0x2: {  	[smem:$0x3F9F] =	sst lr;
	_ =	strace $0xD0000000  }
0x3: {  	_ = 	snop  }
0x4: {  	_ = 	snop  }
0x5: {  	_ = 	snop  }
0x6: {  	_ = 	snop  }
0x7: {  	_ = 	snop  }
__scs_overlays_trampoline_lowered:
0x8: {  	[smem:$0x3FAE] =	sst s0  }
0x9: {  	[smem:$0x3FAF] =	sst s1  }
0xa: {  	[smem:$0x3FB0] =	sst s2  }
0xb: {  	[smem:$0x3FB1] =	sst s3  }
0xc: {  	[smem:$0x3FB2] =	sst s4  }
0xd: {  	[smem:$0x3FB3] =	sst s5  }
0xe: {  	[smem:$0x3FB4] =	sst s6  }
0xf: {  	[smem:$0x3FB5] =	sst s7  }
0x10: {  	[smem:$0x3FB6] =	sst s8  }
0x11: {  	[smem:$0x3FB7] =	sst s9;
	s0 =	simm.s32 @!p0 $0x0  }
0x12: {  	s1 =	sld [smem:$0x3F9D];
	s0 =	simm.s32 @p0 $0x1  }
0x13: {  	[smem:$0x3FB8] =	sst s0;
	s0 =	simm.s32 @!p1 $0x0  }
0x14: {  	s2 =	sld [smem:$0x3F9C];
	s0 =	simm.s32 @p1 $0x1  }
0x15: {  	[smem:$0x3FB9] =	sst s0;
	s0 =	simm.s32 @!p2 $0x0  }
0x16: {  	s3 =	sld [smem:$0x3FDB];
	s0 =	simm.s32 @p2 $0x1  }
0x17: {  	s4 =	simm.s32 $0x1BF5;
	[smem:$0x3FBB] =	sst s0  }
0x18: {  	s0 =	sld [smem:$0x3F9E];
	_ =	swait.ge [sflag:s4], $0x0  }
0x19: {  	s7 =	sld [smem:$0x3F9F]  }
0x1a: {  	s8 =	sadd.s32 $0xFFFFE003, lr  }
0x1b: {  	s9 =	sadd.s32 $0xFFFFFEF7, lr;
	s5 =	simm.s32 $0xFFFFFFFF;
	p2 =	slt.u32 s8, $0xFFFFF086  }
0x1c: {  	p1 =	slt.u32 s9, $0xF7A;
	s5 =	simm.s32 @!p2 $0x0  }
0x1d: {  	s5 =	simm.s32 @p1 $0x1;
	p0 =	seq.s32 s7, s2  }
0x1e: {  	s7 =	smul.u32 @!p0 $0xF7A, s2;
	p2 =	seq.s32 @!p0 s5, $0x0  }
0x1f: {  	s9 =	smul.u32 $0xF7A, s1;
	s8 =	simm.s32 @!p0 $0x1BF5;
	p2 =	por !p2, p0  }
0x20: {  	[sflag:s8] =	ssyncset.s32 @!p0 $0xFFFFF086;
	s6 =	sadd.s32 @!p0 s3, s7;
	s7 =	simm.s32 @!p0 $0x108  }
0x21: {  	s3 =	sadd.s32 s3, s9;
	s6 =	sadd.s32 @!p0 $0x88, s6;
	s7 =	simm.s32 @p2 $0x1082  }
0x22: {  	[simem:s7], [sflag:s8] =	dma.local @!p0 [hbm:s6], $0xF7A  }
0x23: {  	s9 =	sor.u32 $0xD0000000, s2;
	s6 =	simm.s32 $0x108;
	_ =	swait.ge @!p0 [sflag:s8], $0x0  }
0x24: {  	s3 =	sadd.s32 $0x88, s3;
	s6 =	simm.s32 @!p1 $0x1082;
	[sflag:s4] =	ssyncset.s32 $0xFFFFF086  }
0x25: {  	[simem:s6], [sflag:s4] =	dma.local [hbm:s3], $0xF7A  }
0x26: {  	[smem:$0x3F9F] =	sst s1;
	(tag) =	ssettag s2;
	_ =	strace s9  }
0x27: {  	s1 =	sld [smem:$0x3FAF]  }
0x28: {  	s2 =	sld [smem:$0x3FB0]  }
0x29: {  	s4 =	sld [smem:$0x3FB2]  }
0x2a: {  	p0 =	seq.s32 s5, $0x0;
	s5 =	sld [smem:$0x3FB3]  }
0x2b: {  	s6 =	sld [smem:$0x3FB4]  }
0x2c: {  	s7 =	sld [smem:$0x3FB5]  }
0x2d: {  	s3 =	simm.s32 $0x108;
	s8 =	sld [smem:$0x3FB6]  }
0x2e: {  	s3 =	simm.s32 @!p0 $0x1082;
	s9 =	sld [smem:$0x3FB7]  }
0x2f: {  	lr =	sadd.s32 s0, s3;
	s0 =	sld [smem:$0x3FAE]  }
0x30: {  	s3 =	sld [smem:$0x3FB1]  }
0x31: {  	[smem:$0x3FBA] =	sst s10  }
0x32: {  	s10 =	sld [smem:$0x3FB8];
	_ =	sdelay $0x3  }
0x33: {  	p0 =	seq.s32 s10, $0x1;
	s10 =	sld [smem:$0x3FBA];
	_ =	sdelay $0x3  }
0x34: {  	[smem:$0x3FBA] =	sst s10  }
0x35: {  	s10 =	sld [smem:$0x3FB9];
	_ =	sdelay $0x3  }
0x36: {  	p1 =	seq.s32 s10, $0x1;
	s10 =	sld [smem:$0x3FBA];
	_ =	sdelay $0x3  }
0x37: {  	[smem:$0x3FBA] =	sst s10  }
0x38: {  	s10 =	sld [smem:$0x3FBB]  }
0x39: {  	_ = 	snop;
	(pc) =	sbr.ind lr, $3  }
0x3a: {  	_ = 	snop  }
0x3b: {  	_ = 	snop  }
0x3c: {  	p2 =	seq.s32 s10, $0x1;
	s10 =	sld [smem:$0x3FBA]  }
0x3d: {  	_ =	shalt  }
0x3e: {  	_ =	shalt  }
0x3f: {  	_ =	shalt  }
0x40: {  	_ =	shalt  }
0x41: {  	_ =	shalt  }
0x42: {  	_ =	shalt  }
0x43: {  	_ =	shalt  }
0x44: {  	_ =	shalt  }
0x45: {  	_ =	shalt  }
0x46: {  	_ =	shalt  }
0x47: {  	_ =	shalt  }
0x48: {  	_ =	shalt  }
0x49: {  	_ =	shalt  }
0x4a: {  	_ =	shalt  }
0x4b: {  	_ =	shalt  }
0x4c: {  	_ =	shalt  }
0x4d: {  	_ =	shalt  }
0x4e: {  	_ =	shalt  }
0x4f: {  	_ =	shalt  }
0x50: {  	_ =	shalt  }
0x51: {  	_ =	shalt  }
0x52: {  	_ =	shalt  }
0x53: {  	_ =	shalt  }
0x54: {  	_ =	shalt  }
0x55: {  	_ =	shalt  }
0x56: {  	_ =	shalt  }
0x57: {  	_ =	shalt  }
0x58: {  	_ =	shalt  }
0x59: {  	_ =	shalt  }
0x5a: {  	_ =	shalt  }
0x5b: {  	_ =	shalt  }
0x5c: {  	_ =	shalt  }
0x5d: {  	_ =	shalt  }
0x5e: {  	_ =	shalt  }
0x5f: {  	_ =	shalt  }
0x60: {  	_ =	shalt  }
0x61: {  	_ =	shalt  }
0x62: {  	_ =	shalt  }
0x63: {  	_ =	shalt  }
0x64: {  	_ =	shalt  }
0x65: {  	_ =	shalt  }
0x66: {  	_ =	shalt  }
0x67: {  	_ =	shalt  }
0x68: {  	_ =	shalt  }
0x69: {  	_ =	shalt  }
0x6a: {  	_ =	shalt  }
0x6b: {  	_ =	shalt  }
0x6c: {  	_ =	shalt  }
0x6d: {  	_ =	shalt  }
0x6e: {  	_ =	shalt  }
0x6f: {  	_ =	shalt  }
0x70: {  	_ =	shalt  }
0x71: {  	_ =	shalt  }
0x72: {  	_ =	shalt  }
0x73: {  	_ =	shalt  }
0x74: {  	_ =	shalt  }
0x75: {  	_ =	shalt  }
0x76: {  	_ =	shalt  }
0x77: {  	_ =	shalt  }
0x78: {  	_ =	shalt  }
0x79: {  	_ =	shalt  }
0x7a: {  	_ =	shalt  }
0x7b: {  	_ =	shalt  }
0x7c: {  	_ =	shalt  }
0x7d: {  	_ =	shalt  }
0x7e: {  	_ =	shalt  }
0x7f: {  	_ =	shalt  }
0x80: {  	_ =	shalt  }
0x81: {  	_ =	shalt  }
0x82: {  	_ =	shalt  }
0x83: {  	_ =	shalt  }
0x84: {  	_ =	shalt  }
0x85: {  	_ =	shalt  }
0x86: {  	_ =	shalt  }
0x87: {  	_ =	shalt  }
.Lfunc_end0:
.L_simem_size_0:
called_computation.1_lowered:
.L_overlay_start_0:
0x88: {  	s2 =	sld [smem:$0x3FD9]  }
0x89: {  	s3 =	sld [smem:$0x3FFE];
	_ =	sdelay $0x1  }
0x8a: {  	s1 =	srdreg.scid  }
0x8b: {  	s0 =	sand.u32 $0x1, s1  }
0x8c: {  	s16 =	sshll.u32 s0, $0xA;
	s2 =	sadd.s32 s3, s2  }
0x8d: {  	s2 =	sadd.s32 s2, s16  }
0x8e: {  	[smem:$0x3FC6] =	sst s2  }
0x8f: {  	_ = 	snop  }
0x90: {  	(tm) =	ssettm $0x1  }
0x91: {  	s17 =	sld [smem:$0x3FFB];
	_ =	sdelay $0x3  }
0x92: {  	_ =	strace s17  }
0x93: {  	s2 =	sld [smem:$0x3FFC];
	_ =	sdelay $0x3  }
0x94: {  	_ =	strace s2  }
0x95: {  	s2 =	sld [smem:$0x3FFD];
	_ =	sdelay $0x3  }
0x96: {  	_ =	strace s2  }
0x97: {  	_ =	strace $0x8FFFFFFF  }
0x98: {  	s18 =	sld [smem:$0x3FDB];
	_ =	sdelay $0x1  }
0x99: {  	s19 =	simm.s32 $_scs_section_size  }
0x9a: {  	s4 =	simm.s32 $_size__tile_overlayer_lowered;
	s5 =	simm.s32 $_tile_overlayer_lowered  }
0x9b: {  	s22 =	simm.s32 $0x1BFF;
	s21 =	sshll.u32 s5, $0x1;
	s2 =	sadd.s32 s19, s18  }
0x9c: {  	s6 =	simm.s32 $0x0;
	s20 =	sshll.u32 s4, $0x1;
	s4 =	sadd.s32 s21, s2  }
0x9d: {  	[timem:s6], [sflag:s22] =	dma.local [hbm:s4], s20  }
0x9e: {  	_ =	swait.ge [sflag:s22], s20  }
0x9f: {  	s3 =	ssub.s32 $0x0, s20;
	[sflag:s22] =	ssyncset.done $0x0  }
0xa0: {  	[sflag:s22] =	ssyncadd.s32 s3;
	_ =	sdelay $0x1  }
0xa1: {  	s23 =	simm.s32 $0x1B8B  }
0xa2: {  	_ =	swait.ge [sflag:s23], $0x1  }
0xa3: {  	[sflag:s23] =	ssyncset.done $0x0  }
0xa4: {  	s25 =	simm.s32 $0x1B8E;
	s24 =	sld [smem:$0x3FFE];
	[sflag:s23] =	ssyncadd.s32 $0xFFFFFFFF  }
0xa5: {  	s26 =	simm.s32 $execute0_lowered;
	[smem:$0x3FD2] =	sst s25  }
0xa6: {  	s4 =	sshll.u32 s26, $0x1;
	_ =	strace $0x80000049;
	[dreg:$0x1] =	wrdreg $0xFFFFFFFF  }
0xa7: {  	s28 =	simm.s32 $_size_execute0_lowered;
	s2 =	sadd.s32 s2, s4;
	[dreg:$0x0] =	wrdreg $0x0  }
0xa8: {  	s4 =	sshll.u32 s28, $0x1;
	[dreg:$0x2] =	wrdreg s2  }
0xa9: {  	[dreg:$0x3] =	wrdreg s4  }
0xaa: {  	[dreg:$0x4] =	wrdreg $0xC0  }
0xab: {  	_ =	task [dreg:s6], $0x5FFFF  }
0xac: {  	[dreg:$0x1] =	wrdreg $0xFFFFFFFF  }
0xad: {  	[dreg:$0x0] =	wrdreg $0x60  }
0xae: {  	[dreg:$0x2] =	wrdreg s24  }
0xaf: {  	[dreg:$0x3] =	wrdreg $0x9  }
0xb0: {  	_ =	task.clear_ibuf [dreg:s6], $0x4FFFF;
	_ =	strace $0x90000049  }
0xb1: {  	s29 =	simm.s32 $0x9;
	_ =	strace $0x8000004B  }
0xb2: {  	_ =	swait.ge [sflag:s29], $0x1  }
0xb3: {  	[sflag:s29] =	ssyncadd.s32 $0xFFFFFFFF  }
0xb4: {  	_ =	strace $0x9000004B  }
0xb5: {  	_ =	sfence  }
0xb6: {  	s30 =	sld [smem:$0x0];
	_ =	sdelay $0x2  }
0xb7: {  	s31 =	sshll.u32 s1, $0xD;
	s1 =	sshrl.u32 s1, $0x2  }
0xb8: {  	s3 =	sand.u32 $0x4000, s31;
	s1 =	sadd.s32 s1, s30  }
0xb9: {  	s0 =	sor.u32 s3, s0;
	s1 =	sshll.u32 s1, $0x11  }
0xba: {  	s0 =	sor.u32 s1, s0  }
0xbb: {  	s0 =	sadd.s32 $0x8F2B, s0  }
0xbc: {  	[sflag:s0] =	ssyncadd.remote.s32 $0x1  }
0xbd: {  	_ =	sfence.sel $0xFFFF  }
0xbe: {  	[dreg:$0x0] =	wrdreg $0xFFFFFFFF;
	(pc) =	sbr.abs _section_cstart, $3  }
0xbf: {  	[dreg:$0x1] =	wrdreg $0xFFFFFFFF  }
0xc0: {  	_ =	task.clear_ibuf [dreg:s6], $0x2FFFF;
	_ =	strace $0x9FFFFFFF  }
0xc1: {  	(tm) =	ssettm $0x7FFFFFFF  }
tec
execute0_lowered:
.L_overlay_start_1:
0x0: {  	(tag) =	ssettag $0x1  }
0x1: {  	s1 =	srdreg.scid;
	s0 =	stileid.u32  }
0x2: {  	s4 =	rddreg [dreg:$0x0];
	s3 =	sand.u32 $0x1, s1;
	s5 =	sshll.u32 s0, $0x1  }
0x3: {  	s2 =	simm.s32 $0x0;
	s1 =	rddreg [dreg:$0x1];
	s8 =	sor.u32 s3, s5  }
0x4: {  	[smem:$0x7FF] =	sst s2;
	s7 =	ssub.s32 $0x2, s3;
	s5 =	sshll.u32 s8, $0x5  }
0x5: {  	_ =	strace $0x8000004A;
	s9 =	sshrl.u32 s7, $0x1;
	s6 =	sadd.s32 s5, s4  }
0x6: {  	s3 =	simm.s32 $0x1;
	s9 =	ssub.s32 s7, s9;
	s5 =	sadd.s32 $0x1000, s6  }
0x7: {  	[tilespmem:s2], [sflag:$0x1] =	stream.linear.gather [hbm4b:s5+s2], $0x80, $0x38;
	[tilespmem:$0x100] =	vst v63  }
0x8: {  	s9 =	smax.u32 s9, $0x1;
	_ =	swait.ge [sflag:s3], $0x80  }
0x9: {  	s7 =	simm.s32 $0x80;
	p0 =	sne.s32 s9, $0x1;
	[sflag:s3] =	ssyncset.done $0x0  }
.Ltmp0:
0xa: {  	s6 =	sadd.s32 $0x1010, s6;
	[sflag:s3] =	ssyncadd.s32 $0xFFFFFF80;
	(pc) =	sbr.rel @!p0 .LBB2_2-.Ltmp0, $4  }
0xb: {  	[tilespmem:s7], [sflag:$0x1] =	stream.linear.gather [hbm4b:s6+s2], $0x80, $0x38;
	[tilespmem:$0x100] =	vst v63  }
0xc: {  	s8 =	sshll.u32 s8, $0x4;
	_ =	swait.ge [sflag:s3], $0x80  }
0xd: {  	s4 =	sadd.s32 s8, s4;
	[sflag:s3] =	ssyncset.done $0x0  }
0xe: {  	s4 =	sadd.s32 $0x1400, s4;
	s8 =	sadd.s32 $0xFFFFFFFF, s9;
	[sflag:s3] =	ssyncadd.s32 $0xFFFFFF80  }
.LBB2_1:
0xf: {  	p0 =	sne.s32 s8, $0x1;
	s8 =	sadd.s32 $0xFFFFFFFF, s8;
	v0 =	vld [tilespmem:$0xE0]  }
0x10: {  	v1 =	vld [tilespmem:$0xF0]  }
0x11: {  	v2 =	vld [tilespmem:$0xB0]  }
0x12: {  	v3 =	vld [tilespmem:$0xC0]  }
0x13: {  	v4 =	vld [tilespmem:$0x60]  }
0x14: {  	v5 =	vld [tilespmem:$0x30]  }
0x15: {  	v6 =	vld [tilespmem:$0xD0]  }
0x16: {  	v7 =	vld [tilespmem:$0x50]  }
0x17: {  	v8 =	vld [tilespmem:$0x90]  }
0x18: {  	v9 =	vld [tilespmem:$0x0];
	v0 =	vmin.f32 v4, v0  }
0x19: {  	v4 =	vld [tilespmem:$0xA0];
	v2 =	vmin.f32 v5, v2;
	[tilespmem:$0x60] =	vst v0  }
0x1a: {  	v0 =	vld [tilespmem:$0x20];
	[tilespmem:$0x30] =	vst v2  }
0x1b: {  	v2 =	vmin.f32 v7, v6;
	v5 =	vld [tilespmem:$0x70]  }
0x1c: {  	v6 =	vld [tilespmem:$0x10];
	[tilespmem:$0x50] =	vst v2  }
0x1d: {  	v2 =	vld [tilespmem:$0x40]  }
0x1e: {  	v7 =	vld [tilespmem:$0x80]  }
0x1f: {  	v0 =	vmin.f32 v0, v4  }
0x20: {  	[tilespmem:$0x20] =	vst v0;
	v0 =	vmin.f32 v5, v1  }
0x21: {  	v1 =	vmin.f32 v6, v8;
	[tilespmem:$0x70] =	vst v0  }
0x22: {  	[tilespmem:$0x10] =	vst v1;
	v0 =	vmin.f32 v2, v3  }
0x23: {  	v1 =	vmin.f32 v9, v7;
	[tilespmem:$0x40] =	vst v0  }
0x24: {  	[tilespmem:$0x0] =	vst v1  }
0x25: {  	[hbm4b:s4+s2] =	stream.linear.scatter [tilespmem:s2], [sflag:$0x1], $0x80, $0x38;
	[tilespmem:$0x100] =	vst v63  }
0x26: {  	_ =	swait.ge [sflag:s3], $0x80  }
0x27: {  	[sflag:s3] =	ssyncset.done $0x0  }
0x28: {  	[sflag:s3] =	ssyncadd.s32 $0xFFFFFF80  }
0x29: {  	[tilespmem:s2], [sflag:$0x1] =	stream.linear.gather [hbm4b:s5+s2], $0x80, $0x38;
	[tilespmem:$0x100] =	vst v63  }
0x2a: {  	_ =	swait.ge [sflag:s3], $0x80  }
0x2b: {  	[sflag:s3] =	ssyncset.done $0x0  }
.Ltmp1:
0x2c: {  	[sflag:s3] =	ssyncadd.s32 $0xFFFFFF80;
	(pc) =	sbr.rel @p0 .LBB2_1-.Ltmp1, $4  }
0x2d: {  	[tilespmem:s7], [sflag:$0x1] =	stream.linear.gather [hbm4b:s6+s2], $0x80, $0x38;
	[tilespmem:$0x100] =	vst v63  }
0x2e: {  	_ =	swait.ge [sflag:s3], $0x80  }
0x2f: {  	[sflag:s3] =	ssyncset.done $0x0  }
0x30: {  	[sflag:s3] =	ssyncadd.s32 $0xFFFFFF80  }
.LBB2_2:
0x31: {  	v0 =	vld [tilespmem:$0xE0]  }
0x32: {  	v1 =	vld [tilespmem:$0xF0]  }
0x33: {  	v2 =	vld [tilespmem:$0xB0]  }
0x34: {  	v3 =	vld [tilespmem:$0xC0]  }
0x35: {  	v4 =	vld [tilespmem:$0x60]  }
0x36: {  	v5 =	vld [tilespmem:$0x30]  }
0x37: {  	v6 =	vld [tilespmem:$0xD0]  }
0x38: {  	v7 =	vld [tilespmem:$0x50]  }
0x39: {  	v8 =	vld [tilespmem:$0x90]  }
0x3a: {  	v9 =	vld [tilespmem:$0x0]  }
0x3b: {  	v10 =	vld [tilespmem:$0xA0]  }
0x3c: {  	v11 =	vld [tilespmem:$0x20]  }
0x3d: {  	v12 =	vld [tilespmem:$0x70]  }
0x3e: {  	v57 =	vld [tilespmem:$0x10];
	v0 =	vmin.f32 v4, v0  }
0x3f: {  	v60 =	vld [tilespmem:$0x80];
	v2 =	vmin.f32 v5, v2;
	[tilespmem:$0x60] =	vst v0  }
0x40: {  	v58 =	vld [tilespmem:$0x40];
	v59 =	vmin.f32 v7, v6;
	[tilespmem:$0x30] =	vst v2  }
0x41: {  	v61 =	vmin.f32 v11, v10;
	[tilespmem:$0x50] =	vst v59  }
0x42: {  	v1 =	vmin.f32 v12, v1;
	[tilespmem:$0x20] =	vst v61  }
0x43: {  	v62 =	vmin.f32 v57, v8;
	[tilespmem:$0x70] =	vst v1  }
0x44: {  	v63 =	vmin.f32 v9, v60;
	[tilespmem:$0x10] =	vst v62  }
0x45: {  	v0 =	vmin.f32 v58, v3;
	[tilespmem:$0x0] =	vst v63  }
0x46: {  	[tilespmem:$0x40] =	vst v0  }
0x47: {  	[hbm4b:s4+s2] =	stream.linear.scatter [tilespmem:s2], [sflag:$0x1], $0x80, $0x38;
	[tilespmem:$0x100] =	vst v63  }
0x48: {  	_ =	swait.ge [sflag:s3], $0x80  }
0x49: {  	[sflag:s3] =	ssyncset.done $0x0  }
0x4a: {  	[sflag:s3] =	ssyncadd.s32 $0xFFFFFF80  }
0x4b: {  	_ =	sfence.sel $0x180000  }
0x4c: {  	[bflag:$0x0] =	sbarrier.arrive $0xFFFF  }
0x4d: {  	p0 =	sne.s32 s0, $0x0;
	_ =	strace $0x9000004A  }
0x4e: {  	s0 =	sadd.s32 @!p0 $0x100000, s1;
	[bflag:$0x2] =	sbarrier.arrive $0xFFFF  }
0x4f: {  	[sflag:s0] =	ssyncadd.tile.s32 @!p0 $0x1;
	_ =	shalt  }
.Lfunc_end2:
_tile_overlayer_lowered:
.L_overlay_start_2:
0x50: {  	(tag) =	ssettag $0x2  }
0x51: {  	s0 =	rddreg [dreg:$0x0];
	s2 =	stileid.u32  }
0x52: {  	s1 =	rddreg [dreg:$0x1];
	p0 =	sne.s32 s2, $0x0  }
0x53: {  	s3 =	rddreg [dreg:$0x2];
	[bflag:$0x3] =	sbarrier.arrive $0xFFFF;
	s2 =	simm.s32 @!p0 $0x1C01  }
0x54: {  	[timem:s3], [sflag:s2] =	dma.local @!p0 [hbm:s0], s1  }
0x55: {  	s0 =	simm.s32 @!p0 $0x1  }
0x56: {  	_ =	swait.ge @!p0 [sflag:s0], s1  }
0x57: {  	s1 =	ssub.s32 @!p0 $0x0, s1;
	[sflag:s0] =	ssyncset.done @!p0 $0x0  }
0x58: {  	[sflag:s0] =	ssyncadd.s32 @!p0 s1  }
0x59: {  	[bflag:$0x3] =	sbarrier.arrive $0xFFFF  }
0x5a: {  	_ =	shalt  }

</sc_bundles>
